<compile_context>
chip_gen: v7x
topology: tpu7x:2x2x1
jax: 0.10.2.dev20260603
libtpu: 0.0.44.dev20260713+nightly
codegen_flags: <defaults>
</compile_context>

<pallas_src>
import functools

import numpy as np
import jax
import jax.numpy as jnp
from jax import lax
from jax.experimental import pallas as pl
from jax.experimental.pallas import tpu as pltpu
from jax.experimental.pallas import tpu_sc as plsc

VOCAB = 28996
EMB = 512
SEQ = 8192
BASE_FREQ = 1e-05

NUM_CORES = 2
NUM_SUBCORES = 16
NW = NUM_CORES * NUM_SUBCORES
ROWS_PER_W = SEQ // NW
CHUNK = 64
NCHUNK = ROWS_PER_W // CHUNK
NBUF = 3
LANES = 16
NBLK = EMB // LANES
NSEED = 4
AUX = (NSEED + 1) * LANES


def _aux_host() -> np.ndarray:
    m = np.float64(BASE_FREQ) ** np.linspace(0.0, 2.0, SEQ, dtype=np.float64)
    c = np.arange(NSEED * LANES, dtype=np.float64)
    seeds = np.sin(c[None, :] * m[:, None])
    c2 = np.broadcast_to(
        2.0 * np.cos(NSEED // 2 * LANES * m)[:, None], (SEQ, LANES))
    return np.concatenate([seeds, c2], axis=1).astype(np.float32)


_AUX = _aux_host()


@functools.partial(
    pl.kernel,
    mesh=plsc.VectorSubcoreMesh(core_axis_name="c", subcore_axis_name="s"),
    out_type=jax.ShapeDtypeStruct((SEQ, EMB), jnp.float32),
    scratch_types=[
        pltpu.VMEM((ROWS_PER_W,), jnp.int32),
        pltpu.VMEM((NBUF, CHUNK, EMB), jnp.float32),
        pltpu.VMEM((NBUF, CHUNK, AUX), jnp.float32),
    ] + [pltpu.SemaphoreType.DMA] * (3 * NBUF),
)
def _encode(table_hbm, x_hbm, aux_hbm, out_hbm, idx_v, rows_v, aux_v, *sems):
    sem_g = sems[0:NBUF]
    sem_a = sems[NBUF:2 * NBUF]
    sem_out = sems[2 * NBUF:3 * NBUF]
    wid = lax.axis_index("s") * NUM_CORES + lax.axis_index("c")
    base = wid * ROWS_PER_W
    pltpu.sync_copy(x_hbm.at[pl.ds(base, ROWS_PER_W)], idx_v)

    def fetch_start(k):
        b = k % NBUF
        g = pltpu.async_copy(
            table_hbm.at[idx_v.at[pl.ds(k * CHUNK, CHUNK)]], rows_v.at[b],
            sem_g[b])
        a = pltpu.async_copy(
            aux_hbm.at[pl.ds(base + k * CHUNK, CHUNK)], aux_v.at[b], sem_a[b])
        return g, a

    pending = {k: fetch_start(k) for k in range(min(NBUF - 1, NCHUNK))}
    pending_out = {}
    for k in range(NCHUNK):
        b = k % NBUF
        if k + NBUF - 1 < NCHUNK:
            if k >= 1:
                pending_out.pop(k - 1).wait()
            pending[k + NBUF - 1] = fetch_start(k + NBUF - 1)
        g, a = pending.pop(k)
        g.wait()
        a.wait()

        @plsc.parallel_loop(0, CHUNK, unroll=1)
        def _row(r):
            c2 = aux_v[b, r, pl.ds(NSEED * LANES, LANES)]
            ring = []
            for j in range(NSEED):
                vj = aux_v[b, r, pl.ds(j * LANES, LANES)]
                s = pl.ds(j * LANES, LANES)
                rows_v[b, r, s] = rows_v[b, r, s] + vj
                ring.append(vj)
            half = NSEED // 2
            for j in range(NSEED, NBLK):
                vn = c2 * ring[-half] - ring[-NSEED]
                s = pl.ds(j * LANES, LANES)
                rows_v[b, r, s] = rows_v[b, r, s] + vn
                ring.append(vn)
                ring.pop(0)

        pending_out[k] = pltpu.async_copy(
            rows_v.at[b], out_hbm.at[pl.ds(base + k * CHUNK, CHUNK)], sem_out[b])
    for k in sorted(pending_out):
        pending_out[k].wait()


def kernel(x, table):
    aux = jnp.asarray(_AUX)
    return _encode(table, x, aux)

# --- scband reference (transcript-rebuilt; emitter-appended) ---
"""Pipeline reference for scband-encoder-79096117723661 (READ-ONLY COPY).

The authoritative reference and input builder live on the scoring server;
editing this copy changes nothing except your own understanding.
"""

import jax, jax.numpy as jnp
import numpy as np

VOCAB = 28996
EMB = 512
L = 8192
BASE_FREQ = 1e-05


def positional_encoding(l, c, base_freq):
    # torch.logspace(0, 2, l, base=base_freq) == base_freq ** linspace(0, 2, l)
    pos = jnp.tile(jnp.arange(c, dtype=jnp.float32), (l, 1))  # (l, c)
    mult = jnp.power(jnp.float32(base_freq), jnp.linspace(0.0, 2.0, l, dtype=jnp.float32))  # (l,)
    elements = pos * mult[:, None]  # (l, c)
    return jnp.sin(elements)


def setup_inputs(seed: int = 0) -> dict:
    key = jax.random.key(seed)
    k1, k2 = jax.random.split(key)
    x = jax.random.randint(k1, (L,), 0, VOCAB, dtype=jnp.int32)
    table = jax.random.normal(k2, (VOCAB, EMB), dtype=jnp.float32)
    return {"x": x, "table": table}


def reference(x, table):
    # nn.Embedding lookup
    emb = jnp.take(table, x, axis=0)  # (L, EMB)
    # positional encoding on (L, EMB)
    pe = positional_encoding(emb.shape[0], emb.shape[1], BASE_FREQ)
    out = emb + pe
    # dropout treated as identity (eval mode / deterministic reference)
    return out

if __name__ == "__main__":
    import jax
    _d = setup_inputs()
    print(jax.jit(kernel)(*tuple(_d.values())))

</pallas_src>

<mosaic_0001>
#map = affine_map<(d0, d1) -> (0, 0)>
#map1 = affine_map<(d0, d1) -> (0)>
module attributes {stable_mosaic.version = 14 : i64} {
  func.func @_encode(%arg0: i32, %arg1: i32, %arg2: memref<28996x512xf32, #tpu.memory_space<hbm>>, %arg3: memref<8192xi32, #tpu.memory_space<hbm>>, %arg4: memref<8192x80xf32, #tpu.memory_space<hbm>>, %arg5: memref<8192x512xf32, #tpu.memory_space<hbm>>, %arg6: memref<256xi32, #tpu.memory_space<vmem>>, %arg7: memref<3x64x512xf32, #tpu.memory_space<vmem>>, %arg8: memref<3x64x80xf32, #tpu.memory_space<vmem>>, %arg9: memref<!tpu.dma_semaphore, #tpu.memory_space<semaphore_mem>>, %arg10: memref<!tpu.dma_semaphore, #tpu.memory_space<semaphore_mem>>, %arg11: memref<!tpu.dma_semaphore, #tpu.memory_space<semaphore_mem>>, %arg12: memref<!tpu.dma_semaphore, #tpu.memory_space<semaphore_mem>>, %arg13: memref<!tpu.dma_semaphore, #tpu.memory_space<semaphore_mem>>, %arg14: memref<!tpu.dma_semaphore, #tpu.memory_space<semaphore_mem>>, %arg15: memref<!tpu.dma_semaphore, #tpu.memory_space<semaphore_mem>>, %arg16: memref<!tpu.dma_semaphore, #tpu.memory_space<semaphore_mem>>, %arg17: memref<!tpu.dma_semaphore, #tpu.memory_space<semaphore_mem>>) attributes {dimension_semantics = [#tpu.dimension_semantics<core_parallel>, #tpu.dimension_semantics<subcore_parallel>], iteration_bounds = array<i64: 2, 16>, scalar_prefetch = 0 : i64, scratch_operands = 12 : i64, tpu.core_type = #tpu.core_type<sc_vector_subcore>, window_params = [{transform_indices = #map}, {transform_indices = #map1}, {transform_indices = #map}, {transform_indices = #map}]} {
    %mul3A = arith.constant 2 : i32
    %mul3A_0 = arith.muli %arg1, %mul3A : i32
    %add3A = arith.addi %mul3A_0, %arg0 : i32
    %mul3A_1 = arith.constant 256 : i32
    %mul3A_2 = arith.muli %add3A, %mul3A_1 : i32
    "tpu.region"() ({
      %run_scoped3A = tpu.sem_alloc : memref<!tpu.dma_semaphore, #tpu.memory_space<semaphore_mem>>
      %dma_start3A_316 = tpu.memref_slice %arg3[%mul3A_2] : memref<8192xi32, #tpu.memory_space<hbm>> -> memref<256xi32, #tpu.memory_space<hbm>>
      %dma_start3A_317 = tpu.memref_slice %arg3[%mul3A_2] : memref<8192xi32, #tpu.memory_space<hbm>> -> memref<256xi32, #tpu.memory_space<hbm>>
      tpu.enqueue_dma source(%dma_start3A_317 : memref<256xi32, #tpu.memory_space<hbm>>) target(%arg6 : memref<256xi32, #tpu.memory_space<vmem>>) target_semaphore(%run_scoped3A : memref<!tpu.dma_semaphore, #tpu.memory_space<semaphore_mem>>)
      %dma_wait3A_318 = tpu.memref_slice %arg3[%mul3A_2] : memref<8192xi32, #tpu.memory_space<hbm>> -> memref<256xi32, #tpu.memory_space<hbm>>
      %dma_wait3A_319 = tpu.memref_slice %arg3[%mul3A_2] : memref<8192xi32, #tpu.memory_space<hbm>> -> memref<256xi32, #tpu.memory_space<hbm>>
      tpu.wait_dma2 semaphore(%run_scoped3A : memref<!tpu.dma_semaphore, #tpu.memory_space<semaphore_mem>>) src(%dma_wait3A_319 : memref<256xi32, #tpu.memory_space<hbm>>) dst(%arg6 : memref<256xi32, #tpu.memory_space<vmem>>)
      tpu.yield
    }) : () -> ()
    %dma_start3A = arith.constant 0 : i32
    %dma_start3A_3 = arith.constant 0 : i32
    %dma_start3A_4 = arith.constant 0 : i32
    %dma_start3A_5 = tpu.memref_slice %arg7[%dma_start3A, %dma_start3A_3, %dma_start3A_4] : memref<3x64x512xf32, #tpu.memory_space<vmem>> -> memref<1x64x512xf32, #tpu.memory_space<vmem>>
    %dma_start3A_6 = tpu.memref_squeeze %dma_start3A_5 : memref<1x64x512xf32, #tpu.memory_space<vmem>> -> memref<64x512xf32, #tpu.memory_space<vmem>>
    %dma_start3A_7 = arith.constant 0 : i32
    %dma_start3A_8 = tpu.memref_slice %arg6[%dma_start3A_7] : memref<256xi32, #tpu.memory_space<vmem>> -> memref<64xi32, #tpu.memory_space<vmem>>
    %dma_start3A_9 = arith.constant 0 : i32
    %dma_start3A_10 = arith.constant 0 : i32
    %dma_start3A_11 = tpu.memref_slice %arg2[%dma_start3A_9, %dma_start3A_10] : memref<28996x512xf32, #tpu.memory_space<hbm>> -> memref<28996x512xf32, #tpu.memory_space<hbm>>
    tpu.enqueue_indirect_dma source(%dma_start3A_11 : memref<28996x512xf32, #tpu.memory_space<hbm>>) target(%dma_start3A_6 : memref<64x512xf32, #tpu.memory_space<vmem>>) offsets(%dma_start3A_8 : memref<64xi32, #tpu.memory_space<vmem>>) semaphore(%arg9 : memref<!tpu.dma_semaphore, #tpu.memory_space<semaphore_mem>>)
    %add3A_12 = arith.constant 0 : i32
    %add3A_13 = arith.addi %mul3A_2, %add3A_12 : i32
    %dma_start3A_14 = arith.constant 0 : i32
    %dma_start3A_15 = arith.constant 0 : i32
    %dma_start3A_16 = arith.constant 0 : i32
    %dma_start3A_17 = tpu.memref_slice %arg8[%dma_start3A_14, %dma_start3A_15, %dma_start3A_16] : memref<3x64x80xf32, #tpu.memory_space<vmem>> -> memref<1x64x80xf32, #tpu.memory_space<vmem>>
    %dma_start3A_18 = tpu.memref_squeeze %dma_start3A_17 : memref<1x64x80xf32, #tpu.memory_space<vmem>> -> memref<64x80xf32, #tpu.memory_space<vmem>>
    %dma_start3A_19 = arith.constant 0 : i32
    %dma_start3A_20 = tpu.memref_slice %arg4[%add3A_13, %dma_start3A_19] : memref<8192x80xf32, #tpu.memory_space<hbm>> -> memref<64x80xf32, #tpu.memory_space<hbm>>
    %dma_start3A_21 = arith.constant 0 : i32
    %dma_start3A_22 = arith.constant 0 : i32
    %dma_start3A_23 = tpu.memref_slice %arg8[%dma_start3A_14, %dma_start3A_21, %dma_start3A_22] : memref<3x64x80xf32, #tpu.memory_space<vmem>> -> memref<1x64x80xf32, #tpu.memory_space<vmem>>
    %dma_start3A_24 = tpu.memref_squeeze %dma_start3A_23 : memref<1x64x80xf32, #tpu.memory_space<vmem>> -> memref<64x80xf32, #tpu.memory_space<vmem>>
    %dma_start3A_25 = arith.constant 0 : i32
    %dma_start3A_26 = tpu.memref_slice %arg4[%add3A_13, %dma_start3A_25] : memref<8192x80xf32, #tpu.memory_space<hbm>> -> memref<64x80xf32, #tpu.memory_space<hbm>>
    tpu.enqueue_dma source(%dma_start3A_26 : memref<64x80xf32, #tpu.memory_space<hbm>>) target(%dma_start3A_24 : memref<64x80xf32, #tpu.memory_space<vmem>>) target_semaphore(%arg12 : memref<!tpu.dma_semaphore, #tpu.memory_space<semaphore_mem>>)
    %dma_start3A_27 = arith.constant 1 : i32
    %dma_start3A_28 = arith.constant 0 : i32
    %dma_start3A_29 = arith.constant 0 : i32
    %dma_start3A_30 = tpu.memref_slice %arg7[%dma_start3A_27, %dma_start3A_28, %dma_start3A_29] : memref<3x64x512xf32, #tpu.memory_space<vmem>> -> memref<1x64x512xf32, #tpu.memory_space<vmem>>
    %dma_start3A_31 = tpu.memref_squeeze %dma_start3A_30 : memref<1x64x512xf32, #tpu.memory_space<vmem>> -> memref<64x512xf32, #tpu.memory_space<vmem>>
    %dma_start3A_32 = arith.constant 64 : i32
    %dma_start3A_33 = tpu.memref_slice %arg6[%dma_start3A_32] : memref<256xi32, #tpu.memory_space<vmem>> -> memref<64xi32, #tpu.memory_space<vmem>>
    %dma_start3A_34 = arith.constant 0 : i32
    %dma_start3A_35 = arith.constant 0 : i32
    %dma_start3A_36 = tpu.memref_slice %arg2[%dma_start3A_34, %dma_start3A_35] : memref<28996x512xf32, #tpu.memory_space<hbm>> -> memref<28996x512xf32, #tpu.memory_space<hbm>>
    tpu.enqueue_indirect_dma source(%dma_start3A_36 : memref<28996x512xf32, #tpu.memory_space<hbm>>) target(%dma_start3A_31 : memref<64x512xf32, #tpu.memory_space<vmem>>) offsets(%dma_start3A_33 : memref<64xi32, #tpu.memory_space<vmem>>) semaphore(%arg10 : memref<!tpu.dma_semaphore, #tpu.memory_space<semaphore_mem>>)
    %add3A_37 = arith.constant 64 : i32
    %add3A_38 = arith.addi %mul3A_2, %add3A_37 : i32
    %dma_start3A_39 = arith.constant 1 : i32
    %dma_start3A_40 = arith.constant 0 : i32
    %dma_start3A_41 = arith.constant 0 : i32
    %dma_start3A_42 = tpu.memref_slice %arg8[%dma_start3A_39, %dma_start3A_40, %dma_start3A_41] : memref<3x64x80xf32, #tpu.memory_space<vmem>> -> memref<1x64x80xf32, #tpu.memory_space<vmem>>
    %dma_start3A_43 = tpu.memref_squeeze %dma_start3A_42 : memref<1x64x80xf32, #tpu.memory_space<vmem>> -> memref<64x80xf32, #tpu.memory_space<vmem>>
    %dma_start3A_44 = arith.constant 0 : i32
    %dma_start3A_45 = tpu.memref_slice %arg4[%add3A_38, %dma_start3A_44] : memref<8192x80xf32, #tpu.memory_space<hbm>> -> memref<64x80xf32, #tpu.memory_space<hbm>>
    %dma_start3A_46 = arith.constant 0 : i32
    %dma_start3A_47 = arith.constant 0 : i32
    %dma_start3A_48 = tpu.memref_slice %arg8[%dma_start3A_39, %dma_start3A_46, %dma_start3A_47] : memref<3x64x80xf32, #tpu.memory_space<vmem>> -> memref<1x64x80xf32, #tpu.memory_space<vmem>>
    %dma_start3A_49 = tpu.memref_squeeze %dma_start3A_48 : memref<1x64x80xf32, #tpu.memory_space<vmem>> -> memref<64x80xf32, #tpu.memory_space<vmem>>
    %dma_start3A_50 = arith.constant 0 : i32
    %dma_start3A_51 = tpu.memref_slice %arg4[%add3A_38, %dma_start3A_50] : memref<8192x80xf32, #tpu.memory_space<hbm>> -> memref<64x80xf32, #tpu.memory_space<hbm>>
    tpu.enqueue_dma source(%dma_start3A_51 : memref<64x80xf32, #tpu.memory_space<hbm>>) target(%dma_start3A_49 : memref<64x80xf32, #tpu.memory_space<vmem>>) target_semaphore(%arg13 : memref<!tpu.dma_semaphore, #tpu.memory_space<semaphore_mem>>)
    %dma_start3A_52 = arith.constant 2 : i32
    %dma_start3A_53 = arith.constant 0 : i32
    %dma_start3A_54 = arith.constant 0 : i32
    %dma_start3A_55 = tpu.memref_slice %arg7[%dma_start3A_52, %dma_start3A_53, %dma_start3A_54] : memref<3x64x512xf32, #tpu.memory_space<vmem>> -> memref<1x64x512xf32, #tpu.memory_space<vmem>>
    %dma_start3A_56 = tpu.memref_squeeze %dma_start3A_55 : memref<1x64x512xf32, #tpu.memory_space<vmem>> -> memref<64x512xf32, #tpu.memory_space<vmem>>
    %dma_start3A_57 = arith.constant 128 : i32
    %dma_start3A_58 = tpu.memref_slice %arg6[%dma_start3A_57] : memref<256xi32, #tpu.memory_space<vmem>> -> memref<64xi32, #tpu.memory_space<vmem>>
    %dma_start3A_59 = arith.constant 0 : i32
    %dma_start3A_60 = arith.constant 0 : i32
    %dma_start3A_61 = tpu.memref_slice %arg2[%dma_start3A_59, %dma_start3A_60] : memref<28996x512xf32, #tpu.memory_space<hbm>> -> memref<28996x512xf32, #tpu.memory_space<hbm>>
    tpu.enqueue_indirect_dma source(%dma_start3A_61 : memref<28996x512xf32, #tpu.memory_space<hbm>>) target(%dma_start3A_56 : memref<64x512xf32, #tpu.memory_space<vmem>>) offsets(%dma_start3A_58 : memref<64xi32, #tpu.memory_space<vmem>>) semaphore(%arg11 : memref<!tpu.dma_semaphore, #tpu.memory_space<semaphore_mem>>)
    %add3A_62 = arith.constant 128 : i32
    %add3A_63 = arith.addi %mul3A_2, %add3A_62 : i32
    %dma_start3A_64 = arith.constant 2 : i32
    %dma_start3A_65 = arith.constant 0 : i32
    %dma_start3A_66 = arith.constant 0 : i32
    %dma_start3A_67 = tpu.memref_slice %arg8[%dma_start3A_64, %dma_start3A_65, %dma_start3A_66] : memref<3x64x80xf32, #tpu.memory_space<vmem>> -> memref<1x64x80xf32, #tpu.memory_space<vmem>>
    %dma_start3A_68 = tpu.memref_squeeze %dma_start3A_67 : memref<1x64x80xf32, #tpu.memory_space<vmem>> -> memref<64x80xf32, #tpu.memory_space<vmem>>
    %dma_start3A_69 = arith.constant 0 : i32
    %dma_start3A_70 = tpu.memref_slice %arg4[%add3A_63, %dma_start3A_69] : memref<8192x80xf32, #tpu.memory_space<hbm>> -> memref<64x80xf32, #tpu.memory_space<hbm>>
    %dma_start3A_71 = arith.constant 0 : i32
    %dma_start3A_72 = arith.constant 0 : i32
    %dma_start3A_73 = tpu.memref_slice %arg8[%dma_start3A_64, %dma_start3A_71, %dma_start3A_72] : memref<3x64x80xf32, #tpu.memory_space<vmem>> -> memref<1x64x80xf32, #tpu.memory_space<vmem>>
    %dma_start3A_74 = tpu.memref_squeeze %dma_start3A_73 : memref<1x64x80xf32, #tpu.memory_space<vmem>> -> memref<64x80xf32, #tpu.memory_space<vmem>>
    %dma_start3A_75 = arith.constant 0 : i32
    %dma_start3A_76 = tpu.memref_slice %arg4[%add3A_63, %dma_start3A_75] : memref<8192x80xf32, #tpu.memory_space<hbm>> -> memref<64x80xf32, #tpu.memory_space<hbm>>
    tpu.enqueue_dma source(%dma_start3A_76 : memref<64x80xf32, #tpu.memory_space<hbm>>) target(%dma_start3A_74 : memref<64x80xf32, #tpu.memory_space<vmem>>) target_semaphore(%arg14 : memref<!tpu.dma_semaphore, #tpu.memory_space<semaphore_mem>>)
    %dma_wait3A = arith.constant 0 : i32
    %dma_wait3A_77 = arith.constant 0 : i32
    %dma_wait3A_78 = arith.constant 0 : i32
    %dma_wait3A_79 = tpu.memref_slice %arg7[%dma_wait3A, %dma_wait3A_77, %dma_wait3A_78] : memref<3x64x512xf32, #tpu.memory_space<vmem>> -> memref<1x64x512xf32, #tpu.memory_space<vmem>>
    %dma_wait3A_80 = tpu.memref_squeeze %dma_wait3A_79 : memref<1x64x512xf32, #tpu.memory_space<vmem>> -> memref<64x512xf32, #tpu.memory_space<vmem>>
    %dma_wait3A_81 = arith.constant 0 : i32
    %dma_wait3A_82 = tpu.memref_slice %arg6[%dma_wait3A_81] : memref<256xi32, #tpu.memory_space<vmem>> -> memref<64xi32, #tpu.memory_space<vmem>>
    %dma_wait3A_83 = arith.constant 0 : i32
    %dma_wait3A_84 = arith.constant 0 : i32
    %dma_wait3A_85 = tpu.memref_slice %arg2[%dma_wait3A_83, %dma_wait3A_84] : memref<28996x512xf32, #tpu.memory_space<hbm>> -> memref<28996x512xf32, #tpu.memory_space<hbm>>
    tpu.wait_indirect_dma semaphore(%arg9 : memref<!tpu.dma_semaphore, #tpu.memory_space<semaphore_mem>>) src(%dma_wait3A_85 : memref<28996x512xf32, #tpu.memory_space<hbm>>) dst(%dma_wait3A_80 : memref<64x512xf32, #tpu.memory_space<vmem>>)
    %dma_wait3A_86 = arith.constant 0 : i32
    %dma_wait3A_87 = arith.constant 0 : i32
    %dma_wait3A_88 = arith.constant 0 : i32
    %dma_wait3A_89 = tpu.memref_slice %arg8[%dma_wait3A_86, %dma_wait3A_87, %dma_wait3A_88] : memref<3x64x80xf32, #tpu.memory_space<vmem>> -> memref<1x64x80xf32, #tpu.memory_space<vmem>>
    %dma_wait3A_90 = tpu.memref_squeeze %dma_wait3A_89 : memref<1x64x80xf32, #tpu.memory_space<vmem>> -> memref<64x80xf32, #tpu.memory_space<vmem>>
    %dma_wait3A_91 = arith.constant 0 : i32
    %dma_wait3A_92 = tpu.memref_slice %arg4[%add3A_13, %dma_wait3A_91] : memref<8192x80xf32, #tpu.memory_space<hbm>> -> memref<64x80xf32, #tpu.memory_space<hbm>>
    %dma_wait3A_93 = arith.constant 0 : i32
    %dma_wait3A_94 = arith.constant 0 : i32
    %dma_wait3A_95 = tpu.memref_slice %arg8[%dma_wait3A_86, %dma_wait3A_93, %dma_wait3A_94] : memref<3x64x80xf32, #tpu.memory_space<vmem>> -> memref<1x64x80xf32, #tpu.memory_space<vmem>>
    %dma_wait3A_96 = tpu.memref_squeeze %dma_wait3A_95 : memref<1x64x80xf32, #tpu.memory_space<vmem>> -> memref<64x80xf32, #tpu.memory_space<vmem>>
    %dma_wait3A_97 = arith.constant 0 : i32
    %dma_wait3A_98 = tpu.memref_slice %arg4[%add3A_13, %dma_wait3A_97] : memref<8192x80xf32, #tpu.memory_space<hbm>> -> memref<64x80xf32, #tpu.memory_space<hbm>>
    tpu.wait_dma2 semaphore(%arg12 : memref<!tpu.dma_semaphore, #tpu.memory_space<semaphore_mem>>) src(%dma_wait3A_98 : memref<64x80xf32, #tpu.memory_space<hbm>>) dst(%dma_wait3A_96 : memref<64x80xf32, #tpu.memory_space<vmem>>)
    %parallel_loop3A = arith.constant 0 : i32
    %parallel_loop3A_99 = arith.constant 64 : i32
    %parallel_loop3A_100 = arith.constant 1 : i32
    scf.for %parallel_loop3A_316 = %parallel_loop3A to %parallel_loop3A_99 step %parallel_loop3A_100  : i32 {
      %parallel_loop3A_317 = arith.constant 0 : i32
      %parallel_loop3A_318 = arith.index_cast %parallel_loop3A_317 : i32 to index
      %parallel_loop3A_319 = arith.index_cast %parallel_loop3A_316 : i32 to index
      %parallel_loop3A_320 = arith.constant 64 : index
      %parallel_loop3A_321 = tpu.vector_load %arg8[%parallel_loop3A_318, %parallel_loop3A_319, %parallel_loop3A_320] {strides = array<i32>} : memref<3x64x80xf32, #tpu.memory_space<vmem>>, vector<1x1x16xf32>,
      %parallel_loop3A_322 = vector.shape_cast %parallel_loop3A_321 : vector<1x1x16xf32> to vector<16xf32>
      %parallel_loop3A_323 = arith.constant 0 : i32
      %parallel_loop3A_324 = arith.index_cast %parallel_loop3A_323 : i32 to index
      %parallel_loop3A_325 = arith.index_cast %parallel_loop3A_316 : i32 to index
      %parallel_loop3A_326 = arith.constant 0 : index
      %parallel_loop3A_327 = tpu.vector_load %arg8[%parallel_loop3A_324, %parallel_loop3A_325, %parallel_loop3A_326] {strides = array<i32>} : memref<3x64x80xf32, #tpu.memory_space<vmem>>, vector<1x1x16xf32>,
      %parallel_loop3A_328 = vector.shape_cast %parallel_loop3A_327 : vector<1x1x16xf32> to vector<16xf32>
      %parallel_loop3A_329 = arith.constant 0 : i32
      %parallel_loop3A_330 = arith.index_cast %parallel_loop3A_329 : i32 to index
      %parallel_loop3A_331 = arith.index_cast %parallel_loop3A_316 : i32 to index
      %parallel_loop3A_332 = arith.constant 0 : index
      %parallel_loop3A_333 = tpu.vector_load %arg7[%parallel_loop3A_330, %parallel_loop3A_331, %parallel_loop3A_332] {strides = array<i32>} : memref<3x64x512xf32, #tpu.memory_space<vmem>>, vector<1x1x16xf32>,
      %parallel_loop3A_334 = vector.shape_cast %parallel_loop3A_333 : vector<1x1x16xf32> to vector<16xf32>
      %parallel_loop3A_335 = arith.addf %parallel_loop3A_334, %parallel_loop3A_328 : vector<16xf32>
      %parallel_loop3A_336 = arith.constant 0 : i32
      %parallel_loop3A_337 = arith.index_cast %parallel_loop3A_336 : i32 to index
      %parallel_loop3A_338 = arith.index_cast %parallel_loop3A_316 : i32 to index
      %parallel_loop3A_339 = arith.constant 0 : index
      %parallel_loop3A_340 = tpu.vector_load %arg7[%parallel_loop3A_337, %parallel_loop3A_338, %parallel_loop3A_339] {strides = array<i32>} : memref<3x64x512xf32, #tpu.memory_space<vmem>>, vector<1x1x16xf32>,
      %parallel_loop3A_341 = vector.shape_cast %parallel_loop3A_340 : vector<1x1x16xf32> to vector<16xf32>
      %parallel_loop3A_342 = vector.shape_cast %parallel_loop3A_335 : vector<16xf32> to vector<1x1x16xf32>
      tpu.vector_store %arg7[%parallel_loop3A_337, %parallel_loop3A_338, %parallel_loop3A_339], %parallel_loop3A_342 {strides = array<i32>} : memref<3x64x512xf32, #tpu.memory_space<vmem>>, vector<1x1x16xf32>,
      %parallel_loop3A_343 = arith.constant 0 : i32
      %parallel_loop3A_344 = arith.index_cast %parallel_loop3A_343 : i32 to index
      %parallel_loop3A_345 = arith.index_cast %parallel_loop3A_316 : i32 to index
      %parallel_loop3A_346 = arith.constant 16 : index
      %parallel_loop3A_347 = tpu.vector_load %arg8[%parallel_loop3A_344, %parallel_loop3A_345, %parallel_loop3A_346] {strides = array<i32>} : memref<3x64x80xf32, #tpu.memory_space<vmem>>, vector<1x1x16xf32>,
      %parallel_loop3A_348 = vector.shape_cast %parallel_loop3A_347 : vector<1x1x16xf32> to vector<16xf32>
      %parallel_loop3A_349 = arith.constant 0 : i32
      %parallel_loop3A_350 = arith.index_cast %parallel_loop3A_349 : i32 to index
      %parallel_loop3A_351 = arith.index_cast %parallel_loop3A_316 : i32 to index
      %parallel_loop3A_352 = arith.constant 16 : index
      %parallel_loop3A_353 = tpu.vector_load %arg7[%parallel_loop3A_350, %parallel_loop3A_351, %parallel_loop3A_352] {strides = array<i32>} : memref<3x64x512xf32, #tpu.memory_space<vmem>>, vector<1x1x16xf32>,
      %parallel_loop3A_354 = vector.shape_cast %parallel_loop3A_353 : vector<1x1x16xf32> to vector<16xf32>
      %parallel_loop3A_355 = arith.addf %parallel_loop3A_354, %parallel_loop3A_348 : vector<16xf32>
      %parallel_loop3A_356 = arith.constant 0 : i32
      %parallel_loop3A_357 = arith.index_cast %parallel_loop3A_356 : i32 to index
      %parallel_loop3A_358 = arith.index_cast %parallel_loop3A_316 : i32 to index
      %parallel_loop3A_359 = arith.constant 16 : index
      %parallel_loop3A_360 = tpu.vector_load %arg7[%parallel_loop3A_357, %parallel_loop3A_358, %parallel_loop3A_359] {strides = array<i32>} : memref<3x64x512xf32, #tpu.memory_space<vmem>>, vector<1x1x16xf32>,
      %parallel_loop3A_361 = vector.shape_cast %parallel_loop3A_360 : vector<1x1x16xf32> to vector<16xf32>
      %parallel_loop3A_362 = vector.shape_cast %parallel_loop3A_355 : vector<16xf32> to vector<1x1x16xf32>
      tpu.vector_store %arg7[%parallel_loop3A_357, %parallel_loop3A_358, %parallel_loop3A_359], %parallel_loop3A_362 {strides = array<i32>} : memref<3x64x512xf32, #tpu.memory_space<vmem>>, vector<1x1x16xf32>,
      %parallel_loop3A_363 = arith.constant 0 : i32
      %parallel_loop3A_364 = arith.index_cast %parallel_loop3A_363 : i32 to index
      %parallel_loop3A_365 = arith.index_cast %parallel_loop3A_316 : i32 to index
      %parallel_loop3A_366 = arith.constant 32 : index
      %parallel_loop3A_367 = tpu.vector_load %arg8[%parallel_loop3A_364, %parallel_loop3A_365, %parallel_loop3A_366] {strides = array<i32>} : memref<3x64x80xf32, #tpu.memory_space<vmem>>, vector<1x1x16xf32>,
      %parallel_loop3A_368 = vector.shape_cast %parallel_loop3A_367 : vector<1x1x16xf32> to vector<16xf32>
      %parallel_loop3A_369 = arith.constant 0 : i32
      %parallel_loop3A_370 = arith.index_cast %parallel_loop3A_369 : i32 to index
      %parallel_loop3A_371 = arith.index_cast %parallel_loop3A_316 : i32 to index
      %parallel_loop3A_372 = arith.constant 32 : index
      %parallel_loop3A_373 = tpu.vector_load %arg7[%parallel_loop3A_370, %parallel_loop3A_371, %parallel_loop3A_372] {strides = array<i32>} : memref<3x64x512xf32, #tpu.memory_space<vmem>>, vector<1x1x16xf32>,
      %parallel_loop3A_374 = vector.shape_cast %parallel_loop3A_373 : vector<1x1x16xf32> to vector<16xf32>
      %parallel_loop3A_375 = arith.addf %parallel_loop3A_374, %parallel_loop3A_368 : vector<16xf32>
      %parallel_loop3A_376 = arith.constant 0 : i32
      %parallel_loop3A_377 = arith.index_cast %parallel_loop3A_376 : i32 to index
      %parallel_loop3A_378 = arith.index_cast %parallel_loop3A_316 : i32 to index
      %parallel_loop3A_379 = arith.constant 32 : index
      %parallel_loop3A_380 = tpu.vector_load %arg7[%parallel_loop3A_377, %parallel_loop3A_378, %parallel_loop3A_379] {strides = array<i32>} : memref<3x64x512xf32, #tpu.memory_space<vmem>>, vector<1x1x16xf32>,
      %parallel_loop3A_381 = vector.shape_cast %parallel_loop3A_380 : vector<1x1x16xf32> to vector<16xf32>
      %parallel_loop3A_382 = vector.shape_cast %parallel_loop3A_375 : vector<16xf32> to vector<1x1x16xf32>
      tpu.vector_store %arg7[%parallel_loop3A_377, %parallel_loop3A_378, %parallel_loop3A_379], %parallel_loop3A_382 {strides = array<i32>} : memref<3x64x512xf32, #tpu.memory_space<vmem>>, vector<1x1x16xf32>,
      %parallel_loop3A_383 = arith.constant 0 : i32
      %parallel_loop3A_384 = arith.index_cast %parallel_loop3A_383 : i32 to index
      %parallel_loop3A_385 = arith.index_cast %parallel_loop3A_316 : i32 to index
      %parallel_loop3A_386 = arith.constant 48 : index
      %parallel_loop3A_387 = tpu.vector_load %arg8[%parallel_loop3A_384, %parallel_loop3A_385, %parallel_loop3A_386] {strides = array<i32>} : memref<3x64x80xf32, #tpu.memory_space<vmem>>, vector<1x1x16xf32>,
      %parallel_loop3A_388 = vector.shape_cast %parallel_loop3A_387 : vector<1x1x16xf32> to vector<16xf32>
      %parallel_loop3A_389 = arith.constant 0 : i32
      %parallel_loop3A_390 = arith.index_cast %parallel_loop3A_389 : i32 to index
      %parallel_loop3A_391 = arith.index_cast %parallel_loop3A_316 : i32 to index
      %parallel_loop3A_392 = arith.constant 48 : index
      %parallel_loop3A_393 = tpu.vector_load %arg7[%parallel_loop3A_390, %parallel_loop3A_391, %parallel_loop3A_392] {strides = array<i32>} : memref<3x64x512xf32, #tpu.memory_space<vmem>>, vector<1x1x16xf32>,
      %parallel_loop3A_394 = vector.shape_cast %parallel_loop3A_393 : vector<1x1x16xf32> to vector<16xf32>
      %parallel_loop3A_395 = arith.addf %parallel_loop3A_394, %parallel_loop3A_388 : vector<16xf32>
      %parallel_loop3A_396 = arith.constant 0 : i32
      %parallel_loop3A_397 = arith.index_cast %parallel_loop3A_396 : i32 to index
      %parallel_loop3A_398 = arith.index_cast %parallel_loop3A_316 : i32 to index
      %parallel_loop3A_399 = arith.constant 48 : index
      %parallel_loop3A_400 = tpu.vector_load %arg7[%parallel_loop3A_397, %parallel_loop3A_398, %parallel_loop3A_399] {strides = array<i32>} : memref<3x64x512xf32, #tpu.memory_space<vmem>>, vector<1x1x16xf32>,
      %parallel_loop3A_401 = vector.shape_cast %parallel_loop3A_400 : vector<1x1x16xf32> to vector<16xf32>
      %parallel_loop3A_402 = vector.shape_cast %parallel_loop3A_395 : vector<16xf32> to vector<1x1x16xf32>
      tpu.vector_store %arg7[%parallel_loop3A_397, %parallel_loop3A_398, %parallel_loop3A_399], %parallel_loop3A_402 {strides = array<i32>} : memref<3x64x512xf32, #tpu.memory_space<vmem>>, vector<1x1x16xf32>,
      %parallel_loop3A_403 = arith.mulf %parallel_loop3A_322, %parallel_loop3A_368 : vector<16xf32>
      %parallel_loop3A_404 = arith.subf %parallel_loop3A_403, %parallel_loop3A_328 : vector<16xf32>
      %parallel_loop3A_405 = arith.constant 0 : i32
      %parallel_loop3A_406 = arith.index_cast %parallel_loop3A_405 : i32 to index
      %parallel_loop3A_407 = arith.index_cast %parallel_loop3A_316 : i32 to index
      %parallel_loop3A_408 = arith.constant 64 : index
      %parallel_loop3A_409 = tpu.vector_load %arg7[%parallel_loop3A_406, %parallel_loop3A_407, %parallel_loop3A_408] {strides = array<i32>} : memref<3x64x512xf32, #tpu.memory_space<vmem>>, vector<1x1x16xf32>,
      %parallel_loop3A_410 = vector.shape_cast %parallel_loop3A_409 : vector<1x1x16xf32> to vector<16xf32>
      %parallel_loop3A_411 = arith.addf %parallel_loop3A_410, %parallel_loop3A_404 : vector<16xf32>
      %parallel_loop3A_412 = arith.constant 0 : i32
      %parallel_loop3A_413 = arith.index_cast %parallel_loop3A_412 : i32 to index
      %parallel_loop3A_414 = arith.index_cast %parallel_loop3A_316 : i32 to index
      %parallel_loop3A_415 = arith.constant 64 : index
      %parallel_loop3A_416 = tpu.vector_load %arg7[%parallel_loop3A_413, %parallel_loop3A_414, %parallel_loop3A_415] {strides = array<i32>} : memref<3x64x512xf32, #tpu.memory_space<vmem>>, vector<1x1x16xf32>,
      %parallel_loop3A_417 = vector.shape_cast %parallel_loop3A_416 : vector<1x1x16xf32> to vector<16xf32>
      %parallel_loop3A_418 = vector.shape_cast %parallel_loop3A_411 : vector<16xf32> to vector<1x1x16xf32>
      tpu.vector_store %arg7[%parallel_loop3A_413, %parallel_loop3A_414, %parallel_loop3A_415], %parallel_loop3A_418 {strides = array<i32>} : memref<3x64x512xf32, #tpu.memory_space<vmem>>, vector<1x1x16xf32>,
      %parallel_loop3A_419 = arith.mulf %parallel_loop3A_322, %parallel_loop3A_388 : vector<16xf32>
      %parallel_loop3A_420 = arith.subf %parallel_loop3A_419, %parallel_loop3A_348 : vector<16xf32>
      %parallel_loop3A_421 = arith.constant 0 : i32
      %parallel_loop3A_422 = arith.index_cast %parallel_loop3A_421 : i32 to index
      %parallel_loop3A_423 = arith.index_cast %parallel_loop3A_316 : i32 to index
      %parallel_loop3A_424 = arith.constant 80 : index
      %parallel_loop3A_425 = tpu.vector_load %arg7[%parallel_loop3A_422, %parallel_loop3A_423, %parallel_loop3A_424] {strides = array<i32>} : memref<3x64x512xf32, #tpu.memory_space<vmem>>, vector<1x1x16xf32>,
      %parallel_loop3A_426 = vector.shape_cast %parallel_loop3A_425 : vector<1x1x16xf32> to vector<16xf32>
      %parallel_loop3A_427 = arith.addf %parallel_loop3A_426, %parallel_loop3A_420 : vector<16xf32>
      %parallel_loop3A_428 = arith.constant 0 : i32
      %parallel_loop3A_429 = arith.index_cast %parallel_loop3A_428 : i32 to index
      %parallel_loop3A_430 = arith.index_cast %parallel_loop3A_316 : i32 to index
      %parallel_loop3A_431 = arith.constant 80 : index
      %parallel_loop3A_432 = tpu.vector_load %arg7[%parallel_loop3A_429, %parallel_loop3A_430, %parallel_loop3A_431] {strides = array<i32>} : memref<3x64x512xf32, #tpu.memory_space<vmem>>, vector<1x1x16xf32>,
      %parallel_loop3A_433 = vector.shape_cast %parallel_loop3A_432 : vector<1x1x16xf32> to vector<16xf32>
      %parallel_loop3A_434 = vector.shape_cast %parallel_loop3A_427 : vector<16xf32> to vector<1x1x16xf32>
      tpu.vector_store %arg7[%parallel_loop3A_429, %parallel_loop3A_430, %parallel_loop3A_431], %parallel_loop3A_434 {strides = array<i32>} : memref<3x64x512xf32, #tpu.memory_space<vmem>>, vector<1x1x16xf32>,
      %parallel_loop3A_435 = arith.mulf %parallel_loop3A_322, %parallel_loop3A_404 : vector<16xf32>
      %parallel_loop3A_436 = arith.subf %parallel_loop3A_435, %parallel_loop3A_368 : vector<16xf32>
      %parallel_loop3A_437 = arith.constant 0 : i32
      %parallel_loop3A_438 = arith.index_cast %parallel_loop3A_437 : i32 to index
      %parallel_loop3A_439 = arith.index_cast %parallel_loop3A_316 : i32 to index
      %parallel_loop3A_440 = arith.constant 96 : index
      %parallel_loop3A_441 = tpu.vector_load %arg7[%parallel_loop3A_438, %parallel_loop3A_439, %parallel_loop3A_440] {strides = array<i32>} : memref<3x64x512xf32, #tpu.memory_space<vmem>>, vector<1x1x16xf32>,
      %parallel_loop3A_442 = vector.shape_cast %parallel_loop3A_441 : vector<1x1x16xf32> to vector<16xf32>
      %parallel_loop3A_443 = arith.addf %parallel_loop3A_442, %parallel_loop3A_436 : vector<16xf32>
      %parallel_loop3A_444 = arith.constant 0 : i32
      %parallel_loop3A_445 = arith.index_cast %parallel_loop3A_444 : i32 to index
      %parallel_loop3A_446 = arith.index_cast %parallel_loop3A_316 : i32 to index
      %parallel_loop3A_447 = arith.constant 96 : index
      %parallel_loop3A_448 = tpu.vector_load %arg7[%parallel_loop3A_445, %parallel_loop3A_446, %parallel_loop3A_447] {strides = array<i32>} : memref<3x64x512xf32, #tpu.memory_space<vmem>>, vector<1x1x16xf32>,
      %parallel_loop3A_449 = vector.shape_cast %parallel_loop3A_448 : vector<1x1x16xf32> to vector<16xf32>
      %parallel_loop3A_450 = vector.shape_cast %parallel_loop3A_443 : vector<16xf32> to vector<1x1x16xf32>
      tpu.vector_store %arg7[%parallel_loop3A_445, %parallel_loop3A_446, %parallel_loop3A_447], %parallel_loop3A_450 {strides = array<i32>} : memref<3x64x512xf32, #tpu.memory_space<vmem>>, vector<1x1x16xf32>,
      %parallel_loop3A_451 = arith.mulf %parallel_loop3A_322, %parallel_loop3A_420 : vector<16xf32>
      %parallel_loop3A_452 = arith.subf %parallel_loop3A_451, %parallel_loop3A_388 : vector<16xf32>
      %parallel_loop3A_453 = arith.constant 0 : i32
      %parallel_loop3A_454 = arith.index_cast %parallel_loop3A_453 : i32 to index
      %parallel_loop3A_455 = arith.index_cast %parallel_loop3A_316 : i32 to index
      %parallel_loop3A_456 = arith.constant 112 : index
      %parallel_loop3A_457 = tpu.vector_load %arg7[%parallel_loop3A_454, %parallel_loop3A_455, %parallel_loop3A_456] {strides = array<i32>} : memref<3x64x512xf32, #tpu.memory_space<vmem>>, vector<1x1x16xf32>,
      %parallel_loop3A_458 = vector.shape_cast %parallel_loop3A_457 : vector<1x1x16xf32> to vector<16xf32>
      %parallel_loop3A_459 = arith.addf %parallel_loop3A_458, %parallel_loop3A_452 : vector<16xf32>
      %parallel_loop3A_460 = arith.constant 0 : i32
      %parallel_loop3A_461 = arith.index_cast %parallel_loop3A_460 : i32 to index
      %parallel_loop3A_462 = arith.index_cast %parallel_loop3A_316 : i32 to index
      %parallel_loop3A_463 = arith.constant 112 : index
      %parallel_loop3A_464 = tpu.vector_load %arg7[%parallel_loop3A_461, %parallel_loop3A_462, %parallel_loop3A_463] {strides = array<i32>} : memref<3x64x512xf32, #tpu.memory_space<vmem>>, vector<1x1x16xf32>,
      %parallel_loop3A_465 = vector.shape_cast %parallel_loop3A_464 : vector<1x1x16xf32> to vector<16xf32>
      %parallel_loop3A_466 = vector.shape_cast %parallel_loop3A_459 : vector<16xf32> to vector<1x1x16xf32>
      tpu.vector_store %arg7[%parallel_loop3A_461, %parallel_loop3A_462, %parallel_loop3A_463], %parallel_loop3A_466 {strides = array<i32>} : memref<3x64x512xf32, #tpu.memory_space<vmem>>, vector<1x1x16xf32>,
      %parallel_loop3A_467 = arith.mulf %parallel_loop3A_322, %parallel_loop3A_436 : vector<16xf32>
      %parallel_loop3A_468 = arith.subf %parallel_loop3A_467, %parallel_loop3A_404 : vector<16xf32>
      %parallel_loop3A_469 = arith.constant 0 : i32
      %parallel_loop3A_470 = arith.index_cast %parallel_loop3A_469 : i32 to index
      %parallel_loop3A_471 = arith.index_cast %parallel_loop3A_316 : i32 to index
      %parallel_loop3A_472 = arith.constant 128 : index
      %parallel_loop3A_473 = tpu.vector_load %arg7[%parallel_loop3A_470, %parallel_loop3A_471, %parallel_loop3A_472] {strides = array<i32>} : memref<3x64x512xf32, #tpu.memory_space<vmem>>, vector<1x1x16xf32>,
      %parallel_loop3A_474 = vector.shape_cast %parallel_loop3A_473 : vector<1x1x16xf32> to vector<16xf32>
      %parallel_loop3A_475 = arith.addf %parallel_loop3A_474, %parallel_loop3A_468 : vector<16xf32>
      %parallel_loop3A_476 = arith.constant 0 : i32
      %parallel_loop3A_477 = arith.index_cast %parallel_loop3A_476 : i32 to index
      %parallel_loop3A_478 = arith.index_cast %parallel_loop3A_316 : i32 to index
      %parallel_loop3A_479 = arith.constant 128 : index
      %parallel_loop3A_480 = tpu.vector_load %arg7[%parallel_loop3A_477, %parallel_loop3A_478, %parallel_loop3A_479] {strides = array<i32>} : memref<3x64x512xf32, #tpu.memory_space<vmem>>, vector<1x1x16xf32>,
      %parallel_loop3A_481 = vector.shape_cast %parallel_loop3A_480 : vector<1x1x16xf32> to vector<16xf32>
      %parallel_loop3A_482 = vector.shape_cast %parallel_loop3A_475 : vector<16xf32> to vector<1x1x16xf32>
      tpu.vector_store %arg7[%parallel_loop3A_477, %parallel_loop3A_478, %parallel_loop3A_479], %parallel_loop3A_482 {strides = array<i32>} : memref<3x64x512xf32, #tpu.memory_space<vmem>>, vector<1x1x16xf32>,
      %parallel_loop3A_483 = arith.mulf %parallel_loop3A_322, %parallel_loop3A_452 : vector<16xf32>
      %parallel_loop3A_484 = arith.subf %parallel_loop3A_483, %parallel_loop3A_420 : vector<16xf32>
      %parallel_loop3A_485 = arith.constant 0 : i32
      %parallel_loop3A_486 = arith.index_cast %parallel_loop3A_485 : i32 to index
      %parallel_loop3A_487 = arith.index_cast %parallel_loop3A_316 : i32 to index
      %parallel_loop3A_488 = arith.constant 144 : index
      %parallel_loop3A_489 = tpu.vector_load %arg7[%parallel_loop3A_486, %parallel_loop3A_487, %parallel_loop3A_488] {strides = array<i32>} : memref<3x64x512xf32, #tpu.memory_space<vmem>>, vector<1x1x16xf32>,
      %parallel_loop3A_490 = vector.shape_cast %parallel_loop3A_489 : vector<1x1x16xf32> to vector<16xf32>
      %parallel_loop3A_491 = arith.addf %parallel_loop3A_490, %parallel_loop3A_484 : vector<16xf32>
      %parallel_loop3A_492 = arith.constant 0 : i32
      %parallel_loop3A_493 = arith.index_cast %parallel_loop3A_492 : i32 to index
      %parallel_loop3A_494 = arith.index_cast %parallel_loop3A_316 : i32 to index
      %parallel_loop3A_495 = arith.constant 144 : index
      %parallel_loop3A_496 = tpu.vector_load %arg7[%parallel_loop3A_493, %parallel_loop3A_494, %parallel_loop3A_495] {strides = array<i32>} : memref<3x64x512xf32, #tpu.memory_space<vmem>>, vector<1x1x16xf32>,
      %parallel_loop3A_497 = vector.shape_cast %parallel_loop3A_496 : vector<1x1x16xf32> to vector<16xf32>
      %parallel_loop3A_498 = vector.shape_cast %parallel_loop3A_491 : vector<16xf32> to vector<1x1x16xf32>
      tpu.vector_store %arg7[%parallel_loop3A_493, %parallel_loop3A_494, %parallel_loop3A_495], %parallel_loop3A_498 {strides = array<i32>} : memref<3x64x512xf32, #tpu.memory_space<vmem>>, vector<1x1x16xf32>,
      %parallel_loop3A_499 = arith.mulf %parallel_loop3A_322, %parallel_loop3A_468 : vector<16xf32>
      %parallel_loop3A_500 = arith.subf %parallel_loop3A_499, %parallel_loop3A_436 : vector<16xf32>
      %parallel_loop3A_501 = arith.constant 0 : i32
      %parallel_loop3A_502 = arith.index_cast %parallel_loop3A_501 : i32 to index
      %parallel_loop3A_503 = arith.index_cast %parallel_loop3A_316 : i32 to index
      %parallel_loop3A_504 = arith.constant 160 : index
      %parallel_loop3A_505 = tpu.vector_load %arg7[%parallel_loop3A_502, %parallel_loop3A_503, %parallel_loop3A_504] {strides = array<i32>} : memref<3x64x512xf32, #tpu.memory_space<vmem>>, vector<1x1x16xf32>,
      %parallel_loop3A_506 = vector.shape_cast %parallel_loop3A_505 : vector<1x1x16xf32> to vector<16xf32>
      %parallel_loop3A_507 = arith.addf %parallel_loop3A_506, %parallel_loop3A_500 : vector<16xf32>
      %parallel_loop3A_508 = arith.constant 0 : i32
      %parallel_loop3A_509 = arith.index_cast %parallel_loop3A_508 : i32 to index
      %parallel_loop3A_510 = arith.index_cast %parallel_loop3A_316 : i32 to index
      %parallel_loop3A_511 = arith.constant 160 : index
      %parallel_loop3A_512 = tpu.vector_load %arg7[%parallel_loop3A_509, %parallel_loop3A_510, %parallel_loop3A_511] {strides = array<i32>} : memref<3x64x512xf32, #tpu.memory_space<vmem>>, vector<1x1x16xf32>,
      %parallel_loop3A_513 = vector.shape_cast %parallel_loop3A_512 : vector<1x1x16xf32> to vector<16xf32>
      %parallel_loop3A_514 = vector.shape_cast %parallel_loop3A_507 : vector<16xf32> to vector<1x1x16xf32>
      tpu.vector_store %arg7[%parallel_loop3A_509, %parallel_loop3A_510, %parallel_loop3A_511], %parallel_loop3A_514 {strides = array<i32>} : memref<3x64x512xf32, #tpu.memory_space<vmem>>, vector<1x1x16xf32>,
      %parallel_loop3A_515 = arith.mulf %parallel_loop3A_322, %parallel_loop3A_484 : vector<16xf32>
      %parallel_loop3A_516 = arith.subf %parallel_loop3A_515, %parallel_loop3A_452 : vector<16xf32>
      %parallel_loop3A_517 = arith.constant 0 : i32
      %parallel_loop3A_518 = arith.index_cast %parallel_loop3A_517 : i32 to index
      %parallel_loop3A_519 = arith.index_cast %parallel_loop3A_316 : i32 to index
      %parallel_loop3A_520 = arith.constant 176 : index
      %parallel_loop3A_521 = tpu.vector_load %arg7[%parallel_loop3A_518, %parallel_loop3A_519, %parallel_loop3A_520] {strides = array<i32>} : memref<3x64x512xf32, #tpu.memory_space<vmem>>, vector<1x1x16xf32>,
      %parallel_loop3A_522 = vector.shape_cast %parallel_loop3A_521 : vector<1x1x16xf32> to vector<16xf32>
      %parallel_loop3A_523 = arith.addf %parallel_loop3A_522, %parallel_loop3A_516 : vector<16xf32>
      %parallel_loop3A_524 = arith.constant 0 : i32
      %parallel_loop3A_525 = arith.index_cast %parallel_loop3A_524 : i32 to index
      %parallel_loop3A_526 = arith.index_cast %parallel_loop3A_316 : i32 to index
      %parallel_loop3A_527 = arith.constant 176 : index
      %parallel_loop3A_528 = tpu.vector_load %arg7[%parallel_loop3A_525, %parallel_loop3A_526, %parallel_loop3A_527] {strides = array<i32>} : memref<3x64x512xf32, #tpu.memory_space<vmem>>, vector<1x1x16xf32>,
      %parallel_loop3A_529 = vector.shape_cast %parallel_loop3A_528 : vector<1x1x16xf32> to vector<16xf32>
      %parallel_loop3A_530 = vector.shape_cast %parallel_loop3A_523 : vector<16xf32> to vector<1x1x16xf32>
      tpu.vector_store %arg7[%parallel_loop3A_525, %parallel_loop3A_526, %parallel_loop3A_527], %parallel_loop3A_530 {strides = array<i32>} : memref<3x64x512xf32, #tpu.memory_space<vmem>>, vector<1x1x16xf32>,
      %parallel_loop3A_531 = arith.mulf %parallel_loop3A_322, %parallel_loop3A_500 : vector<16xf32>
      %parallel_loop3A_532 = arith.subf %parallel_loop3A_531, %parallel_loop3A_468 : vector<16xf32>
      %parallel_loop3A_533 = arith.constant 0 : i32
      %parallel_loop3A_534 = arith.index_cast %parallel_loop3A_533 : i32 to index
      %parallel_loop3A_535 = arith.index_cast %parallel_loop3A_316 : i32 to index
      %parallel_loop3A_536 = arith.constant 192 : index
      %parallel_loop3A_537 = tpu.vector_load %arg7[%parallel_loop3A_534, %parallel_loop3A_535, %parallel_loop3A_536] {strides = array<i32>} : memref<3x64x512xf32, #tpu.memory_space<vmem>>, vector<1x1x16xf32>,
      %parallel_loop3A_538 = vector.shape_cast %parallel_loop3A_537 : vector<1x1x16xf32> to vector<16xf32>
      %parallel_loop3A_539 = arith.addf %parallel_loop3A_538, %parallel_loop3A_532 : vector<16xf32>
      %parallel_loop3A_540 = arith.constant 0 : i32
      %parallel_loop3A_541 = arith.index_cast %parallel_loop3A_540 : i32 to index
      %parallel_loop3A_542 = arith.index_cast %parallel_loop3A_316 : i32 to index
      %parallel_loop3A_543 = arith.constant 192 : index
      %parallel_loop3A_544 = tpu.vector_load %arg7[%parallel_loop3A_541, %parallel_loop3A_542, %parallel_loop3A_543] {strides = array<i32>} : memref<3x64x512xf32, #tpu.memory_space<vmem>>, vector<1x1x16xf32>,
      %parallel_loop3A_545 = vector.shape_cast %parallel_loop3A_544 : vector<1x1x16xf32> to vector<16xf32>
      %parallel_loop3A_546 = vector.shape_cast %parallel_loop3A_539 : vector<16xf32> to vector<1x1x16xf32>
      tpu.vector_store %arg7[%parallel_loop3A_541, %parallel_loop3A_542, %parallel_loop3A_543], %parallel_loop3A_546 {strides = array<i32>} : memref<3x64x512xf32, #tpu.memory_space<vmem>>, vector<1x1x16xf32>,
      %parallel_loop3A_547 = arith.mulf %parallel_loop3A_322, %parallel_loop3A_516 : vector<16xf32>
      %parallel_loop3A_548 = arith.subf %parallel_loop3A_547, %parallel_loop3A_484 : vector<16xf32>
      %parallel_loop3A_549 = arith.constant 0 : i32
      %parallel_loop3A_550 = arith.index_cast %parallel_loop3A_549 : i32 to index
      %parallel_loop3A_551 = arith.index_cast %parallel_loop3A_316 : i32 to index
      %parallel_loop3A_552 = arith.constant 208 : index
      %parallel_loop3A_553 = tpu.vector_load %arg7[%parallel_loop3A_550, %parallel_loop3A_551, %parallel_loop3A_552] {strides = array<i32>} : memref<3x64x512xf32, #tpu.memory_space<vmem>>, vector<1x1x16xf32>,
      %parallel_loop3A_554 = vector.shape_cast %parallel_loop3A_553 : vector<1x1x16xf32> to vector<16xf32>
      %parallel_loop3A_555 = arith.addf %parallel_loop3A_554, %parallel_loop3A_548 : vector<16xf32>
      %parallel_loop3A_556 = arith.constant 0 : i32
      %parallel_loop3A_557 = arith.index_cast %parallel_loop3A_556 : i32 to index
      %parallel_loop3A_558 = arith.index_cast %parallel_loop3A_316 : i32 to index
      %parallel_loop3A_559 = arith.constant 208 : index
      %parallel_loop3A_560 = tpu.vector_load %arg7[%parallel_loop3A_557, %parallel_loop3A_558, %parallel_loop3A_559] {strides = array<i32>} : memref<3x64x512xf32, #tpu.memory_space<vmem>>, vector<1x1x16xf32>,
      %parallel_loop3A_561 = vector.shape_cast %parallel_loop3A_560 : vector<1x1x16xf32> to vector<16xf32>
      %parallel_loop3A_562 = vector.shape_cast %parallel_loop3A_555 : vector<16xf32> to vector<1x1x16xf32>
      tpu.vector_store %arg7[%parallel_loop3A_557, %parallel_loop3A_558, %parallel_loop3A_559], %parallel_loop3A_562 {strides = array<i32>} : memref<3x64x512xf32, #tpu.memory_space<vmem>>, vector<1x1x16xf32>,
      %parallel_loop3A_563 = arith.mulf %parallel_loop3A_322, %parallel_loop3A_532 : vector<16xf32>
      %parallel_loop3A_564 = arith.subf %parallel_loop3A_563, %parallel_loop3A_500 : vector<16xf32>
      %parallel_loop3A_565 = arith.constant 0 : i32
      %parallel_loop3A_566 = arith.index_cast %parallel_loop3A_565 : i32 to index
      %parallel_loop3A_567 = arith.index_cast %parallel_loop3A_316 : i32 to index
      %parallel_loop3A_568 = arith.constant 224 : index
      %parallel_loop3A_569 = tpu.vector_load %arg7[%parallel_loop3A_566, %parallel_loop3A_567, %parallel_loop3A_568] {strides = array<i32>} : memref<3x64x512xf32, #tpu.memory_space<vmem>>, vector<1x1x16xf32>,
      %parallel_loop3A_570 = vector.shape_cast %parallel_loop3A_569 : vector<1x1x16xf32> to vector<16xf32>
      %parallel_loop3A_571 = arith.addf %parallel_loop3A_570, %parallel_loop3A_564 : vector<16xf32>
      %parallel_loop3A_572 = arith.constant 0 : i32
      %parallel_loop3A_573 = arith.index_cast %parallel_loop3A_572 : i32 to index
      %parallel_loop3A_574 = arith.index_cast %parallel_loop3A_316 : i32 to index
      %parallel_loop3A_575 = arith.constant 224 : index
      %parallel_loop3A_576 = tpu.vector_load %arg7[%parallel_loop3A_573, %parallel_loop3A_574, %parallel_loop3A_575] {strides = array<i32>} : memref<3x64x512xf32, #tpu.memory_space<vmem>>, vector<1x1x16xf32>,
      %parallel_loop3A_577 = vector.shape_cast %parallel_loop3A_576 : vector<1x1x16xf32> to vector<16xf32>
      %parallel_loop3A_578 = vector.shape_cast %parallel_loop3A_571 : vector<16xf32> to vector<1x1x16xf32>
      tpu.vector_store %arg7[%parallel_loop3A_573, %parallel_loop3A_574, %parallel_loop3A_575], %parallel_loop3A_578 {strides = array<i32>} : memref<3x64x512xf32, #tpu.memory_space<vmem>>, vector<1x1x16xf32>,
      %parallel_loop3A_579 = arith.mulf %parallel_loop3A_322, %parallel_loop3A_548 : vector<16xf32>
      %parallel_loop3A_580 = arith.subf %parallel_loop3A_579, %parallel_loop3A_516 : vector<16xf32>
      %parallel_loop3A_581 = arith.constant 0 : i32
      %parallel_loop3A_582 = arith.index_cast %parallel_loop3A_581 : i32 to index
      %parallel_loop3A_583 = arith.index_cast %parallel_loop3A_316 : i32 to index
      %parallel_loop3A_584 = arith.constant 240 : index
      %parallel_loop3A_585 = tpu.vector_load %arg7[%parallel_loop3A_582, %parallel_loop3A_583, %parallel_loop3A_584] {strides = array<i32>} : memref<3x64x512xf32, #tpu.memory_space<vmem>>, vector<1x1x16xf32>,
      %parallel_loop3A_586 = vector.shape_cast %parallel_loop3A_585 : vector<1x1x16xf32> to vector<16xf32>
      %parallel_loop3A_587 = arith.addf %parallel_loop3A_586, %parallel_loop3A_580 : vector<16xf32>
      %parallel_loop3A_588 = arith.constant 0 : i32
      %parallel_loop3A_589 = arith.index_cast %parallel_loop3A_588 : i32 to index
      %parallel_loop3A_590 = arith.index_cast %parallel_loop3A_316 : i32 to index
      %parallel_loop3A_591 = arith.constant 240 : index
      %parallel_loop3A_592 = tpu.vector_load %arg7[%parallel_loop3A_589, %parallel_loop3A_590, %parallel_loop3A_591] {strides = array<i32>} : memref<3x64x512xf32, #tpu.memory_space<vmem>>, vector<1x1x16xf32>,
      %parallel_loop3A_593 = vector.shape_cast %parallel_loop3A_592 : vector<1x1x16xf32> to vector<16xf32>
      %parallel_loop3A_594 = vector.shape_cast %parallel_loop3A_587 : vector<16xf32> to vector<1x1x16xf32>
      tpu.vector_store %arg7[%parallel_loop3A_589, %parallel_loop3A_590, %parallel_loop3A_591], %parallel_loop3A_594 {strides = array<i32>} : memref<3x64x512xf32, #tpu.memory_space<vmem>>, vector<1x1x16xf32>,
      %parallel_loop3A_595 = arith.mulf %parallel_loop3A_322, %parallel_loop3A_564 : vector<16xf32>
      %parallel_loop3A_596 = arith.subf %parallel_loop3A_595, %parallel_loop3A_532 : vector<16xf32>
      %parallel_loop3A_597 = arith.constant 0 : i32
      %parallel_loop3A_598 = arith.index_cast %parallel_loop3A_597 : i32 to index
      %parallel_loop3A_599 = arith.index_cast %parallel_loop3A_316 : i32 to index
      %parallel_loop3A_600 = arith.constant 256 : index
      %parallel_loop3A_601 = tpu.vector_load %arg7[%parallel_loop3A_598, %parallel_loop3A_599, %parallel_loop3A_600] {strides = array<i32>} : memref<3x64x512xf32, #tpu.memory_space<vmem>>, vector<1x1x16xf32>,
      %parallel_loop3A_602 = vector.shape_cast %parallel_loop3A_601 : vector<1x1x16xf32> to vector<16xf32>
      %parallel_loop3A_603 = arith.addf %parallel_loop3A_602, %parallel_loop3A_596 : vector<16xf32>
      %parallel_loop3A_604 = arith.constant 0 : i32
      %parallel_loop3A_605 = arith.index_cast %parallel_loop3A_604 : i32 to index
      %parallel_loop3A_606 = arith.index_cast %parallel_loop3A_316 : i32 to index
      %parallel_loop3A_607 = arith.constant 256 : index
      %parallel_loop3A_608 = tpu.vector_load %arg7[%parallel_loop3A_605, %parallel_loop3A_606, %parallel_loop3A_607] {strides = array<i32>} : memref<3x64x512xf32, #tpu.memory_space<vmem>>, vector<1x1x16xf32>,
      %parallel_loop3A_609 = vector.shape_cast %parallel_loop3A_608 : vector<1x1x16xf32> to vector<16xf32>
      %parallel_loop3A_610 = vector.shape_cast %parallel_loop3A_603 : vector<16xf32> to vector<1x1x16xf32>
      tpu.vector_store %arg7[%parallel_loop3A_605, %parallel_loop3A_606, %parallel_loop3A_607], %parallel_loop3A_610 {strides = array<i32>} : memref<3x64x512xf32, #tpu.memory_space<vmem>>, vector<1x1x16xf32>,
      %parallel_loop3A_611 = arith.mulf %parallel_loop3A_322, %parallel_loop3A_580 : vector<16xf32>
      %parallel_loop3A_612 = arith.subf %parallel_loop3A_611, %parallel_loop3A_548 : vector<16xf32>
      %parallel_loop3A_613 = arith.constant 0 : i32
      %parallel_loop3A_614 = arith.index_cast %parallel_loop3A_613 : i32 to index
      %parallel_loop3A_615 = arith.index_cast %parallel_loop3A_316 : i32 to index
      %parallel_loop3A_616 = arith.constant 272 : index
      %parallel_loop3A_617 = tpu.vector_load %arg7[%parallel_loop3A_614, %parallel_loop3A_615, %parallel_loop3A_616] {strides = array<i32>} : memref<3x64x512xf32, #tpu.memory_space<vmem>>, vector<1x1x16xf32>,
      %parallel_loop3A_618 = vector.shape_cast %parallel_loop3A_617 : vector<1x1x16xf32> to vector<16xf32>
      %parallel_loop3A_619 = arith.addf %parallel_loop3A_618, %parallel_loop3A_612 : vector<16xf32>
      %parallel_loop3A_620 = arith.constant 0 : i32
      %parallel_loop3A_621 = arith.index_cast %parallel_loop3A_620 : i32 to index
      %parallel_loop3A_622 = arith.index_cast %parallel_loop3A_316 : i32 to index
      %parallel_loop3A_623 = arith.constant 272 : index
      %parallel_loop3A_624 = tpu.vector_load %arg7[%parallel_loop3A_621, %parallel_loop3A_622, %parallel_loop3A_623] {strides = array<i32>} : memref<3x64x512xf32, #tpu.memory_space<vmem>>, vector<1x1x16xf32>,
      %parallel_loop3A_625 = vector.shape_cast %parallel_loop3A_624 : vector<1x1x16xf32> to vector<16xf32>
      %parallel_loop3A_626 = vector.shape_cast %parallel_loop3A_619 : vector<16xf32> to vector<1x1x16xf32>
      tpu.vector_store %arg7[%parallel_loop3A_621, %parallel_loop3A_622, %parallel_loop3A_623], %parallel_loop3A_626 {strides = array<i32>} : memref<3x64x512xf32, #tpu.memory_space<vmem>>, vector<1x1x16xf32>,
      %parallel_loop3A_627 = arith.mulf %parallel_loop3A_322, %parallel_loop3A_596 : vector<16xf32>
      %parallel_loop3A_628 = arith.subf %parallel_loop3A_627, %parallel_loop3A_564 : vector<16xf32>
      %parallel_loop3A_629 = arith.constant 0 : i32
      %parallel_loop3A_630 = arith.index_cast %parallel_loop3A_629 : i32 to index
      %parallel_loop3A_631 = arith.index_cast %parallel_loop3A_316 : i32 to index
      %parallel_loop3A_632 = arith.constant 288 : index
      %parallel_loop3A_633 = tpu.vector_load %arg7[%parallel_loop3A_630, %parallel_loop3A_631, %parallel_loop3A_632] {strides = array<i32>} : memref<3x64x512xf32, #tpu.memory_space<vmem>>, vector<1x1x16xf32>,
      %parallel_loop3A_634 = vector.shape_cast %parallel_loop3A_633 : vector<1x1x16xf32> to vector<16xf32>
      %parallel_loop3A_635 = arith.addf %parallel_loop3A_634, %parallel_loop3A_628 : vector<16xf32>
      %parallel_loop3A_636 = arith.constant 0 : i32
      %parallel_loop3A_637 = arith.index_cast %parallel_loop3A_636 : i32 to index
      %parallel_loop3A_638 = arith.index_cast %parallel_loop3A_316 : i32 to index
      %parallel_loop3A_639 = arith.constant 288 : index
      %parallel_loop3A_640 = tpu.vector_load %arg7[%parallel_loop3A_637, %parallel_loop3A_638, %parallel_loop3A_639] {strides = array<i32>} : memref<3x64x512xf32, #tpu.memory_space<vmem>>, vector<1x1x16xf32>,
      %parallel_loop3A_641 = vector.shape_cast %parallel_loop3A_640 : vector<1x1x16xf32> to vector<16xf32>
      %parallel_loop3A_642 = vector.shape_cast %parallel_loop3A_635 : vector<16xf32> to vector<1x1x16xf32>
      tpu.vector_store %arg7[%parallel_loop3A_637, %parallel_loop3A_638, %parallel_loop3A_639], %parallel_loop3A_642 {strides = array<i32>} : memref<3x64x512xf32, #tpu.memory_space<vmem>>, vector<1x1x16xf32>,
      %parallel_loop3A_643 = arith.mulf %parallel_loop3A_322, %parallel_loop3A_612 : vector<16xf32>
      %parallel_loop3A_644 = arith.subf %parallel_loop3A_643, %parallel_loop3A_580 : vector<16xf32>
      %parallel_loop3A_645 = arith.constant 0 : i32
      %parallel_loop3A_646 = arith.index_cast %parallel_loop3A_645 : i32 to index
      %parallel_loop3A_647 = arith.index_cast %parallel_loop3A_316 : i32 to index
      %parallel_loop3A_648 = arith.constant 304 : index
      %parallel_loop3A_649 = tpu.vector_load %arg7[%parallel_loop3A_646, %parallel_loop3A_647, %parallel_loop3A_648] {strides = array<i32>} : memref<3x64x512xf32, #tpu.memory_space<vmem>>, vector<1x1x16xf32>,
      %parallel_loop3A_650 = vector.shape_cast %parallel_loop3A_649 : vector<1x1x16xf32> to vector<16xf32>
      %parallel_loop3A_651 = arith.addf %parallel_loop3A_650, %parallel_loop3A_644 : vector<16xf32>
      %parallel_loop3A_652 = arith.constant 0 : i32
      %parallel_loop3A_653 = arith.index_cast %parallel_loop3A_652 : i32 to index
      %parallel_loop3A_654 = arith.index_cast %parallel_loop3A_316 : i32 to index
      %parallel_loop3A_655 = arith.constant 304 : index
      %parallel_loop3A_656 = tpu.vector_load %arg7[%parallel_loop3A_653, %parallel_loop3A_654, %parallel_loop3A_655] {strides = array<i32>} : memref<3x64x512xf32, #tpu.memory_space<vmem>>, vector<1x1x16xf32>,
      %parallel_loop3A_657 = vector.shape_cast %parallel_loop3A_656 : vector<1x1x16xf32> to vector<16xf32>
      %parallel_loop3A_658 = vector.shape_cast %parallel_loop3A_651 : vector<16xf32> to vector<1x1x16xf32>
      tpu.vector_store %arg7[%parallel_loop3A_653, %parallel_loop3A_654, %parallel_loop3A_655], %parallel_loop3A_658 {strides = array<i32>} : memref<3x64x512xf32, #tpu.memory_space<vmem>>, vector<1x1x16xf32>,
      %parallel_loop3A_659 = arith.mulf %parallel_loop3A_322, %parallel_loop3A_628 : vector<16xf32>
      %parallel_loop3A_660 = arith.subf %parallel_loop3A_659, %parallel_loop3A_596 : vector<16xf32>
      %parallel_loop3A_661 = arith.constant 0 : i32
      %parallel_loop3A_662 = arith.index_cast %parallel_loop3A_661 : i32 to index
      %parallel_loop3A_663 = arith.index_cast %parallel_loop3A_316 : i32 to index
      %parallel_loop3A_664 = arith.constant 320 : index
      %parallel_loop3A_665 = tpu.vector_load %arg7[%parallel_loop3A_662, %parallel_loop3A_663, %parallel_loop3A_664] {strides = array<i32>} : memref<3x64x512xf32, #tpu.memory_space<vmem>>, vector<1x1x16xf32>,
      %parallel_loop3A_666 = vector.shape_cast %parallel_loop3A_665 : vector<1x1x16xf32> to vector<16xf32>
      %parallel_loop3A_667 = arith.addf %parallel_loop3A_666, %parallel_loop3A_660 : vector<16xf32>
      %parallel_loop3A_668 = arith.constant 0 : i32
      %parallel_loop3A_669 = arith.index_cast %parallel_loop3A_668 : i32 to index
      %parallel_loop3A_670 = arith.index_cast %parallel_loop3A_316 : i32 to index
      %parallel_loop3A_671 = arith.constant 320 : index
      %parallel_loop3A_672 = tpu.vector_load %arg7[%parallel_loop3A_669, %parallel_loop3A_670, %parallel_loop3A_671] {strides = array<i32>} : memref<3x64x512xf32, #tpu.memory_space<vmem>>, vector<1x1x16xf32>,
      %parallel_loop3A_673 = vector.shape_cast %parallel_loop3A_672 : vector<1x1x16xf32> to vector<16xf32>
      %parallel_loop3A_674 = vector.shape_cast %parallel_loop3A_667 : vector<16xf32> to vector<1x1x16xf32>
      tpu.vector_store %arg7[%parallel_loop3A_669, %parallel_loop3A_670, %parallel_loop3A_671], %parallel_loop3A_674 {strides = array<i32>} : memref<3x64x512xf32, #tpu.memory_space<vmem>>, vector<1x1x16xf32>,
      %parallel_loop3A_675 = arith.mulf %parallel_loop3A_322, %parallel_loop3A_644 : vector<16xf32>
      %parallel_loop3A_676 = arith.subf %parallel_loop3A_675, %parallel_loop3A_612 : vector<16xf32>
      %parallel_loop3A_677 = arith.constant 0 : i32
      %parallel_loop3A_678 = arith.index_cast %parallel_loop3A_677 : i32 to index
      %parallel_loop3A_679 = arith.index_cast %parallel_loop3A_316 : i32 to index
      %parallel_loop3A_680 = arith.constant 336 : index
      %parallel_loop3A_681 = tpu.vector_load %arg7[%parallel_loop3A_678, %parallel_loop3A_679, %parallel_loop3A_680] {strides = array<i32>} : memref<3x64x512xf32, #tpu.memory_space<vmem>>, vector<1x1x16xf32>,
      %parallel_loop3A_682 = vector.shape_cast %parallel_loop3A_681 : vector<1x1x16xf32> to vector<16xf32>
      %parallel_loop3A_683 = arith.addf %parallel_loop3A_682, %parallel_loop3A_676 : vector<16xf32>
      %parallel_loop3A_684 = arith.constant 0 : i32
      %parallel_loop3A_685 = arith.index_cast %parallel_loop3A_684 : i32 to index
      %parallel_loop3A_686 = arith.index_cast %parallel_loop3A_316 : i32 to index
      %parallel_loop3A_687 = arith.constant 336 : index
      %parallel_loop3A_688 = tpu.vector_load %arg7[%parallel_loop3A_685, %parallel_loop3A_686, %parallel_loop3A_687] {strides = array<i32>} : memref<3x64x512xf32, #tpu.memory_space<vmem>>, vector<1x1x16xf32>,
      %parallel_loop3A_689 = vector.shape_cast %parallel_loop3A_688 : vector<1x1x16xf32> to vector<16xf32>
      %parallel_loop3A_690 = vector.shape_cast %parallel_loop3A_683 : vector<16xf32> to vector<1x1x16xf32>
      tpu.vector_store %arg7[%parallel_loop3A_685, %parallel_loop3A_686, %parallel_loop3A_687], %parallel_loop3A_690 {strides = array<i32>} : memref<3x64x512xf32, #tpu.memory_space<vmem>>, vector<1x1x16xf32>,
      %parallel_loop3A_691 = arith.mulf %parallel_loop3A_322, %parallel_loop3A_660 : vector<16xf32>
      %parallel_loop3A_692 = arith.subf %parallel_loop3A_691, %parallel_loop3A_628 : vector<16xf32>
      %parallel_loop3A_693 = arith.constant 0 : i32
      %parallel_loop3A_694 = arith.index_cast %parallel_loop3A_693 : i32 to index
      %parallel_loop3A_695 = arith.index_cast %parallel_loop3A_316 : i32 to index
      %parallel_loop3A_696 = arith.constant 352 : index
      %parallel_loop3A_697 = tpu.vector_load %arg7[%parallel_loop3A_694, %parallel_loop3A_695, %parallel_loop3A_696] {strides = array<i32>} : memref<3x64x512xf32, #tpu.memory_space<vmem>>, vector<1x1x16xf32>,
      %parallel_loop3A_698 = vector.shape_cast %parallel_loop3A_697 : vector<1x1x16xf32> to vector<16xf32>
      %parallel_loop3A_699 = arith.addf %parallel_loop3A_698, %parallel_loop3A_692 : vector<16xf32>
      %parallel_loop3A_700 = arith.constant 0 : i32
      %parallel_loop3A_701 = arith.index_cast %parallel_loop3A_700 : i32 to index
      %parallel_loop3A_702 = arith.index_cast %parallel_loop3A_316 : i32 to index
      %parallel_loop3A_703 = arith.constant 352 : index
      %parallel_loop3A_704 = tpu.vector_load %arg7[%parallel_loop3A_701, %parallel_loop3A_702, %parallel_loop3A_703] {strides = array<i32>} : memref<3x64x512xf32, #tpu.memory_space<vmem>>, vector<1x1x16xf32>,
      %parallel_loop3A_705 = vector.shape_cast %parallel_loop3A_704 : vector<1x1x16xf32> to vector<16xf32>
      %parallel_loop3A_706 = vector.shape_cast %parallel_loop3A_699 : vector<16xf32> to vector<1x1x16xf32>
      tpu.vector_store %arg7[%parallel_loop3A_701, %parallel_loop3A_702, %parallel_loop3A_703], %parallel_loop3A_706 {strides = array<i32>} : memref<3x64x512xf32, #tpu.memory_space<vmem>>, vector<1x1x16xf32>,
      %parallel_loop3A_707 = arith.mulf %parallel_loop3A_322, %parallel_loop3A_676 : vector<16xf32>
      %parallel_loop3A_708 = arith.subf %parallel_loop3A_707, %parallel_loop3A_644 : vector<16xf32>
      %parallel_loop3A_709 = arith.constant 0 : i32
      %parallel_loop3A_710 = arith.index_cast %parallel_loop3A_709 : i32 to index
      %parallel_loop3A_711 = arith.index_cast %parallel_loop3A_316 : i32 to index
      %parallel_loop3A_712 = arith.constant 368 : index
      %parallel_loop3A_713 = tpu.vector_load %arg7[%parallel_loop3A_710, %parallel_loop3A_711, %parallel_loop3A_712] {strides = array<i32>} : memref<3x64x512xf32, #tpu.memory_space<vmem>>, vector<1x1x16xf32>,
      %parallel_loop3A_714 = vector.shape_cast %parallel_loop3A_713 : vector<1x1x16xf32> to vector<16xf32>
      %parallel_loop3A_715 = arith.addf %parallel_loop3A_714, %parallel_loop3A_708 : vector<16xf32>
      %parallel_loop3A_716 = arith.constant 0 : i32
      %parallel_loop3A_717 = arith.index_cast %parallel_loop3A_716 : i32 to index
      %parallel_loop3A_718 = arith.index_cast %parallel_loop3A_316 : i32 to index
      %parallel_loop3A_719 = arith.constant 368 : index
      %parallel_loop3A_720 = tpu.vector_load %arg7[%parallel_loop3A_717, %parallel_loop3A_718, %parallel_loop3A_719] {strides = array<i32>} : memref<3x64x512xf32, #tpu.memory_space<vmem>>, vector<1x1x16xf32>,
      %parallel_loop3A_721 = vector.shape_cast %parallel_loop3A_720 : vector<1x1x16xf32> to vector<16xf32>
      %parallel_loop3A_722 = vector.shape_cast %parallel_loop3A_715 : vector<16xf32> to vector<1x1x16xf32>
      tpu.vector_store %arg7[%parallel_loop3A_717, %parallel_loop3A_718, %parallel_loop3A_719], %parallel_loop3A_722 {strides = array<i32>} : memref<3x64x512xf32, #tpu.memory_space<vmem>>, vector<1x1x16xf32>,
      %parallel_loop3A_723 = arith.mulf %parallel_loop3A_322, %parallel_loop3A_692 : vector<16xf32>
      %parallel_loop3A_724 = arith.subf %parallel_loop3A_723, %parallel_loop3A_660 : vector<16xf32>
      %parallel_loop3A_725 = arith.constant 0 : i32
      %parallel_loop3A_726 = arith.index_cast %parallel_loop3A_725 : i32 to index
      %parallel_loop3A_727 = arith.index_cast %parallel_loop3A_316 : i32 to index
      %parallel_loop3A_728 = arith.constant 384 : index
      %parallel_loop3A_729 = tpu.vector_load %arg7[%parallel_loop3A_726, %parallel_loop3A_727, %parallel_loop3A_728] {strides = array<i32>} : memref<3x64x512xf32, #tpu.memory_space<vmem>>, vector<1x1x16xf32>,
      %parallel_loop3A_730 = vector.shape_cast %parallel_loop3A_729 : vector<1x1x16xf32> to vector<16xf32>
      %parallel_loop3A_731 = arith.addf %parallel_loop3A_730, %parallel_loop3A_724 : vector<16xf32>
      %parallel_loop3A_732 = arith.constant 0 : i32
      %parallel_loop3A_733 = arith.index_cast %parallel_loop3A_732 : i32 to index
      %parallel_loop3A_734 = arith.index_cast %parallel_loop3A_316 : i32 to index
      %parallel_loop3A_735 = arith.constant 384 : index
      %parallel_loop3A_736 = tpu.vector_load %arg7[%parallel_loop3A_733, %parallel_loop3A_734, %parallel_loop3A_735] {strides = array<i32>} : memref<3x64x512xf32, #tpu.memory_space<vmem>>, vector<1x1x16xf32>,
      %parallel_loop3A_737 = vector.shape_cast %parallel_loop3A_736 : vector<1x1x16xf32> to vector<16xf32>
      %parallel_loop3A_738 = vector.shape_cast %parallel_loop3A_731 : vector<16xf32> to vector<1x1x16xf32>
      tpu.vector_store %arg7[%parallel_loop3A_733, %parallel_loop3A_734, %parallel_loop3A_735], %parallel_loop3A_738 {strides = array<i32>} : memref<3x64x512xf32, #tpu.memory_space<vmem>>, vector<1x1x16xf32>,
      %parallel_loop3A_739 = arith.mulf %parallel_loop3A_322, %parallel_loop3A_708 : vector<16xf32>
      %parallel_loop3A_740 = arith.subf %parallel_loop3A_739, %parallel_loop3A_676 : vector<16xf32>
      %parallel_loop3A_741 = arith.constant 0 : i32
      %parallel_loop3A_742 = arith.index_cast %parallel_loop3A_741 : i32 to index
      %parallel_loop3A_743 = arith.index_cast %parallel_loop3A_316 : i32 to index
      %parallel_loop3A_744 = arith.constant 400 : index
      %parallel_loop3A_745 = tpu.vector_load %arg7[%parallel_loop3A_742, %parallel_loop3A_743, %parallel_loop3A_744] {strides = array<i32>} : memref<3x64x512xf32, #tpu.memory_space<vmem>>, vector<1x1x16xf32>,
      %parallel_loop3A_746 = vector.shape_cast %parallel_loop3A_745 : vector<1x1x16xf32> to vector<16xf32>
      %parallel_loop3A_747 = arith.addf %parallel_loop3A_746, %parallel_loop3A_740 : vector<16xf32>
      %parallel_loop3A_748 = arith.constant 0 : i32
      %parallel_loop3A_749 = arith.index_cast %parallel_loop3A_748 : i32 to index
      %parallel_loop3A_750 = arith.index_cast %parallel_loop3A_316 : i32 to index
      %parallel_loop3A_751 = arith.constant 400 : index
      %parallel_loop3A_752 = tpu.vector_load %arg7[%parallel_loop3A_749, %parallel_loop3A_750, %parallel_loop3A_751] {strides = array<i32>} : memref<3x64x512xf32, #tpu.memory_space<vmem>>, vector<1x1x16xf32>,
      %parallel_loop3A_753 = vector.shape_cast %parallel_loop3A_752 : vector<1x1x16xf32> to vector<16xf32>
      %parallel_loop3A_754 = vector.shape_cast %parallel_loop3A_747 : vector<16xf32> to vector<1x1x16xf32>
      tpu.vector_store %arg7[%parallel_loop3A_749, %parallel_loop3A_750, %parallel_loop3A_751], %parallel_loop3A_754 {strides = array<i32>} : memref<3x64x512xf32, #tpu.memory_space<vmem>>, vector<1x1x16xf32>,
      %parallel_loop3A_755 = arith.mulf %parallel_loop3A_322, %parallel_loop3A_724 : vector<16xf32>
      %parallel_loop3A_756 = arith.subf %parallel_loop3A_755, %parallel_loop3A_692 : vector<16xf32>
      %parallel_loop3A_757 = arith.constant 0 : i32
      %parallel_loop3A_758 = arith.index_cast %parallel_loop3A_757 : i32 to index
      %parallel_loop3A_759 = arith.index_cast %parallel_loop3A_316 : i32 to index
      %parallel_loop3A_760 = arith.constant 416 : index
      %parallel_loop3A_761 = tpu.vector_load %arg7[%parallel_loop3A_758, %parallel_loop3A_759, %parallel_loop3A_760] {strides = array<i32>} : memref<3x64x512xf32, #tpu.memory_space<vmem>>, vector<1x1x16xf32>,
      %parallel_loop3A_762 = vector.shape_cast %parallel_loop3A_761 : vector<1x1x16xf32> to vector<16xf32>
      %parallel_loop3A_763 = arith.addf %parallel_loop3A_762, %parallel_loop3A_756 : vector<16xf32>
      %parallel_loop3A_764 = arith.constant 0 : i32
      %parallel_loop3A_765 = arith.index_cast %parallel_loop3A_764 : i32 to index
      %parallel_loop3A_766 = arith.index_cast %parallel_loop3A_316 : i32 to index
      %parallel_loop3A_767 = arith.constant 416 : index
      %parallel_loop3A_768 = tpu.vector_load %arg7[%parallel_loop3A_765, %parallel_loop3A_766, %parallel_loop3A_767] {strides = array<i32>} : memref<3x64x512xf32, #tpu.memory_space<vmem>>, vector<1x1x16xf32>,
      %parallel_loop3A_769 = vector.shape_cast %parallel_loop3A_768 : vector<1x1x16xf32> to vector<16xf32>
      %parallel_loop3A_770 = vector.shape_cast %parallel_loop3A_763 : vector<16xf32> to vector<1x1x16xf32>
      tpu.vector_store %arg7[%parallel_loop3A_765, %parallel_loop3A_766, %parallel_loop3A_767], %parallel_loop3A_770 {strides = array<i32>} : memref<3x64x512xf32, #tpu.memory_space<vmem>>, vector<1x1x16xf32>,
      %parallel_loop3A_771 = arith.mulf %parallel_loop3A_322, %parallel_loop3A_740 : vector<16xf32>
      %parallel_loop3A_772 = arith.subf %parallel_loop3A_771, %parallel_loop3A_708 : vector<16xf32>
      %parallel_loop3A_773 = arith.constant 0 : i32
      %parallel_loop3A_774 = arith.index_cast %parallel_loop3A_773 : i32 to index
      %parallel_loop3A_775 = arith.index_cast %parallel_loop3A_316 : i32 to index
      %parallel_loop3A_776 = arith.constant 432 : index
      %parallel_loop3A_777 = tpu.vector_load %arg7[%parallel_loop3A_774, %parallel_loop3A_775, %parallel_loop3A_776] {strides = array<i32>} : memref<3x64x512xf32, #tpu.memory_space<vmem>>, vector<1x1x16xf32>,
      %parallel_loop3A_778 = vector.shape_cast %parallel_loop3A_777 : vector<1x1x16xf32> to vector<16xf32>
      %parallel_loop3A_779 = arith.addf %parallel_loop3A_778, %parallel_loop3A_772 : vector<16xf32>
      %parallel_loop3A_780 = arith.constant 0 : i32
      %parallel_loop3A_781 = arith.index_cast %parallel_loop3A_780 : i32 to index
      %parallel_loop3A_782 = arith.index_cast %parallel_loop3A_316 : i32 to index
      %parallel_loop3A_783 = arith.constant 432 : index
      %parallel_loop3A_784 = tpu.vector_load %arg7[%parallel_loop3A_781, %parallel_loop3A_782, %parallel_loop3A_783] {strides = array<i32>} : memref<3x64x512xf32, #tpu.memory_space<vmem>>, vector<1x1x16xf32>,
      %parallel_loop3A_785 = vector.shape_cast %parallel_loop3A_784 : vector<1x1x16xf32> to vector<16xf32>
      %parallel_loop3A_786 = vector.shape_cast %parallel_loop3A_779 : vector<16xf32> to vector<1x1x16xf32>
      tpu.vector_store %arg7[%parallel_loop3A_781, %parallel_loop3A_782, %parallel_loop3A_783], %parallel_loop3A_786 {strides = array<i32>} : memref<3x64x512xf32, #tpu.memory_space<vmem>>, vector<1x1x16xf32>,
      %parallel_loop3A_787 = arith.mulf %parallel_loop3A_322, %parallel_loop3A_756 : vector<16xf32>
      %parallel_loop3A_788 = arith.subf %parallel_loop3A_787, %parallel_loop3A_724 : vector<16xf32>
      %parallel_loop3A_789 = arith.constant 0 : i32
      %parallel_loop3A_790 = arith.index_cast %parallel_loop3A_789 : i32 to index
      %parallel_loop3A_791 = arith.index_cast %parallel_loop3A_316 : i32 to index
      %parallel_loop3A_792 = arith.constant 448 : index
      %parallel_loop3A_793 = tpu.vector_load %arg7[%parallel_loop3A_790, %parallel_loop3A_791, %parallel_loop3A_792] {strides = array<i32>} : memref<3x64x512xf32, #tpu.memory_space<vmem>>, vector<1x1x16xf32>,
      %parallel_loop3A_794 = vector.shape_cast %parallel_loop3A_793 : vector<1x1x16xf32> to vector<16xf32>
      %parallel_loop3A_795 = arith.addf %parallel_loop3A_794, %parallel_loop3A_788 : vector<16xf32>
      %parallel_loop3A_796 = arith.constant 0 : i32
      %parallel_loop3A_797 = arith.index_cast %parallel_loop3A_796 : i32 to index
      %parallel_loop3A_798 = arith.index_cast %parallel_loop3A_316 : i32 to index
      %parallel_loop3A_799 = arith.constant 448 : index
      %parallel_loop3A_800 = tpu.vector_load %arg7[%parallel_loop3A_797, %parallel_loop3A_798, %parallel_loop3A_799] {strides = array<i32>} : memref<3x64x512xf32, #tpu.memory_space<vmem>>, vector<1x1x16xf32>,
      %parallel_loop3A_801 = vector.shape_cast %parallel_loop3A_800 : vector<1x1x16xf32> to vector<16xf32>
      %parallel_loop3A_802 = vector.shape_cast %parallel_loop3A_795 : vector<16xf32> to vector<1x1x16xf32>
      tpu.vector_store %arg7[%parallel_loop3A_797, %parallel_loop3A_798, %parallel_loop3A_799], %parallel_loop3A_802 {strides = array<i32>} : memref<3x64x512xf32, #tpu.memory_space<vmem>>, vector<1x1x16xf32>,
      %parallel_loop3A_803 = arith.mulf %parallel_loop3A_322, %parallel_loop3A_772 : vector<16xf32>
      %parallel_loop3A_804 = arith.subf %parallel_loop3A_803, %parallel_loop3A_740 : vector<16xf32>
      %parallel_loop3A_805 = arith.constant 0 : i32
      %parallel_loop3A_806 = arith.index_cast %parallel_loop3A_805 : i32 to index
      %parallel_loop3A_807 = arith.index_cast %parallel_loop3A_316 : i32 to index
      %parallel_loop3A_808 = arith.constant 464 : index
      %parallel_loop3A_809 = tpu.vector_load %arg7[%parallel_loop3A_806, %parallel_loop3A_807, %parallel_loop3A_808] {strides = array<i32>} : memref<3x64x512xf32, #tpu.memory_space<vmem>>, vector<1x1x16xf32>,
      %parallel_loop3A_810 = vector.shape_cast %parallel_loop3A_809 : vector<1x1x16xf32> to vector<16xf32>
      %parallel_loop3A_811 = arith.addf %parallel_loop3A_810, %parallel_loop3A_804 : vector<16xf32>
      %parallel_loop3A_812 = arith.constant 0 : i32
      %parallel_loop3A_813 = arith.index_cast %parallel_loop3A_812 : i32 to index
      %parallel_loop3A_814 = arith.index_cast %parallel_loop3A_316 : i32 to index
      %parallel_loop3A_815 = arith.constant 464 : index
      %parallel_loop3A_816 = tpu.vector_load %arg7[%parallel_loop3A_813, %parallel_loop3A_814, %parallel_loop3A_815] {strides = array<i32>} : memref<3x64x512xf32, #tpu.memory_space<vmem>>, vector<1x1x16xf32>,
      %parallel_loop3A_817 = vector.shape_cast %parallel_loop3A_816 : vector<1x1x16xf32> to vector<16xf32>
      %parallel_loop3A_818 = vector.shape_cast %parallel_loop3A_811 : vector<16xf32> to vector<1x1x16xf32>
      tpu.vector_store %arg7[%parallel_loop3A_813, %parallel_loop3A_814, %parallel_loop3A_815], %parallel_loop3A_818 {strides = array<i32>} : memref<3x64x512xf32, #tpu.memory_space<vmem>>, vector<1x1x16xf32>,
      %parallel_loop3A_819 = arith.mulf %parallel_loop3A_322, %parallel_loop3A_788 : vector<16xf32>
      %parallel_loop3A_820 = arith.subf %parallel_loop3A_819, %parallel_loop3A_756 : vector<16xf32>
      %parallel_loop3A_821 = arith.constant 0 : i32
      %parallel_loop3A_822 = arith.index_cast %parallel_loop3A_821 : i32 to index
      %parallel_loop3A_823 = arith.index_cast %parallel_loop3A_316 : i32 to index
      %parallel_loop3A_824 = arith.constant 480 : index
      %parallel_loop3A_825 = tpu.vector_load %arg7[%parallel_loop3A_822, %parallel_loop3A_823, %parallel_loop3A_824] {strides = array<i32>} : memref<3x64x512xf32, #tpu.memory_space<vmem>>, vector<1x1x16xf32>,
      %parallel_loop3A_826 = vector.shape_cast %parallel_loop3A_825 : vector<1x1x16xf32> to vector<16xf32>
      %parallel_loop3A_827 = arith.addf %parallel_loop3A_826, %parallel_loop3A_820 : vector<16xf32>
      %parallel_loop3A_828 = arith.constant 0 : i32
      %parallel_loop3A_829 = arith.index_cast %parallel_loop3A_828 : i32 to index
      %parallel_loop3A_830 = arith.index_cast %parallel_loop3A_316 : i32 to index
      %parallel_loop3A_831 = arith.constant 480 : index
      %parallel_loop3A_832 = tpu.vector_load %arg7[%parallel_loop3A_829, %parallel_loop3A_830, %parallel_loop3A_831] {strides = array<i32>} : memref<3x64x512xf32, #tpu.memory_space<vmem>>, vector<1x1x16xf32>,
      %parallel_loop3A_833 = vector.shape_cast %parallel_loop3A_832 : vector<1x1x16xf32> to vector<16xf32>
      %parallel_loop3A_834 = vector.shape_cast %parallel_loop3A_827 : vector<16xf32> to vector<1x1x16xf32>
      tpu.vector_store %arg7[%parallel_loop3A_829, %parallel_loop3A_830, %parallel_loop3A_831], %parallel_loop3A_834 {strides = array<i32>} : memref<3x64x512xf32, #tpu.memory_space<vmem>>, vector<1x1x16xf32>,
      %parallel_loop3A_835 = arith.mulf %parallel_loop3A_322, %parallel_loop3A_804 : vector<16xf32>
      %parallel_loop3A_836 = arith.subf %parallel_loop3A_835, %parallel_loop3A_772 : vector<16xf32>
      %parallel_loop3A_837 = arith.constant 0 : i32
      %parallel_loop3A_838 = arith.index_cast %parallel_loop3A_837 : i32 to index
      %parallel_loop3A_839 = arith.index_cast %parallel_loop3A_316 : i32 to index
      %parallel_loop3A_840 = arith.constant 496 : index
      %parallel_loop3A_841 = tpu.vector_load %arg7[%parallel_loop3A_838, %parallel_loop3A_839, %parallel_loop3A_840] {strides = array<i32>} : memref<3x64x512xf32, #tpu.memory_space<vmem>>, vector<1x1x16xf32>,
      %parallel_loop3A_842 = vector.shape_cast %parallel_loop3A_841 : vector<1x1x16xf32> to vector<16xf32>
      %parallel_loop3A_843 = arith.addf %parallel_loop3A_842, %parallel_loop3A_836 : vector<16xf32>
      %parallel_loop3A_844 = arith.constant 0 : i32
      %parallel_loop3A_845 = arith.index_cast %parallel_loop3A_844 : i32 to index
      %parallel_loop3A_846 = arith.index_cast %parallel_loop3A_316 : i32 to index
      %parallel_loop3A_847 = arith.constant 496 : index
      %parallel_loop3A_848 = tpu.vector_load %arg7[%parallel_loop3A_845, %parallel_loop3A_846, %parallel_loop3A_847] {strides = array<i32>} : memref<3x64x512xf32, #tpu.memory_space<vmem>>, vector<1x1x16xf32>,
      %parallel_loop3A_849 = vector.shape_cast %parallel_loop3A_848 : vector<1x1x16xf32> to vector<16xf32>
      %parallel_loop3A_850 = vector.shape_cast %parallel_loop3A_843 : vector<16xf32> to vector<1x1x16xf32>
      tpu.vector_store %arg7[%parallel_loop3A_845, %parallel_loop3A_846, %parallel_loop3A_847], %parallel_loop3A_850 {strides = array<i32>} : memref<3x64x512xf32, #tpu.memory_space<vmem>>, vector<1x1x16xf32>,
    } {sc.loop_unroll_factor = 1 : i64, sc.parallel_access}
    %add3A_101 = arith.constant 0 : i32
    %add3A_102 = arith.addi %mul3A_2, %add3A_101 : i32
    %dma_start3A_103 = arith.constant 0 : i32
    %dma_start3A_104 = arith.constant 0 : i32
    %dma_start3A_105 = arith.constant 0 : i32
    %dma_start3A_106 = tpu.memref_slice %arg7[%dma_start3A_103, %dma_start3A_104, %dma_start3A_105] : memref<3x64x512xf32, #tpu.memory_space<vmem>> -> memref<1x64x512xf32, #tpu.memory_space<vmem>>
    %dma_start3A_107 = tpu.memref_squeeze %dma_start3A_106 : memref<1x64x512xf32, #tpu.memory_space<vmem>> -> memref<64x512xf32, #tpu.memory_space<vmem>>
    %dma_start3A_108 = arith.constant 0 : i32
    %dma_start3A_109 = tpu.memref_slice %arg5[%add3A_102, %dma_start3A_108] : memref<8192x512xf32, #tpu.memory_space<hbm>> -> memref<64x512xf32, #tpu.memory_space<hbm>>
    %dma_start3A_110 = arith.constant 0 : i32
    %dma_start3A_111 = tpu.memref_slice %arg5[%add3A_102, %dma_start3A_110] : memref<8192x512xf32, #tpu.memory_space<hbm>> -> memref<64x512xf32, #tpu.memory_space<hbm>>
    %dma_start3A_112 = arith.constant 0 : i32
    %dma_start3A_113 = arith.constant 0 : i32
    %dma_start3A_114 = tpu.memref_slice %arg7[%dma_start3A_103, %dma_start3A_112, %dma_start3A_113] : memref<3x64x512xf32, #tpu.memory_space<vmem>> -> memref<1x64x512xf32, #tpu.memory_space<vmem>>
    %dma_start3A_115 = tpu.memref_squeeze %dma_start3A_114 : memref<1x64x512xf32, #tpu.memory_space<vmem>> -> memref<64x512xf32, #tpu.memory_space<vmem>>
    tpu.enqueue_dma source(%dma_start3A_115 : memref<64x512xf32, #tpu.memory_space<vmem>>) target(%dma_start3A_111 : memref<64x512xf32, #tpu.memory_space<hbm>>) target_semaphore(%arg15 : memref<!tpu.dma_semaphore, #tpu.memory_space<semaphore_mem>>)
    %dma_wait3A_116 = arith.constant 0 : i32
    %dma_wait3A_117 = arith.constant 0 : i32
    %dma_wait3A_118 = arith.constant 0 : i32
    %dma_wait3A_119 = tpu.memref_slice %arg7[%dma_wait3A_116, %dma_wait3A_117, %dma_wait3A_118] : memref<3x64x512xf32, #tpu.memory_space<vmem>> -> memref<1x64x512xf32, #tpu.memory_space<vmem>>
    %dma_wait3A_120 = tpu.memref_squeeze %dma_wait3A_119 : memref<1x64x512xf32, #tpu.memory_space<vmem>> -> memref<64x512xf32, #tpu.memory_space<vmem>>
    %dma_wait3A_121 = arith.constant 0 : i32
    %dma_wait3A_122 = tpu.memref_slice %arg5[%add3A_102, %dma_wait3A_121] : memref<8192x512xf32, #tpu.memory_space<hbm>> -> memref<64x512xf32, #tpu.memory_space<hbm>>
    %dma_wait3A_123 = arith.constant 0 : i32
    %dma_wait3A_124 = tpu.memref_slice %arg5[%add3A_102, %dma_wait3A_123] : memref<8192x512xf32, #tpu.memory_space<hbm>> -> memref<64x512xf32, #tpu.memory_space<hbm>>
    %dma_wait3A_125 = arith.constant 0 : i32
    %dma_wait3A_126 = arith.constant 0 : i32
    %dma_wait3A_127 = tpu.memref_slice %arg7[%dma_wait3A_116, %dma_wait3A_125, %dma_wait3A_126] : memref<3x64x512xf32, #tpu.memory_space<vmem>> -> memref<1x64x512xf32, #tpu.memory_space<vmem>>
    %dma_wait3A_128 = tpu.memref_squeeze %dma_wait3A_127 : memref<1x64x512xf32, #tpu.memory_space<vmem>> -> memref<64x512xf32, #tpu.memory_space<vmem>>
    tpu.wait_dma2 semaphore(%arg15 : memref<!tpu.dma_semaphore, #tpu.memory_space<semaphore_mem>>) src(%dma_wait3A_128 : memref<64x512xf32, #tpu.memory_space<vmem>>) dst(%dma_wait3A_124 : memref<64x512xf32, #tpu.memory_space<hbm>>)
    %dma_start3A_129 = arith.constant 0 : i32
    %dma_start3A_130 = arith.constant 0 : i32
    %dma_start3A_131 = arith.constant 0 : i32
    %dma_start3A_132 = tpu.memref_slice %arg7[%dma_start3A_129, %dma_start3A_130, %dma_start3A_131] : memref<3x64x512xf32, #tpu.memory_space<vmem>> -> memref<1x64x512xf32, #tpu.memory_space<vmem>>
    %dma_start3A_133 = tpu.memref_squeeze %dma_start3A_132 : memref<1x64x512xf32, #tpu.memory_space<vmem>> -> memref<64x512xf32, #tpu.memory_space<vmem>>
    %dma_start3A_134 = arith.constant 192 : i32
    %dma_start3A_135 = tpu.memref_slice %arg6[%dma_start3A_134] : memref<256xi32, #tpu.memory_space<vmem>> -> memref<64xi32, #tpu.memory_space<vmem>>
    %dma_start3A_136 = arith.constant 0 : i32
    %dma_start3A_137 = arith.constant 0 : i32
    %dma_start3A_138 = tpu.memref_slice %arg2[%dma_start3A_136, %dma_start3A_137] : memref<28996x512xf32, #tpu.memory_space<hbm>> -> memref<28996x512xf32, #tpu.memory_space<hbm>>
    tpu.enqueue_indirect_dma source(%dma_start3A_138 : memref<28996x512xf32, #tpu.memory_space<hbm>>) target(%dma_start3A_133 : memref<64x512xf32, #tpu.memory_space<vmem>>) offsets(%dma_start3A_135 : memref<64xi32, #tpu.memory_space<vmem>>) semaphore(%arg9 : memref<!tpu.dma_semaphore, #tpu.memory_space<semaphore_mem>>)
    %add3A_139 = arith.constant 192 : i32
    %add3A_140 = arith.addi %mul3A_2, %add3A_139 : i32
    %dma_start3A_141 = arith.constant 0 : i32
    %dma_start3A_142 = arith.constant 0 : i32
    %dma_start3A_143 = arith.constant 0 : i32
    %dma_start3A_144 = tpu.memref_slice %arg8[%dma_start3A_141, %dma_start3A_142, %dma_start3A_143] : memref<3x64x80xf32, #tpu.memory_space<vmem>> -> memref<1x64x80xf32, #tpu.memory_space<vmem>>
    %dma_start3A_145 = tpu.memref_squeeze %dma_start3A_144 : memref<1x64x80xf32, #tpu.memory_space<vmem>> -> memref<64x80xf32, #tpu.memory_space<vmem>>
    %dma_start3A_146 = arith.constant 0 : i32
    %dma_start3A_147 = tpu.memref_slice %arg4[%add3A_140, %dma_start3A_146] : memref<8192x80xf32, #tpu.memory_space<hbm>> -> memref<64x80xf32, #tpu.memory_space<hbm>>
    %dma_start3A_148 = arith.constant 0 : i32
    %dma_start3A_149 = arith.constant 0 : i32
    %dma_start3A_150 = tpu.memref_slice %arg8[%dma_start3A_141, %dma_start3A_148, %dma_start3A_149] : memref<3x64x80xf32, #tpu.memory_space<vmem>> -> memref<1x64x80xf32, #tpu.memory_space<vmem>>
    %dma_start3A_151 = tpu.memref_squeeze %dma_start3A_150 : memref<1x64x80xf32, #tpu.memory_space<vmem>> -> memref<64x80xf32, #tpu.memory_space<vmem>>
    %dma_start3A_152 = arith.constant 0 : i32
    %dma_start3A_153 = tpu.memref_slice %arg4[%add3A_140, %dma_start3A_152] : memref<8192x80xf32, #tpu.memory_space<hbm>> -> memref<64x80xf32, #tpu.memory_space<hbm>>
    tpu.enqueue_dma source(%dma_start3A_153 : memref<64x80xf32, #tpu.memory_space<hbm>>) target(%dma_start3A_151 : memref<64x80xf32, #tpu.memory_space<vmem>>) target_semaphore(%arg12 : memref<!tpu.dma_semaphore, #tpu.memory_space<semaphore_mem>>)
    %dma_wait3A_154 = arith.constant 1 : i32
    %dma_wait3A_155 = arith.constant 0 : i32
    %dma_wait3A_156 = arith.constant 0 : i32
    %dma_wait3A_157 = tpu.memref_slice %arg7[%dma_wait3A_154, %dma_wait3A_155, %dma_wait3A_156] : memref<3x64x512xf32, #tpu.memory_space<vmem>> -> memref<1x64x512xf32, #tpu.memory_space<vmem>>
    %dma_wait3A_158 = tpu.memref_squeeze %dma_wait3A_157 : memref<1x64x512xf32, #tpu.memory_space<vmem>> -> memref<64x512xf32, #tpu.memory_space<vmem>>
    %dma_wait3A_159 = arith.constant 64 : i32
    %dma_wait3A_160 = tpu.memref_slice %arg6[%dma_wait3A_159] : memref<256xi32, #tpu.memory_space<vmem>> -> memref<64xi32, #tpu.memory_space<vmem>>
    %dma_wait3A_161 = arith.constant 0 : i32
    %dma_wait3A_162 = arith.constant 0 : i32
    %dma_wait3A_163 = tpu.memref_slice %arg2[%dma_wait3A_161, %dma_wait3A_162] : memref<28996x512xf32, #tpu.memory_space<hbm>> -> memref<28996x512xf32, #tpu.memory_space<hbm>>
    tpu.wait_indirect_dma semaphore(%arg10 : memref<!tpu.dma_semaphore, #tpu.memory_space<semaphore_mem>>) src(%dma_wait3A_163 : memref<28996x512xf32, #tpu.memory_space<hbm>>) dst(%dma_wait3A_158 : memref<64x512xf32, #tpu.memory_space<vmem>>)
    %dma_wait3A_164 = arith.constant 1 : i32
    %dma_wait3A_165 = arith.constant 0 : i32
    %dma_wait3A_166 = arith.constant 0 : i32
    %dma_wait3A_167 = tpu.memref_slice %arg8[%dma_wait3A_164, %dma_wait3A_165, %dma_wait3A_166] : memref<3x64x80xf32, #tpu.memory_space<vmem>> -> memref<1x64x80xf32, #tpu.memory_space<vmem>>
    %dma_wait3A_168 = tpu.memref_squeeze %dma_wait3A_167 : memref<1x64x80xf32, #tpu.memory_space<vmem>> -> memref<64x80xf32, #tpu.memory_space<vmem>>
    %dma_wait3A_169 = arith.constant 0 : i32
    %dma_wait3A_170 = tpu.memref_slice %arg4[%add3A_38, %dma_wait3A_169] : memref<8192x80xf32, #tpu.memory_space<hbm>> -> memref<64x80xf32, #tpu.memory_space<hbm>>
    %dma_wait3A_171 = arith.constant 0 : i32
    %dma_wait3A_172 = arith.constant 0 : i32
    %dma_wait3A_173 = tpu.memref_slice %arg8[%dma_wait3A_164, %dma_wait3A_171, %dma_wait3A_172] : memref<3x64x80xf32, #tpu.memory_space<vmem>> -> memref<1x64x80xf32, #tpu.memory_space<vmem>>
    %dma_wait3A_174 = tpu.memref_squeeze %dma_wait3A_173 : memref<1x64x80xf32, #tpu.memory_space<vmem>> -> memref<64x80xf32, #tpu.memory_space<vmem>>
    %dma_wait3A_175 = arith.constant 0 : i32
    %dma_wait3A_176 = tpu.memref_slice %arg4[%add3A_38, %dma_wait3A_175] : memref<8192x80xf32, #tpu.memory_space<hbm>> -> memref<64x80xf32, #tpu.memory_space<hbm>>
    tpu.wait_dma2 semaphore(%arg13 : memref<!tpu.dma_semaphore, #tpu.memory_space<semaphore_mem>>) src(%dma_wait3A_176 : memref<64x80xf32, #tpu.memory_space<hbm>>) dst(%dma_wait3A_174 : memref<64x80xf32, #tpu.memory_space<vmem>>)
    %parallel_loop3A_177 = arith.constant 0 : i32
    %parallel_loop3A_178 = arith.constant 64 : i32
    %parallel_loop3A_179 = arith.constant 1 : i32
    scf.for %parallel_loop3A_316 = %parallel_loop3A_177 to %parallel_loop3A_178 step %parallel_loop3A_179  : i32 {
      %parallel_loop3A_317 = arith.constant 1 : i32
      %parallel_loop3A_318 = arith.index_cast %parallel_loop3A_317 : i32 to index
      %parallel_loop3A_319 = arith.index_cast %parallel_loop3A_316 : i32 to index
      %parallel_loop3A_320 = arith.constant 64 : index
      %parallel_loop3A_321 = tpu.vector_load %arg8[%parallel_loop3A_318, %parallel_loop3A_319, %parallel_loop3A_320] {strides = array<i32>} : memref<3x64x80xf32, #tpu.memory_space<vmem>>, vector<1x1x16xf32>,
      %parallel_loop3A_322 = vector.shape_cast %parallel_loop3A_321 : vector<1x1x16xf32> to vector<16xf32>
      %parallel_loop3A_323 = arith.constant 1 : i32
      %parallel_loop3A_324 = arith.index_cast %parallel_loop3A_323 : i32 to index
      %parallel_loop3A_325 = arith.index_cast %parallel_loop3A_316 : i32 to index
      %parallel_loop3A_326 = arith.constant 0 : index
      %parallel_loop3A_327 = tpu.vector_load %arg8[%parallel_loop3A_324, %parallel_loop3A_325, %parallel_loop3A_326] {strides = array<i32>} : memref<3x64x80xf32, #tpu.memory_space<vmem>>, vector<1x1x16xf32>,
      %parallel_loop3A_328 = vector.shape_cast %parallel_loop3A_327 : vector<1x1x16xf32> to vector<16xf32>
      %parallel_loop3A_329 = arith.constant 1 : i32
      %parallel_loop3A_330 = arith.index_cast %parallel_loop3A_329 : i32 to index
      %parallel_loop3A_331 = arith.index_cast %parallel_loop3A_316 : i32 to index
      %parallel_loop3A_332 = arith.constant 0 : index
      %parallel_loop3A_333 = tpu.vector_load %arg7[%parallel_loop3A_330, %parallel_loop3A_331, %parallel_loop3A_332] {strides = array<i32>} : memref<3x64x512xf32, #tpu.memory_space<vmem>>, vector<1x1x16xf32>,
      %parallel_loop3A_334 = vector.shape_cast %parallel_loop3A_333 : vector<1x1x16xf32> to vector<16xf32>
      %parallel_loop3A_335 = arith.addf %parallel_loop3A_334, %parallel_loop3A_328 : vector<16xf32>
      %parallel_loop3A_336 = arith.constant 1 : i32
      %parallel_loop3A_337 = arith.index_cast %parallel_loop3A_336 : i32 to index
      %parallel_loop3A_338 = arith.index_cast %parallel_loop3A_316 : i32 to index
      %parallel_loop3A_339 = arith.constant 0 : index
      %parallel_loop3A_340 = tpu.vector_load %arg7[%parallel_loop3A_337, %parallel_loop3A_338, %parallel_loop3A_339] {strides = array<i32>} : memref<3x64x512xf32, #tpu.memory_space<vmem>>, vector<1x1x16xf32>,
      %parallel_loop3A_341 = vector.shape_cast %parallel_loop3A_340 : vector<1x1x16xf32> to vector<16xf32>
      %parallel_loop3A_342 = vector.shape_cast %parallel_loop3A_335 : vector<16xf32> to vector<1x1x16xf32>
      tpu.vector_store %arg7[%parallel_loop3A_337, %parallel_loop3A_338, %parallel_loop3A_339], %parallel_loop3A_342 {strides = array<i32>} : memref<3x64x512xf32, #tpu.memory_space<vmem>>, vector<1x1x16xf32>,
      %parallel_loop3A_343 = arith.constant 1 : i32
      %parallel_loop3A_344 = arith.index_cast %parallel_loop3A_343 : i32 to index
      %parallel_loop3A_345 = arith.index_cast %parallel_loop3A_316 : i32 to index
      %parallel_loop3A_346 = arith.constant 16 : index
      %parallel_loop3A_347 = tpu.vector_load %arg8[%parallel_loop3A_344, %parallel_loop3A_345, %parallel_loop3A_346] {strides = array<i32>} : memref<3x64x80xf32, #tpu.memory_space<vmem>>, vector<1x1x16xf32>,
      %parallel_loop3A_348 = vector.shape_cast %parallel_loop3A_347 : vector<1x1x16xf32> to vector<16xf32>
      %parallel_loop3A_349 = arith.constant 1 : i32
      %parallel_loop3A_350 = arith.index_cast %parallel_loop3A_349 : i32 to index
      %parallel_loop3A_351 = arith.index_cast %parallel_loop3A_316 : i32 to index
      %parallel_loop3A_352 = arith.constant 16 : index
      %parallel_loop3A_353 = tpu.vector_load %arg7[%parallel_loop3A_350, %parallel_loop3A_351, %parallel_loop3A_352] {strides = array<i32>} : memref<3x64x512xf32, #tpu.memory_space<vmem>>, vector<1x1x16xf32>,
      %parallel_loop3A_354 = vector.shape_cast %parallel_loop3A_353 : vector<1x1x16xf32> to vector<16xf32>
      %parallel_loop3A_355 = arith.addf %parallel_loop3A_354, %parallel_loop3A_348 : vector<16xf32>
      %parallel_loop3A_356 = arith.constant 1 : i32
      %parallel_loop3A_357 = arith.index_cast %parallel_loop3A_356 : i32 to index
      %parallel_loop3A_358 = arith.index_cast %parallel_loop3A_316 : i32 to index
      %parallel_loop3A_359 = arith.constant 16 : index
      %parallel_loop3A_360 = tpu.vector_load %arg7[%parallel_loop3A_357, %parallel_loop3A_358, %parallel_loop3A_359] {strides = array<i32>} : memref<3x64x512xf32, #tpu.memory_space<vmem>>, vector<1x1x16xf32>,
      %parallel_loop3A_361 = vector.shape_cast %parallel_loop3A_360 : vector<1x1x16xf32> to vector<16xf32>
      %parallel_loop3A_362 = vector.shape_cast %parallel_loop3A_355 : vector<16xf32> to vector<1x1x16xf32>
      tpu.vector_store %arg7[%parallel_loop3A_357, %parallel_loop3A_358, %parallel_loop3A_359], %parallel_loop3A_362 {strides = array<i32>} : memref<3x64x512xf32, #tpu.memory_space<vmem>>, vector<1x1x16xf32>,
      %parallel_loop3A_363 = arith.constant 1 : i32
      %parallel_loop3A_364 = arith.index_cast %parallel_loop3A_363 : i32 to index
      %parallel_loop3A_365 = arith.index_cast %parallel_loop3A_316 : i32 to index
      %parallel_loop3A_366 = arith.constant 32 : index
      %parallel_loop3A_367 = tpu.vector_load %arg8[%parallel_loop3A_364, %parallel_loop3A_365, %parallel_loop3A_366] {strides = array<i32>} : memref<3x64x80xf32, #tpu.memory_space<vmem>>, vector<1x1x16xf32>,
      %parallel_loop3A_368 = vector.shape_cast %parallel_loop3A_367 : vector<1x1x16xf32> to vector<16xf32>
      %parallel_loop3A_369 = arith.constant 1 : i32
      %parallel_loop3A_370 = arith.index_cast %parallel_loop3A_369 : i32 to index
      %parallel_loop3A_371 = arith.index_cast %parallel_loop3A_316 : i32 to index
      %parallel_loop3A_372 = arith.constant 32 : index
      %parallel_loop3A_373 = tpu.vector_load %arg7[%parallel_loop3A_370, %parallel_loop3A_371, %parallel_loop3A_372] {strides = array<i32>} : memref<3x64x512xf32, #tpu.memory_space<vmem>>, vector<1x1x16xf32>,
      %parallel_loop3A_374 = vector.shape_cast %parallel_loop3A_373 : vector<1x1x16xf32> to vector<16xf32>
      %parallel_loop3A_375 = arith.addf %parallel_loop3A_374, %parallel_loop3A_368 : vector<16xf32>
      %parallel_loop3A_376 = arith.constant 1 : i32
      %parallel_loop3A_377 = arith.index_cast %parallel_loop3A_376 : i32 to index
      %parallel_loop3A_378 = arith.index_cast %parallel_loop3A_316 : i32 to index
      %parallel_loop3A_379 = arith.constant 32 : index
      %parallel_loop3A_380 = tpu.vector_load %arg7[%parallel_loop3A_377, %parallel_loop3A_378, %parallel_loop3A_379] {strides = array<i32>} : memref<3x64x512xf32, #tpu.memory_space<vmem>>, vector<1x1x16xf32>,
      %parallel_loop3A_381 = vector.shape_cast %parallel_loop3A_380 : vector<1x1x16xf32> to vector<16xf32>
      %parallel_loop3A_382 = vector.shape_cast %parallel_loop3A_375 : vector<16xf32> to vector<1x1x16xf32>
      tpu.vector_store %arg7[%parallel_loop3A_377, %parallel_loop3A_378, %parallel_loop3A_379], %parallel_loop3A_382 {strides = array<i32>} : memref<3x64x512xf32, #tpu.memory_space<vmem>>, vector<1x1x16xf32>,
      %parallel_loop3A_383 = arith.constant 1 : i32
      %parallel_loop3A_384 = arith.index_cast %parallel_loop3A_383 : i32 to index
      %parallel_loop3A_385 = arith.index_cast %parallel_loop3A_316 : i32 to index
      %parallel_loop3A_386 = arith.constant 48 : index
      %parallel_loop3A_387 = tpu.vector_load %arg8[%parallel_loop3A_384, %parallel_loop3A_385, %parallel_loop3A_386] {strides = array<i32>} : memref<3x64x80xf32, #tpu.memory_space<vmem>>, vector<1x1x16xf32>,
      %parallel_loop3A_388 = vector.shape_cast %parallel_loop3A_387 : vector<1x1x16xf32> to vector<16xf32>
      %parallel_loop3A_389 = arith.constant 1 : i32
      %parallel_loop3A_390 = arith.index_cast %parallel_loop3A_389 : i32 to index
      %parallel_loop3A_391 = arith.index_cast %parallel_loop3A_316 : i32 to index
      %parallel_loop3A_392 = arith.constant 48 : index
      %parallel_loop3A_393 = tpu.vector_load %arg7[%parallel_loop3A_390, %parallel_loop3A_391, %parallel_loop3A_392] {strides = array<i32>} : memref<3x64x512xf32, #tpu.memory_space<vmem>>, vector<1x1x16xf32>,
      %parallel_loop3A_394 = vector.shape_cast %parallel_loop3A_393 : vector<1x1x16xf32> to vector<16xf32>
      %parallel_loop3A_395 = arith.addf %parallel_loop3A_394, %parallel_loop3A_388 : vector<16xf32>
      %parallel_loop3A_396 = arith.constant 1 : i32
      %parallel_loop3A_397 = arith.index_cast %parallel_loop3A_396 : i32 to index
      %parallel_loop3A_398 = arith.index_cast %parallel_loop3A_316 : i32 to index
      %parallel_loop3A_399 = arith.constant 48 : index
      %parallel_loop3A_400 = tpu.vector_load %arg7[%parallel_loop3A_397, %parallel_loop3A_398, %parallel_loop3A_399] {strides = array<i32>} : memref<3x64x512xf32, #tpu.memory_space<vmem>>, vector<1x1x16xf32>,
      %parallel_loop3A_401 = vector.shape_cast %parallel_loop3A_400 : vector<1x1x16xf32> to vector<16xf32>
      %parallel_loop3A_402 = vector.shape_cast %parallel_loop3A_395 : vector<16xf32> to vector<1x1x16xf32>
      tpu.vector_store %arg7[%parallel_loop3A_397, %parallel_loop3A_398, %parallel_loop3A_399], %parallel_loop3A_402 {strides = array<i32>} : memref<3x64x512xf32, #tpu.memory_space<vmem>>, vector<1x1x16xf32>,
      %parallel_loop3A_403 = arith.mulf %parallel_loop3A_322, %parallel_loop3A_368 : vector<16xf32>
      %parallel_loop3A_404 = arith.subf %parallel_loop3A_403, %parallel_loop3A_328 : vector<16xf32>
      %parallel_loop3A_405 = arith.constant 1 : i32
      %parallel_loop3A_406 = arith.index_cast %parallel_loop3A_405 : i32 to index
      %parallel_loop3A_407 = arith.index_cast %parallel_loop3A_316 : i32 to index
      %parallel_loop3A_408 = arith.constant 64 : index
      %parallel_loop3A_409 = tpu.vector_load %arg7[%parallel_loop3A_406, %parallel_loop3A_407, %parallel_loop3A_408] {strides = array<i32>} : memref<3x64x512xf32, #tpu.memory_space<vmem>>, vector<1x1x16xf32>,
      %parallel_loop3A_410 = vector.shape_cast %parallel_loop3A_409 : vector<1x1x16xf32> to vector<16xf32>
      %parallel_loop3A_411 = arith.addf %parallel_loop3A_410, %parallel_loop3A_404 : vector<16xf32>
      %parallel_loop3A_412 = arith.constant 1 : i32
      %parallel_loop3A_413 = arith.index_cast %parallel_loop3A_412 : i32 to index
      %parallel_loop3A_414 = arith.index_cast %parallel_loop3A_316 : i32 to index
      %parallel_loop3A_415 = arith.constant 64 : index
      %parallel_loop3A_416 = tpu.vector_load %arg7[%parallel_loop3A_413, %parallel_loop3A_414, %parallel_loop3A_415] {strides = array<i32>} : memref<3x64x512xf32, #tpu.memory_space<vmem>>, vector<1x1x16xf32>,
      %parallel_loop3A_417 = vector.shape_cast %parallel_loop3A_416 : vector<1x1x16xf32> to vector<16xf32>
      %parallel_loop3A_418 = vector.shape_cast %parallel_loop3A_411 : vector<16xf32> to vector<1x1x16xf32>
      tpu.vector_store %arg7[%parallel_loop3A_413, %parallel_loop3A_414, %parallel_loop3A_415], %parallel_loop3A_418 {strides = array<i32>} : memref<3x64x512xf32, #tpu.memory_space<vmem>>, vector<1x1x16xf32>,
      %parallel_loop3A_419 = arith.mulf %parallel_loop3A_322, %parallel_loop3A_388 : vector<16xf32>
      %parallel_loop3A_420 = arith.subf %parallel_loop3A_419, %parallel_loop3A_348 : vector<16xf32>
      %parallel_loop3A_421 = arith.constant 1 : i32
      %parallel_loop3A_422 = arith.index_cast %parallel_loop3A_421 : i32 to index
      %parallel_loop3A_423 = arith.index_cast %parallel_loop3A_316 : i32 to index
      %parallel_loop3A_424 = arith.constant 80 : index
      %parallel_loop3A_425 = tpu.vector_load %arg7[%parallel_loop3A_422, %parallel_loop3A_423, %parallel_loop3A_424] {strides = array<i32>} : memref<3x64x512xf32, #tpu.memory_space<vmem>>, vector<1x1x16xf32>,
      %parallel_loop3A_426 = vector.shape_cast %parallel_loop3A_425 : vector<1x1x16xf32> to vector<16xf32>
      %parallel_loop3A_427 = arith.addf %parallel_loop3A_426, %parallel_loop3A_420 : vector<16xf32>
      %parallel_loop3A_428 = arith.constant 1 : i32
      %parallel_loop3A_429 = arith.index_cast %parallel_loop3A_428 : i32 to index
      %parallel_loop3A_430 = arith.index_cast %parallel_loop3A_316 : i32 to index
      %parallel_loop3A_431 = arith.constant 80 : index
      %parallel_loop3A_432 = tpu.vector_load %arg7[%parallel_loop3A_429, %parallel_loop3A_430, %parallel_loop3A_431] {strides = array<i32>} : memref<3x64x512xf32, #tpu.memory_space<vmem>>, vector<1x1x16xf32>,
      %parallel_loop3A_433 = vector.shape_cast %parallel_loop3A_432 : vector<1x1x16xf32> to vector<16xf32>
      %parallel_loop3A_434 = vector.shape_cast %parallel_loop3A_427 : vector<16xf32> to vector<1x1x16xf32>
      tpu.vector_store %arg7[%parallel_loop3A_429, %parallel_loop3A_430, %parallel_loop3A_431], %parallel_loop3A_434 {strides = array<i32>} : memref<3x64x512xf32, #tpu.memory_space<vmem>>, vector<1x1x16xf32>,
      %parallel_loop3A_435 = arith.mulf %parallel_loop3A_322, %parallel_loop3A_404 : vector<16xf32>
      %parallel_loop3A_436 = arith.subf %parallel_loop3A_435, %parallel_loop3A_368 : vector<16xf32>
      %parallel_loop3A_437 = arith.constant 1 : i32
      %parallel_loop3A_438 = arith.index_cast %parallel_loop3A_437 : i32 to index
      %parallel_loop3A_439 = arith.index_cast %parallel_loop3A_316 : i32 to index
      %parallel_loop3A_440 = arith.constant 96 : index
      %parallel_loop3A_441 = tpu.vector_load %arg7[%parallel_loop3A_438, %parallel_loop3A_439, %parallel_loop3A_440] {strides = array<i32>} : memref<3x64x512xf32, #tpu.memory_space<vmem>>, vector<1x1x16xf32>,
      %parallel_loop3A_442 = vector.shape_cast %parallel_loop3A_441 : vector<1x1x16xf32> to vector<16xf32>
      %parallel_loop3A_443 = arith.addf %parallel_loop3A_442, %parallel_loop3A_436 : vector<16xf32>
      %parallel_loop3A_444 = arith.constant 1 : i32
      %parallel_loop3A_445 = arith.index_cast %parallel_loop3A_444 : i32 to index
      %parallel_loop3A_446 = arith.index_cast %parallel_loop3A_316 : i32 to index
      %parallel_loop3A_447 = arith.constant 96 : index
      %parallel_loop3A_448 = tpu.vector_load %arg7[%parallel_loop3A_445, %parallel_loop3A_446, %parallel_loop3A_447] {strides = array<i32>} : memref<3x64x512xf32, #tpu.memory_space<vmem>>, vector<1x1x16xf32>,
      %parallel_loop3A_449 = vector.shape_cast %parallel_loop3A_448 : vector<1x1x16xf32> to vector<16xf32>
      %parallel_loop3A_450 = vector.shape_cast %parallel_loop3A_443 : vector<16xf32> to vector<1x1x16xf32>
      tpu.vector_store %arg7[%parallel_loop3A_445, %parallel_loop3A_446, %parallel_loop3A_447], %parallel_loop3A_450 {strides = array<i32>} : memref<3x64x512xf32, #tpu.memory_space<vmem>>, vector<1x1x16xf32>,
      %parallel_loop3A_451 = arith.mulf %parallel_loop3A_322, %parallel_loop3A_420 : vector<16xf32>
      %parallel_loop3A_452 = arith.subf %parallel_loop3A_451, %parallel_loop3A_388 : vector<16xf32>
      %parallel_loop3A_453 = arith.constant 1 : i32
      %parallel_loop3A_454 = arith.index_cast %parallel_loop3A_453 : i32 to index
      %parallel_loop3A_455 = arith.index_cast %parallel_loop3A_316 : i32 to index
      %parallel_loop3A_456 = arith.constant 112 : index
      %parallel_loop3A_457 = tpu.vector_load %arg7[%parallel_loop3A_454, %parallel_loop3A_455, %parallel_loop3A_456] {strides = array<i32>} : memref<3x64x512xf32, #tpu.memory_space<vmem>>, vector<1x1x16xf32>,
      %parallel_loop3A_458 = vector.shape_cast %parallel_loop3A_457 : vector<1x1x16xf32> to vector<16xf32>
      %parallel_loop3A_459 = arith.addf %parallel_loop3A_458, %parallel_loop3A_452 : vector<16xf32>
      %parallel_loop3A_460 = arith.constant 1 : i32
      %parallel_loop3A_461 = arith.index_cast %parallel_loop3A_460 : i32 to index
      %parallel_loop3A_462 = arith.index_cast %parallel_loop3A_316 : i32 to index
      %parallel_loop3A_463 = arith.constant 112 : index
      %parallel_loop3A_464 = tpu.vector_load %arg7[%parallel_loop3A_461, %parallel_loop3A_462, %parallel_loop3A_463] {strides = array<i32>} : memref<3x64x512xf32, #tpu.memory_space<vmem>>, vector<1x1x16xf32>,
      %parallel_loop3A_465 = vector.shape_cast %parallel_loop3A_464 : vector<1x1x16xf32> to vector<16xf32>
      %parallel_loop3A_466 = vector.shape_cast %parallel_loop3A_459 : vector<16xf32> to vector<1x1x16xf32>
      tpu.vector_store %arg7[%parallel_loop3A_461, %parallel_loop3A_462, %parallel_loop3A_463], %parallel_loop3A_466 {strides = array<i32>} : memref<3x64x512xf32, #tpu.memory_space<vmem>>, vector<1x1x16xf32>,
      %parallel_loop3A_467 = arith.mulf %parallel_loop3A_322, %parallel_loop3A_436 : vector<16xf32>
      %parallel_loop3A_468 = arith.subf %parallel_loop3A_467, %parallel_loop3A_404 : vector<16xf32>
      %parallel_loop3A_469 = arith.constant 1 : i32
      %parallel_loop3A_470 = arith.index_cast %parallel_loop3A_469 : i32 to index
      %parallel_loop3A_471 = arith.index_cast %parallel_loop3A_316 : i32 to index
      %parallel_loop3A_472 = arith.constant 128 : index
      %parallel_loop3A_473 = tpu.vector_load %arg7[%parallel_loop3A_470, %parallel_loop3A_471, %parallel_loop3A_472] {strides = array<i32>} : memref<3x64x512xf32, #tpu.memory_space<vmem>>, vector<1x1x16xf32>,
      %parallel_loop3A_474 = vector.shape_cast %parallel_loop3A_473 : vector<1x1x16xf32> to vector<16xf32>
      %parallel_loop3A_475 = arith.addf %parallel_loop3A_474, %parallel_loop3A_468 : vector<16xf32>
      %parallel_loop3A_476 = arith.constant 1 : i32
      %parallel_loop3A_477 = arith.index_cast %parallel_loop3A_476 : i32 to index
      %parallel_loop3A_478 = arith.index_cast %parallel_loop3A_316 : i32 to index
      %parallel_loop3A_479 = arith.constant 128 : index
      %parallel_loop3A_480 = tpu.vector_load %arg7[%parallel_loop3A_477, %parallel_loop3A_478, %parallel_loop3A_479] {strides = array<i32>} : memref<3x64x512xf32, #tpu.memory_space<vmem>>, vector<1x1x16xf32>,
      %parallel_loop3A_481 = vector.shape_cast %parallel_loop3A_480 : vector<1x1x16xf32> to vector<16xf32>
      %parallel_loop3A_482 = vector.shape_cast %parallel_loop3A_475 : vector<16xf32> to vector<1x1x16xf32>
      tpu.vector_store %arg7[%parallel_loop3A_477, %parallel_loop3A_478, %parallel_loop3A_479], %parallel_loop3A_482 {strides = array<i32>} : memref<3x64x512xf32, #tpu.memory_space<vmem>>, vector<1x1x16xf32>,
      %parallel_loop3A_483 = arith.mulf %parallel_loop3A_322, %parallel_loop3A_452 : vector<16xf32>
      %parallel_loop3A_484 = arith.subf %parallel_loop3A_483, %parallel_loop3A_420 : vector<16xf32>
      %parallel_loop3A_485 = arith.constant 1 : i32
      %parallel_loop3A_486 = arith.index_cast %parallel_loop3A_485 : i32 to index
      %parallel_loop3A_487 = arith.index_cast %parallel_loop3A_316 : i32 to index
      %parallel_loop3A_488 = arith.constant 144 : index
      %parallel_loop3A_489 = tpu.vector_load %arg7[%parallel_loop3A_486, %parallel_loop3A_487, %parallel_loop3A_488] {strides = array<i32>} : memref<3x64x512xf32, #tpu.memory_space<vmem>>, vector<1x1x16xf32>,
      %parallel_loop3A_490 = vector.shape_cast %parallel_loop3A_489 : vector<1x1x16xf32> to vector<16xf32>
      %parallel_loop3A_491 = arith.addf %parallel_loop3A_490, %parallel_loop3A_484 : vector<16xf32>
      %parallel_loop3A_492 = arith.constant 1 : i32
      %parallel_loop3A_493 = arith.index_cast %parallel_loop3A_492 : i32 to index
      %parallel_loop3A_494 = arith.index_cast %parallel_loop3A_316 : i32 to index
      %parallel_loop3A_495 = arith.constant 144 : index
      %parallel_loop3A_496 = tpu.vector_load %arg7[%parallel_loop3A_493, %parallel_loop3A_494, %parallel_loop3A_495] {strides = array<i32>} : memref<3x64x512xf32, #tpu.memory_space<vmem>>, vector<1x1x16xf32>,
      %parallel_loop3A_497 = vector.shape_cast %parallel_loop3A_496 : vector<1x1x16xf32> to vector<16xf32>
      %parallel_loop3A_498 = vector.shape_cast %parallel_loop3A_491 : vector<16xf32> to vector<1x1x16xf32>
      tpu.vector_store %arg7[%parallel_loop3A_493, %parallel_loop3A_494, %parallel_loop3A_495], %parallel_loop3A_498 {strides = array<i32>} : memref<3x64x512xf32, #tpu.memory_space<vmem>>, vector<1x1x16xf32>,
      %parallel_loop3A_499 = arith.mulf %parallel_loop3A_322, %parallel_loop3A_468 : vector<16xf32>
      %parallel_loop3A_500 = arith.subf %parallel_loop3A_499, %parallel_loop3A_436 : vector<16xf32>
      %parallel_loop3A_501 = arith.constant 1 : i32
      %parallel_loop3A_502 = arith.index_cast %parallel_loop3A_501 : i32 to index
      %parallel_loop3A_503 = arith.index_cast %parallel_loop3A_316 : i32 to index
      %parallel_loop3A_504 = arith.constant 160 : index
      %parallel_loop3A_505 = tpu.vector_load %arg7[%parallel_loop3A_502, %parallel_loop3A_503, %parallel_loop3A_504] {strides = array<i32>} : memref<3x64x512xf32, #tpu.memory_space<vmem>>, vector<1x1x16xf32>,
      %parallel_loop3A_506 = vector.shape_cast %parallel_loop3A_505 : vector<1x1x16xf32> to vector<16xf32>
      %parallel_loop3A_507 = arith.addf %parallel_loop3A_506, %parallel_loop3A_500 : vector<16xf32>
      %parallel_loop3A_508 = arith.constant 1 : i32
      %parallel_loop3A_509 = arith.index_cast %parallel_loop3A_508 : i32 to index
      %parallel_loop3A_510 = arith.index_cast %parallel_loop3A_316 : i32 to index
      %parallel_loop3A_511 = arith.constant 160 : index
      %parallel_loop3A_512 = tpu.vector_load %arg7[%parallel_loop3A_509, %parallel_loop3A_510, %parallel_loop3A_511] {strides = array<i32>} : memref<3x64x512xf32, #tpu.memory_space<vmem>>, vector<1x1x16xf32>,
      %parallel_loop3A_513 = vector.shape_cast %parallel_loop3A_512 : vector<1x1x16xf32> to vector<16xf32>
      %parallel_loop3A_514 = vector.shape_cast %parallel_loop3A_507 : vector<16xf32> to vector<1x1x16xf32>
      tpu.vector_store %arg7[%parallel_loop3A_509, %parallel_loop3A_510, %parallel_loop3A_511], %parallel_loop3A_514 {strides = array<i32>} : memref<3x64x512xf32, #tpu.memory_space<vmem>>, vector<1x1x16xf32>,
      %parallel_loop3A_515 = arith.mulf %parallel_loop3A_322, %parallel_loop3A_484 : vector<16xf32>
      %parallel_loop3A_516 = arith.subf %parallel_loop3A_515, %parallel_loop3A_452 : vector<16xf32>
      %parallel_loop3A_517 = arith.constant 1 : i32
      %parallel_loop3A_518 = arith.index_cast %parallel_loop3A_517 : i32 to index
      %parallel_loop3A_519 = arith.index_cast %parallel_loop3A_316 : i32 to index
      %parallel_loop3A_520 = arith.constant 176 : index
      %parallel_loop3A_521 = tpu.vector_load %arg7[%parallel_loop3A_518, %parallel_loop3A_519, %parallel_loop3A_520] {strides = array<i32>} : memref<3x64x512xf32, #tpu.memory_space<vmem>>, vector<1x1x16xf32>,
      %parallel_loop3A_522 = vector.shape_cast %parallel_loop3A_521 : vector<1x1x16xf32> to vector<16xf32>
      %parallel_loop3A_523 = arith.addf %parallel_loop3A_522, %parallel_loop3A_516 : vector<16xf32>
      %parallel_loop3A_524 = arith.constant 1 : i32
      %parallel_loop3A_525 = arith.index_cast %parallel_loop3A_524 : i32 to index
      %parallel_loop3A_526 = arith.index_cast %parallel_loop3A_316 : i32 to index
      %parallel_loop3A_527 = arith.constant 176 : index
      %parallel_loop3A_528 = tpu.vector_load %arg7[%parallel_loop3A_525, %parallel_loop3A_526, %parallel_loop3A_527] {strides = array<i32>} : memref<3x64x512xf32, #tpu.memory_space<vmem>>, vector<1x1x16xf32>,
      %parallel_loop3A_529 = vector.shape_cast %parallel_loop3A_528 : vector<1x1x16xf32> to vector<16xf32>
      %parallel_loop3A_530 = vector.shape_cast %parallel_loop3A_523 : vector<16xf32> to vector<1x1x16xf32>
      tpu.vector_store %arg7[%parallel_loop3A_525, %parallel_loop3A_526, %parallel_loop3A_527], %parallel_loop3A_530 {strides = array<i32>} : memref<3x64x512xf32, #tpu.memory_space<vmem>>, vector<1x1x16xf32>,
      %parallel_loop3A_531 = arith.mulf %parallel_loop3A_322, %parallel_loop3A_500 : vector<16xf32>
      %parallel_loop3A_532 = arith.subf %parallel_loop3A_531, %parallel_loop3A_468 : vector<16xf32>
      %parallel_loop3A_533 = arith.constant 1 : i32
      %parallel_loop3A_534 = arith.index_cast %parallel_loop3A_533 : i32 to index
      %parallel_loop3A_535 = arith.index_cast %parallel_loop3A_316 : i32 to index
      %parallel_loop3A_536 = arith.constant 192 : index
      %parallel_loop3A_537 = tpu.vector_load %arg7[%parallel_loop3A_534, %parallel_loop3A_535, %parallel_loop3A_536] {strides = array<i32>} : memref<3x64x512xf32, #tpu.memory_space<vmem>>, vector<1x1x16xf32>,
      %parallel_loop3A_538 = vector.shape_cast %parallel_loop3A_537 : vector<1x1x16xf32> to vector<16xf32>
      %parallel_loop3A_539 = arith.addf %parallel_loop3A_538, %parallel_loop3A_532 : vector<16xf32>
      %parallel_loop3A_540 = arith.constant 1 : i32
      %parallel_loop3A_541 = arith.index_cast %parallel_loop3A_540 : i32 to index
      %parallel_loop3A_542 = arith.index_cast %parallel_loop3A_316 : i32 to index
      %parallel_loop3A_543 = arith.constant 192 : index
      %parallel_loop3A_544 = tpu.vector_load %arg7[%parallel_loop3A_541, %parallel_loop3A_542, %parallel_loop3A_543] {strides = array<i32>} : memref<3x64x512xf32, #tpu.memory_space<vmem>>, vector<1x1x16xf32>,
      %parallel_loop3A_545 = vector.shape_cast %parallel_loop3A_544 : vector<1x1x16xf32> to vector<16xf32>
      %parallel_loop3A_546 = vector.shape_cast %parallel_loop3A_539 : vector<16xf32> to vector<1x1x16xf32>
      tpu.vector_store %arg7[%parallel_loop3A_541, %parallel_loop3A_542, %parallel_loop3A_543], %parallel_loop3A_546 {strides = array<i32>} : memref<3x64x512xf32, #tpu.memory_space<vmem>>, vector<1x1x16xf32>,
      %parallel_loop3A_547 = arith.mulf %parallel_loop3A_322, %parallel_loop3A_516 : vector<16xf32>
      %parallel_loop3A_548 = arith.subf %parallel_loop3A_547, %parallel_loop3A_484 : vector<16xf32>
      %parallel_loop3A_549 = arith.constant 1 : i32
      %parallel_loop3A_550 = arith.index_cast %parallel_loop3A_549 : i32 to index
      %parallel_loop3A_551 = arith.index_cast %parallel_loop3A_316 : i32 to index
      %parallel_loop3A_552 = arith.constant 208 : index
      %parallel_loop3A_553 = tpu.vector_load %arg7[%parallel_loop3A_550, %parallel_loop3A_551, %parallel_loop3A_552] {strides = array<i32>} : memref<3x64x512xf32, #tpu.memory_space<vmem>>, vector<1x1x16xf32>,
      %parallel_loop3A_554 = vector.shape_cast %parallel_loop3A_553 : vector<1x1x16xf32> to vector<16xf32>
      %parallel_loop3A_555 = arith.addf %parallel_loop3A_554, %parallel_loop3A_548 : vector<16xf32>
      %parallel_loop3A_556 = arith.constant 1 : i32
      %parallel_loop3A_557 = arith.index_cast %parallel_loop3A_556 : i32 to index
      %parallel_loop3A_558 = arith.index_cast %parallel_loop3A_316 : i32 to index
      %parallel_loop3A_559 = arith.constant 208 : index
      %parallel_loop3A_560 = tpu.vector_load %arg7[%parallel_loop3A_557, %parallel_loop3A_558, %parallel_loop3A_559] {strides = array<i32>} : memref<3x64x512xf32, #tpu.memory_space<vmem>>, vector<1x1x16xf32>,
      %parallel_loop3A_561 = vector.shape_cast %parallel_loop3A_560 : vector<1x1x16xf32> to vector<16xf32>
      %parallel_loop3A_562 = vector.shape_cast %parallel_loop3A_555 : vector<16xf32> to vector<1x1x16xf32>
      tpu.vector_store %arg7[%parallel_loop3A_557, %parallel_loop3A_558, %parallel_loop3A_559], %parallel_loop3A_562 {strides = array<i32>} : memref<3x64x512xf32, #tpu.memory_space<vmem>>, vector<1x1x16xf32>,
      %parallel_loop3A_563 = arith.mulf %parallel_loop3A_322, %parallel_loop3A_532 : vector<16xf32>
      %parallel_loop3A_564 = arith.subf %parallel_loop3A_563, %parallel_loop3A_500 : vector<16xf32>
      %parallel_loop3A_565 = arith.constant 1 : i32
      %parallel_loop3A_566 = arith.index_cast %parallel_loop3A_565 : i32 to index
      %parallel_loop3A_567 = arith.index_cast %parallel_loop3A_316 : i32 to index
      %parallel_loop3A_568 = arith.constant 224 : index
      %parallel_loop3A_569 = tpu.vector_load %arg7[%parallel_loop3A_566, %parallel_loop3A_567, %parallel_loop3A_568] {strides = array<i32>} : memref<3x64x512xf32, #tpu.memory_space<vmem>>, vector<1x1x16xf32>,
      %parallel_loop3A_570 = vector.shape_cast %parallel_loop3A_569 : vector<1x1x16xf32> to vector<16xf32>
      %parallel_loop3A_571 = arith.addf %parallel_loop3A_570, %parallel_loop3A_564 : vector<16xf32>
      %parallel_loop3A_572 = arith.constant 1 : i32
      %parallel_loop3A_573 = arith.index_cast %parallel_loop3A_572 : i32 to index
      %parallel_loop3A_574 = arith.index_cast %parallel_loop3A_316 : i32 to index
      %parallel_loop3A_575 = arith.constant 224 : index
      %parallel_loop3A_576 = tpu.vector_load %arg7[%parallel_loop3A_573, %parallel_loop3A_574, %parallel_loop3A_575] {strides = array<i32>} : memref<3x64x512xf32, #tpu.memory_space<vmem>>, vector<1x1x16xf32>,
      %parallel_loop3A_577 = vector.shape_cast %parallel_loop3A_576 : vector<1x1x16xf32> to vector<16xf32>
      %parallel_loop3A_578 = vector.shape_cast %parallel_loop3A_571 : vector<16xf32> to vector<1x1x16xf32>
      tpu.vector_store %arg7[%parallel_loop3A_573, %parallel_loop3A_574, %parallel_loop3A_575], %parallel_loop3A_578 {strides = array<i32>} : memref<3x64x512xf32, #tpu.memory_space<vmem>>, vector<1x1x16xf32>,
      %parallel_loop3A_579 = arith.mulf %parallel_loop3A_322, %parallel_loop3A_548 : vector<16xf32>
      %parallel_loop3A_580 = arith.subf %parallel_loop3A_579, %parallel_loop3A_516 : vector<16xf32>
      %parallel_loop3A_581 = arith.constant 1 : i32
      %parallel_loop3A_582 = arith.index_cast %parallel_loop3A_581 : i32 to index
      %parallel_loop3A_583 = arith.index_cast %parallel_loop3A_316 : i32 to index
      %parallel_loop3A_584 = arith.constant 240 : index
      %parallel_loop3A_585 = tpu.vector_load %arg7[%parallel_loop3A_582, %parallel_loop3A_583, %parallel_loop3A_584] {strides = array<i32>} : memref<3x64x512xf32, #tpu.memory_space<vmem>>, vector<1x1x16xf32>,
      %parallel_loop3A_586 = vector.shape_cast %parallel_loop3A_585 : vector<1x1x16xf32> to vector<16xf32>
      %parallel_loop3A_587 = arith.addf %parallel_loop3A_586, %parallel_loop3A_580 : vector<16xf32>
      %parallel_loop3A_588 = arith.constant 1 : i32
      %parallel_loop3A_589 = arith.index_cast %parallel_loop3A_588 : i32 to index
      %parallel_loop3A_590 = arith.index_cast %parallel_loop3A_316 : i32 to index
      %parallel_loop3A_591 = arith.constant 240 : index
      %parallel_loop3A_592 = tpu.vector_load %arg7[%parallel_loop3A_589, %parallel_loop3A_590, %parallel_loop3A_591] {strides = array<i32>} : memref<3x64x512xf32, #tpu.memory_space<vmem>>, vector<1x1x16xf32>,
      %parallel_loop3A_593 = vector.shape_cast %parallel_loop3A_592 : vector<1x1x16xf32> to vector<16xf32>
      %parallel_loop3A_594 = vector.shape_cast %parallel_loop3A_587 : vector<16xf32> to vector<1x1x16xf32>
      tpu.vector_store %arg7[%parallel_loop3A_589, %parallel_loop3A_590, %parallel_loop3A_591], %parallel_loop3A_594 {strides = array<i32>} : memref<3x64x512xf32, #tpu.memory_space<vmem>>, vector<1x1x16xf32>,
      %parallel_loop3A_595 = arith.mulf %parallel_loop3A_322, %parallel_loop3A_564 : vector<16xf32>
      %parallel_loop3A_596 = arith.subf %parallel_loop3A_595, %parallel_loop3A_532 : vector<16xf32>
      %parallel_loop3A_597 = arith.constant 1 : i32
      %parallel_loop3A_598 = arith.index_cast %parallel_loop3A_597 : i32 to index
      %parallel_loop3A_599 = arith.index_cast %parallel_loop3A_316 : i32 to index
      %parallel_loop3A_600 = arith.constant 256 : index
      %parallel_loop3A_601 = tpu.vector_load %arg7[%parallel_loop3A_598, %parallel_loop3A_599, %parallel_loop3A_600] {strides = array<i32>} : memref<3x64x512xf32, #tpu.memory_space<vmem>>, vector<1x1x16xf32>,
      %parallel_loop3A_602 = vector.shape_cast %parallel_loop3A_601 : vector<1x1x16xf32> to vector<16xf32>
      %parallel_loop3A_603 = arith.addf %parallel_loop3A_602, %parallel_loop3A_596 : vector<16xf32>
      %parallel_loop3A_604 = arith.constant 1 : i32
      %parallel_loop3A_605 = arith.index_cast %parallel_loop3A_604 : i32 to index
      %parallel_loop3A_606 = arith.index_cast %parallel_loop3A_316 : i32 to index
      %parallel_loop3A_607 = arith.constant 256 : index
      %parallel_loop3A_608 = tpu.vector_load %arg7[%parallel_loop3A_605, %parallel_loop3A_606, %parallel_loop3A_607] {strides = array<i32>} : memref<3x64x512xf32, #tpu.memory_space<vmem>>, vector<1x1x16xf32>,
      %parallel_loop3A_609 = vector.shape_cast %parallel_loop3A_608 : vector<1x1x16xf32> to vector<16xf32>
      %parallel_loop3A_610 = vector.shape_cast %parallel_loop3A_603 : vector<16xf32> to vector<1x1x16xf32>
      tpu.vector_store %arg7[%parallel_loop3A_605, %parallel_loop3A_606, %parallel_loop3A_607], %parallel_loop3A_610 {strides = array<i32>} : memref<3x64x512xf32, #tpu.memory_space<vmem>>, vector<1x1x16xf32>,
      %parallel_loop3A_611 = arith.mulf %parallel_loop3A_322, %parallel_loop3A_580 : vector<16xf32>
      %parallel_loop3A_612 = arith.subf %parallel_loop3A_611, %parallel_loop3A_548 : vector<16xf32>
      %parallel_loop3A_613 = arith.constant 1 : i32
      %parallel_loop3A_614 = arith.index_cast %parallel_loop3A_613 : i32 to index
      %parallel_loop3A_615 = arith.index_cast %parallel_loop3A_316 : i32 to index
      %parallel_loop3A_616 = arith.constant 272 : index
      %parallel_loop3A_617 = tpu.vector_load %arg7[%parallel_loop3A_614, %parallel_loop3A_615, %parallel_loop3A_616] {strides = array<i32>} : memref<3x64x512xf32, #tpu.memory_space<vmem>>, vector<1x1x16xf32>,
      %parallel_loop3A_618 = vector.shape_cast %parallel_loop3A_617 : vector<1x1x16xf32> to vector<16xf32>
      %parallel_loop3A_619 = arith.addf %parallel_loop3A_618, %parallel_loop3A_612 : vector<16xf32>
      %parallel_loop3A_620 = arith.constant 1 : i32
      %parallel_loop3A_621 = arith.index_cast %parallel_loop3A_620 : i32 to index
      %parallel_loop3A_622 = arith.index_cast %parallel_loop3A_316 : i32 to index
      %parallel_loop3A_623 = arith.constant 272 : index
      %parallel_loop3A_624 = tpu.vector_load %arg7[%parallel_loop3A_621, %parallel_loop3A_622, %parallel_loop3A_623] {strides = array<i32>} : memref<3x64x512xf32, #tpu.memory_space<vmem>>, vector<1x1x16xf32>,
      %parallel_loop3A_625 = vector.shape_cast %parallel_loop3A_624 : vector<1x1x16xf32> to vector<16xf32>
      %parallel_loop3A_626 = vector.shape_cast %parallel_loop3A_619 : vector<16xf32> to vector<1x1x16xf32>
      tpu.vector_store %arg7[%parallel_loop3A_621, %parallel_loop3A_622, %parallel_loop3A_623], %parallel_loop3A_626 {strides = array<i32>} : memref<3x64x512xf32, #tpu.memory_space<vmem>>, vector<1x1x16xf32>,
      %parallel_loop3A_627 = arith.mulf %parallel_loop3A_322, %parallel_loop3A_596 : vector<16xf32>
      %parallel_loop3A_628 = arith.subf %parallel_loop3A_627, %parallel_loop3A_564 : vector<16xf32>
      %parallel_loop3A_629 = arith.constant 1 : i32
      %parallel_loop3A_630 = arith.index_cast %parallel_loop3A_629 : i32 to index
      %parallel_loop3A_631 = arith.index_cast %parallel_loop3A_316 : i32 to index
      %parallel_loop3A_632 = arith.constant 288 : index
      %parallel_loop3A_633 = tpu.vector_load %arg7[%parallel_loop3A_630, %parallel_loop3A_631, %parallel_loop3A_632] {strides = array<i32>} : memref<3x64x512xf32, #tpu.memory_space<vmem>>, vector<1x1x16xf32>,
      %parallel_loop3A_634 = vector.shape_cast %parallel_loop3A_633 : vector<1x1x16xf32> to vector<16xf32>
      %parallel_loop3A_635 = arith.addf %parallel_loop3A_634, %parallel_loop3A_628 : vector<16xf32>
      %parallel_loop3A_636 = arith.constant 1 : i32
      %parallel_loop3A_637 = arith.index_cast %parallel_loop3A_636 : i32 to index
      %parallel_loop3A_638 = arith.index_cast %parallel_loop3A_316 : i32 to index
      %parallel_loop3A_639 = arith.constant 288 : index
      %parallel_loop3A_640 = tpu.vector_load %arg7[%parallel_loop3A_637, %parallel_loop3A_638, %parallel_loop3A_639] {strides = array<i32>} : memref<3x64x512xf32, #tpu.memory_space<vmem>>, vector<1x1x16xf32>,
      %parallel_loop3A_641 = vector.shape_cast %parallel_loop3A_640 : vector<1x1x16xf32> to vector<16xf32>
      %parallel_loop3A_642 = vector.shape_cast %parallel_loop3A_635 : vector<16xf32> to vector<1x1x16xf32>
      tpu.vector_store %arg7[%parallel_loop3A_637, %parallel_loop3A_638, %parallel_loop3A_639], %parallel_loop3A_642 {strides = array<i32>} : memref<3x64x512xf32, #tpu.memory_space<vmem>>, vector<1x1x16xf32>,
      %parallel_loop3A_643 = arith.mulf %parallel_loop3A_322, %parallel_loop3A_612 : vector<16xf32>
      %parallel_loop3A_644 = arith.subf %parallel_loop3A_643, %parallel_loop3A_580 : vector<16xf32>
      %parallel_loop3A_645 = arith.constant 1 : i32
      %parallel_loop3A_646 = arith.index_cast %parallel_loop3A_645 : i32 to index
      %parallel_loop3A_647 = arith.index_cast %parallel_loop3A_316 : i32 to index
      %parallel_loop3A_648 = arith.constant 304 : index
      %parallel_loop3A_649 = tpu.vector_load %arg7[%parallel_loop3A_646, %parallel_loop3A_647, %parallel_loop3A_648] {strides = array<i32>} : memref<3x64x512xf32, #tpu.memory_space<vmem>>, vector<1x1x16xf32>,
      %parallel_loop3A_650 = vector.shape_cast %parallel_loop3A_649 : vector<1x1x16xf32> to vector<16xf32>
      %parallel_loop3A_651 = arith.addf %parallel_loop3A_650, %parallel_loop3A_644 : vector<16xf32>
      %parallel_loop3A_652 = arith.constant 1 : i32
      %parallel_loop3A_653 = arith.index_cast %parallel_loop3A_652 : i32 to index
      %parallel_loop3A_654 = arith.index_cast %parallel_loop3A_316 : i32 to index
      %parallel_loop3A_655 = arith.constant 304 : index
      %parallel_loop3A_656 = tpu.vector_load %arg7[%parallel_loop3A_653, %parallel_loop3A_654, %parallel_loop3A_655] {strides = array<i32>} : memref<3x64x512xf32, #tpu.memory_space<vmem>>, vector<1x1x16xf32>,
      %parallel_loop3A_657 = vector.shape_cast %parallel_loop3A_656 : vector<1x1x16xf32> to vector<16xf32>
      %parallel_loop3A_658 = vector.shape_cast %parallel_loop3A_651 : vector<16xf32> to vector<1x1x16xf32>
      tpu.vector_store %arg7[%parallel_loop3A_653, %parallel_loop3A_654, %parallel_loop3A_655], %parallel_loop3A_658 {strides = array<i32>} : memref<3x64x512xf32, #tpu.memory_space<vmem>>, vector<1x1x16xf32>,
      %parallel_loop3A_659 = arith.mulf %parallel_loop3A_322, %parallel_loop3A_628 : vector<16xf32>
      %parallel_loop3A_660 = arith.subf %parallel_loop3A_659, %parallel_loop3A_596 : vector<16xf32>
      %parallel_loop3A_661 = arith.constant 1 : i32
      %parallel_loop3A_662 = arith.index_cast %parallel_loop3A_661 : i32 to index
      %parallel_loop3A_663 = arith.index_cast %parallel_loop3A_316 : i32 to index
      %parallel_loop3A_664 = arith.constant 320 : index
      %parallel_loop3A_665 = tpu.vector_load %arg7[%parallel_loop3A_662, %parallel_loop3A_663, %parallel_loop3A_664] {strides = array<i32>} : memref<3x64x512xf32, #tpu.memory_space<vmem>>, vector<1x1x16xf32>,
      %parallel_loop3A_666 = vector.shape_cast %parallel_loop3A_665 : vector<1x1x16xf32> to vector<16xf32>
      %parallel_loop3A_667 = arith.addf %parallel_loop3A_666, %parallel_loop3A_660 : vector<16xf32>
      %parallel_loop3A_668 = arith.constant 1 : i32
      %parallel_loop3A_669 = arith.index_cast %parallel_loop3A_668 : i32 to index
      %parallel_loop3A_670 = arith.index_cast %parallel_loop3A_316 : i32 to index
      %parallel_loop3A_671 = arith.constant 320 : index
      %parallel_loop3A_672 = tpu.vector_load %arg7[%parallel_loop3A_669, %parallel_loop3A_670, %parallel_loop3A_671] {strides = array<i32>} : memref<3x64x512xf32, #tpu.memory_space<vmem>>, vector<1x1x16xf32>,
      %parallel_loop3A_673 = vector.shape_cast %parallel_loop3A_672 : vector<1x1x16xf32> to vector<16xf32>
      %parallel_loop3A_674 = vector.shape_cast %parallel_loop3A_667 : vector<16xf32> to vector<1x1x16xf32>
      tpu.vector_store %arg7[%parallel_loop3A_669, %parallel_loop3A_670, %parallel_loop3A_671], %parallel_loop3A_674 {strides = array<i32>} : memref<3x64x512xf32, #tpu.memory_space<vmem>>, vector<1x1x16xf32>,
      %parallel_loop3A_675 = arith.mulf %parallel_loop3A_322, %parallel_loop3A_644 : vector<16xf32>
      %parallel_loop3A_676 = arith.subf %parallel_loop3A_675, %parallel_loop3A_612 : vector<16xf32>
      %parallel_loop3A_677 = arith.constant 1 : i32
      %parallel_loop3A_678 = arith.index_cast %parallel_loop3A_677 : i32 to index
      %parallel_loop3A_679 = arith.index_cast %parallel_loop3A_316 : i32 to index
      %parallel_loop3A_680 = arith.constant 336 : index
      %parallel_loop3A_681 = tpu.vector_load %arg7[%parallel_loop3A_678, %parallel_loop3A_679, %parallel_loop3A_680] {strides = array<i32>} : memref<3x64x512xf32, #tpu.memory_space<vmem>>, vector<1x1x16xf32>,
      %parallel_loop3A_682 = vector.shape_cast %parallel_loop3A_681 : vector<1x1x16xf32> to vector<16xf32>
      %parallel_loop3A_683 = arith.addf %parallel_loop3A_682, %parallel_loop3A_676 : vector<16xf32>
      %parallel_loop3A_684 = arith.constant 1 : i32
      %parallel_loop3A_685 = arith.index_cast %parallel_loop3A_684 : i32 to index
      %parallel_loop3A_686 = arith.index_cast %parallel_loop3A_316 : i32 to index
      %parallel_loop3A_687 = arith.constant 336 : index
      %parallel_loop3A_688 = tpu.vector_load %arg7[%parallel_loop3A_685, %parallel_loop3A_686, %parallel_loop3A_687] {strides = array<i32>} : memref<3x64x512xf32, #tpu.memory_space<vmem>>, vector<1x1x16xf32>,
      %parallel_loop3A_689 = vector.shape_cast %parallel_loop3A_688 : vector<1x1x16xf32> to vector<16xf32>
      %parallel_loop3A_690 = vector.shape_cast %parallel_loop3A_683 : vector<16xf32> to vector<1x1x16xf32>
      tpu.vector_store %arg7[%parallel_loop3A_685, %parallel_loop3A_686, %parallel_loop3A_687], %parallel_loop3A_690 {strides = array<i32>} : memref<3x64x512xf32, #tpu.memory_space<vmem>>, vector<1x1x16xf32>,
      %parallel_loop3A_691 = arith.mulf %parallel_loop3A_322, %parallel_loop3A_660 : vector<16xf32>
      %parallel_loop3A_692 = arith.subf %parallel_loop3A_691, %parallel_loop3A_628 : vector<16xf32>
      %parallel_loop3A_693 = arith.constant 1 : i32
      %parallel_loop3A_694 = arith.index_cast %parallel_loop3A_693 : i32 to index
      %parallel_loop3A_695 = arith.index_cast %parallel_loop3A_316 : i32 to index
      %parallel_loop3A_696 = arith.constant 352 : index
      %parallel_loop3A_697 = tpu.vector_load %arg7[%parallel_loop3A_694, %parallel_loop3A_695, %parallel_loop3A_696] {strides = array<i32>} : memref<3x64x512xf32, #tpu.memory_space<vmem>>, vector<1x1x16xf32>,
      %parallel_loop3A_698 = vector.shape_cast %parallel_loop3A_697 : vector<1x1x16xf32> to vector<16xf32>
      %parallel_loop3A_699 = arith.addf %parallel_loop3A_698, %parallel_loop3A_692 : vector<16xf32>
      %parallel_loop3A_700 = arith.constant 1 : i32
      %parallel_loop3A_701 = arith.index_cast %parallel_loop3A_700 : i32 to index
      %parallel_loop3A_702 = arith.index_cast %parallel_loop3A_316 : i32 to index
      %parallel_loop3A_703 = arith.constant 352 : index
      %parallel_loop3A_704 = tpu.vector_load %arg7[%parallel_loop3A_701, %parallel_loop3A_702, %parallel_loop3A_703] {strides = array<i32>} : memref<3x64x512xf32, #tpu.memory_space<vmem>>, vector<1x1x16xf32>,
      %parallel_loop3A_705 = vector.shape_cast %parallel_loop3A_704 : vector<1x1x16xf32> to vector<16xf32>
      %parallel_loop3A_706 = vector.shape_cast %parallel_loop3A_699 : vector<16xf32> to vector<1x1x16xf32>
      tpu.vector_store %arg7[%parallel_loop3A_701, %parallel_loop3A_702, %parallel_loop3A_703], %parallel_loop3A_706 {strides = array<i32>} : memref<3x64x512xf32, #tpu.memory_space<vmem>>, vector<1x1x16xf32>,
      %parallel_loop3A_707 = arith.mulf %parallel_loop3A_322, %parallel_loop3A_676 : vector<16xf32>
      %parallel_loop3A_708 = arith.subf %parallel_loop3A_707, %parallel_loop3A_644 : vector<16xf32>
      %parallel_loop3A_709 = arith.constant 1 : i32
      %parallel_loop3A_710 = arith.index_cast %parallel_loop3A_709 : i32 to index
      %parallel_loop3A_711 = arith.index_cast %parallel_loop3A_316 : i32 to index
      %parallel_loop3A_712 = arith.constant 368 : index
      %parallel_loop3A_713 = tpu.vector_load %arg7[%parallel_loop3A_710, %parallel_loop3A_711, %parallel_loop3A_712] {strides = array<i32>} : memref<3x64x512xf32, #tpu.memory_space<vmem>>, vector<1x1x16xf32>,
      %parallel_loop3A_714 = vector.shape_cast %parallel_loop3A_713 : vector<1x1x16xf32> to vector<16xf32>
      %parallel_loop3A_715 = arith.addf %parallel_loop3A_714, %parallel_loop3A_708 : vector<16xf32>
      %parallel_loop3A_716 = arith.constant 1 : i32
      %parallel_loop3A_717 = arith.index_cast %parallel_loop3A_716 : i32 to index
      %parallel_loop3A_718 = arith.index_cast %parallel_loop3A_316 : i32 to index
      %parallel_loop3A_719 = arith.constant 368 : index
      %parallel_loop3A_720 = tpu.vector_load %arg7[%parallel_loop3A_717, %parallel_loop3A_718, %parallel_loop3A_719] {strides = array<i32>} : memref<3x64x512xf32, #tpu.memory_space<vmem>>, vector<1x1x16xf32>,
      %parallel_loop3A_721 = vector.shape_cast %parallel_loop3A_720 : vector<1x1x16xf32> to vector<16xf32>
      %parallel_loop3A_722 = vector.shape_cast %parallel_loop3A_715 : vector<16xf32> to vector<1x1x16xf32>
      tpu.vector_store %arg7[%parallel_loop3A_717, %parallel_loop3A_718, %parallel_loop3A_719], %parallel_loop3A_722 {strides = array<i32>} : memref<3x64x512xf32, #tpu.memory_space<vmem>>, vector<1x1x16xf32>,
      %parallel_loop3A_723 = arith.mulf %parallel_loop3A_322, %parallel_loop3A_692 : vector<16xf32>
      %parallel_loop3A_724 = arith.subf %parallel_loop3A_723, %parallel_loop3A_660 : vector<16xf32>
      %parallel_loop3A_725 = arith.constant 1 : i32
      %parallel_loop3A_726 = arith.index_cast %parallel_loop3A_725 : i32 to index
      %parallel_loop3A_727 = arith.index_cast %parallel_loop3A_316 : i32 to index
      %parallel_loop3A_728 = arith.constant 384 : index
      %parallel_loop3A_729 = tpu.vector_load %arg7[%parallel_loop3A_726, %parallel_loop3A_727, %parallel_loop3A_728] {strides = array<i32>} : memref<3x64x512xf32, #tpu.memory_space<vmem>>, vector<1x1x16xf32>,
      %parallel_loop3A_730 = vector.shape_cast %parallel_loop3A_729 : vector<1x1x16xf32> to vector<16xf32>
      %parallel_loop3A_731 = arith.addf %parallel_loop3A_730, %parallel_loop3A_724 : vector<16xf32>
      %parallel_loop3A_732 = arith.constant 1 : i32
      %parallel_loop3A_733 = arith.index_cast %parallel_loop3A_732 : i32 to index
      %parallel_loop3A_734 = arith.index_cast %parallel_loop3A_316 : i32 to index
      %parallel_loop3A_735 = arith.constant 384 : index
      %parallel_loop3A_736 = tpu.vector_load %arg7[%parallel_loop3A_733, %parallel_loop3A_734, %parallel_loop3A_735] {strides = array<i32>} : memref<3x64x512xf32, #tpu.memory_space<vmem>>, vector<1x1x16xf32>,
      %parallel_loop3A_737 = vector.shape_cast %parallel_loop3A_736 : vector<1x1x16xf32> to vector<16xf32>
      %parallel_loop3A_738 = vector.shape_cast %parallel_loop3A_731 : vector<16xf32> to vector<1x1x16xf32>
      tpu.vector_store %arg7[%parallel_loop3A_733, %parallel_loop3A_734, %parallel_loop3A_735], %parallel_loop3A_738 {strides = array<i32>} : memref<3x64x512xf32, #tpu.memory_space<vmem>>, vector<1x1x16xf32>,
      %parallel_loop3A_739 = arith.mulf %parallel_loop3A_322, %parallel_loop3A_708 : vector<16xf32>
      %parallel_loop3A_740 = arith.subf %parallel_loop3A_739, %parallel_loop3A_676 : vector<16xf32>
      %parallel_loop3A_741 = arith.constant 1 : i32
      %parallel_loop3A_742 = arith.index_cast %parallel_loop3A_741 : i32 to index
      %parallel_loop3A_743 = arith.index_cast %parallel_loop3A_316 : i32 to index
      %parallel_loop3A_744 = arith.constant 400 : index
      %parallel_loop3A_745 = tpu.vector_load %arg7[%parallel_loop3A_742, %parallel_loop3A_743, %parallel_loop3A_744] {strides = array<i32>} : memref<3x64x512xf32, #tpu.memory_space<vmem>>, vector<1x1x16xf32>,
      %parallel_loop3A_746 = vector.shape_cast %parallel_loop3A_745 : vector<1x1x16xf32> to vector<16xf32>
      %parallel_loop3A_747 = arith.addf %parallel_loop3A_746, %parallel_loop3A_740 : vector<16xf32>
      %parallel_loop3A_748 = arith.constant 1 : i32
      %parallel_loop3A_749 = arith.index_cast %parallel_loop3A_748 : i32 to index
      %parallel_loop3A_750 = arith.index_cast %parallel_loop3A_316 : i32 to index
      %parallel_loop3A_751 = arith.constant 400 : index
      %parallel_loop3A_752 = tpu.vector_load %arg7[%parallel_loop3A_749, %parallel_loop3A_750, %parallel_loop3A_751] {strides = array<i32>} : memref<3x64x512xf32, #tpu.memory_space<vmem>>, vector<1x1x16xf32>,
      %parallel_loop3A_753 = vector.shape_cast %parallel_loop3A_752 : vector<1x1x16xf32> to vector<16xf32>
      %parallel_loop3A_754 = vector.shape_cast %parallel_loop3A_747 : vector<16xf32> to vector<1x1x16xf32>
      tpu.vector_store %arg7[%parallel_loop3A_749, %parallel_loop3A_750, %parallel_loop3A_751], %parallel_loop3A_754 {strides = array<i32>} : memref<3x64x512xf32, #tpu.memory_space<vmem>>, vector<1x1x16xf32>,
      %parallel_loop3A_755 = arith.mulf %parallel_loop3A_322, %parallel_loop3A_724 : vector<16xf32>
      %parallel_loop3A_756 = arith.subf %parallel_loop3A_755, %parallel_loop3A_692 : vector<16xf32>
      %parallel_loop3A_757 = arith.constant 1 : i32
      %parallel_loop3A_758 = arith.index_cast %parallel_loop3A_757 : i32 to index
      %parallel_loop3A_759 = arith.index_cast %parallel_loop3A_316 : i32 to index
      %parallel_loop3A_760 = arith.constant 416 : index
      %parallel_loop3A_761 = tpu.vector_load %arg7[%parallel_loop3A_758, %parallel_loop3A_759, %parallel_loop3A_760] {strides = array<i32>} : memref<3x64x512xf32, #tpu.memory_space<vmem>>, vector<1x1x16xf32>,
      %parallel_loop3A_762 = vector.shape_cast %parallel_loop3A_761 : vector<1x1x16xf32> to vector<16xf32>
      %parallel_loop3A_763 = arith.addf %parallel_loop3A_762, %parallel_loop3A_756 : vector<16xf32>
      %parallel_loop3A_764 = arith.constant 1 : i32
      %parallel_loop3A_765 = arith.index_cast %parallel_loop3A_764 : i32 to index
      %parallel_loop3A_766 = arith.index_cast %parallel_loop3A_316 : i32 to index
      %parallel_loop3A_767 = arith.constant 416 : index
      %parallel_loop3A_768 = tpu.vector_load %arg7[%parallel_loop3A_765, %parallel_loop3A_766, %parallel_loop3A_767] {strides = array<i32>} : memref<3x64x512xf32, #tpu.memory_space<vmem>>, vector<1x1x16xf32>,
      %parallel_loop3A_769 = vector.shape_cast %parallel_loop3A_768 : vector<1x1x16xf32> to vector<16xf32>
      %parallel_loop3A_770 = vector.shape_cast %parallel_loop3A_763 : vector<16xf32> to vector<1x1x16xf32>
      tpu.vector_store %arg7[%parallel_loop3A_765, %parallel_loop3A_766, %parallel_loop3A_767], %parallel_loop3A_770 {strides = array<i32>} : memref<3x64x512xf32, #tpu.memory_space<vmem>>, vector<1x1x16xf32>,
      %parallel_loop3A_771 = arith.mulf %parallel_loop3A_322, %parallel_loop3A_740 : vector<16xf32>
      %parallel_loop3A_772 = arith.subf %parallel_loop3A_771, %parallel_loop3A_708 : vector<16xf32>
      %parallel_loop3A_773 = arith.constant 1 : i32
      %parallel_loop3A_774 = arith.index_cast %parallel_loop3A_773 : i32 to index
      %parallel_loop3A_775 = arith.index_cast %parallel_loop3A_316 : i32 to index
      %parallel_loop3A_776 = arith.constant 432 : index
      %parallel_loop3A_777 = tpu.vector_load %arg7[%parallel_loop3A_774, %parallel_loop3A_775, %parallel_loop3A_776] {strides = array<i32>} : memref<3x64x512xf32, #tpu.memory_space<vmem>>, vector<1x1x16xf32>,
      %parallel_loop3A_778 = vector.shape_cast %parallel_loop3A_777 : vector<1x1x16xf32> to vector<16xf32>
      %parallel_loop3A_779 = arith.addf %parallel_loop3A_778, %parallel_loop3A_772 : vector<16xf32>
      %parallel_loop3A_780 = arith.constant 1 : i32
      %parallel_loop3A_781 = arith.index_cast %parallel_loop3A_780 : i32 to index
      %parallel_loop3A_782 = arith.index_cast %parallel_loop3A_316 : i32 to index
      %parallel_loop3A_783 = arith.constant 432 : index
      %parallel_loop3A_784 = tpu.vector_load %arg7[%parallel_loop3A_781, %parallel_loop3A_782, %parallel_loop3A_783] {strides = array<i32>} : memref<3x64x512xf32, #tpu.memory_space<vmem>>, vector<1x1x16xf32>,
      %parallel_loop3A_785 = vector.shape_cast %parallel_loop3A_784 : vector<1x1x16xf32> to vector<16xf32>
      %parallel_loop3A_786 = vector.shape_cast %parallel_loop3A_779 : vector<16xf32> to vector<1x1x16xf32>
      tpu.vector_store %arg7[%parallel_loop3A_781, %parallel_loop3A_782, %parallel_loop3A_783], %parallel_loop3A_786 {strides = array<i32>} : memref<3x64x512xf32, #tpu.memory_space<vmem>>, vector<1x1x16xf32>,
      %parallel_loop3A_787 = arith.mulf %parallel_loop3A_322, %parallel_loop3A_756 : vector<16xf32>
      %parallel_loop3A_788 = arith.subf %parallel_loop3A_787, %parallel_loop3A_724 : vector<16xf32>
      %parallel_loop3A_789 = arith.constant 1 : i32
      %parallel_loop3A_790 = arith.index_cast %parallel_loop3A_789 : i32 to index
      %parallel_loop3A_791 = arith.index_cast %parallel_loop3A_316 : i32 to index
      %parallel_loop3A_792 = arith.constant 448 : index
      %parallel_loop3A_793 = tpu.vector_load %arg7[%parallel_loop3A_790, %parallel_loop3A_791, %parallel_loop3A_792] {strides = array<i32>} : memref<3x64x512xf32, #tpu.memory_space<vmem>>, vector<1x1x16xf32>,
      %parallel_loop3A_794 = vector.shape_cast %parallel_loop3A_793 : vector<1x1x16xf32> to vector<16xf32>
      %parallel_loop3A_795 = arith.addf %parallel_loop3A_794, %parallel_loop3A_788 : vector<16xf32>
      %parallel_loop3A_796 = arith.constant 1 : i32
      %parallel_loop3A_797 = arith.index_cast %parallel_loop3A_796 : i32 to index
      %parallel_loop3A_798 = arith.index_cast %parallel_loop3A_316 : i32 to index
      %parallel_loop3A_799 = arith.constant 448 : index
      %parallel_loop3A_800 = tpu.vector_load %arg7[%parallel_loop3A_797, %parallel_loop3A_798, %parallel_loop3A_799] {strides = array<i32>} : memref<3x64x512xf32, #tpu.memory_space<vmem>>, vector<1x1x16xf32>,
      %parallel_loop3A_801 = vector.shape_cast %parallel_loop3A_800 : vector<1x1x16xf32> to vector<16xf32>
      %parallel_loop3A_802 = vector.shape_cast %parallel_loop3A_795 : vector<16xf32> to vector<1x1x16xf32>
      tpu.vector_store %arg7[%parallel_loop3A_797, %parallel_loop3A_798, %parallel_loop3A_799], %parallel_loop3A_802 {strides = array<i32>} : memref<3x64x512xf32, #tpu.memory_space<vmem>>, vector<1x1x16xf32>,
      %parallel_loop3A_803 = arith.mulf %parallel_loop3A_322, %parallel_loop3A_772 : vector<16xf32>
      %parallel_loop3A_804 = arith.subf %parallel_loop3A_803, %parallel_loop3A_740 : vector<16xf32>
      %parallel_loop3A_805 = arith.constant 1 : i32
      %parallel_loop3A_806 = arith.index_cast %parallel_loop3A_805 : i32 to index
      %parallel_loop3A_807 = arith.index_cast %parallel_loop3A_316 : i32 to index
      %parallel_loop3A_808 = arith.constant 464 : index
      %parallel_loop3A_809 = tpu.vector_load %arg7[%parallel_loop3A_806, %parallel_loop3A_807, %parallel_loop3A_808] {strides = array<i32>} : memref<3x64x512xf32, #tpu.memory_space<vmem>>, vector<1x1x16xf32>,
      %parallel_loop3A_810 = vector.shape_cast %parallel_loop3A_809 : vector<1x1x16xf32> to vector<16xf32>
      %parallel_loop3A_811 = arith.addf %parallel_loop3A_810, %parallel_loop3A_804 : vector<16xf32>
      %parallel_loop3A_812 = arith.constant 1 : i32
      %parallel_loop3A_813 = arith.index_cast %parallel_loop3A_812 : i32 to index
      %parallel_loop3A_814 = arith.index_cast %parallel_loop3A_316 : i32 to index
      %parallel_loop3A_815 = arith.constant 464 : index
      %parallel_loop3A_816 = tpu.vector_load %arg7[%parallel_loop3A_813, %parallel_loop3A_814, %parallel_loop3A_815] {strides = array<i32>} : memref<3x64x512xf32, #tpu.memory_space<vmem>>, vector<1x1x16xf32>,
      %parallel_loop3A_817 = vector.shape_cast %parallel_loop3A_816 : vector<1x1x16xf32> to vector<16xf32>
      %parallel_loop3A_818 = vector.shape_cast %parallel_loop3A_811 : vector<16xf32> to vector<1x1x16xf32>
      tpu.vector_store %arg7[%parallel_loop3A_813, %parallel_loop3A_814, %parallel_loop3A_815], %parallel_loop3A_818 {strides = array<i32>} : memref<3x64x512xf32, #tpu.memory_space<vmem>>, vector<1x1x16xf32>,
      %parallel_loop3A_819 = arith.mulf %parallel_loop3A_322, %parallel_loop3A_788 : vector<16xf32>
      %parallel_loop3A_820 = arith.subf %parallel_loop3A_819, %parallel_loop3A_756 : vector<16xf32>
      %parallel_loop3A_821 = arith.constant 1 : i32
      %parallel_loop3A_822 = arith.index_cast %parallel_loop3A_821 : i32 to index
      %parallel_loop3A_823 = arith.index_cast %parallel_loop3A_316 : i32 to index
      %parallel_loop3A_824 = arith.constant 480 : index
      %parallel_loop3A_825 = tpu.vector_load %arg7[%parallel_loop3A_822, %parallel_loop3A_823, %parallel_loop3A_824] {strides = array<i32>} : memref<3x64x512xf32, #tpu.memory_space<vmem>>, vector<1x1x16xf32>,
      %parallel_loop3A_826 = vector.shape_cast %parallel_loop3A_825 : vector<1x1x16xf32> to vector<16xf32>
      %parallel_loop3A_827 = arith.addf %parallel_loop3A_826, %parallel_loop3A_820 : vector<16xf32>
      %parallel_loop3A_828 = arith.constant 1 : i32
      %parallel_loop3A_829 = arith.index_cast %parallel_loop3A_828 : i32 to index
      %parallel_loop3A_830 = arith.index_cast %parallel_loop3A_316 : i32 to index
      %parallel_loop3A_831 = arith.constant 480 : index
      %parallel_loop3A_832 = tpu.vector_load %arg7[%parallel_loop3A_829, %parallel_loop3A_830, %parallel_loop3A_831] {strides = array<i32>} : memref<3x64x512xf32, #tpu.memory_space<vmem>>, vector<1x1x16xf32>,
      %parallel_loop3A_833 = vector.shape_cast %parallel_loop3A_832 : vector<1x1x16xf32> to vector<16xf32>
      %parallel_loop3A_834 = vector.shape_cast %parallel_loop3A_827 : vector<16xf32> to vector<1x1x16xf32>
      tpu.vector_store %arg7[%parallel_loop3A_829, %parallel_loop3A_830, %parallel_loop3A_831], %parallel_loop3A_834 {strides = array<i32>} : memref<3x64x512xf32, #tpu.memory_space<vmem>>, vector<1x1x16xf32>,
      %parallel_loop3A_835 = arith.mulf %parallel_loop3A_322, %parallel_loop3A_804 : vector<16xf32>
      %parallel_loop3A_836 = arith.subf %parallel_loop3A_835, %parallel_loop3A_772 : vector<16xf32>
      %parallel_loop3A_837 = arith.constant 1 : i32
      %parallel_loop3A_838 = arith.index_cast %parallel_loop3A_837 : i32 to index
      %parallel_loop3A_839 = arith.index_cast %parallel_loop3A_316 : i32 to index
      %parallel_loop3A_840 = arith.constant 496 : index
      %parallel_loop3A_841 = tpu.vector_load %arg7[%parallel_loop3A_838, %parallel_loop3A_839, %parallel_loop3A_840] {strides = array<i32>} : memref<3x64x512xf32, #tpu.memory_space<vmem>>, vector<1x1x16xf32>,
      %parallel_loop3A_842 = vector.shape_cast %parallel_loop3A_841 : vector<1x1x16xf32> to vector<16xf32>
      %parallel_loop3A_843 = arith.addf %parallel_loop3A_842, %parallel_loop3A_836 : vector<16xf32>
      %parallel_loop3A_844 = arith.constant 1 : i32
      %parallel_loop3A_845 = arith.index_cast %parallel_loop3A_844 : i32 to index
      %parallel_loop3A_846 = arith.index_cast %parallel_loop3A_316 : i32 to index
      %parallel_loop3A_847 = arith.constant 496 : index
      %parallel_loop3A_848 = tpu.vector_load %arg7[%parallel_loop3A_845, %parallel_loop3A_846, %parallel_loop3A_847] {strides = array<i32>} : memref<3x64x512xf32, #tpu.memory_space<vmem>>, vector<1x1x16xf32>,
      %parallel_loop3A_849 = vector.shape_cast %parallel_loop3A_848 : vector<1x1x16xf32> to vector<16xf32>
      %parallel_loop3A_850 = vector.shape_cast %parallel_loop3A_843 : vector<16xf32> to vector<1x1x16xf32>
      tpu.vector_store %arg7[%parallel_loop3A_845, %parallel_loop3A_846, %parallel_loop3A_847], %parallel_loop3A_850 {strides = array<i32>} : memref<3x64x512xf32, #tpu.memory_space<vmem>>, vector<1x1x16xf32>,
    } {sc.loop_unroll_factor = 1 : i64, sc.parallel_access}
    %add3A_180 = arith.constant 64 : i32
    %add3A_181 = arith.addi %mul3A_2, %add3A_180 : i32
    %dma_start3A_182 = arith.constant 1 : i32
    %dma_start3A_183 = arith.constant 0 : i32
    %dma_start3A_184 = arith.constant 0 : i32
    %dma_start3A_185 = tpu.memref_slice %arg7[%dma_start3A_182, %dma_start3A_183, %dma_start3A_184] : memref<3x64x512xf32, #tpu.memory_space<vmem>> -> memref<1x64x512xf32, #tpu.memory_space<vmem>>
    %dma_start3A_186 = tpu.memref_squeeze %dma_start3A_185 : memref<1x64x512xf32, #tpu.memory_space<vmem>> -> memref<64x512xf32, #tpu.memory_space<vmem>>
    %dma_start3A_187 = arith.constant 0 : i32
    %dma_start3A_188 = tpu.memref_slice %arg5[%add3A_181, %dma_start3A_187] : memref<8192x512xf32, #tpu.memory_space<hbm>> -> memref<64x512xf32, #tpu.memory_space<hbm>>
    %dma_start3A_189 = arith.constant 0 : i32
    %dma_start3A_190 = tpu.memref_slice %arg5[%add3A_181, %dma_start3A_189] : memref<8192x512xf32, #tpu.memory_space<hbm>> -> memref<64x512xf32, #tpu.memory_space<hbm>>
    %dma_start3A_191 = arith.constant 0 : i32
    %dma_start3A_192 = arith.constant 0 : i32
    %dma_start3A_193 = tpu.memref_slice %arg7[%dma_start3A_182, %dma_start3A_191, %dma_start3A_192] : memref<3x64x512xf32, #tpu.memory_space<vmem>> -> memref<1x64x512xf32, #tpu.memory_space<vmem>>
    %dma_start3A_194 = tpu.memref_squeeze %dma_start3A_193 : memref<1x64x512xf32, #tpu.memory_space<vmem>> -> memref<64x512xf32, #tpu.memory_space<vmem>>
    tpu.enqueue_dma source(%dma_start3A_194 : memref<64x512xf32, #tpu.memory_space<vmem>>) target(%dma_start3A_190 : memref<64x512xf32, #tpu.memory_space<hbm>>) target_semaphore(%arg16 : memref<!tpu.dma_semaphore, #tpu.memory_space<semaphore_mem>>)
    %dma_wait3A_195 = arith.constant 2 : i32
    %dma_wait3A_196 = arith.constant 0 : i32
    %dma_wait3A_197 = arith.constant 0 : i32
    %dma_wait3A_198 = tpu.memref_slice %arg7[%dma_wait3A_195, %dma_wait3A_196, %dma_wait3A_197] : memref<3x64x512xf32, #tpu.memory_space<vmem>> -> memref<1x64x512xf32, #tpu.memory_space<vmem>>
    %dma_wait3A_199 = tpu.memref_squeeze %dma_wait3A_198 : memref<1x64x512xf32, #tpu.memory_space<vmem>> -> memref<64x512xf32, #tpu.memory_space<vmem>>
    %dma_wait3A_200 = arith.constant 128 : i32
    %dma_wait3A_201 = tpu.memref_slice %arg6[%dma_wait3A_200] : memref<256xi32, #tpu.memory_space<vmem>> -> memref<64xi32, #tpu.memory_space<vmem>>
    %dma_wait3A_202 = arith.constant 0 : i32
    %dma_wait3A_203 = arith.constant 0 : i32
    %dma_wait3A_204 = tpu.memref_slice %arg2[%dma_wait3A_202, %dma_wait3A_203] : memref<28996x512xf32, #tpu.memory_space<hbm>> -> memref<28996x512xf32, #tpu.memory_space<hbm>>
    tpu.wait_indirect_dma semaphore(%arg11 : memref<!tpu.dma_semaphore, #tpu.memory_space<semaphore_mem>>) src(%dma_wait3A_204 : memref<28996x512xf32, #tpu.memory_space<hbm>>) dst(%dma_wait3A_199 : memref<64x512xf32, #tpu.memory_space<vmem>>)
    %dma_wait3A_205 = arith.constant 2 : i32
    %dma_wait3A_206 = arith.constant 0 : i32
    %dma_wait3A_207 = arith.constant 0 : i32
    %dma_wait3A_208 = tpu.memref_slice %arg8[%dma_wait3A_205, %dma_wait3A_206, %dma_wait3A_207] : memref<3x64x80xf32, #tpu.memory_space<vmem>> -> memref<1x64x80xf32, #tpu.memory_space<vmem>>
    %dma_wait3A_209 = tpu.memref_squeeze %dma_wait3A_208 : memref<1x64x80xf32, #tpu.memory_space<vmem>> -> memref<64x80xf32, #tpu.memory_space<vmem>>
    %dma_wait3A_210 = arith.constant 0 : i32
    %dma_wait3A_211 = tpu.memref_slice %arg4[%add3A_63, %dma_wait3A_210] : memref<8192x80xf32, #tpu.memory_space<hbm>> -> memref<64x80xf32, #tpu.memory_space<hbm>>
    %dma_wait3A_212 = arith.constant 0 : i32
    %dma_wait3A_213 = arith.constant 0 : i32
    %dma_wait3A_214 = tpu.memref_slice %arg8[%dma_wait3A_205, %dma_wait3A_212, %dma_wait3A_213] : memref<3x64x80xf32, #tpu.memory_space<vmem>> -> memref<1x64x80xf32, #tpu.memory_space<vmem>>
    %dma_wait3A_215 = tpu.memref_squeeze %dma_wait3A_214 : memref<1x64x80xf32, #tpu.memory_space<vmem>> -> memref<64x80xf32, #tpu.memory_space<vmem>>
    %dma_wait3A_216 = arith.constant 0 : i32
    %dma_wait3A_217 = tpu.memref_slice %arg4[%add3A_63, %dma_wait3A_216] : memref<8192x80xf32, #tpu.memory_space<hbm>> -> memref<64x80xf32, #tpu.memory_space<hbm>>
    tpu.wait_dma2 semaphore(%arg14 : memref<!tpu.dma_semaphore, #tpu.memory_space<semaphore_mem>>) src(%dma_wait3A_217 : memref<64x80xf32, #tpu.memory_space<hbm>>) dst(%dma_wait3A_215 : memref<64x80xf32, #tpu.memory_space<vmem>>)
    %parallel_loop3A_218 = arith.constant 0 : i32
    %parallel_loop3A_219 = arith.constant 64 : i32
    %parallel_loop3A_220 = arith.constant 1 : i32
    scf.for %parallel_loop3A_316 = %parallel_loop3A_218 to %parallel_loop3A_219 step %parallel_loop3A_220  : i32 {
      %parallel_loop3A_317 = arith.constant 2 : i32
      %parallel_loop3A_318 = arith.index_cast %parallel_loop3A_317 : i32 to index
      %parallel_loop3A_319 = arith.index_cast %parallel_loop3A_316 : i32 to index
      %parallel_loop3A_320 = arith.constant 64 : index
      %parallel_loop3A_321 = tpu.vector_load %arg8[%parallel_loop3A_318, %parallel_loop3A_319, %parallel_loop3A_320] {strides = array<i32>} : memref<3x64x80xf32, #tpu.memory_space<vmem>>, vector<1x1x16xf32>,
      %parallel_loop3A_322 = vector.shape_cast %parallel_loop3A_321 : vector<1x1x16xf32> to vector<16xf32>
      %parallel_loop3A_323 = arith.constant 2 : i32
      %parallel_loop3A_324 = arith.index_cast %parallel_loop3A_323 : i32 to index
      %parallel_loop3A_325 = arith.index_cast %parallel_loop3A_316 : i32 to index
      %parallel_loop3A_326 = arith.constant 0 : index
      %parallel_loop3A_327 = tpu.vector_load %arg8[%parallel_loop3A_324, %parallel_loop3A_325, %parallel_loop3A_326] {strides = array<i32>} : memref<3x64x80xf32, #tpu.memory_space<vmem>>, vector<1x1x16xf32>,
      %parallel_loop3A_328 = vector.shape_cast %parallel_loop3A_327 : vector<1x1x16xf32> to vector<16xf32>
      %parallel_loop3A_329 = arith.constant 2 : i32
      %parallel_loop3A_330 = arith.index_cast %parallel_loop3A_329 : i32 to index
      %parallel_loop3A_331 = arith.index_cast %parallel_loop3A_316 : i32 to index
      %parallel_loop3A_332 = arith.constant 0 : index
      %parallel_loop3A_333 = tpu.vector_load %arg7[%parallel_loop3A_330, %parallel_loop3A_331, %parallel_loop3A_332] {strides = array<i32>} : memref<3x64x512xf32, #tpu.memory_space<vmem>>, vector<1x1x16xf32>,
      %parallel_loop3A_334 = vector.shape_cast %parallel_loop3A_333 : vector<1x1x16xf32> to vector<16xf32>
      %parallel_loop3A_335 = arith.addf %parallel_loop3A_334, %parallel_loop3A_328 : vector<16xf32>
      %parallel_loop3A_336 = arith.constant 2 : i32
      %parallel_loop3A_337 = arith.index_cast %parallel_loop3A_336 : i32 to index
      %parallel_loop3A_338 = arith.index_cast %parallel_loop3A_316 : i32 to index
      %parallel_loop3A_339 = arith.constant 0 : index
      %parallel_loop3A_340 = tpu.vector_load %arg7[%parallel_loop3A_337, %parallel_loop3A_338, %parallel_loop3A_339] {strides = array<i32>} : memref<3x64x512xf32, #tpu.memory_space<vmem>>, vector<1x1x16xf32>,
      %parallel_loop3A_341 = vector.shape_cast %parallel_loop3A_340 : vector<1x1x16xf32> to vector<16xf32>
      %parallel_loop3A_342 = vector.shape_cast %parallel_loop3A_335 : vector<16xf32> to vector<1x1x16xf32>
      tpu.vector_store %arg7[%parallel_loop3A_337, %parallel_loop3A_338, %parallel_loop3A_339], %parallel_loop3A_342 {strides = array<i32>} : memref<3x64x512xf32, #tpu.memory_space<vmem>>, vector<1x1x16xf32>,
      %parallel_loop3A_343 = arith.constant 2 : i32
      %parallel_loop3A_344 = arith.index_cast %parallel_loop3A_343 : i32 to index
      %parallel_loop3A_345 = arith.index_cast %parallel_loop3A_316 : i32 to index
      %parallel_loop3A_346 = arith.constant 16 : index
      %parallel_loop3A_347 = tpu.vector_load %arg8[%parallel_loop3A_344, %parallel_loop3A_345, %parallel_loop3A_346] {strides = array<i32>} : memref<3x64x80xf32, #tpu.memory_space<vmem>>, vector<1x1x16xf32>,
      %parallel_loop3A_348 = vector.shape_cast %parallel_loop3A_347 : vector<1x1x16xf32> to vector<16xf32>
      %parallel_loop3A_349 = arith.constant 2 : i32
      %parallel_loop3A_350 = arith.index_cast %parallel_loop3A_349 : i32 to index
      %parallel_loop3A_351 = arith.index_cast %parallel_loop3A_316 : i32 to index
      %parallel_loop3A_352 = arith.constant 16 : index
      %parallel_loop3A_353 = tpu.vector_load %arg7[%parallel_loop3A_350, %parallel_loop3A_351, %parallel_loop3A_352] {strides = array<i32>} : memref<3x64x512xf32, #tpu.memory_space<vmem>>, vector<1x1x16xf32>,
      %parallel_loop3A_354 = vector.shape_cast %parallel_loop3A_353 : vector<1x1x16xf32> to vector<16xf32>
      %parallel_loop3A_355 = arith.addf %parallel_loop3A_354, %parallel_loop3A_348 : vector<16xf32>
      %parallel_loop3A_356 = arith.constant 2 : i32
      %parallel_loop3A_357 = arith.index_cast %parallel_loop3A_356 : i32 to index
      %parallel_loop3A_358 = arith.index_cast %parallel_loop3A_316 : i32 to index
      %parallel_loop3A_359 = arith.constant 16 : index
      %parallel_loop3A_360 = tpu.vector_load %arg7[%parallel_loop3A_357, %parallel_loop3A_358, %parallel_loop3A_359] {strides = array<i32>} : memref<3x64x512xf32, #tpu.memory_space<vmem>>, vector<1x1x16xf32>,
      %parallel_loop3A_361 = vector.shape_cast %parallel_loop3A_360 : vector<1x1x16xf32> to vector<16xf32>
      %parallel_loop3A_362 = vector.shape_cast %parallel_loop3A_355 : vector<16xf32> to vector<1x1x16xf32>
      tpu.vector_store %arg7[%parallel_loop3A_357, %parallel_loop3A_358, %parallel_loop3A_359], %parallel_loop3A_362 {strides = array<i32>} : memref<3x64x512xf32, #tpu.memory_space<vmem>>, vector<1x1x16xf32>,
      %parallel_loop3A_363 = arith.constant 2 : i32
      %parallel_loop3A_364 = arith.index_cast %parallel_loop3A_363 : i32 to index
      %parallel_loop3A_365 = arith.index_cast %parallel_loop3A_316 : i32 to index
      %parallel_loop3A_366 = arith.constant 32 : index
      %parallel_loop3A_367 = tpu.vector_load %arg8[%parallel_loop3A_364, %parallel_loop3A_365, %parallel_loop3A_366] {strides = array<i32>} : memref<3x64x80xf32, #tpu.memory_space<vmem>>, vector<1x1x16xf32>,
      %parallel_loop3A_368 = vector.shape_cast %parallel_loop3A_367 : vector<1x1x16xf32> to vector<16xf32>
      %parallel_loop3A_369 = arith.constant 2 : i32
      %parallel_loop3A_370 = arith.index_cast %parallel_loop3A_369 : i32 to index
      %parallel_loop3A_371 = arith.index_cast %parallel_loop3A_316 : i32 to index
      %parallel_loop3A_372 = arith.constant 32 : index
      %parallel_loop3A_373 = tpu.vector_load %arg7[%parallel_loop3A_370, %parallel_loop3A_371, %parallel_loop3A_372] {strides = array<i32>} : memref<3x64x512xf32, #tpu.memory_space<vmem>>, vector<1x1x16xf32>,
      %parallel_loop3A_374 = vector.shape_cast %parallel_loop3A_373 : vector<1x1x16xf32> to vector<16xf32>
      %parallel_loop3A_375 = arith.addf %parallel_loop3A_374, %parallel_loop3A_368 : vector<16xf32>
      %parallel_loop3A_376 = arith.constant 2 : i32
      %parallel_loop3A_377 = arith.index_cast %parallel_loop3A_376 : i32 to index
      %parallel_loop3A_378 = arith.index_cast %parallel_loop3A_316 : i32 to index
      %parallel_loop3A_379 = arith.constant 32 : index
      %parallel_loop3A_380 = tpu.vector_load %arg7[%parallel_loop3A_377, %parallel_loop3A_378, %parallel_loop3A_379] {strides = array<i32>} : memref<3x64x512xf32, #tpu.memory_space<vmem>>, vector<1x1x16xf32>,
      %parallel_loop3A_381 = vector.shape_cast %parallel_loop3A_380 : vector<1x1x16xf32> to vector<16xf32>
      %parallel_loop3A_382 = vector.shape_cast %parallel_loop3A_375 : vector<16xf32> to vector<1x1x16xf32>
      tpu.vector_store %arg7[%parallel_loop3A_377, %parallel_loop3A_378, %parallel_loop3A_379], %parallel_loop3A_382 {strides = array<i32>} : memref<3x64x512xf32, #tpu.memory_space<vmem>>, vector<1x1x16xf32>,
      %parallel_loop3A_383 = arith.constant 2 : i32
      %parallel_loop3A_384 = arith.index_cast %parallel_loop3A_383 : i32 to index
      %parallel_loop3A_385 = arith.index_cast %parallel_loop3A_316 : i32 to index
      %parallel_loop3A_386 = arith.constant 48 : index
      %parallel_loop3A_387 = tpu.vector_load %arg8[%parallel_loop3A_384, %parallel_loop3A_385, %parallel_loop3A_386] {strides = array<i32>} : memref<3x64x80xf32, #tpu.memory_space<vmem>>, vector<1x1x16xf32>,
      %parallel_loop3A_388 = vector.shape_cast %parallel_loop3A_387 : vector<1x1x16xf32> to vector<16xf32>
      %parallel_loop3A_389 = arith.constant 2 : i32
      %parallel_loop3A_390 = arith.index_cast %parallel_loop3A_389 : i32 to index
      %parallel_loop3A_391 = arith.index_cast %parallel_loop3A_316 : i32 to index
      %parallel_loop3A_392 = arith.constant 48 : index
      %parallel_loop3A_393 = tpu.vector_load %arg7[%parallel_loop3A_390, %parallel_loop3A_391, %parallel_loop3A_392] {strides = array<i32>} : memref<3x64x512xf32, #tpu.memory_space<vmem>>, vector<1x1x16xf32>,
      %parallel_loop3A_394 = vector.shape_cast %parallel_loop3A_393 : vector<1x1x16xf32> to vector<16xf32>
      %parallel_loop3A_395 = arith.addf %parallel_loop3A_394, %parallel_loop3A_388 : vector<16xf32>
      %parallel_loop3A_396 = arith.constant 2 : i32
      %parallel_loop3A_397 = arith.index_cast %parallel_loop3A_396 : i32 to index
      %parallel_loop3A_398 = arith.index_cast %parallel_loop3A_316 : i32 to index
      %parallel_loop3A_399 = arith.constant 48 : index
      %parallel_loop3A_400 = tpu.vector_load %arg7[%parallel_loop3A_397, %parallel_loop3A_398, %parallel_loop3A_399] {strides = array<i32>} : memref<3x64x512xf32, #tpu.memory_space<vmem>>, vector<1x1x16xf32>,
      %parallel_loop3A_401 = vector.shape_cast %parallel_loop3A_400 : vector<1x1x16xf32> to vector<16xf32>
      %parallel_loop3A_402 = vector.shape_cast %parallel_loop3A_395 : vector<16xf32> to vector<1x1x16xf32>
      tpu.vector_store %arg7[%parallel_loop3A_397, %parallel_loop3A_398, %parallel_loop3A_399], %parallel_loop3A_402 {strides = array<i32>} : memref<3x64x512xf32, #tpu.memory_space<vmem>>, vector<1x1x16xf32>,
      %parallel_loop3A_403 = arith.mulf %parallel_loop3A_322, %parallel_loop3A_368 : vector<16xf32>
      %parallel_loop3A_404 = arith.subf %parallel_loop3A_403, %parallel_loop3A_328 : vector<16xf32>
      %parallel_loop3A_405 = arith.constant 2 : i32
      %parallel_loop3A_406 = arith.index_cast %parallel_loop3A_405 : i32 to index
      %parallel_loop3A_407 = arith.index_cast %parallel_loop3A_316 : i32 to index
      %parallel_loop3A_408 = arith.constant 64 : index
      %parallel_loop3A_409 = tpu.vector_load %arg7[%parallel_loop3A_406, %parallel_loop3A_407, %parallel_loop3A_408] {strides = array<i32>} : memref<3x64x512xf32, #tpu.memory_space<vmem>>, vector<1x1x16xf32>,
      %parallel_loop3A_410 = vector.shape_cast %parallel_loop3A_409 : vector<1x1x16xf32> to vector<16xf32>
      %parallel_loop3A_411 = arith.addf %parallel_loop3A_410, %parallel_loop3A_404 : vector<16xf32>
      %parallel_loop3A_412 = arith.constant 2 : i32
      %parallel_loop3A_413 = arith.index_cast %parallel_loop3A_412 : i32 to index
      %parallel_loop3A_414 = arith.index_cast %parallel_loop3A_316 : i32 to index
      %parallel_loop3A_415 = arith.constant 64 : index
      %parallel_loop3A_416 = tpu.vector_load %arg7[%parallel_loop3A_413, %parallel_loop3A_414, %parallel_loop3A_415] {strides = array<i32>} : memref<3x64x512xf32, #tpu.memory_space<vmem>>, vector<1x1x16xf32>,
      %parallel_loop3A_417 = vector.shape_cast %parallel_loop3A_416 : vector<1x1x16xf32> to vector<16xf32>
      %parallel_loop3A_418 = vector.shape_cast %parallel_loop3A_411 : vector<16xf32> to vector<1x1x16xf32>
      tpu.vector_store %arg7[%parallel_loop3A_413, %parallel_loop3A_414, %parallel_loop3A_415], %parallel_loop3A_418 {strides = array<i32>} : memref<3x64x512xf32, #tpu.memory_space<vmem>>, vector<1x1x16xf32>,
      %parallel_loop3A_419 = arith.mulf %parallel_loop3A_322, %parallel_loop3A_388 : vector<16xf32>
      %parallel_loop3A_420 = arith.subf %parallel_loop3A_419, %parallel_loop3A_348 : vector<16xf32>
      %parallel_loop3A_421 = arith.constant 2 : i32
      %parallel_loop3A_422 = arith.index_cast %parallel_loop3A_421 : i32 to index
      %parallel_loop3A_423 = arith.index_cast %parallel_loop3A_316 : i32 to index
      %parallel_loop3A_424 = arith.constant 80 : index
      %parallel_loop3A_425 = tpu.vector_load %arg7[%parallel_loop3A_422, %parallel_loop3A_423, %parallel_loop3A_424] {strides = array<i32>} : memref<3x64x512xf32, #tpu.memory_space<vmem>>, vector<1x1x16xf32>,
      %parallel_loop3A_426 = vector.shape_cast %parallel_loop3A_425 : vector<1x1x16xf32> to vector<16xf32>
      %parallel_loop3A_427 = arith.addf %parallel_loop3A_426, %parallel_loop3A_420 : vector<16xf32>
      %parallel_loop3A_428 = arith.constant 2 : i32
      %parallel_loop3A_429 = arith.index_cast %parallel_loop3A_428 : i32 to index
      %parallel_loop3A_430 = arith.index_cast %parallel_loop3A_316 : i32 to index
      %parallel_loop3A_431 = arith.constant 80 : index
      %parallel_loop3A_432 = tpu.vector_load %arg7[%parallel_loop3A_429, %parallel_loop3A_430, %parallel_loop3A_431] {strides = array<i32>} : memref<3x64x512xf32, #tpu.memory_space<vmem>>, vector<1x1x16xf32>,
      %parallel_loop3A_433 = vector.shape_cast %parallel_loop3A_432 : vector<1x1x16xf32> to vector<16xf32>
      %parallel_loop3A_434 = vector.shape_cast %parallel_loop3A_427 : vector<16xf32> to vector<1x1x16xf32>
      tpu.vector_store %arg7[%parallel_loop3A_429, %parallel_loop3A_430, %parallel_loop3A_431], %parallel_loop3A_434 {strides = array<i32>} : memref<3x64x512xf32, #tpu.memory_space<vmem>>, vector<1x1x16xf32>,
      %parallel_loop3A_435 = arith.mulf %parallel_loop3A_322, %parallel_loop3A_404 : vector<16xf32>
      %parallel_loop3A_436 = arith.subf %parallel_loop3A_435, %parallel_loop3A_368 : vector<16xf32>
      %parallel_loop3A_437 = arith.constant 2 : i32
      %parallel_loop3A_438 = arith.index_cast %parallel_loop3A_437 : i32 to index
      %parallel_loop3A_439 = arith.index_cast %parallel_loop3A_316 : i32 to index
      %parallel_loop3A_440 = arith.constant 96 : index
      %parallel_loop3A_441 = tpu.vector_load %arg7[%parallel_loop3A_438, %parallel_loop3A_439, %parallel_loop3A_440] {strides = array<i32>} : memref<3x64x512xf32, #tpu.memory_space<vmem>>, vector<1x1x16xf32>,
      %parallel_loop3A_442 = vector.shape_cast %parallel_loop3A_441 : vector<1x1x16xf32> to vector<16xf32>
      %parallel_loop3A_443 = arith.addf %parallel_loop3A_442, %parallel_loop3A_436 : vector<16xf32>
      %parallel_loop3A_444 = arith.constant 2 : i32
      %parallel_loop3A_445 = arith.index_cast %parallel_loop3A_444 : i32 to index
      %parallel_loop3A_446 = arith.index_cast %parallel_loop3A_316 : i32 to index
      %parallel_loop3A_447 = arith.constant 96 : index
      %parallel_loop3A_448 = tpu.vector_load %arg7[%parallel_loop3A_445, %parallel_loop3A_446, %parallel_loop3A_447] {strides = array<i32>} : memref<3x64x512xf32, #tpu.memory_space<vmem>>, vector<1x1x16xf32>,
      %parallel_loop3A_449 = vector.shape_cast %parallel_loop3A_448 : vector<1x1x16xf32> to vector<16xf32>
      %parallel_loop3A_450 = vector.shape_cast %parallel_loop3A_443 : vector<16xf32> to vector<1x1x16xf32>
      tpu.vector_store %arg7[%parallel_loop3A_445, %parallel_loop3A_446, %parallel_loop3A_447], %parallel_loop3A_450 {strides = array<i32>} : memref<3x64x512xf32, #tpu.memory_space<vmem>>, vector<1x1x16xf32>,
      %parallel_loop3A_451 = arith.mulf %parallel_loop3A_322, %parallel_loop3A_420 : vector<16xf32>
      %parallel_loop3A_452 = arith.subf %parallel_loop3A_451, %parallel_loop3A_388 : vector<16xf32>
      %parallel_loop3A_453 = arith.constant 2 : i32
      %parallel_loop3A_454 = arith.index_cast %parallel_loop3A_453 : i32 to index
      %parallel_loop3A_455 = arith.index_cast %parallel_loop3A_316 : i32 to index
      %parallel_loop3A_456 = arith.constant 112 : index
      %parallel_loop3A_457 = tpu.vector_load %arg7[%parallel_loop3A_454, %parallel_loop3A_455, %parallel_loop3A_456] {strides = array<i32>} : memref<3x64x512xf32, #tpu.memory_space<vmem>>, vector<1x1x16xf32>,
      %parallel_loop3A_458 = vector.shape_cast %parallel_loop3A_457 : vector<1x1x16xf32> to vector<16xf32>
      %parallel_loop3A_459 = arith.addf %parallel_loop3A_458, %parallel_loop3A_452 : vector<16xf32>
      %parallel_loop3A_460 = arith.constant 2 : i32
      %parallel_loop3A_461 = arith.index_cast %parallel_loop3A_460 : i32 to index
      %parallel_loop3A_462 = arith.index_cast %parallel_loop3A_316 : i32 to index
      %parallel_loop3A_463 = arith.constant 112 : index
      %parallel_loop3A_464 = tpu.vector_load %arg7[%parallel_loop3A_461, %parallel_loop3A_462, %parallel_loop3A_463] {strides = array<i32>} : memref<3x64x512xf32, #tpu.memory_space<vmem>>, vector<1x1x16xf32>,
      %parallel_loop3A_465 = vector.shape_cast %parallel_loop3A_464 : vector<1x1x16xf32> to vector<16xf32>
      %parallel_loop3A_466 = vector.shape_cast %parallel_loop3A_459 : vector<16xf32> to vector<1x1x16xf32>
      tpu.vector_store %arg7[%parallel_loop3A_461, %parallel_loop3A_462, %parallel_loop3A_463], %parallel_loop3A_466 {strides = array<i32>} : memref<3x64x512xf32, #tpu.memory_space<vmem>>, vector<1x1x16xf32>,
      %parallel_loop3A_467 = arith.mulf %parallel_loop3A_322, %parallel_loop3A_436 : vector<16xf32>
      %parallel_loop3A_468 = arith.subf %parallel_loop3A_467, %parallel_loop3A_404 : vector<16xf32>
      %parallel_loop3A_469 = arith.constant 2 : i32
      %parallel_loop3A_470 = arith.index_cast %parallel_loop3A_469 : i32 to index
      %parallel_loop3A_471 = arith.index_cast %parallel_loop3A_316 : i32 to index
      %parallel_loop3A_472 = arith.constant 128 : index
      %parallel_loop3A_473 = tpu.vector_load %arg7[%parallel_loop3A_470, %parallel_loop3A_471, %parallel_loop3A_472] {strides = array<i32>} : memref<3x64x512xf32, #tpu.memory_space<vmem>>, vector<1x1x16xf32>,
      %parallel_loop3A_474 = vector.shape_cast %parallel_loop3A_473 : vector<1x1x16xf32> to vector<16xf32>
      %parallel_loop3A_475 = arith.addf %parallel_loop3A_474, %parallel_loop3A_468 : vector<16xf32>
      %parallel_loop3A_476 = arith.constant 2 : i32
      %parallel_loop3A_477 = arith.index_cast %parallel_loop3A_476 : i32 to index
      %parallel_loop3A_478 = arith.index_cast %parallel_loop3A_316 : i32 to index
      %parallel_loop3A_479 = arith.constant 128 : index
      %parallel_loop3A_480 = tpu.vector_load %arg7[%parallel_loop3A_477, %parallel_loop3A_478, %parallel_loop3A_479] {strides = array<i32>} : memref<3x64x512xf32, #tpu.memory_space<vmem>>, vector<1x1x16xf32>,
      %parallel_loop3A_481 = vector.shape_cast %parallel_loop3A_480 : vector<1x1x16xf32> to vector<16xf32>
      %parallel_loop3A_482 = vector.shape_cast %parallel_loop3A_475 : vector<16xf32> to vector<1x1x16xf32>
      tpu.vector_store %arg7[%parallel_loop3A_477, %parallel_loop3A_478, %parallel_loop3A_479], %parallel_loop3A_482 {strides = array<i32>} : memref<3x64x512xf32, #tpu.memory_space<vmem>>, vector<1x1x16xf32>,
      %parallel_loop3A_483 = arith.mulf %parallel_loop3A_322, %parallel_loop3A_452 : vector<16xf32>
      %parallel_loop3A_484 = arith.subf %parallel_loop3A_483, %parallel_loop3A_420 : vector<16xf32>
      %parallel_loop3A_485 = arith.constant 2 : i32
      %parallel_loop3A_486 = arith.index_cast %parallel_loop3A_485 : i32 to index
      %parallel_loop3A_487 = arith.index_cast %parallel_loop3A_316 : i32 to index
      %parallel_loop3A_488 = arith.constant 144 : index
      %parallel_loop3A_489 = tpu.vector_load %arg7[%parallel_loop3A_486, %parallel_loop3A_487, %parallel_loop3A_488] {strides = array<i32>} : memref<3x64x512xf32, #tpu.memory_space<vmem>>, vector<1x1x16xf32>,
      %parallel_loop3A_490 = vector.shape_cast %parallel_loop3A_489 : vector<1x1x16xf32> to vector<16xf32>
      %parallel_loop3A_491 = arith.addf %parallel_loop3A_490, %parallel_loop3A_484 : vector<16xf32>
      %parallel_loop3A_492 = arith.constant 2 : i32
      %parallel_loop3A_493 = arith.index_cast %parallel_loop3A_492 : i32 to index
      %parallel_loop3A_494 = arith.index_cast %parallel_loop3A_316 : i32 to index
      %parallel_loop3A_495 = arith.constant 144 : index
      %parallel_loop3A_496 = tpu.vector_load %arg7[%parallel_loop3A_493, %parallel_loop3A_494, %parallel_loop3A_495] {strides = array<i32>} : memref<3x64x512xf32, #tpu.memory_space<vmem>>, vector<1x1x16xf32>,
      %parallel_loop3A_497 = vector.shape_cast %parallel_loop3A_496 : vector<1x1x16xf32> to vector<16xf32>
      %parallel_loop3A_498 = vector.shape_cast %parallel_loop3A_491 : vector<16xf32> to vector<1x1x16xf32>
      tpu.vector_store %arg7[%parallel_loop3A_493, %parallel_loop3A_494, %parallel_loop3A_495], %parallel_loop3A_498 {strides = array<i32>} : memref<3x64x512xf32, #tpu.memory_space<vmem>>, vector<1x1x16xf32>,
      %parallel_loop3A_499 = arith.mulf %parallel_loop3A_322, %parallel_loop3A_468 : vector<16xf32>
      %parallel_loop3A_500 = arith.subf %parallel_loop3A_499, %parallel_loop3A_436 : vector<16xf32>
      %parallel_loop3A_501 = arith.constant 2 : i32
      %parallel_loop3A_502 = arith.index_cast %parallel_loop3A_501 : i32 to index
      %parallel_loop3A_503 = arith.index_cast %parallel_loop3A_316 : i32 to index
      %parallel_loop3A_504 = arith.constant 160 : index
      %parallel_loop3A_505 = tpu.vector_load %arg7[%parallel_loop3A_502, %parallel_loop3A_503, %parallel_loop3A_504] {strides = array<i32>} : memref<3x64x512xf32, #tpu.memory_space<vmem>>, vector<1x1x16xf32>,
      %parallel_loop3A_506 = vector.shape_cast %parallel_loop3A_505 : vector<1x1x16xf32> to vector<16xf32>
      %parallel_loop3A_507 = arith.addf %parallel_loop3A_506, %parallel_loop3A_500 : vector<16xf32>
      %parallel_loop3A_508 = arith.constant 2 : i32
      %parallel_loop3A_509 = arith.index_cast %parallel_loop3A_508 : i32 to index
      %parallel_loop3A_510 = arith.index_cast %parallel_loop3A_316 : i32 to index
      %parallel_loop3A_511 = arith.constant 160 : index
      %parallel_loop3A_512 = tpu.vector_load %arg7[%parallel_loop3A_509, %parallel_loop3A_510, %parallel_loop3A_511] {strides = array<i32>} : memref<3x64x512xf32, #tpu.memory_space<vmem>>, vector<1x1x16xf32>,
      %parallel_loop3A_513 = vector.shape_cast %parallel_loop3A_512 : vector<1x1x16xf32> to vector<16xf32>
      %parallel_loop3A_514 = vector.shape_cast %parallel_loop3A_507 : vector<16xf32> to vector<1x1x16xf32>
      tpu.vector_store %arg7[%parallel_loop3A_509, %parallel_loop3A_510, %parallel_loop3A_511], %parallel_loop3A_514 {strides = array<i32>} : memref<3x64x512xf32, #tpu.memory_space<vmem>>, vector<1x1x16xf32>,
      %parallel_loop3A_515 = arith.mulf %parallel_loop3A_322, %parallel_loop3A_484 : vector<16xf32>
      %parallel_loop3A_516 = arith.subf %parallel_loop3A_515, %parallel_loop3A_452 : vector<16xf32>
      %parallel_loop3A_517 = arith.constant 2 : i32
      %parallel_loop3A_518 = arith.index_cast %parallel_loop3A_517 : i32 to index
      %parallel_loop3A_519 = arith.index_cast %parallel_loop3A_316 : i32 to index
      %parallel_loop3A_520 = arith.constant 176 : index
      %parallel_loop3A_521 = tpu.vector_load %arg7[%parallel_loop3A_518, %parallel_loop3A_519, %parallel_loop3A_520] {strides = array<i32>} : memref<3x64x512xf32, #tpu.memory_space<vmem>>, vector<1x1x16xf32>,
      %parallel_loop3A_522 = vector.shape_cast %parallel_loop3A_521 : vector<1x1x16xf32> to vector<16xf32>
      %parallel_loop3A_523 = arith.addf %parallel_loop3A_522, %parallel_loop3A_516 : vector<16xf32>
      %parallel_loop3A_524 = arith.constant 2 : i32
      %parallel_loop3A_525 = arith.index_cast %parallel_loop3A_524 : i32 to index
      %parallel_loop3A_526 = arith.index_cast %parallel_loop3A_316 : i32 to index
      %parallel_loop3A_527 = arith.constant 176 : index
      %parallel_loop3A_528 = tpu.vector_load %arg7[%parallel_loop3A_525, %parallel_loop3A_526, %parallel_loop3A_527] {strides = array<i32>} : memref<3x64x512xf32, #tpu.memory_space<vmem>>, vector<1x1x16xf32>,
      %parallel_loop3A_529 = vector.shape_cast %parallel_loop3A_528 : vector<1x1x16xf32> to vector<16xf32>
      %parallel_loop3A_530 = vector.shape_cast %parallel_loop3A_523 : vector<16xf32> to vector<1x1x16xf32>
      tpu.vector_store %arg7[%parallel_loop3A_525, %parallel_loop3A_526, %parallel_loop3A_527], %parallel_loop3A_530 {strides = array<i32>} : memref<3x64x512xf32, #tpu.memory_space<vmem>>, vector<1x1x16xf32>,
      %parallel_loop3A_531 = arith.mulf %parallel_loop3A_322, %parallel_loop3A_500 : vector<16xf32>
      %parallel_loop3A_532 = arith.subf %parallel_loop3A_531, %parallel_loop3A_468 : vector<16xf32>
      %parallel_loop3A_533 = arith.constant 2 : i32
      %parallel_loop3A_534 = arith.index_cast %parallel_loop3A_533 : i32 to index
      %parallel_loop3A_535 = arith.index_cast %parallel_loop3A_316 : i32 to index
      %parallel_loop3A_536 = arith.constant 192 : index
      %parallel_loop3A_537 = tpu.vector_load %arg7[%parallel_loop3A_534, %parallel_loop3A_535, %parallel_loop3A_536] {strides = array<i32>} : memref<3x64x512xf32, #tpu.memory_space<vmem>>, vector<1x1x16xf32>,
      %parallel_loop3A_538 = vector.shape_cast %parallel_loop3A_537 : vector<1x1x16xf32> to vector<16xf32>
      %parallel_loop3A_539 = arith.addf %parallel_loop3A_538, %parallel_loop3A_532 : vector<16xf32>
      %parallel_loop3A_540 = arith.constant 2 : i32
      %parallel_loop3A_541 = arith.index_cast %parallel_loop3A_540 : i32 to index
      %parallel_loop3A_542 = arith.index_cast %parallel_loop3A_316 : i32 to index
      %parallel_loop3A_543 = arith.constant 192 : index
      %parallel_loop3A_544 = tpu.vector_load %arg7[%parallel_loop3A_541, %parallel_loop3A_542, %parallel_loop3A_543] {strides = array<i32>} : memref<3x64x512xf32, #tpu.memory_space<vmem>>, vector<1x1x16xf32>,
      %parallel_loop3A_545 = vector.shape_cast %parallel_loop3A_544 : vector<1x1x16xf32> to vector<16xf32>
      %parallel_loop3A_546 = vector.shape_cast %parallel_loop3A_539 : vector<16xf32> to vector<1x1x16xf32>
      tpu.vector_store %arg7[%parallel_loop3A_541, %parallel_loop3A_542, %parallel_loop3A_543], %parallel_loop3A_546 {strides = array<i32>} : memref<3x64x512xf32, #tpu.memory_space<vmem>>, vector<1x1x16xf32>,
      %parallel_loop3A_547 = arith.mulf %parallel_loop3A_322, %parallel_loop3A_516 : vector<16xf32>
      %parallel_loop3A_548 = arith.subf %parallel_loop3A_547, %parallel_loop3A_484 : vector<16xf32>
      %parallel_loop3A_549 = arith.constant 2 : i32
      %parallel_loop3A_550 = arith.index_cast %parallel_loop3A_549 : i32 to index
      %parallel_loop3A_551 = arith.index_cast %parallel_loop3A_316 : i32 to index
      %parallel_loop3A_552 = arith.constant 208 : index
      %parallel_loop3A_553 = tpu.vector_load %arg7[%parallel_loop3A_550, %parallel_loop3A_551, %parallel_loop3A_552] {strides = array<i32>} : memref<3x64x512xf32, #tpu.memory_space<vmem>>, vector<1x1x16xf32>,
      %parallel_loop3A_554 = vector.shape_cast %parallel_loop3A_553 : vector<1x1x16xf32> to vector<16xf32>
      %parallel_loop3A_555 = arith.addf %parallel_loop3A_554, %parallel_loop3A_548 : vector<16xf32>
      %parallel_loop3A_556 = arith.constant 2 : i32
      %parallel_loop3A_557 = arith.index_cast %parallel_loop3A_556 : i32 to index
      %parallel_loop3A_558 = arith.index_cast %parallel_loop3A_316 : i32 to index
      %parallel_loop3A_559 = arith.constant 208 : index
      %parallel_loop3A_560 = tpu.vector_load %arg7[%parallel_loop3A_557, %parallel_loop3A_558, %parallel_loop3A_559] {strides = array<i32>} : memref<3x64x512xf32, #tpu.memory_space<vmem>>, vector<1x1x16xf32>,
      %parallel_loop3A_561 = vector.shape_cast %parallel_loop3A_560 : vector<1x1x16xf32> to vector<16xf32>
      %parallel_loop3A_562 = vector.shape_cast %parallel_loop3A_555 : vector<16xf32> to vector<1x1x16xf32>
      tpu.vector_store %arg7[%parallel_loop3A_557, %parallel_loop3A_558, %parallel_loop3A_559], %parallel_loop3A_562 {strides = array<i32>} : memref<3x64x512xf32, #tpu.memory_space<vmem>>, vector<1x1x16xf32>,
      %parallel_loop3A_563 = arith.mulf %parallel_loop3A_322, %parallel_loop3A_532 : vector<16xf32>
      %parallel_loop3A_564 = arith.subf %parallel_loop3A_563, %parallel_loop3A_500 : vector<16xf32>
      %parallel_loop3A_565 = arith.constant 2 : i32
      %parallel_loop3A_566 = arith.index_cast %parallel_loop3A_565 : i32 to index
      %parallel_loop3A_567 = arith.index_cast %parallel_loop3A_316 : i32 to index
      %parallel_loop3A_568 = arith.constant 224 : index
      %parallel_loop3A_569 = tpu.vector_load %arg7[%parallel_loop3A_566, %parallel_loop3A_567, %parallel_loop3A_568] {strides = array<i32>} : memref<3x64x512xf32, #tpu.memory_space<vmem>>, vector<1x1x16xf32>,
      %parallel_loop3A_570 = vector.shape_cast %parallel_loop3A_569 : vector<1x1x16xf32> to vector<16xf32>
      %parallel_loop3A_571 = arith.addf %parallel_loop3A_570, %parallel_loop3A_564 : vector<16xf32>
      %parallel_loop3A_572 = arith.constant 2 : i32
      %parallel_loop3A_573 = arith.index_cast %parallel_loop3A_572 : i32 to index
      %parallel_loop3A_574 = arith.index_cast %parallel_loop3A_316 : i32 to index
      %parallel_loop3A_575 = arith.constant 224 : index
      %parallel_loop3A_576 = tpu.vector_load %arg7[%parallel_loop3A_573, %parallel_loop3A_574, %parallel_loop3A_575] {strides = array<i32>} : memref<3x64x512xf32, #tpu.memory_space<vmem>>, vector<1x1x16xf32>,
      %parallel_loop3A_577 = vector.shape_cast %parallel_loop3A_576 : vector<1x1x16xf32> to vector<16xf32>
      %parallel_loop3A_578 = vector.shape_cast %parallel_loop3A_571 : vector<16xf32> to vector<1x1x16xf32>
      tpu.vector_store %arg7[%parallel_loop3A_573, %parallel_loop3A_574, %parallel_loop3A_575], %parallel_loop3A_578 {strides = array<i32>} : memref<3x64x512xf32, #tpu.memory_space<vmem>>, vector<1x1x16xf32>,
      %parallel_loop3A_579 = arith.mulf %parallel_loop3A_322, %parallel_loop3A_548 : vector<16xf32>
      %parallel_loop3A_580 = arith.subf %parallel_loop3A_579, %parallel_loop3A_516 : vector<16xf32>
      %parallel_loop3A_581 = arith.constant 2 : i32
      %parallel_loop3A_582 = arith.index_cast %parallel_loop3A_581 : i32 to index
      %parallel_loop3A_583 = arith.index_cast %parallel_loop3A_316 : i32 to index
      %parallel_loop3A_584 = arith.constant 240 : index
      %parallel_loop3A_585 = tpu.vector_load %arg7[%parallel_loop3A_582, %parallel_loop3A_583, %parallel_loop3A_584] {strides = array<i32>} : memref<3x64x512xf32, #tpu.memory_space<vmem>>, vector<1x1x16xf32>,
      %parallel_loop3A_586 = vector.shape_cast %parallel_loop3A_585 : vector<1x1x16xf32> to vector<16xf32>
      %parallel_loop3A_587 = arith.addf %parallel_loop3A_586, %parallel_loop3A_580 : vector<16xf32>
      %parallel_loop3A_588 = arith.constant 2 : i32
      %parallel_loop3A_589 = arith.index_cast %parallel_loop3A_588 : i32 to index
      %parallel_loop3A_590 = arith.index_cast %parallel_loop3A_316 : i32 to index
      %parallel_loop3A_591 = arith.constant 240 : index
      %parallel_loop3A_592 = tpu.vector_load %arg7[%parallel_loop3A_589, %parallel_loop3A_590, %parallel_loop3A_591] {strides = array<i32>} : memref<3x64x512xf32, #tpu.memory_space<vmem>>, vector<1x1x16xf32>,
      %parallel_loop3A_593 = vector.shape_cast %parallel_loop3A_592 : vector<1x1x16xf32> to vector<16xf32>
      %parallel_loop3A_594 = vector.shape_cast %parallel_loop3A_587 : vector<16xf32> to vector<1x1x16xf32>
      tpu.vector_store %arg7[%parallel_loop3A_589, %parallel_loop3A_590, %parallel_loop3A_591], %parallel_loop3A_594 {strides = array<i32>} : memref<3x64x512xf32, #tpu.memory_space<vmem>>, vector<1x1x16xf32>,
      %parallel_loop3A_595 = arith.mulf %parallel_loop3A_322, %parallel_loop3A_564 : vector<16xf32>
      %parallel_loop3A_596 = arith.subf %parallel_loop3A_595, %parallel_loop3A_532 : vector<16xf32>
      %parallel_loop3A_597 = arith.constant 2 : i32
      %parallel_loop3A_598 = arith.index_cast %parallel_loop3A_597 : i32 to index
      %parallel_loop3A_599 = arith.index_cast %parallel_loop3A_316 : i32 to index
      %parallel_loop3A_600 = arith.constant 256 : index
      %parallel_loop3A_601 = tpu.vector_load %arg7[%parallel_loop3A_598, %parallel_loop3A_599, %parallel_loop3A_600] {strides = array<i32>} : memref<3x64x512xf32, #tpu.memory_space<vmem>>, vector<1x1x16xf32>,
      %parallel_loop3A_602 = vector.shape_cast %parallel_loop3A_601 : vector<1x1x16xf32> to vector<16xf32>
      %parallel_loop3A_603 = arith.addf %parallel_loop3A_602, %parallel_loop3A_596 : vector<16xf32>
      %parallel_loop3A_604 = arith.constant 2 : i32
      %parallel_loop3A_605 = arith.index_cast %parallel_loop3A_604 : i32 to index
      %parallel_loop3A_606 = arith.index_cast %parallel_loop3A_316 : i32 to index
      %parallel_loop3A_607 = arith.constant 256 : index
      %parallel_loop3A_608 = tpu.vector_load %arg7[%parallel_loop3A_605, %parallel_loop3A_606, %parallel_loop3A_607] {strides = array<i32>} : memref<3x64x512xf32, #tpu.memory_space<vmem>>, vector<1x1x16xf32>,
      %parallel_loop3A_609 = vector.shape_cast %parallel_loop3A_608 : vector<1x1x16xf32> to vector<16xf32>
      %parallel_loop3A_610 = vector.shape_cast %parallel_loop3A_603 : vector<16xf32> to vector<1x1x16xf32>
      tpu.vector_store %arg7[%parallel_loop3A_605, %parallel_loop3A_606, %parallel_loop3A_607], %parallel_loop3A_610 {strides = array<i32>} : memref<3x64x512xf32, #tpu.memory_space<vmem>>, vector<1x1x16xf32>,
      %parallel_loop3A_611 = arith.mulf %parallel_loop3A_322, %parallel_loop3A_580 : vector<16xf32>
      %parallel_loop3A_612 = arith.subf %parallel_loop3A_611, %parallel_loop3A_548 : vector<16xf32>
      %parallel_loop3A_613 = arith.constant 2 : i32
      %parallel_loop3A_614 = arith.index_cast %parallel_loop3A_613 : i32 to index
      %parallel_loop3A_615 = arith.index_cast %parallel_loop3A_316 : i32 to index
      %parallel_loop3A_616 = arith.constant 272 : index
      %parallel_loop3A_617 = tpu.vector_load %arg7[%parallel_loop3A_614, %parallel_loop3A_615, %parallel_loop3A_616] {strides = array<i32>} : memref<3x64x512xf32, #tpu.memory_space<vmem>>, vector<1x1x16xf32>,
      %parallel_loop3A_618 = vector.shape_cast %parallel_loop3A_617 : vector<1x1x16xf32> to vector<16xf32>
      %parallel_loop3A_619 = arith.addf %parallel_loop3A_618, %parallel_loop3A_612 : vector<16xf32>
      %parallel_loop3A_620 = arith.constant 2 : i32
      %parallel_loop3A_621 = arith.index_cast %parallel_loop3A_620 : i32 to index
      %parallel_loop3A_622 = arith.index_cast %parallel_loop3A_316 : i32 to index
      %parallel_loop3A_623 = arith.constant 272 : index
      %parallel_loop3A_624 = tpu.vector_load %arg7[%parallel_loop3A_621, %parallel_loop3A_622, %parallel_loop3A_623] {strides = array<i32>} : memref<3x64x512xf32, #tpu.memory_space<vmem>>, vector<1x1x16xf32>,
      %parallel_loop3A_625 = vector.shape_cast %parallel_loop3A_624 : vector<1x1x16xf32> to vector<16xf32>
      %parallel_loop3A_626 = vector.shape_cast %parallel_loop3A_619 : vector<16xf32> to vector<1x1x16xf32>
      tpu.vector_store %arg7[%parallel_loop3A_621, %parallel_loop3A_622, %parallel_loop3A_623], %parallel_loop3A_626 {strides = array<i32>} : memref<3x64x512xf32, #tpu.memory_space<vmem>>, vector<1x1x16xf32>,
      %parallel_loop3A_627 = arith.mulf %parallel_loop3A_322, %parallel_loop3A_596 : vector<16xf32>
      %parallel_loop3A_628 = arith.subf %parallel_loop3A_627, %parallel_loop3A_564 : vector<16xf32>
      %parallel_loop3A_629 = arith.constant 2 : i32
      %parallel_loop3A_630 = arith.index_cast %parallel_loop3A_629 : i32 to index
      %parallel_loop3A_631 = arith.index_cast %parallel_loop3A_316 : i32 to index
      %parallel_loop3A_632 = arith.constant 288 : index
      %parallel_loop3A_633 = tpu.vector_load %arg7[%parallel_loop3A_630, %parallel_loop3A_631, %parallel_loop3A_632] {strides = array<i32>} : memref<3x64x512xf32, #tpu.memory_space<vmem>>, vector<1x1x16xf32>,
      %parallel_loop3A_634 = vector.shape_cast %parallel_loop3A_633 : vector<1x1x16xf32> to vector<16xf32>
      %parallel_loop3A_635 = arith.addf %parallel_loop3A_634, %parallel_loop3A_628 : vector<16xf32>
      %parallel_loop3A_636 = arith.constant 2 : i32
      %parallel_loop3A_637 = arith.index_cast %parallel_loop3A_636 : i32 to index
      %parallel_loop3A_638 = arith.index_cast %parallel_loop3A_316 : i32 to index
      %parallel_loop3A_639 = arith.constant 288 : index
      %parallel_loop3A_640 = tpu.vector_load %arg7[%parallel_loop3A_637, %parallel_loop3A_638, %parallel_loop3A_639] {strides = array<i32>} : memref<3x64x512xf32, #tpu.memory_space<vmem>>, vector<1x1x16xf32>,
      %parallel_loop3A_641 = vector.shape_cast %parallel_loop3A_640 : vector<1x1x16xf32> to vector<16xf32>
      %parallel_loop3A_642 = vector.shape_cast %parallel_loop3A_635 : vector<16xf32> to vector<1x1x16xf32>
      tpu.vector_store %arg7[%parallel_loop3A_637, %parallel_loop3A_638, %parallel_loop3A_639], %parallel_loop3A_642 {strides = array<i32>} : memref<3x64x512xf32, #tpu.memory_space<vmem>>, vector<1x1x16xf32>,
      %parallel_loop3A_643 = arith.mulf %parallel_loop3A_322, %parallel_loop3A_612 : vector<16xf32>
      %parallel_loop3A_644 = arith.subf %parallel_loop3A_643, %parallel_loop3A_580 : vector<16xf32>
      %parallel_loop3A_645 = arith.constant 2 : i32
      %parallel_loop3A_646 = arith.index_cast %parallel_loop3A_645 : i32 to index
      %parallel_loop3A_647 = arith.index_cast %parallel_loop3A_316 : i32 to index
      %parallel_loop3A_648 = arith.constant 304 : index
      %parallel_loop3A_649 = tpu.vector_load %arg7[%parallel_loop3A_646, %parallel_loop3A_647, %parallel_loop3A_648] {strides = array<i32>} : memref<3x64x512xf32, #tpu.memory_space<vmem>>, vector<1x1x16xf32>,
      %parallel_loop3A_650 = vector.shape_cast %parallel_loop3A_649 : vector<1x1x16xf32> to vector<16xf32>
      %parallel_loop3A_651 = arith.addf %parallel_loop3A_650, %parallel_loop3A_644 : vector<16xf32>
      %parallel_loop3A_652 = arith.constant 2 : i32
      %parallel_loop3A_653 = arith.index_cast %parallel_loop3A_652 : i32 to index
      %parallel_loop3A_654 = arith.index_cast %parallel_loop3A_316 : i32 to index
      %parallel_loop3A_655 = arith.constant 304 : index
      %parallel_loop3A_656 = tpu.vector_load %arg7[%parallel_loop3A_653, %parallel_loop3A_654, %parallel_loop3A_655] {strides = array<i32>} : memref<3x64x512xf32, #tpu.memory_space<vmem>>, vector<1x1x16xf32>,
      %parallel_loop3A_657 = vector.shape_cast %parallel_loop3A_656 : vector<1x1x16xf32> to vector<16xf32>
      %parallel_loop3A_658 = vector.shape_cast %parallel_loop3A_651 : vector<16xf32> to vector<1x1x16xf32>
      tpu.vector_store %arg7[%parallel_loop3A_653, %parallel_loop3A_654, %parallel_loop3A_655], %parallel_loop3A_658 {strides = array<i32>} : memref<3x64x512xf32, #tpu.memory_space<vmem>>, vector<1x1x16xf32>,
      %parallel_loop3A_659 = arith.mulf %parallel_loop3A_322, %parallel_loop3A_628 : vector<16xf32>
      %parallel_loop3A_660 = arith.subf %parallel_loop3A_659, %parallel_loop3A_596 : vector<16xf32>
      %parallel_loop3A_661 = arith.constant 2 : i32
      %parallel_loop3A_662 = arith.index_cast %parallel_loop3A_661 : i32 to index
      %parallel_loop3A_663 = arith.index_cast %parallel_loop3A_316 : i32 to index
      %parallel_loop3A_664 = arith.constant 320 : index
      %parallel_loop3A_665 = tpu.vector_load %arg7[%parallel_loop3A_662, %parallel_loop3A_663, %parallel_loop3A_664] {strides = array<i32>} : memref<3x64x512xf32, #tpu.memory_space<vmem>>, vector<1x1x16xf32>,
      %parallel_loop3A_666 = vector.shape_cast %parallel_loop3A_665 : vector<1x1x16xf32> to vector<16xf32>
      %parallel_loop3A_667 = arith.addf %parallel_loop3A_666, %parallel_loop3A_660 : vector<16xf32>
      %parallel_loop3A_668 = arith.constant 2 : i32
      %parallel_loop3A_669 = arith.index_cast %parallel_loop3A_668 : i32 to index
      %parallel_loop3A_670 = arith.index_cast %parallel_loop3A_316 : i32 to index
      %parallel_loop3A_671 = arith.constant 320 : index
      %parallel_loop3A_672 = tpu.vector_load %arg7[%parallel_loop3A_669, %parallel_loop3A_670, %parallel_loop3A_671] {strides = array<i32>} : memref<3x64x512xf32, #tpu.memory_space<vmem>>, vector<1x1x16xf32>,
      %parallel_loop3A_673 = vector.shape_cast %parallel_loop3A_672 : vector<1x1x16xf32> to vector<16xf32>
      %parallel_loop3A_674 = vector.shape_cast %parallel_loop3A_667 : vector<16xf32> to vector<1x1x16xf32>
      tpu.vector_store %arg7[%parallel_loop3A_669, %parallel_loop3A_670, %parallel_loop3A_671], %parallel_loop3A_674 {strides = array<i32>} : memref<3x64x512xf32, #tpu.memory_space<vmem>>, vector<1x1x16xf32>,
      %parallel_loop3A_675 = arith.mulf %parallel_loop3A_322, %parallel_loop3A_644 : vector<16xf32>
      %parallel_loop3A_676 = arith.subf %parallel_loop3A_675, %parallel_loop3A_612 : vector<16xf32>
      %parallel_loop3A_677 = arith.constant 2 : i32
      %parallel_loop3A_678 = arith.index_cast %parallel_loop3A_677 : i32 to index
      %parallel_loop3A_679 = arith.index_cast %parallel_loop3A_316 : i32 to index
      %parallel_loop3A_680 = arith.constant 336 : index
      %parallel_loop3A_681 = tpu.vector_load %arg7[%parallel_loop3A_678, %parallel_loop3A_679, %parallel_loop3A_680] {strides = array<i32>} : memref<3x64x512xf32, #tpu.memory_space<vmem>>, vector<1x1x16xf32>,
      %parallel_loop3A_682 = vector.shape_cast %parallel_loop3A_681 : vector<1x1x16xf32> to vector<16xf32>
      %parallel_loop3A_683 = arith.addf %parallel_loop3A_682, %parallel_loop3A_676 : vector<16xf32>
      %parallel_loop3A_684 = arith.constant 2 : i32
      %parallel_loop3A_685 = arith.index_cast %parallel_loop3A_684 : i32 to index
      %parallel_loop3A_686 = arith.index_cast %parallel_loop3A_316 : i32 to index
      %parallel_loop3A_687 = arith.constant 336 : index
      %parallel_loop3A_688 = tpu.vector_load %arg7[%parallel_loop3A_685, %parallel_loop3A_686, %parallel_loop3A_687] {strides = array<i32>} : memref<3x64x512xf32, #tpu.memory_space<vmem>>, vector<1x1x16xf32>,
      %parallel_loop3A_689 = vector.shape_cast %parallel_loop3A_688 : vector<1x1x16xf32> to vector<16xf32>
      %parallel_loop3A_690 = vector.shape_cast %parallel_loop3A_683 : vector<16xf32> to vector<1x1x16xf32>
      tpu.vector_store %arg7[%parallel_loop3A_685, %parallel_loop3A_686, %parallel_loop3A_687], %parallel_loop3A_690 {strides = array<i32>} : memref<3x64x512xf32, #tpu.memory_space<vmem>>, vector<1x1x16xf32>,
      %parallel_loop3A_691 = arith.mulf %parallel_loop3A_322, %parallel_loop3A_660 : vector<16xf32>
      %parallel_loop3A_692 = arith.subf %parallel_loop3A_691, %parallel_loop3A_628 : vector<16xf32>
      %parallel_loop3A_693 = arith.constant 2 : i32
      %parallel_loop3A_694 = arith.index_cast %parallel_loop3A_693 : i32 to index
      %parallel_loop3A_695 = arith.index_cast %parallel_loop3A_316 : i32 to index
      %parallel_loop3A_696 = arith.constant 352 : index
      %parallel_loop3A_697 = tpu.vector_load %arg7[%parallel_loop3A_694, %parallel_loop3A_695, %parallel_loop3A_696] {strides = array<i32>} : memref<3x64x512xf32, #tpu.memory_space<vmem>>, vector<1x1x16xf32>,
      %parallel_loop3A_698 = vector.shape_cast %parallel_loop3A_697 : vector<1x1x16xf32> to vector<16xf32>
      %parallel_loop3A_699 = arith.addf %parallel_loop3A_698, %parallel_loop3A_692 : vector<16xf32>
      %parallel_loop3A_700 = arith.constant 2 : i32
      %parallel_loop3A_701 = arith.index_cast %parallel_loop3A_700 : i32 to index
      %parallel_loop3A_702 = arith.index_cast %parallel_loop3A_316 : i32 to index
      %parallel_loop3A_703 = arith.constant 352 : index
      %parallel_loop3A_704 = tpu.vector_load %arg7[%parallel_loop3A_701, %parallel_loop3A_702, %parallel_loop3A_703] {strides = array<i32>} : memref<3x64x512xf32, #tpu.memory_space<vmem>>, vector<1x1x16xf32>,
      %parallel_loop3A_705 = vector.shape_cast %parallel_loop3A_704 : vector<1x1x16xf32> to vector<16xf32>
      %parallel_loop3A_706 = vector.shape_cast %parallel_loop3A_699 : vector<16xf32> to vector<1x1x16xf32>
      tpu.vector_store %arg7[%parallel_loop3A_701, %parallel_loop3A_702, %parallel_loop3A_703], %parallel_loop3A_706 {strides = array<i32>} : memref<3x64x512xf32, #tpu.memory_space<vmem>>, vector<1x1x16xf32>,
      %parallel_loop3A_707 = arith.mulf %parallel_loop3A_322, %parallel_loop3A_676 : vector<16xf32>
      %parallel_loop3A_708 = arith.subf %parallel_loop3A_707, %parallel_loop3A_644 : vector<16xf32>
      %parallel_loop3A_709 = arith.constant 2 : i32
      %parallel_loop3A_710 = arith.index_cast %parallel_loop3A_709 : i32 to index
      %parallel_loop3A_711 = arith.index_cast %parallel_loop3A_316 : i32 to index
      %parallel_loop3A_712 = arith.constant 368 : index
      %parallel_loop3A_713 = tpu.vector_load %arg7[%parallel_loop3A_710, %parallel_loop3A_711, %parallel_loop3A_712] {strides = array<i32>} : memref<3x64x512xf32, #tpu.memory_space<vmem>>, vector<1x1x16xf32>,
      %parallel_loop3A_714 = vector.shape_cast %parallel_loop3A_713 : vector<1x1x16xf32> to vector<16xf32>
      %parallel_loop3A_715 = arith.addf %parallel_loop3A_714, %parallel_loop3A_708 : vector<16xf32>
      %parallel_loop3A_716 = arith.constant 2 : i32
      %parallel_loop3A_717 = arith.index_cast %parallel_loop3A_716 : i32 to index
      %parallel_loop3A_718 = arith.index_cast %parallel_loop3A_316 : i32 to index
      %parallel_loop3A_719 = arith.constant 368 : index
      %parallel_loop3A_720 = tpu.vector_load %arg7[%parallel_loop3A_717, %parallel_loop3A_718, %parallel_loop3A_719] {strides = array<i32>} : memref<3x64x512xf32, #tpu.memory_space<vmem>>, vector<1x1x16xf32>,
      %parallel_loop3A_721 = vector.shape_cast %parallel_loop3A_720 : vector<1x1x16xf32> to vector<16xf32>
      %parallel_loop3A_722 = vector.shape_cast %parallel_loop3A_715 : vector<16xf32> to vector<1x1x16xf32>
      tpu.vector_store %arg7[%parallel_loop3A_717, %parallel_loop3A_718, %parallel_loop3A_719], %parallel_loop3A_722 {strides = array<i32>} : memref<3x64x512xf32, #tpu.memory_space<vmem>>, vector<1x1x16xf32>,
      %parallel_loop3A_723 = arith.mulf %parallel_loop3A_322, %parallel_loop3A_692 : vector<16xf32>
      %parallel_loop3A_724 = arith.subf %parallel_loop3A_723, %parallel_loop3A_660 : vector<16xf32>
      %parallel_loop3A_725 = arith.constant 2 : i32
      %parallel_loop3A_726 = arith.index_cast %parallel_loop3A_725 : i32 to index
      %parallel_loop3A_727 = arith.index_cast %parallel_loop3A_316 : i32 to index
      %parallel_loop3A_728 = arith.constant 384 : index
      %parallel_loop3A_729 = tpu.vector_load %arg7[%parallel_loop3A_726, %parallel_loop3A_727, %parallel_loop3A_728] {strides = array<i32>} : memref<3x64x512xf32, #tpu.memory_space<vmem>>, vector<1x1x16xf32>,
      %parallel_loop3A_730 = vector.shape_cast %parallel_loop3A_729 : vector<1x1x16xf32> to vector<16xf32>
      %parallel_loop3A_731 = arith.addf %parallel_loop3A_730, %parallel_loop3A_724 : vector<16xf32>
      %parallel_loop3A_732 = arith.constant 2 : i32
      %parallel_loop3A_733 = arith.index_cast %parallel_loop3A_732 : i32 to index
      %parallel_loop3A_734 = arith.index_cast %parallel_loop3A_316 : i32 to index
      %parallel_loop3A_735 = arith.constant 384 : index
      %parallel_loop3A_736 = tpu.vector_load %arg7[%parallel_loop3A_733, %parallel_loop3A_734, %parallel_loop3A_735] {strides = array<i32>} : memref<3x64x512xf32, #tpu.memory_space<vmem>>, vector<1x1x16xf32>,
      %parallel_loop3A_737 = vector.shape_cast %parallel_loop3A_736 : vector<1x1x16xf32> to vector<16xf32>
      %parallel_loop3A_738 = vector.shape_cast %parallel_loop3A_731 : vector<16xf32> to vector<1x1x16xf32>
      tpu.vector_store %arg7[%parallel_loop3A_733, %parallel_loop3A_734, %parallel_loop3A_735], %parallel_loop3A_738 {strides = array<i32>} : memref<3x64x512xf32, #tpu.memory_space<vmem>>, vector<1x1x16xf32>,
      %parallel_loop3A_739 = arith.mulf %parallel_loop3A_322, %parallel_loop3A_708 : vector<16xf32>
      %parallel_loop3A_740 = arith.subf %parallel_loop3A_739, %parallel_loop3A_676 : vector<16xf32>
      %parallel_loop3A_741 = arith.constant 2 : i32
      %parallel_loop3A_742 = arith.index_cast %parallel_loop3A_741 : i32 to index
      %parallel_loop3A_743 = arith.index_cast %parallel_loop3A_316 : i32 to index
      %parallel_loop3A_744 = arith.constant 400 : index
      %parallel_loop3A_745 = tpu.vector_load %arg7[%parallel_loop3A_742, %parallel_loop3A_743, %parallel_loop3A_744] {strides = array<i32>} : memref<3x64x512xf32, #tpu.memory_space<vmem>>, vector<1x1x16xf32>,
      %parallel_loop3A_746 = vector.shape_cast %parallel_loop3A_745 : vector<1x1x16xf32> to vector<16xf32>
      %parallel_loop3A_747 = arith.addf %parallel_loop3A_746, %parallel_loop3A_740 : vector<16xf32>
      %parallel_loop3A_748 = arith.constant 2 : i32
      %parallel_loop3A_749 = arith.index_cast %parallel_loop3A_748 : i32 to index
      %parallel_loop3A_750 = arith.index_cast %parallel_loop3A_316 : i32 to index
      %parallel_loop3A_751 = arith.constant 400 : index
      %parallel_loop3A_752 = tpu.vector_load %arg7[%parallel_loop3A_749, %parallel_loop3A_750, %parallel_loop3A_751] {strides = array<i32>} : memref<3x64x512xf32, #tpu.memory_space<vmem>>, vector<1x1x16xf32>,
      %parallel_loop3A_753 = vector.shape_cast %parallel_loop3A_752 : vector<1x1x16xf32> to vector<16xf32>
      %parallel_loop3A_754 = vector.shape_cast %parallel_loop3A_747 : vector<16xf32> to vector<1x1x16xf32>
      tpu.vector_store %arg7[%parallel_loop3A_749, %parallel_loop3A_750, %parallel_loop3A_751], %parallel_loop3A_754 {strides = array<i32>} : memref<3x64x512xf32, #tpu.memory_space<vmem>>, vector<1x1x16xf32>,
      %parallel_loop3A_755 = arith.mulf %parallel_loop3A_322, %parallel_loop3A_724 : vector<16xf32>
      %parallel_loop3A_756 = arith.subf %parallel_loop3A_755, %parallel_loop3A_692 : vector<16xf32>
      %parallel_loop3A_757 = arith.constant 2 : i32
      %parallel_loop3A_758 = arith.index_cast %parallel_loop3A_757 : i32 to index
      %parallel_loop3A_759 = arith.index_cast %parallel_loop3A_316 : i32 to index
      %parallel_loop3A_760 = arith.constant 416 : index
      %parallel_loop3A_761 = tpu.vector_load %arg7[%parallel_loop3A_758, %parallel_loop3A_759, %parallel_loop3A_760] {strides = array<i32>} : memref<3x64x512xf32, #tpu.memory_space<vmem>>, vector<1x1x16xf32>,
      %parallel_loop3A_762 = vector.shape_cast %parallel_loop3A_761 : vector<1x1x16xf32> to vector<16xf32>
      %parallel_loop3A_763 = arith.addf %parallel_loop3A_762, %parallel_loop3A_756 : vector<16xf32>
      %parallel_loop3A_764 = arith.constant 2 : i32
      %parallel_loop3A_765 = arith.index_cast %parallel_loop3A_764 : i32 to index
      %parallel_loop3A_766 = arith.index_cast %parallel_loop3A_316 : i32 to index
      %parallel_loop3A_767 = arith.constant 416 : index
      %parallel_loop3A_768 = tpu.vector_load %arg7[%parallel_loop3A_765, %parallel_loop3A_766, %parallel_loop3A_767] {strides = array<i32>} : memref<3x64x512xf32, #tpu.memory_space<vmem>>, vector<1x1x16xf32>,
      %parallel_loop3A_769 = vector.shape_cast %parallel_loop3A_768 : vector<1x1x16xf32> to vector<16xf32>
      %parallel_loop3A_770 = vector.shape_cast %parallel_loop3A_763 : vector<16xf32> to vector<1x1x16xf32>
      tpu.vector_store %arg7[%parallel_loop3A_765, %parallel_loop3A_766, %parallel_loop3A_767], %parallel_loop3A_770 {strides = array<i32>} : memref<3x64x512xf32, #tpu.memory_space<vmem>>, vector<1x1x16xf32>,
      %parallel_loop3A_771 = arith.mulf %parallel_loop3A_322, %parallel_loop3A_740 : vector<16xf32>
      %parallel_loop3A_772 = arith.subf %parallel_loop3A_771, %parallel_loop3A_708 : vector<16xf32>
      %parallel_loop3A_773 = arith.constant 2 : i32
      %parallel_loop3A_774 = arith.index_cast %parallel_loop3A_773 : i32 to index
      %parallel_loop3A_775 = arith.index_cast %parallel_loop3A_316 : i32 to index
      %parallel_loop3A_776 = arith.constant 432 : index
      %parallel_loop3A_777 = tpu.vector_load %arg7[%parallel_loop3A_774, %parallel_loop3A_775, %parallel_loop3A_776] {strides = array<i32>} : memref<3x64x512xf32, #tpu.memory_space<vmem>>, vector<1x1x16xf32>,
      %parallel_loop3A_778 = vector.shape_cast %parallel_loop3A_777 : vector<1x1x16xf32> to vector<16xf32>
      %parallel_loop3A_779 = arith.addf %parallel_loop3A_778, %parallel_loop3A_772 : vector<16xf32>
      %parallel_loop3A_780 = arith.constant 2 : i32
      %parallel_loop3A_781 = arith.index_cast %parallel_loop3A_780 : i32 to index
      %parallel_loop3A_782 = arith.index_cast %parallel_loop3A_316 : i32 to index
      %parallel_loop3A_783 = arith.constant 432 : index
      %parallel_loop3A_784 = tpu.vector_load %arg7[%parallel_loop3A_781, %parallel_loop3A_782, %parallel_loop3A_783] {strides = array<i32>} : memref<3x64x512xf32, #tpu.memory_space<vmem>>, vector<1x1x16xf32>,
      %parallel_loop3A_785 = vector.shape_cast %parallel_loop3A_784 : vector<1x1x16xf32> to vector<16xf32>
      %parallel_loop3A_786 = vector.shape_cast %parallel_loop3A_779 : vector<16xf32> to vector<1x1x16xf32>
      tpu.vector_store %arg7[%parallel_loop3A_781, %parallel_loop3A_782, %parallel_loop3A_783], %parallel_loop3A_786 {strides = array<i32>} : memref<3x64x512xf32, #tpu.memory_space<vmem>>, vector<1x1x16xf32>,
      %parallel_loop3A_787 = arith.mulf %parallel_loop3A_322, %parallel_loop3A_756 : vector<16xf32>
      %parallel_loop3A_788 = arith.subf %parallel_loop3A_787, %parallel_loop3A_724 : vector<16xf32>
      %parallel_loop3A_789 = arith.constant 2 : i32
      %parallel_loop3A_790 = arith.index_cast %parallel_loop3A_789 : i32 to index
      %parallel_loop3A_791 = arith.index_cast %parallel_loop3A_316 : i32 to index
      %parallel_loop3A_792 = arith.constant 448 : index
      %parallel_loop3A_793 = tpu.vector_load %arg7[%parallel_loop3A_790, %parallel_loop3A_791, %parallel_loop3A_792] {strides = array<i32>} : memref<3x64x512xf32, #tpu.memory_space<vmem>>, vector<1x1x16xf32>,
      %parallel_loop3A_794 = vector.shape_cast %parallel_loop3A_793 : vector<1x1x16xf32> to vector<16xf32>
      %parallel_loop3A_795 = arith.addf %parallel_loop3A_794, %parallel_loop3A_788 : vector<16xf32>
      %parallel_loop3A_796 = arith.constant 2 : i32
      %parallel_loop3A_797 = arith.index_cast %parallel_loop3A_796 : i32 to index
      %parallel_loop3A_798 = arith.index_cast %parallel_loop3A_316 : i32 to index
      %parallel_loop3A_799 = arith.constant 448 : index
      %parallel_loop3A_800 = tpu.vector_load %arg7[%parallel_loop3A_797, %parallel_loop3A_798, %parallel_loop3A_799] {strides = array<i32>} : memref<3x64x512xf32, #tpu.memory_space<vmem>>, vector<1x1x16xf32>,
      %parallel_loop3A_801 = vector.shape_cast %parallel_loop3A_800 : vector<1x1x16xf32> to vector<16xf32>
      %parallel_loop3A_802 = vector.shape_cast %parallel_loop3A_795 : vector<16xf32> to vector<1x1x16xf32>
      tpu.vector_store %arg7[%parallel_loop3A_797, %parallel_loop3A_798, %parallel_loop3A_799], %parallel_loop3A_802 {strides = array<i32>} : memref<3x64x512xf32, #tpu.memory_space<vmem>>, vector<1x1x16xf32>,
      %parallel_loop3A_803 = arith.mulf %parallel_loop3A_322, %parallel_loop3A_772 : vector<16xf32>
      %parallel_loop3A_804 = arith.subf %parallel_loop3A_803, %parallel_loop3A_740 : vector<16xf32>
      %parallel_loop3A_805 = arith.constant 2 : i32
      %parallel_loop3A_806 = arith.index_cast %parallel_loop3A_805 : i32 to index
      %parallel_loop3A_807 = arith.index_cast %parallel_loop3A_316 : i32 to index
      %parallel_loop3A_808 = arith.constant 464 : index
      %parallel_loop3A_809 = tpu.vector_load %arg7[%parallel_loop3A_806, %parallel_loop3A_807, %parallel_loop3A_808] {strides = array<i32>} : memref<3x64x512xf32, #tpu.memory_space<vmem>>, vector<1x1x16xf32>,
      %parallel_loop3A_810 = vector.shape_cast %parallel_loop3A_809 : vector<1x1x16xf32> to vector<16xf32>
      %parallel_loop3A_811 = arith.addf %parallel_loop3A_810, %parallel_loop3A_804 : vector<16xf32>
      %parallel_loop3A_812 = arith.constant 2 : i32
      %parallel_loop3A_813 = arith.index_cast %parallel_loop3A_812 : i32 to index
      %parallel_loop3A_814 = arith.index_cast %parallel_loop3A_316 : i32 to index
      %parallel_loop3A_815 = arith.constant 464 : index
      %parallel_loop3A_816 = tpu.vector_load %arg7[%parallel_loop3A_813, %parallel_loop3A_814, %parallel_loop3A_815] {strides = array<i32>} : memref<3x64x512xf32, #tpu.memory_space<vmem>>, vector<1x1x16xf32>,
      %parallel_loop3A_817 = vector.shape_cast %parallel_loop3A_816 : vector<1x1x16xf32> to vector<16xf32>
      %parallel_loop3A_818 = vector.shape_cast %parallel_loop3A_811 : vector<16xf32> to vector<1x1x16xf32>
      tpu.vector_store %arg7[%parallel_loop3A_813, %parallel_loop3A_814, %parallel_loop3A_815], %parallel_loop3A_818 {strides = array<i32>} : memref<3x64x512xf32, #tpu.memory_space<vmem>>, vector<1x1x16xf32>,
      %parallel_loop3A_819 = arith.mulf %parallel_loop3A_322, %parallel_loop3A_788 : vector<16xf32>
      %parallel_loop3A_820 = arith.subf %parallel_loop3A_819, %parallel_loop3A_756 : vector<16xf32>
      %parallel_loop3A_821 = arith.constant 2 : i32
      %parallel_loop3A_822 = arith.index_cast %parallel_loop3A_821 : i32 to index
      %parallel_loop3A_823 = arith.index_cast %parallel_loop3A_316 : i32 to index
      %parallel_loop3A_824 = arith.constant 480 : index
      %parallel_loop3A_825 = tpu.vector_load %arg7[%parallel_loop3A_822, %parallel_loop3A_823, %parallel_loop3A_824] {strides = array<i32>} : memref<3x64x512xf32, #tpu.memory_space<vmem>>, vector<1x1x16xf32>,
      %parallel_loop3A_826 = vector.shape_cast %parallel_loop3A_825 : vector<1x1x16xf32> to vector<16xf32>
      %parallel_loop3A_827 = arith.addf %parallel_loop3A_826, %parallel_loop3A_820 : vector<16xf32>
      %parallel_loop3A_828 = arith.constant 2 : i32
      %parallel_loop3A_829 = arith.index_cast %parallel_loop3A_828 : i32 to index
      %parallel_loop3A_830 = arith.index_cast %parallel_loop3A_316 : i32 to index
      %parallel_loop3A_831 = arith.constant 480 : index
      %parallel_loop3A_832 = tpu.vector_load %arg7[%parallel_loop3A_829, %parallel_loop3A_830, %parallel_loop3A_831] {strides = array<i32>} : memref<3x64x512xf32, #tpu.memory_space<vmem>>, vector<1x1x16xf32>,
      %parallel_loop3A_833 = vector.shape_cast %parallel_loop3A_832 : vector<1x1x16xf32> to vector<16xf32>
      %parallel_loop3A_834 = vector.shape_cast %parallel_loop3A_827 : vector<16xf32> to vector<1x1x16xf32>
      tpu.vector_store %arg7[%parallel_loop3A_829, %parallel_loop3A_830, %parallel_loop3A_831], %parallel_loop3A_834 {strides = array<i32>} : memref<3x64x512xf32, #tpu.memory_space<vmem>>, vector<1x1x16xf32>,
      %parallel_loop3A_835 = arith.mulf %parallel_loop3A_322, %parallel_loop3A_804 : vector<16xf32>
      %parallel_loop3A_836 = arith.subf %parallel_loop3A_835, %parallel_loop3A_772 : vector<16xf32>
      %parallel_loop3A_837 = arith.constant 2 : i32
      %parallel_loop3A_838 = arith.index_cast %parallel_loop3A_837 : i32 to index
      %parallel_loop3A_839 = arith.index_cast %parallel_loop3A_316 : i32 to index
      %parallel_loop3A_840 = arith.constant 496 : index
      %parallel_loop3A_841 = tpu.vector_load %arg7[%parallel_loop3A_838, %parallel_loop3A_839, %parallel_loop3A_840] {strides = array<i32>} : memref<3x64x512xf32, #tpu.memory_space<vmem>>, vector<1x1x16xf32>,
      %parallel_loop3A_842 = vector.shape_cast %parallel_loop3A_841 : vector<1x1x16xf32> to vector<16xf32>
      %parallel_loop3A_843 = arith.addf %parallel_loop3A_842, %parallel_loop3A_836 : vector<16xf32>
      %parallel_loop3A_844 = arith.constant 2 : i32
      %parallel_loop3A_845 = arith.index_cast %parallel_loop3A_844 : i32 to index
      %parallel_loop3A_846 = arith.index_cast %parallel_loop3A_316 : i32 to index
      %parallel_loop3A_847 = arith.constant 496 : index
      %parallel_loop3A_848 = tpu.vector_load %arg7[%parallel_loop3A_845, %parallel_loop3A_846, %parallel_loop3A_847] {strides = array<i32>} : memref<3x64x512xf32, #tpu.memory_space<vmem>>, vector<1x1x16xf32>,
      %parallel_loop3A_849 = vector.shape_cast %parallel_loop3A_848 : vector<1x1x16xf32> to vector<16xf32>
      %parallel_loop3A_850 = vector.shape_cast %parallel_loop3A_843 : vector<16xf32> to vector<1x1x16xf32>
      tpu.vector_store %arg7[%parallel_loop3A_845, %parallel_loop3A_846, %parallel_loop3A_847], %parallel_loop3A_850 {strides = array<i32>} : memref<3x64x512xf32, #tpu.memory_space<vmem>>, vector<1x1x16xf32>,
    } {sc.loop_unroll_factor = 1 : i64, sc.parallel_access}
    %add3A_221 = arith.constant 128 : i32
    %add3A_222 = arith.addi %mul3A_2, %add3A_221 : i32
    %dma_start3A_223 = arith.constant 2 : i32
    %dma_start3A_224 = arith.constant 0 : i32
    %dma_start3A_225 = arith.constant 0 : i32
    %dma_start3A_226 = tpu.memref_slice %arg7[%dma_start3A_223, %dma_start3A_224, %dma_start3A_225] : memref<3x64x512xf32, #tpu.memory_space<vmem>> -> memref<1x64x512xf32, #tpu.memory_space<vmem>>
    %dma_start3A_227 = tpu.memref_squeeze %dma_start3A_226 : memref<1x64x512xf32, #tpu.memory_space<vmem>> -> memref<64x512xf32, #tpu.memory_space<vmem>>
    %dma_start3A_228 = arith.constant 0 : i32
    %dma_start3A_229 = tpu.memref_slice %arg5[%add3A_222, %dma_start3A_228] : memref<8192x512xf32, #tpu.memory_space<hbm>> -> memref<64x512xf32, #tpu.memory_space<hbm>>
    %dma_start3A_230 = arith.constant 0 : i32
    %dma_start3A_231 = tpu.memref_slice %arg5[%add3A_222, %dma_start3A_230] : memref<8192x512xf32, #tpu.memory_space<hbm>> -> memref<64x512xf32, #tpu.memory_space<hbm>>
    %dma_start3A_232 = arith.constant 0 : i32
    %dma_start3A_233 = arith.constant 0 : i32
    %dma_start3A_234 = tpu.memref_slice %arg7[%dma_start3A_223, %dma_start3A_232, %dma_start3A_233] : memref<3x64x512xf32, #tpu.memory_space<vmem>> -> memref<1x64x512xf32, #tpu.memory_space<vmem>>
    %dma_start3A_235 = tpu.memref_squeeze %dma_start3A_234 : memref<1x64x512xf32, #tpu.memory_space<vmem>> -> memref<64x512xf32, #tpu.memory_space<vmem>>
    tpu.enqueue_dma source(%dma_start3A_235 : memref<64x512xf32, #tpu.memory_space<vmem>>) target(%dma_start3A_231 : memref<64x512xf32, #tpu.memory_space<hbm>>) target_semaphore(%arg17 : memref<!tpu.dma_semaphore, #tpu.memory_space<semaphore_mem>>)
    %dma_wait3A_236 = arith.constant 0 : i32
    %dma_wait3A_237 = arith.constant 0 : i32
    %dma_wait3A_238 = arith.constant 0 : i32
    %dma_wait3A_239 = tpu.memref_slice %arg7[%dma_wait3A_236, %dma_wait3A_237, %dma_wait3A_238] : memref<3x64x512xf32, #tpu.memory_space<vmem>> -> memref<1x64x512xf32, #tpu.memory_space<vmem>>
    %dma_wait3A_240 = tpu.memref_squeeze %dma_wait3A_239 : memref<1x64x512xf32, #tpu.memory_space<vmem>> -> memref<64x512xf32, #tpu.memory_space<vmem>>
    %dma_wait3A_241 = arith.constant 192 : i32
    %dma_wait3A_242 = tpu.memref_slice %arg6[%dma_wait3A_241] : memref<256xi32, #tpu.memory_space<vmem>> -> memref<64xi32, #tpu.memory_space<vmem>>
    %dma_wait3A_243 = arith.constant 0 : i32
    %dma_wait3A_244 = arith.constant 0 : i32
    %dma_wait3A_245 = tpu.memref_slice %arg2[%dma_wait3A_243, %dma_wait3A_244] : memref<28996x512xf32, #tpu.memory_space<hbm>> -> memref<28996x512xf32, #tpu.memory_space<hbm>>
    tpu.wait_indirect_dma semaphore(%arg9 : memref<!tpu.dma_semaphore, #tpu.memory_space<semaphore_mem>>) src(%dma_wait3A_245 : memref<28996x512xf32, #tpu.memory_space<hbm>>) dst(%dma_wait3A_240 : memref<64x512xf32, #tpu.memory_space<vmem>>)
    %dma_wait3A_246 = arith.constant 0 : i32
    %dma_wait3A_247 = arith.constant 0 : i32
    %dma_wait3A_248 = arith.constant 0 : i32
    %dma_wait3A_249 = tpu.memref_slice %arg8[%dma_wait3A_246, %dma_wait3A_247, %dma_wait3A_248] : memref<3x64x80xf32, #tpu.memory_space<vmem>> -> memref<1x64x80xf32, #tpu.memory_space<vmem>>
    %dma_wait3A_250 = tpu.memref_squeeze %dma_wait3A_249 : memref<1x64x80xf32, #tpu.memory_space<vmem>> -> memref<64x80xf32, #tpu.memory_space<vmem>>
    %dma_wait3A_251 = arith.constant 0 : i32
    %dma_wait3A_252 = tpu.memref_slice %arg4[%add3A_140, %dma_wait3A_251] : memref<8192x80xf32, #tpu.memory_space<hbm>> -> memref<64x80xf32, #tpu.memory_space<hbm>>
    %dma_wait3A_253 = arith.constant 0 : i32
    %dma_wait3A_254 = arith.constant 0 : i32
    %dma_wait3A_255 = tpu.memref_slice %arg8[%dma_wait3A_246, %dma_wait3A_253, %dma_wait3A_254] : memref<3x64x80xf32, #tpu.memory_space<vmem>> -> memref<1x64x80xf32, #tpu.memory_space<vmem>>
    %dma_wait3A_256 = tpu.memref_squeeze %dma_wait3A_255 : memref<1x64x80xf32, #tpu.memory_space<vmem>> -> memref<64x80xf32, #tpu.memory_space<vmem>>
    %dma_wait3A_257 = arith.constant 0 : i32
    %dma_wait3A_258 = tpu.memref_slice %arg4[%add3A_140, %dma_wait3A_257] : memref<8192x80xf32, #tpu.memory_space<hbm>> -> memref<64x80xf32, #tpu.memory_space<hbm>>
    tpu.wait_dma2 semaphore(%arg12 : memref<!tpu.dma_semaphore, #tpu.memory_space<semaphore_mem>>) src(%dma_wait3A_258 : memref<64x80xf32, #tpu.memory_space<hbm>>) dst(%dma_wait3A_256 : memref<64x80xf32, #tpu.memory_space<vmem>>)
    %parallel_loop3A_259 = arith.constant 0 : i32
    %parallel_loop3A_260 = arith.constant 64 : i32
    %parallel_loop3A_261 = arith.constant 1 : i32
    scf.for %parallel_loop3A_316 = %parallel_loop3A_259 to %parallel_loop3A_260 step %parallel_loop3A_261  : i32 {
      %parallel_loop3A_317 = arith.constant 0 : i32
      %parallel_loop3A_318 = arith.index_cast %parallel_loop3A_317 : i32 to index
      %parallel_loop3A_319 = arith.index_cast %parallel_loop3A_316 : i32 to index
      %parallel_loop3A_320 = arith.constant 64 : index
      %parallel_loop3A_321 = tpu.vector_load %arg8[%parallel_loop3A_318, %parallel_loop3A_319, %parallel_loop3A_320] {strides = array<i32>} : memref<3x64x80xf32, #tpu.memory_space<vmem>>, vector<1x1x16xf32>,
      %parallel_loop3A_322 = vector.shape_cast %parallel_loop3A_321 : vector<1x1x16xf32> to vector<16xf32>
      %parallel_loop3A_323 = arith.constant 0 : i32
      %parallel_loop3A_324 = arith.index_cast %parallel_loop3A_323 : i32 to index
      %parallel_loop3A_325 = arith.index_cast %parallel_loop3A_316 : i32 to index
      %parallel_loop3A_326 = arith.constant 0 : index
      %parallel_loop3A_327 = tpu.vector_load %arg8[%parallel_loop3A_324, %parallel_loop3A_325, %parallel_loop3A_326] {strides = array<i32>} : memref<3x64x80xf32, #tpu.memory_space<vmem>>, vector<1x1x16xf32>,
      %parallel_loop3A_328 = vector.shape_cast %parallel_loop3A_327 : vector<1x1x16xf32> to vector<16xf32>
      %parallel_loop3A_329 = arith.constant 0 : i32
      %parallel_loop3A_330 = arith.index_cast %parallel_loop3A_329 : i32 to index
      %parallel_loop3A_331 = arith.index_cast %parallel_loop3A_316 : i32 to index
      %parallel_loop3A_332 = arith.constant 0 : index
      %parallel_loop3A_333 = tpu.vector_load %arg7[%parallel_loop3A_330, %parallel_loop3A_331, %parallel_loop3A_332] {strides = array<i32>} : memref<3x64x512xf32, #tpu.memory_space<vmem>>, vector<1x1x16xf32>,
      %parallel_loop3A_334 = vector.shape_cast %parallel_loop3A_333 : vector<1x1x16xf32> to vector<16xf32>
      %parallel_loop3A_335 = arith.addf %parallel_loop3A_334, %parallel_loop3A_328 : vector<16xf32>
      %parallel_loop3A_336 = arith.constant 0 : i32
      %parallel_loop3A_337 = arith.index_cast %parallel_loop3A_336 : i32 to index
      %parallel_loop3A_338 = arith.index_cast %parallel_loop3A_316 : i32 to index
      %parallel_loop3A_339 = arith.constant 0 : index
      %parallel_loop3A_340 = tpu.vector_load %arg7[%parallel_loop3A_337, %parallel_loop3A_338, %parallel_loop3A_339] {strides = array<i32>} : memref<3x64x512xf32, #tpu.memory_space<vmem>>, vector<1x1x16xf32>,
      %parallel_loop3A_341 = vector.shape_cast %parallel_loop3A_340 : vector<1x1x16xf32> to vector<16xf32>
      %parallel_loop3A_342 = vector.shape_cast %parallel_loop3A_335 : vector<16xf32> to vector<1x1x16xf32>
      tpu.vector_store %arg7[%parallel_loop3A_337, %parallel_loop3A_338, %parallel_loop3A_339], %parallel_loop3A_342 {strides = array<i32>} : memref<3x64x512xf32, #tpu.memory_space<vmem>>, vector<1x1x16xf32>,
      %parallel_loop3A_343 = arith.constant 0 : i32
      %parallel_loop3A_344 = arith.index_cast %parallel_loop3A_343 : i32 to index
      %parallel_loop3A_345 = arith.index_cast %parallel_loop3A_316 : i32 to index
      %parallel_loop3A_346 = arith.constant 16 : index
      %parallel_loop3A_347 = tpu.vector_load %arg8[%parallel_loop3A_344, %parallel_loop3A_345, %parallel_loop3A_346] {strides = array<i32>} : memref<3x64x80xf32, #tpu.memory_space<vmem>>, vector<1x1x16xf32>,
      %parallel_loop3A_348 = vector.shape_cast %parallel_loop3A_347 : vector<1x1x16xf32> to vector<16xf32>
      %parallel_loop3A_349 = arith.constant 0 : i32
      %parallel_loop3A_350 = arith.index_cast %parallel_loop3A_349 : i32 to index
      %parallel_loop3A_351 = arith.index_cast %parallel_loop3A_316 : i32 to index
      %parallel_loop3A_352 = arith.constant 16 : index
      %parallel_loop3A_353 = tpu.vector_load %arg7[%parallel_loop3A_350, %parallel_loop3A_351, %parallel_loop3A_352] {strides = array<i32>} : memref<3x64x512xf32, #tpu.memory_space<vmem>>, vector<1x1x16xf32>,
      %parallel_loop3A_354 = vector.shape_cast %parallel_loop3A_353 : vector<1x1x16xf32> to vector<16xf32>
      %parallel_loop3A_355 = arith.addf %parallel_loop3A_354, %parallel_loop3A_348 : vector<16xf32>
      %parallel_loop3A_356 = arith.constant 0 : i32
      %parallel_loop3A_357 = arith.index_cast %parallel_loop3A_356 : i32 to index
      %parallel_loop3A_358 = arith.index_cast %parallel_loop3A_316 : i32 to index
      %parallel_loop3A_359 = arith.constant 16 : index
      %parallel_loop3A_360 = tpu.vector_load %arg7[%parallel_loop3A_357, %parallel_loop3A_358, %parallel_loop3A_359] {strides = array<i32>} : memref<3x64x512xf32, #tpu.memory_space<vmem>>, vector<1x1x16xf32>,
      %parallel_loop3A_361 = vector.shape_cast %parallel_loop3A_360 : vector<1x1x16xf32> to vector<16xf32>
      %parallel_loop3A_362 = vector.shape_cast %parallel_loop3A_355 : vector<16xf32> to vector<1x1x16xf32>
      tpu.vector_store %arg7[%parallel_loop3A_357, %parallel_loop3A_358, %parallel_loop3A_359], %parallel_loop3A_362 {strides = array<i32>} : memref<3x64x512xf32, #tpu.memory_space<vmem>>, vector<1x1x16xf32>,
      %parallel_loop3A_363 = arith.constant 0 : i32
      %parallel_loop3A_364 = arith.index_cast %parallel_loop3A_363 : i32 to index
      %parallel_loop3A_365 = arith.index_cast %parallel_loop3A_316 : i32 to index
      %parallel_loop3A_366 = arith.constant 32 : index
      %parallel_loop3A_367 = tpu.vector_load %arg8[%parallel_loop3A_364, %parallel_loop3A_365, %parallel_loop3A_366] {strides = array<i32>} : memref<3x64x80xf32, #tpu.memory_space<vmem>>, vector<1x1x16xf32>,
      %parallel_loop3A_368 = vector.shape_cast %parallel_loop3A_367 : vector<1x1x16xf32> to vector<16xf32>
      %parallel_loop3A_369 = arith.constant 0 : i32
      %parallel_loop3A_370 = arith.index_cast %parallel_loop3A_369 : i32 to index
      %parallel_loop3A_371 = arith.index_cast %parallel_loop3A_316 : i32 to index
      %parallel_loop3A_372 = arith.constant 32 : index
      %parallel_loop3A_373 = tpu.vector_load %arg7[%parallel_loop3A_370, %parallel_loop3A_371, %parallel_loop3A_372] {strides = array<i32>} : memref<3x64x512xf32, #tpu.memory_space<vmem>>, vector<1x1x16xf32>,
      %parallel_loop3A_374 = vector.shape_cast %parallel_loop3A_373 : vector<1x1x16xf32> to vector<16xf32>
      %parallel_loop3A_375 = arith.addf %parallel_loop3A_374, %parallel_loop3A_368 : vector<16xf32>
      %parallel_loop3A_376 = arith.constant 0 : i32
      %parallel_loop3A_377 = arith.index_cast %parallel_loop3A_376 : i32 to index
      %parallel_loop3A_378 = arith.index_cast %parallel_loop3A_316 : i32 to index
      %parallel_loop3A_379 = arith.constant 32 : index
      %parallel_loop3A_380 = tpu.vector_load %arg7[%parallel_loop3A_377, %parallel_loop3A_378, %parallel_loop3A_379] {strides = array<i32>} : memref<3x64x512xf32, #tpu.memory_space<vmem>>, vector<1x1x16xf32>,
      %parallel_loop3A_381 = vector.shape_cast %parallel_loop3A_380 : vector<1x1x16xf32> to vector<16xf32>
      %parallel_loop3A_382 = vector.shape_cast %parallel_loop3A_375 : vector<16xf32> to vector<1x1x16xf32>
      tpu.vector_store %arg7[%parallel_loop3A_377, %parallel_loop3A_378, %parallel_loop3A_379], %parallel_loop3A_382 {strides = array<i32>} : memref<3x64x512xf32, #tpu.memory_space<vmem>>, vector<1x1x16xf32>,
      %parallel_loop3A_383 = arith.constant 0 : i32
      %parallel_loop3A_384 = arith.index_cast %parallel_loop3A_383 : i32 to index
      %parallel_loop3A_385 = arith.index_cast %parallel_loop3A_316 : i32 to index
      %parallel_loop3A_386 = arith.constant 48 : index
      %parallel_loop3A_387 = tpu.vector_load %arg8[%parallel_loop3A_384, %parallel_loop3A_385, %parallel_loop3A_386] {strides = array<i32>} : memref<3x64x80xf32, #tpu.memory_space<vmem>>, vector<1x1x16xf32>,
      %parallel_loop3A_388 = vector.shape_cast %parallel_loop3A_387 : vector<1x1x16xf32> to vector<16xf32>
      %parallel_loop3A_389 = arith.constant 0 : i32
      %parallel_loop3A_390 = arith.index_cast %parallel_loop3A_389 : i32 to index
      %parallel_loop3A_391 = arith.index_cast %parallel_loop3A_316 : i32 to index
      %parallel_loop3A_392 = arith.constant 48 : index
      %parallel_loop3A_393 = tpu.vector_load %arg7[%parallel_loop3A_390, %parallel_loop3A_391, %parallel_loop3A_392] {strides = array<i32>} : memref<3x64x512xf32, #tpu.memory_space<vmem>>, vector<1x1x16xf32>,
      %parallel_loop3A_394 = vector.shape_cast %parallel_loop3A_393 : vector<1x1x16xf32> to vector<16xf32>
      %parallel_loop3A_395 = arith.addf %parallel_loop3A_394, %parallel_loop3A_388 : vector<16xf32>
      %parallel_loop3A_396 = arith.constant 0 : i32
      %parallel_loop3A_397 = arith.index_cast %parallel_loop3A_396 : i32 to index
      %parallel_loop3A_398 = arith.index_cast %parallel_loop3A_316 : i32 to index
      %parallel_loop3A_399 = arith.constant 48 : index
      %parallel_loop3A_400 = tpu.vector_load %arg7[%parallel_loop3A_397, %parallel_loop3A_398, %parallel_loop3A_399] {strides = array<i32>} : memref<3x64x512xf32, #tpu.memory_space<vmem>>, vector<1x1x16xf32>,
      %parallel_loop3A_401 = vector.shape_cast %parallel_loop3A_400 : vector<1x1x16xf32> to vector<16xf32>
      %parallel_loop3A_402 = vector.shape_cast %parallel_loop3A_395 : vector<16xf32> to vector<1x1x16xf32>
      tpu.vector_store %arg7[%parallel_loop3A_397, %parallel_loop3A_398, %parallel_loop3A_399], %parallel_loop3A_402 {strides = array<i32>} : memref<3x64x512xf32, #tpu.memory_space<vmem>>, vector<1x1x16xf32>,
      %parallel_loop3A_403 = arith.mulf %parallel_loop3A_322, %parallel_loop3A_368 : vector<16xf32>
      %parallel_loop3A_404 = arith.subf %parallel_loop3A_403, %parallel_loop3A_328 : vector<16xf32>
      %parallel_loop3A_405 = arith.constant 0 : i32
      %parallel_loop3A_406 = arith.index_cast %parallel_loop3A_405 : i32 to index
      %parallel_loop3A_407 = arith.index_cast %parallel_loop3A_316 : i32 to index
      %parallel_loop3A_408 = arith.constant 64 : index
      %parallel_loop3A_409 = tpu.vector_load %arg7[%parallel_loop3A_406, %parallel_loop3A_407, %parallel_loop3A_408] {strides = array<i32>} : memref<3x64x512xf32, #tpu.memory_space<vmem>>, vector<1x1x16xf32>,
      %parallel_loop3A_410 = vector.shape_cast %parallel_loop3A_409 : vector<1x1x16xf32> to vector<16xf32>
      %parallel_loop3A_411 = arith.addf %parallel_loop3A_410, %parallel_loop3A_404 : vector<16xf32>
      %parallel_loop3A_412 = arith.constant 0 : i32
      %parallel_loop3A_413 = arith.index_cast %parallel_loop3A_412 : i32 to index
      %parallel_loop3A_414 = arith.index_cast %parallel_loop3A_316 : i32 to index
      %parallel_loop3A_415 = arith.constant 64 : index
      %parallel_loop3A_416 = tpu.vector_load %arg7[%parallel_loop3A_413, %parallel_loop3A_414, %parallel_loop3A_415] {strides = array<i32>} : memref<3x64x512xf32, #tpu.memory_space<vmem>>, vector<1x1x16xf32>,
      %parallel_loop3A_417 = vector.shape_cast %parallel_loop3A_416 : vector<1x1x16xf32> to vector<16xf32>
      %parallel_loop3A_418 = vector.shape_cast %parallel_loop3A_411 : vector<16xf32> to vector<1x1x16xf32>
      tpu.vector_store %arg7[%parallel_loop3A_413, %parallel_loop3A_414, %parallel_loop3A_415], %parallel_loop3A_418 {strides = array<i32>} : memref<3x64x512xf32, #tpu.memory_space<vmem>>, vector<1x1x16xf32>,
      %parallel_loop3A_419 = arith.mulf %parallel_loop3A_322, %parallel_loop3A_388 : vector<16xf32>
      %parallel_loop3A_420 = arith.subf %parallel_loop3A_419, %parallel_loop3A_348 : vector<16xf32>
      %parallel_loop3A_421 = arith.constant 0 : i32
      %parallel_loop3A_422 = arith.index_cast %parallel_loop3A_421 : i32 to index
      %parallel_loop3A_423 = arith.index_cast %parallel_loop3A_316 : i32 to index
      %parallel_loop3A_424 = arith.constant 80 : index
      %parallel_loop3A_425 = tpu.vector_load %arg7[%parallel_loop3A_422, %parallel_loop3A_423, %parallel_loop3A_424] {strides = array<i32>} : memref<3x64x512xf32, #tpu.memory_space<vmem>>, vector<1x1x16xf32>,
      %parallel_loop3A_426 = vector.shape_cast %parallel_loop3A_425 : vector<1x1x16xf32> to vector<16xf32>
      %parallel_loop3A_427 = arith.addf %parallel_loop3A_426, %parallel_loop3A_420 : vector<16xf32>
      %parallel_loop3A_428 = arith.constant 0 : i32
      %parallel_loop3A_429 = arith.index_cast %parallel_loop3A_428 : i32 to index
      %parallel_loop3A_430 = arith.index_cast %parallel_loop3A_316 : i32 to index
      %parallel_loop3A_431 = arith.constant 80 : index
      %parallel_loop3A_432 = tpu.vector_load %arg7[%parallel_loop3A_429, %parallel_loop3A_430, %parallel_loop3A_431] {strides = array<i32>} : memref<3x64x512xf32, #tpu.memory_space<vmem>>, vector<1x1x16xf32>,
      %parallel_loop3A_433 = vector.shape_cast %parallel_loop3A_432 : vector<1x1x16xf32> to vector<16xf32>
      %parallel_loop3A_434 = vector.shape_cast %parallel_loop3A_427 : vector<16xf32> to vector<1x1x16xf32>
      tpu.vector_store %arg7[%parallel_loop3A_429, %parallel_loop3A_430, %parallel_loop3A_431], %parallel_loop3A_434 {strides = array<i32>} : memref<3x64x512xf32, #tpu.memory_space<vmem>>, vector<1x1x16xf32>,
      %parallel_loop3A_435 = arith.mulf %parallel_loop3A_322, %parallel_loop3A_404 : vector<16xf32>
      %parallel_loop3A_436 = arith.subf %parallel_loop3A_435, %parallel_loop3A_368 : vector<16xf32>
      %parallel_loop3A_437 = arith.constant 0 : i32
      %parallel_loop3A_438 = arith.index_cast %parallel_loop3A_437 : i32 to index
      %parallel_loop3A_439 = arith.index_cast %parallel_loop3A_316 : i32 to index
      %parallel_loop3A_440 = arith.constant 96 : index
      %parallel_loop3A_441 = tpu.vector_load %arg7[%parallel_loop3A_438, %parallel_loop3A_439, %parallel_loop3A_440] {strides = array<i32>} : memref<3x64x512xf32, #tpu.memory_space<vmem>>, vector<1x1x16xf32>,
      %parallel_loop3A_442 = vector.shape_cast %parallel_loop3A_441 : vector<1x1x16xf32> to vector<16xf32>
      %parallel_loop3A_443 = arith.addf %parallel_loop3A_442, %parallel_loop3A_436 : vector<16xf32>
      %parallel_loop3A_444 = arith.constant 0 : i32
      %parallel_loop3A_445 = arith.index_cast %parallel_loop3A_444 : i32 to index
      %parallel_loop3A_446 = arith.index_cast %parallel_loop3A_316 : i32 to index
      %parallel_loop3A_447 = arith.constant 96 : index
      %parallel_loop3A_448 = tpu.vector_load %arg7[%parallel_loop3A_445, %parallel_loop3A_446, %parallel_loop3A_447] {strides = array<i32>} : memref<3x64x512xf32, #tpu.memory_space<vmem>>, vector<1x1x16xf32>,
      %parallel_loop3A_449 = vector.shape_cast %parallel_loop3A_448 : vector<1x1x16xf32> to vector<16xf32>
      %parallel_loop3A_450 = vector.shape_cast %parallel_loop3A_443 : vector<16xf32> to vector<1x1x16xf32>
      tpu.vector_store %arg7[%parallel_loop3A_445, %parallel_loop3A_446, %parallel_loop3A_447], %parallel_loop3A_450 {strides = array<i32>} : memref<3x64x512xf32, #tpu.memory_space<vmem>>, vector<1x1x16xf32>,
      %parallel_loop3A_451 = arith.mulf %parallel_loop3A_322, %parallel_loop3A_420 : vector<16xf32>
      %parallel_loop3A_452 = arith.subf %parallel_loop3A_451, %parallel_loop3A_388 : vector<16xf32>
      %parallel_loop3A_453 = arith.constant 0 : i32
      %parallel_loop3A_454 = arith.index_cast %parallel_loop3A_453 : i32 to index
      %parallel_loop3A_455 = arith.index_cast %parallel_loop3A_316 : i32 to index
      %parallel_loop3A_456 = arith.constant 112 : index
      %parallel_loop3A_457 = tpu.vector_load %arg7[%parallel_loop3A_454, %parallel_loop3A_455, %parallel_loop3A_456] {strides = array<i32>} : memref<3x64x512xf32, #tpu.memory_space<vmem>>, vector<1x1x16xf32>,
      %parallel_loop3A_458 = vector.shape_cast %parallel_loop3A_457 : vector<1x1x16xf32> to vector<16xf32>
      %parallel_loop3A_459 = arith.addf %parallel_loop3A_458, %parallel_loop3A_452 : vector<16xf32>
      %parallel_loop3A_460 = arith.constant 0 : i32
      %parallel_loop3A_461 = arith.index_cast %parallel_loop3A_460 : i32 to index
      %parallel_loop3A_462 = arith.index_cast %parallel_loop3A_316 : i32 to index
      %parallel_loop3A_463 = arith.constant 112 : index
      %parallel_loop3A_464 = tpu.vector_load %arg7[%parallel_loop3A_461, %parallel_loop3A_462, %parallel_loop3A_463] {strides = array<i32>} : memref<3x64x512xf32, #tpu.memory_space<vmem>>, vector<1x1x16xf32>,
      %parallel_loop3A_465 = vector.shape_cast %parallel_loop3A_464 : vector<1x1x16xf32> to vector<16xf32>
      %parallel_loop3A_466 = vector.shape_cast %parallel_loop3A_459 : vector<16xf32> to vector<1x1x16xf32>
      tpu.vector_store %arg7[%parallel_loop3A_461, %parallel_loop3A_462, %parallel_loop3A_463], %parallel_loop3A_466 {strides = array<i32>} : memref<3x64x512xf32, #tpu.memory_space<vmem>>, vector<1x1x16xf32>,
      %parallel_loop3A_467 = arith.mulf %parallel_loop3A_322, %parallel_loop3A_436 : vector<16xf32>
      %parallel_loop3A_468 = arith.subf %parallel_loop3A_467, %parallel_loop3A_404 : vector<16xf32>
      %parallel_loop3A_469 = arith.constant 0 : i32
      %parallel_loop3A_470 = arith.index_cast %parallel_loop3A_469 : i32 to index
      %parallel_loop3A_471 = arith.index_cast %parallel_loop3A_316 : i32 to index
      %parallel_loop3A_472 = arith.constant 128 : index
      %parallel_loop3A_473 = tpu.vector_load %arg7[%parallel_loop3A_470, %parallel_loop3A_471, %parallel_loop3A_472] {strides = array<i32>} : memref<3x64x512xf32, #tpu.memory_space<vmem>>, vector<1x1x16xf32>,
      %parallel_loop3A_474 = vector.shape_cast %parallel_loop3A_473 : vector<1x1x16xf32> to vector<16xf32>
      %parallel_loop3A_475 = arith.addf %parallel_loop3A_474, %parallel_loop3A_468 : vector<16xf32>
      %parallel_loop3A_476 = arith.constant 0 : i32
      %parallel_loop3A_477 = arith.index_cast %parallel_loop3A_476 : i32 to index
      %parallel_loop3A_478 = arith.index_cast %parallel_loop3A_316 : i32 to index
      %parallel_loop3A_479 = arith.constant 128 : index
      %parallel_loop3A_480 = tpu.vector_load %arg7[%parallel_loop3A_477, %parallel_loop3A_478, %parallel_loop3A_479] {strides = array<i32>} : memref<3x64x512xf32, #tpu.memory_space<vmem>>, vector<1x1x16xf32>,
      %parallel_loop3A_481 = vector.shape_cast %parallel_loop3A_480 : vector<1x1x16xf32> to vector<16xf32>
      %parallel_loop3A_482 = vector.shape_cast %parallel_loop3A_475 : vector<16xf32> to vector<1x1x16xf32>
      tpu.vector_store %arg7[%parallel_loop3A_477, %parallel_loop3A_478, %parallel_loop3A_479], %parallel_loop3A_482 {strides = array<i32>} : memref<3x64x512xf32, #tpu.memory_space<vmem>>, vector<1x1x16xf32>,
      %parallel_loop3A_483 = arith.mulf %parallel_loop3A_322, %parallel_loop3A_452 : vector<16xf32>
      %parallel_loop3A_484 = arith.subf %parallel_loop3A_483, %parallel_loop3A_420 : vector<16xf32>
      %parallel_loop3A_485 = arith.constant 0 : i32
      %parallel_loop3A_486 = arith.index_cast %parallel_loop3A_485 : i32 to index
      %parallel_loop3A_487 = arith.index_cast %parallel_loop3A_316 : i32 to index
      %parallel_loop3A_488 = arith.constant 144 : index
      %parallel_loop3A_489 = tpu.vector_load %arg7[%parallel_loop3A_486, %parallel_loop3A_487, %parallel_loop3A_488] {strides = array<i32>} : memref<3x64x512xf32, #tpu.memory_space<vmem>>, vector<1x1x16xf32>,
      %parallel_loop3A_490 = vector.shape_cast %parallel_loop3A_489 : vector<1x1x16xf32> to vector<16xf32>
      %parallel_loop3A_491 = arith.addf %parallel_loop3A_490, %parallel_loop3A_484 : vector<16xf32>
      %parallel_loop3A_492 = arith.constant 0 : i32
      %parallel_loop3A_493 = arith.index_cast %parallel_loop3A_492 : i32 to index
      %parallel_loop3A_494 = arith.index_cast %parallel_loop3A_316 : i32 to index
      %parallel_loop3A_495 = arith.constant 144 : index
      %parallel_loop3A_496 = tpu.vector_load %arg7[%parallel_loop3A_493, %parallel_loop3A_494, %parallel_loop3A_495] {strides = array<i32>} : memref<3x64x512xf32, #tpu.memory_space<vmem>>, vector<1x1x16xf32>,
      %parallel_loop3A_497 = vector.shape_cast %parallel_loop3A_496 : vector<1x1x16xf32> to vector<16xf32>
      %parallel_loop3A_498 = vector.shape_cast %parallel_loop3A_491 : vector<16xf32> to vector<1x1x16xf32>
      tpu.vector_store %arg7[%parallel_loop3A_493, %parallel_loop3A_494, %parallel_loop3A_495], %parallel_loop3A_498 {strides = array<i32>} : memref<3x64x512xf32, #tpu.memory_space<vmem>>, vector<1x1x16xf32>,
      %parallel_loop3A_499 = arith.mulf %parallel_loop3A_322, %parallel_loop3A_468 : vector<16xf32>
      %parallel_loop3A_500 = arith.subf %parallel_loop3A_499, %parallel_loop3A_436 : vector<16xf32>
      %parallel_loop3A_501 = arith.constant 0 : i32
      %parallel_loop3A_502 = arith.index_cast %parallel_loop3A_501 : i32 to index
      %parallel_loop3A_503 = arith.index_cast %parallel_loop3A_316 : i32 to index
      %parallel_loop3A_504 = arith.constant 160 : index
      %parallel_loop3A_505 = tpu.vector_load %arg7[%parallel_loop3A_502, %parallel_loop3A_503, %parallel_loop3A_504] {strides = array<i32>} : memref<3x64x512xf32, #tpu.memory_space<vmem>>, vector<1x1x16xf32>,
      %parallel_loop3A_506 = vector.shape_cast %parallel_loop3A_505 : vector<1x1x16xf32> to vector<16xf32>
      %parallel_loop3A_507 = arith.addf %parallel_loop3A_506, %parallel_loop3A_500 : vector<16xf32>
      %parallel_loop3A_508 = arith.constant 0 : i32
      %parallel_loop3A_509 = arith.index_cast %parallel_loop3A_508 : i32 to index
      %parallel_loop3A_510 = arith.index_cast %parallel_loop3A_316 : i32 to index
      %parallel_loop3A_511 = arith.constant 160 : index
      %parallel_loop3A_512 = tpu.vector_load %arg7[%parallel_loop3A_509, %parallel_loop3A_510, %parallel_loop3A_511] {strides = array<i32>} : memref<3x64x512xf32, #tpu.memory_space<vmem>>, vector<1x1x16xf32>,
      %parallel_loop3A_513 = vector.shape_cast %parallel_loop3A_512 : vector<1x1x16xf32> to vector<16xf32>
      %parallel_loop3A_514 = vector.shape_cast %parallel_loop3A_507 : vector<16xf32> to vector<1x1x16xf32>
      tpu.vector_store %arg7[%parallel_loop3A_509, %parallel_loop3A_510, %parallel_loop3A_511], %parallel_loop3A_514 {strides = array<i32>} : memref<3x64x512xf32, #tpu.memory_space<vmem>>, vector<1x1x16xf32>,
      %parallel_loop3A_515 = arith.mulf %parallel_loop3A_322, %parallel_loop3A_484 : vector<16xf32>
      %parallel_loop3A_516 = arith.subf %parallel_loop3A_515, %parallel_loop3A_452 : vector<16xf32>
      %parallel_loop3A_517 = arith.constant 0 : i32
      %parallel_loop3A_518 = arith.index_cast %parallel_loop3A_517 : i32 to index
      %parallel_loop3A_519 = arith.index_cast %parallel_loop3A_316 : i32 to index
      %parallel_loop3A_520 = arith.constant 176 : index
      %parallel_loop3A_521 = tpu.vector_load %arg7[%parallel_loop3A_518, %parallel_loop3A_519, %parallel_loop3A_520] {strides = array<i32>} : memref<3x64x512xf32, #tpu.memory_space<vmem>>, vector<1x1x16xf32>,
      %parallel_loop3A_522 = vector.shape_cast %parallel_loop3A_521 : vector<1x1x16xf32> to vector<16xf32>
      %parallel_loop3A_523 = arith.addf %parallel_loop3A_522, %parallel_loop3A_516 : vector<16xf32>
      %parallel_loop3A_524 = arith.constant 0 : i32
      %parallel_loop3A_525 = arith.index_cast %parallel_loop3A_524 : i32 to index
      %parallel_loop3A_526 = arith.index_cast %parallel_loop3A_316 : i32 to index
      %parallel_loop3A_527 = arith.constant 176 : index
      %parallel_loop3A_528 = tpu.vector_load %arg7[%parallel_loop3A_525, %parallel_loop3A_526, %parallel_loop3A_527] {strides = array<i32>} : memref<3x64x512xf32, #tpu.memory_space<vmem>>, vector<1x1x16xf32>,
      %parallel_loop3A_529 = vector.shape_cast %parallel_loop3A_528 : vector<1x1x16xf32> to vector<16xf32>
      %parallel_loop3A_530 = vector.shape_cast %parallel_loop3A_523 : vector<16xf32> to vector<1x1x16xf32>
      tpu.vector_store %arg7[%parallel_loop3A_525, %parallel_loop3A_526, %parallel_loop3A_527], %parallel_loop3A_530 {strides = array<i32>} : memref<3x64x512xf32, #tpu.memory_space<vmem>>, vector<1x1x16xf32>,
      %parallel_loop3A_531 = arith.mulf %parallel_loop3A_322, %parallel_loop3A_500 : vector<16xf32>
      %parallel_loop3A_532 = arith.subf %parallel_loop3A_531, %parallel_loop3A_468 : vector<16xf32>
      %parallel_loop3A_533 = arith.constant 0 : i32
      %parallel_loop3A_534 = arith.index_cast %parallel_loop3A_533 : i32 to index
      %parallel_loop3A_535 = arith.index_cast %parallel_loop3A_316 : i32 to index
      %parallel_loop3A_536 = arith.constant 192 : index
      %parallel_loop3A_537 = tpu.vector_load %arg7[%parallel_loop3A_534, %parallel_loop3A_535, %parallel_loop3A_536] {strides = array<i32>} : memref<3x64x512xf32, #tpu.memory_space<vmem>>, vector<1x1x16xf32>,
      %parallel_loop3A_538 = vector.shape_cast %parallel_loop3A_537 : vector<1x1x16xf32> to vector<16xf32>
      %parallel_loop3A_539 = arith.addf %parallel_loop3A_538, %parallel_loop3A_532 : vector<16xf32>
      %parallel_loop3A_540 = arith.constant 0 : i32
      %parallel_loop3A_541 = arith.index_cast %parallel_loop3A_540 : i32 to index
      %parallel_loop3A_542 = arith.index_cast %parallel_loop3A_316 : i32 to index
      %parallel_loop3A_543 = arith.constant 192 : index
      %parallel_loop3A_544 = tpu.vector_load %arg7[%parallel_loop3A_541, %parallel_loop3A_542, %parallel_loop3A_543] {strides = array<i32>} : memref<3x64x512xf32, #tpu.memory_space<vmem>>, vector<1x1x16xf32>,
      %parallel_loop3A_545 = vector.shape_cast %parallel_loop3A_544 : vector<1x1x16xf32> to vector<16xf32>
      %parallel_loop3A_546 = vector.shape_cast %parallel_loop3A_539 : vector<16xf32> to vector<1x1x16xf32>
      tpu.vector_store %arg7[%parallel_loop3A_541, %parallel_loop3A_542, %parallel_loop3A_543], %parallel_loop3A_546 {strides = array<i32>} : memref<3x64x512xf32, #tpu.memory_space<vmem>>, vector<1x1x16xf32>,
      %parallel_loop3A_547 = arith.mulf %parallel_loop3A_322, %parallel_loop3A_516 : vector<16xf32>
      %parallel_loop3A_548 = arith.subf %parallel_loop3A_547, %parallel_loop3A_484 : vector<16xf32>
      %parallel_loop3A_549 = arith.constant 0 : i32
      %parallel_loop3A_550 = arith.index_cast %parallel_loop3A_549 : i32 to index
      %parallel_loop3A_551 = arith.index_cast %parallel_loop3A_316 : i32 to index
      %parallel_loop3A_552 = arith.constant 208 : index
      %parallel_loop3A_553 = tpu.vector_load %arg7[%parallel_loop3A_550, %parallel_loop3A_551, %parallel_loop3A_552] {strides = array<i32>} : memref<3x64x512xf32, #tpu.memory_space<vmem>>, vector<1x1x16xf32>,
      %parallel_loop3A_554 = vector.shape_cast %parallel_loop3A_553 : vector<1x1x16xf32> to vector<16xf32>
      %parallel_loop3A_555 = arith.addf %parallel_loop3A_554, %parallel_loop3A_548 : vector<16xf32>
      %parallel_loop3A_556 = arith.constant 0 : i32
      %parallel_loop3A_557 = arith.index_cast %parallel_loop3A_556 : i32 to index
      %parallel_loop3A_558 = arith.index_cast %parallel_loop3A_316 : i32 to index
      %parallel_loop3A_559 = arith.constant 208 : index
      %parallel_loop3A_560 = tpu.vector_load %arg7[%parallel_loop3A_557, %parallel_loop3A_558, %parallel_loop3A_559] {strides = array<i32>} : memref<3x64x512xf32, #tpu.memory_space<vmem>>, vector<1x1x16xf32>,
      %parallel_loop3A_561 = vector.shape_cast %parallel_loop3A_560 : vector<1x1x16xf32> to vector<16xf32>
      %parallel_loop3A_562 = vector.shape_cast %parallel_loop3A_555 : vector<16xf32> to vector<1x1x16xf32>
      tpu.vector_store %arg7[%parallel_loop3A_557, %parallel_loop3A_558, %parallel_loop3A_559], %parallel_loop3A_562 {strides = array<i32>} : memref<3x64x512xf32, #tpu.memory_space<vmem>>, vector<1x1x16xf32>,
      %parallel_loop3A_563 = arith.mulf %parallel_loop3A_322, %parallel_loop3A_532 : vector<16xf32>
      %parallel_loop3A_564 = arith.subf %parallel_loop3A_563, %parallel_loop3A_500 : vector<16xf32>
      %parallel_loop3A_565 = arith.constant 0 : i32
      %parallel_loop3A_566 = arith.index_cast %parallel_loop3A_565 : i32 to index
      %parallel_loop3A_567 = arith.index_cast %parallel_loop3A_316 : i32 to index
      %parallel_loop3A_568 = arith.constant 224 : index
      %parallel_loop3A_569 = tpu.vector_load %arg7[%parallel_loop3A_566, %parallel_loop3A_567, %parallel_loop3A_568] {strides = array<i32>} : memref<3x64x512xf32, #tpu.memory_space<vmem>>, vector<1x1x16xf32>,
      %parallel_loop3A_570 = vector.shape_cast %parallel_loop3A_569 : vector<1x1x16xf32> to vector<16xf32>
      %parallel_loop3A_571 = arith.addf %parallel_loop3A_570, %parallel_loop3A_564 : vector<16xf32>
      %parallel_loop3A_572 = arith.constant 0 : i32
      %parallel_loop3A_573 = arith.index_cast %parallel_loop3A_572 : i32 to index
      %parallel_loop3A_574 = arith.index_cast %parallel_loop3A_316 : i32 to index
      %parallel_loop3A_575 = arith.constant 224 : index
      %parallel_loop3A_576 = tpu.vector_load %arg7[%parallel_loop3A_573, %parallel_loop3A_574, %parallel_loop3A_575] {strides = array<i32>} : memref<3x64x512xf32, #tpu.memory_space<vmem>>, vector<1x1x16xf32>,
      %parallel_loop3A_577 = vector.shape_cast %parallel_loop3A_576 : vector<1x1x16xf32> to vector<16xf32>
      %parallel_loop3A_578 = vector.shape_cast %parallel_loop3A_571 : vector<16xf32> to vector<1x1x16xf32>
      tpu.vector_store %arg7[%parallel_loop3A_573, %parallel_loop3A_574, %parallel_loop3A_575], %parallel_loop3A_578 {strides = array<i32>} : memref<3x64x512xf32, #tpu.memory_space<vmem>>, vector<1x1x16xf32>,
      %parallel_loop3A_579 = arith.mulf %parallel_loop3A_322, %parallel_loop3A_548 : vector<16xf32>
      %parallel_loop3A_580 = arith.subf %parallel_loop3A_579, %parallel_loop3A_516 : vector<16xf32>
      %parallel_loop3A_581 = arith.constant 0 : i32
      %parallel_loop3A_582 = arith.index_cast %parallel_loop3A_581 : i32 to index
      %parallel_loop3A_583 = arith.index_cast %parallel_loop3A_316 : i32 to index
      %parallel_loop3A_584 = arith.constant 240 : index
      %parallel_loop3A_585 = tpu.vector_load %arg7[%parallel_loop3A_582, %parallel_loop3A_583, %parallel_loop3A_584] {strides = array<i32>} : memref<3x64x512xf32, #tpu.memory_space<vmem>>, vector<1x1x16xf32>,
      %parallel_loop3A_586 = vector.shape_cast %parallel_loop3A_585 : vector<1x1x16xf32> to vector<16xf32>
      %parallel_loop3A_587 = arith.addf %parallel_loop3A_586, %parallel_loop3A_580 : vector<16xf32>
      %parallel_loop3A_588 = arith.constant 0 : i32
      %parallel_loop3A_589 = arith.index_cast %parallel_loop3A_588 : i32 to index
      %parallel_loop3A_590 = arith.index_cast %parallel_loop3A_316 : i32 to index
      %parallel_loop3A_591 = arith.constant 240 : index
      %parallel_loop3A_592 = tpu.vector_load %arg7[%parallel_loop3A_589, %parallel_loop3A_590, %parallel_loop3A_591] {strides = array<i32>} : memref<3x64x512xf32, #tpu.memory_space<vmem>>, vector<1x1x16xf32>,
      %parallel_loop3A_593 = vector.shape_cast %parallel_loop3A_592 : vector<1x1x16xf32> to vector<16xf32>
      %parallel_loop3A_594 = vector.shape_cast %parallel_loop3A_587 : vector<16xf32> to vector<1x1x16xf32>
      tpu.vector_store %arg7[%parallel_loop3A_589, %parallel_loop3A_590, %parallel_loop3A_591], %parallel_loop3A_594 {strides = array<i32>} : memref<3x64x512xf32, #tpu.memory_space<vmem>>, vector<1x1x16xf32>,
      %parallel_loop3A_595 = arith.mulf %parallel_loop3A_322, %parallel_loop3A_564 : vector<16xf32>
      %parallel_loop3A_596 = arith.subf %parallel_loop3A_595, %parallel_loop3A_532 : vector<16xf32>
      %parallel_loop3A_597 = arith.constant 0 : i32
      %parallel_loop3A_598 = arith.index_cast %parallel_loop3A_597 : i32 to index
      %parallel_loop3A_599 = arith.index_cast %parallel_loop3A_316 : i32 to index
      %parallel_loop3A_600 = arith.constant 256 : index
      %parallel_loop3A_601 = tpu.vector_load %arg7[%parallel_loop3A_598, %parallel_loop3A_599, %parallel_loop3A_600] {strides = array<i32>} : memref<3x64x512xf32, #tpu.memory_space<vmem>>, vector<1x1x16xf32>,
      %parallel_loop3A_602 = vector.shape_cast %parallel_loop3A_601 : vector<1x1x16xf32> to vector<16xf32>
      %parallel_loop3A_603 = arith.addf %parallel_loop3A_602, %parallel_loop3A_596 : vector<16xf32>
      %parallel_loop3A_604 = arith.constant 0 : i32
      %parallel_loop3A_605 = arith.index_cast %parallel_loop3A_604 : i32 to index
      %parallel_loop3A_606 = arith.index_cast %parallel_loop3A_316 : i32 to index
      %parallel_loop3A_607 = arith.constant 256 : index
      %parallel_loop3A_608 = tpu.vector_load %arg7[%parallel_loop3A_605, %parallel_loop3A_606, %parallel_loop3A_607] {strides = array<i32>} : memref<3x64x512xf32, #tpu.memory_space<vmem>>, vector<1x1x16xf32>,
      %parallel_loop3A_609 = vector.shape_cast %parallel_loop3A_608 : vector<1x1x16xf32> to vector<16xf32>
      %parallel_loop3A_610 = vector.shape_cast %parallel_loop3A_603 : vector<16xf32> to vector<1x1x16xf32>
      tpu.vector_store %arg7[%parallel_loop3A_605, %parallel_loop3A_606, %parallel_loop3A_607], %parallel_loop3A_610 {strides = array<i32>} : memref<3x64x512xf32, #tpu.memory_space<vmem>>, vector<1x1x16xf32>,
      %parallel_loop3A_611 = arith.mulf %parallel_loop3A_322, %parallel_loop3A_580 : vector<16xf32>
      %parallel_loop3A_612 = arith.subf %parallel_loop3A_611, %parallel_loop3A_548 : vector<16xf32>
      %parallel_loop3A_613 = arith.constant 0 : i32
      %parallel_loop3A_614 = arith.index_cast %parallel_loop3A_613 : i32 to index
      %parallel_loop3A_615 = arith.index_cast %parallel_loop3A_316 : i32 to index
      %parallel_loop3A_616 = arith.constant 272 : index
      %parallel_loop3A_617 = tpu.vector_load %arg7[%parallel_loop3A_614, %parallel_loop3A_615, %parallel_loop3A_616] {strides = array<i32>} : memref<3x64x512xf32, #tpu.memory_space<vmem>>, vector<1x1x16xf32>,
      %parallel_loop3A_618 = vector.shape_cast %parallel_loop3A_617 : vector<1x1x16xf32> to vector<16xf32>
      %parallel_loop3A_619 = arith.addf %parallel_loop3A_618, %parallel_loop3A_612 : vector<16xf32>
      %parallel_loop3A_620 = arith.constant 0 : i32
      %parallel_loop3A_621 = arith.index_cast %parallel_loop3A_620 : i32 to index
      %parallel_loop3A_622 = arith.index_cast %parallel_loop3A_316 : i32 to index
      %parallel_loop3A_623 = arith.constant 272 : index
      %parallel_loop3A_624 = tpu.vector_load %arg7[%parallel_loop3A_621, %parallel_loop3A_622, %parallel_loop3A_623] {strides = array<i32>} : memref<3x64x512xf32, #tpu.memory_space<vmem>>, vector<1x1x16xf32>,
      %parallel_loop3A_625 = vector.shape_cast %parallel_loop3A_624 : vector<1x1x16xf32> to vector<16xf32>
      %parallel_loop3A_626 = vector.shape_cast %parallel_loop3A_619 : vector<16xf32> to vector<1x1x16xf32>
      tpu.vector_store %arg7[%parallel_loop3A_621, %parallel_loop3A_622, %parallel_loop3A_623], %parallel_loop3A_626 {strides = array<i32>} : memref<3x64x512xf32, #tpu.memory_space<vmem>>, vector<1x1x16xf32>,
      %parallel_loop3A_627 = arith.mulf %parallel_loop3A_322, %parallel_loop3A_596 : vector<16xf32>
      %parallel_loop3A_628 = arith.subf %parallel_loop3A_627, %parallel_loop3A_564 : vector<16xf32>
      %parallel_loop3A_629 = arith.constant 0 : i32
      %parallel_loop3A_630 = arith.index_cast %parallel_loop3A_629 : i32 to index
      %parallel_loop3A_631 = arith.index_cast %parallel_loop3A_316 : i32 to index
      %parallel_loop3A_632 = arith.constant 288 : index
      %parallel_loop3A_633 = tpu.vector_load %arg7[%parallel_loop3A_630, %parallel_loop3A_631, %parallel_loop3A_632] {strides = array<i32>} : memref<3x64x512xf32, #tpu.memory_space<vmem>>, vector<1x1x16xf32>,
      %parallel_loop3A_634 = vector.shape_cast %parallel_loop3A_633 : vector<1x1x16xf32> to vector<16xf32>
      %parallel_loop3A_635 = arith.addf %parallel_loop3A_634, %parallel_loop3A_628 : vector<16xf32>
      %parallel_loop3A_636 = arith.constant 0 : i32
      %parallel_loop3A_637 = arith.index_cast %parallel_loop3A_636 : i32 to index
      %parallel_loop3A_638 = arith.index_cast %parallel_loop3A_316 : i32 to index
      %parallel_loop3A_639 = arith.constant 288 : index
      %parallel_loop3A_640 = tpu.vector_load %arg7[%parallel_loop3A_637, %parallel_loop3A_638, %parallel_loop3A_639] {strides = array<i32>} : memref<3x64x512xf32, #tpu.memory_space<vmem>>, vector<1x1x16xf32>,
      %parallel_loop3A_641 = vector.shape_cast %parallel_loop3A_640 : vector<1x1x16xf32> to vector<16xf32>
      %parallel_loop3A_642 = vector.shape_cast %parallel_loop3A_635 : vector<16xf32> to vector<1x1x16xf32>
      tpu.vector_store %arg7[%parallel_loop3A_637, %parallel_loop3A_638, %parallel_loop3A_639], %parallel_loop3A_642 {strides = array<i32>} : memref<3x64x512xf32, #tpu.memory_space<vmem>>, vector<1x1x16xf32>,
      %parallel_loop3A_643 = arith.mulf %parallel_loop3A_322, %parallel_loop3A_612 : vector<16xf32>
      %parallel_loop3A_644 = arith.subf %parallel_loop3A_643, %parallel_loop3A_580 : vector<16xf32>
      %parallel_loop3A_645 = arith.constant 0 : i32
      %parallel_loop3A_646 = arith.index_cast %parallel_loop3A_645 : i32 to index
      %parallel_loop3A_647 = arith.index_cast %parallel_loop3A_316 : i32 to index
      %parallel_loop3A_648 = arith.constant 304 : index
      %parallel_loop3A_649 = tpu.vector_load %arg7[%parallel_loop3A_646, %parallel_loop3A_647, %parallel_loop3A_648] {strides = array<i32>} : memref<3x64x512xf32, #tpu.memory_space<vmem>>, vector<1x1x16xf32>,
      %parallel_loop3A_650 = vector.shape_cast %parallel_loop3A_649 : vector<1x1x16xf32> to vector<16xf32>
      %parallel_loop3A_651 = arith.addf %parallel_loop3A_650, %parallel_loop3A_644 : vector<16xf32>
      %parallel_loop3A_652 = arith.constant 0 : i32
      %parallel_loop3A_653 = arith.index_cast %parallel_loop3A_652 : i32 to index
      %parallel_loop3A_654 = arith.index_cast %parallel_loop3A_316 : i32 to index
      %parallel_loop3A_655 = arith.constant 304 : index
      %parallel_loop3A_656 = tpu.vector_load %arg7[%parallel_loop3A_653, %parallel_loop3A_654, %parallel_loop3A_655] {strides = array<i32>} : memref<3x64x512xf32, #tpu.memory_space<vmem>>, vector<1x1x16xf32>,
      %parallel_loop3A_657 = vector.shape_cast %parallel_loop3A_656 : vector<1x1x16xf32> to vector<16xf32>
      %parallel_loop3A_658 = vector.shape_cast %parallel_loop3A_651 : vector<16xf32> to vector<1x1x16xf32>
      tpu.vector_store %arg7[%parallel_loop3A_653, %parallel_loop3A_654, %parallel_loop3A_655], %parallel_loop3A_658 {strides = array<i32>} : memref<3x64x512xf32, #tpu.memory_space<vmem>>, vector<1x1x16xf32>,
      %parallel_loop3A_659 = arith.mulf %parallel_loop3A_322, %parallel_loop3A_628 : vector<16xf32>
      %parallel_loop3A_660 = arith.subf %parallel_loop3A_659, %parallel_loop3A_596 : vector<16xf32>
      %parallel_loop3A_661 = arith.constant 0 : i32
      %parallel_loop3A_662 = arith.index_cast %parallel_loop3A_661 : i32 to index
      %parallel_loop3A_663 = arith.index_cast %parallel_loop3A_316 : i32 to index
      %parallel_loop3A_664 = arith.constant 320 : index
      %parallel_loop3A_665 = tpu.vector_load %arg7[%parallel_loop3A_662, %parallel_loop3A_663, %parallel_loop3A_664] {strides = array<i32>} : memref<3x64x512xf32, #tpu.memory_space<vmem>>, vector<1x1x16xf32>,
      %parallel_loop3A_666 = vector.shape_cast %parallel_loop3A_665 : vector<1x1x16xf32> to vector<16xf32>
      %parallel_loop3A_667 = arith.addf %parallel_loop3A_666, %parallel_loop3A_660 : vector<16xf32>
      %parallel_loop3A_668 = arith.constant 0 : i32
      %parallel_loop3A_669 = arith.index_cast %parallel_loop3A_668 : i32 to index
      %parallel_loop3A_670 = arith.index_cast %parallel_loop3A_316 : i32 to index
      %parallel_loop3A_671 = arith.constant 320 : index
      %parallel_loop3A_672 = tpu.vector_load %arg7[%parallel_loop3A_669, %parallel_loop3A_670, %parallel_loop3A_671] {strides = array<i32>} : memref<3x64x512xf32, #tpu.memory_space<vmem>>, vector<1x1x16xf32>,
      %parallel_loop3A_673 = vector.shape_cast %parallel_loop3A_672 : vector<1x1x16xf32> to vector<16xf32>
      %parallel_loop3A_674 = vector.shape_cast %parallel_loop3A_667 : vector<16xf32> to vector<1x1x16xf32>
      tpu.vector_store %arg7[%parallel_loop3A_669, %parallel_loop3A_670, %parallel_loop3A_671], %parallel_loop3A_674 {strides = array<i32>} : memref<3x64x512xf32, #tpu.memory_space<vmem>>, vector<1x1x16xf32>,
      %parallel_loop3A_675 = arith.mulf %parallel_loop3A_322, %parallel_loop3A_644 : vector<16xf32>
      %parallel_loop3A_676 = arith.subf %parallel_loop3A_675, %parallel_loop3A_612 : vector<16xf32>
      %parallel_loop3A_677 = arith.constant 0 : i32
      %parallel_loop3A_678 = arith.index_cast %parallel_loop3A_677 : i32 to index
      %parallel_loop3A_679 = arith.index_cast %parallel_loop3A_316 : i32 to index
      %parallel_loop3A_680 = arith.constant 336 : index
      %parallel_loop3A_681 = tpu.vector_load %arg7[%parallel_loop3A_678, %parallel_loop3A_679, %parallel_loop3A_680] {strides = array<i32>} : memref<3x64x512xf32, #tpu.memory_space<vmem>>, vector<1x1x16xf32>,
      %parallel_loop3A_682 = vector.shape_cast %parallel_loop3A_681 : vector<1x1x16xf32> to vector<16xf32>
      %parallel_loop3A_683 = arith.addf %parallel_loop3A_682, %parallel_loop3A_676 : vector<16xf32>
      %parallel_loop3A_684 = arith.constant 0 : i32
      %parallel_loop3A_685 = arith.index_cast %parallel_loop3A_684 : i32 to index
      %parallel_loop3A_686 = arith.index_cast %parallel_loop3A_316 : i32 to index
      %parallel_loop3A_687 = arith.constant 336 : index
      %parallel_loop3A_688 = tpu.vector_load %arg7[%parallel_loop3A_685, %parallel_loop3A_686, %parallel_loop3A_687] {strides = array<i32>} : memref<3x64x512xf32, #tpu.memory_space<vmem>>, vector<1x1x16xf32>,
      %parallel_loop3A_689 = vector.shape_cast %parallel_loop3A_688 : vector<1x1x16xf32> to vector<16xf32>
      %parallel_loop3A_690 = vector.shape_cast %parallel_loop3A_683 : vector<16xf32> to vector<1x1x16xf32>
      tpu.vector_store %arg7[%parallel_loop3A_685, %parallel_loop3A_686, %parallel_loop3A_687], %parallel_loop3A_690 {strides = array<i32>} : memref<3x64x512xf32, #tpu.memory_space<vmem>>, vector<1x1x16xf32>,
      %parallel_loop3A_691 = arith.mulf %parallel_loop3A_322, %parallel_loop3A_660 : vector<16xf32>
      %parallel_loop3A_692 = arith.subf %parallel_loop3A_691, %parallel_loop3A_628 : vector<16xf32>
      %parallel_loop3A_693 = arith.constant 0 : i32
      %parallel_loop3A_694 = arith.index_cast %parallel_loop3A_693 : i32 to index
      %parallel_loop3A_695 = arith.index_cast %parallel_loop3A_316 : i32 to index
      %parallel_loop3A_696 = arith.constant 352 : index
      %parallel_loop3A_697 = tpu.vector_load %arg7[%parallel_loop3A_694, %parallel_loop3A_695, %parallel_loop3A_696] {strides = array<i32>} : memref<3x64x512xf32, #tpu.memory_space<vmem>>, vector<1x1x16xf32>,
      %parallel_loop3A_698 = vector.shape_cast %parallel_loop3A_697 : vector<1x1x16xf32> to vector<16xf32>
      %parallel_loop3A_699 = arith.addf %parallel_loop3A_698, %parallel_loop3A_692 : vector<16xf32>
      %parallel_loop3A_700 = arith.constant 0 : i32
      %parallel_loop3A_701 = arith.index_cast %parallel_loop3A_700 : i32 to index
      %parallel_loop3A_702 = arith.index_cast %parallel_loop3A_316 : i32 to index
      %parallel_loop3A_703 = arith.constant 352 : index
      %parallel_loop3A_704 = tpu.vector_load %arg7[%parallel_loop3A_701, %parallel_loop3A_702, %parallel_loop3A_703] {strides = array<i32>} : memref<3x64x512xf32, #tpu.memory_space<vmem>>, vector<1x1x16xf32>,
      %parallel_loop3A_705 = vector.shape_cast %parallel_loop3A_704 : vector<1x1x16xf32> to vector<16xf32>
      %parallel_loop3A_706 = vector.shape_cast %parallel_loop3A_699 : vector<16xf32> to vector<1x1x16xf32>
      tpu.vector_store %arg7[%parallel_loop3A_701, %parallel_loop3A_702, %parallel_loop3A_703], %parallel_loop3A_706 {strides = array<i32>} : memref<3x64x512xf32, #tpu.memory_space<vmem>>, vector<1x1x16xf32>,
      %parallel_loop3A_707 = arith.mulf %parallel_loop3A_322, %parallel_loop3A_676 : vector<16xf32>
      %parallel_loop3A_708 = arith.subf %parallel_loop3A_707, %parallel_loop3A_644 : vector<16xf32>
      %parallel_loop3A_709 = arith.constant 0 : i32
      %parallel_loop3A_710 = arith.index_cast %parallel_loop3A_709 : i32 to index
      %parallel_loop3A_711 = arith.index_cast %parallel_loop3A_316 : i32 to index
      %parallel_loop3A_712 = arith.constant 368 : index
      %parallel_loop3A_713 = tpu.vector_load %arg7[%parallel_loop3A_710, %parallel_loop3A_711, %parallel_loop3A_712] {strides = array<i32>} : memref<3x64x512xf32, #tpu.memory_space<vmem>>, vector<1x1x16xf32>,
      %parallel_loop3A_714 = vector.shape_cast %parallel_loop3A_713 : vector<1x1x16xf32> to vector<16xf32>
      %parallel_loop3A_715 = arith.addf %parallel_loop3A_714, %parallel_loop3A_708 : vector<16xf32>
      %parallel_loop3A_716 = arith.constant 0 : i32
      %parallel_loop3A_717 = arith.index_cast %parallel_loop3A_716 : i32 to index
      %parallel_loop3A_718 = arith.index_cast %parallel_loop3A_316 : i32 to index
      %parallel_loop3A_719 = arith.constant 368 : index
      %parallel_loop3A_720 = tpu.vector_load %arg7[%parallel_loop3A_717, %parallel_loop3A_718, %parallel_loop3A_719] {strides = array<i32>} : memref<3x64x512xf32, #tpu.memory_space<vmem>>, vector<1x1x16xf32>,
      %parallel_loop3A_721 = vector.shape_cast %parallel_loop3A_720 : vector<1x1x16xf32> to vector<16xf32>
      %parallel_loop3A_722 = vector.shape_cast %parallel_loop3A_715 : vector<16xf32> to vector<1x1x16xf32>
      tpu.vector_store %arg7[%parallel_loop3A_717, %parallel_loop3A_718, %parallel_loop3A_719], %parallel_loop3A_722 {strides = array<i32>} : memref<3x64x512xf32, #tpu.memory_space<vmem>>, vector<1x1x16xf32>,
      %parallel_loop3A_723 = arith.mulf %parallel_loop3A_322, %parallel_loop3A_692 : vector<16xf32>
      %parallel_loop3A_724 = arith.subf %parallel_loop3A_723, %parallel_loop3A_660 : vector<16xf32>
      %parallel_loop3A_725 = arith.constant 0 : i32
      %parallel_loop3A_726 = arith.index_cast %parallel_loop3A_725 : i32 to index
      %parallel_loop3A_727 = arith.index_cast %parallel_loop3A_316 : i32 to index
      %parallel_loop3A_728 = arith.constant 384 : index
      %parallel_loop3A_729 = tpu.vector_load %arg7[%parallel_loop3A_726, %parallel_loop3A_727, %parallel_loop3A_728] {strides = array<i32>} : memref<3x64x512xf32, #tpu.memory_space<vmem>>, vector<1x1x16xf32>,
      %parallel_loop3A_730 = vector.shape_cast %parallel_loop3A_729 : vector<1x1x16xf32> to vector<16xf32>
      %parallel_loop3A_731 = arith.addf %parallel_loop3A_730, %parallel_loop3A_724 : vector<16xf32>
      %parallel_loop3A_732 = arith.constant 0 : i32
      %parallel_loop3A_733 = arith.index_cast %parallel_loop3A_732 : i32 to index
      %parallel_loop3A_734 = arith.index_cast %parallel_loop3A_316 : i32 to index
      %parallel_loop3A_735 = arith.constant 384 : index
      %parallel_loop3A_736 = tpu.vector_load %arg7[%parallel_loop3A_733, %parallel_loop3A_734, %parallel_loop3A_735] {strides = array<i32>} : memref<3x64x512xf32, #tpu.memory_space<vmem>>, vector<1x1x16xf32>,
      %parallel_loop3A_737 = vector.shape_cast %parallel_loop3A_736 : vector<1x1x16xf32> to vector<16xf32>
      %parallel_loop3A_738 = vector.shape_cast %parallel_loop3A_731 : vector<16xf32> to vector<1x1x16xf32>
      tpu.vector_store %arg7[%parallel_loop3A_733, %parallel_loop3A_734, %parallel_loop3A_735], %parallel_loop3A_738 {strides = array<i32>} : memref<3x64x512xf32, #tpu.memory_space<vmem>>, vector<1x1x16xf32>,
      %parallel_loop3A_739 = arith.mulf %parallel_loop3A_322, %parallel_loop3A_708 : vector<16xf32>
      %parallel_loop3A_740 = arith.subf %parallel_loop3A_739, %parallel_loop3A_676 : vector<16xf32>
      %parallel_loop3A_741 = arith.constant 0 : i32
      %parallel_loop3A_742 = arith.index_cast %parallel_loop3A_741 : i32 to index
      %parallel_loop3A_743 = arith.index_cast %parallel_loop3A_316 : i32 to index
      %parallel_loop3A_744 = arith.constant 400 : index
      %parallel_loop3A_745 = tpu.vector_load %arg7[%parallel_loop3A_742, %parallel_loop3A_743, %parallel_loop3A_744] {strides = array<i32>} : memref<3x64x512xf32, #tpu.memory_space<vmem>>, vector<1x1x16xf32>,
      %parallel_loop3A_746 = vector.shape_cast %parallel_loop3A_745 : vector<1x1x16xf32> to vector<16xf32>
      %parallel_loop3A_747 = arith.addf %parallel_loop3A_746, %parallel_loop3A_740 : vector<16xf32>
      %parallel_loop3A_748 = arith.constant 0 : i32
      %parallel_loop3A_749 = arith.index_cast %parallel_loop3A_748 : i32 to index
      %parallel_loop3A_750 = arith.index_cast %parallel_loop3A_316 : i32 to index
      %parallel_loop3A_751 = arith.constant 400 : index
      %parallel_loop3A_752 = tpu.vector_load %arg7[%parallel_loop3A_749, %parallel_loop3A_750, %parallel_loop3A_751] {strides = array<i32>} : memref<3x64x512xf32, #tpu.memory_space<vmem>>, vector<1x1x16xf32>,
      %parallel_loop3A_753 = vector.shape_cast %parallel_loop3A_752 : vector<1x1x16xf32> to vector<16xf32>
      %parallel_loop3A_754 = vector.shape_cast %parallel_loop3A_747 : vector<16xf32> to vector<1x1x16xf32>
      tpu.vector_store %arg7[%parallel_loop3A_749, %parallel_loop3A_750, %parallel_loop3A_751], %parallel_loop3A_754 {strides = array<i32>} : memref<3x64x512xf32, #tpu.memory_space<vmem>>, vector<1x1x16xf32>,
      %parallel_loop3A_755 = arith.mulf %parallel_loop3A_322, %parallel_loop3A_724 : vector<16xf32>
      %parallel_loop3A_756 = arith.subf %parallel_loop3A_755, %parallel_loop3A_692 : vector<16xf32>
      %parallel_loop3A_757 = arith.constant 0 : i32
      %parallel_loop3A_758 = arith.index_cast %parallel_loop3A_757 : i32 to index
      %parallel_loop3A_759 = arith.index_cast %parallel_loop3A_316 : i32 to index
      %parallel_loop3A_760 = arith.constant 416 : index
      %parallel_loop3A_761 = tpu.vector_load %arg7[%parallel_loop3A_758, %parallel_loop3A_759, %parallel_loop3A_760] {strides = array<i32>} : memref<3x64x512xf32, #tpu.memory_space<vmem>>, vector<1x1x16xf32>,
      %parallel_loop3A_762 = vector.shape_cast %parallel_loop3A_761 : vector<1x1x16xf32> to vector<16xf32>
      %parallel_loop3A_763 = arith.addf %parallel_loop3A_762, %parallel_loop3A_756 : vector<16xf32>
      %parallel_loop3A_764 = arith.constant 0 : i32
      %parallel_loop3A_765 = arith.index_cast %parallel_loop3A_764 : i32 to index
      %parallel_loop3A_766 = arith.index_cast %parallel_loop3A_316 : i32 to index
      %parallel_loop3A_767 = arith.constant 416 : index
      %parallel_loop3A_768 = tpu.vector_load %arg7[%parallel_loop3A_765, %parallel_loop3A_766, %parallel_loop3A_767] {strides = array<i32>} : memref<3x64x512xf32, #tpu.memory_space<vmem>>, vector<1x1x16xf32>,
      %parallel_loop3A_769 = vector.shape_cast %parallel_loop3A_768 : vector<1x1x16xf32> to vector<16xf32>
      %parallel_loop3A_770 = vector.shape_cast %parallel_loop3A_763 : vector<16xf32> to vector<1x1x16xf32>
      tpu.vector_store %arg7[%parallel_loop3A_765, %parallel_loop3A_766, %parallel_loop3A_767], %parallel_loop3A_770 {strides = array<i32>} : memref<3x64x512xf32, #tpu.memory_space<vmem>>, vector<1x1x16xf32>,
      %parallel_loop3A_771 = arith.mulf %parallel_loop3A_322, %parallel_loop3A_740 : vector<16xf32>
      %parallel_loop3A_772 = arith.subf %parallel_loop3A_771, %parallel_loop3A_708 : vector<16xf32>
      %parallel_loop3A_773 = arith.constant 0 : i32
      %parallel_loop3A_774 = arith.index_cast %parallel_loop3A_773 : i32 to index
      %parallel_loop3A_775 = arith.index_cast %parallel_loop3A_316 : i32 to index
      %parallel_loop3A_776 = arith.constant 432 : index
      %parallel_loop3A_777 = tpu.vector_load %arg7[%parallel_loop3A_774, %parallel_loop3A_775, %parallel_loop3A_776] {strides = array<i32>} : memref<3x64x512xf32, #tpu.memory_space<vmem>>, vector<1x1x16xf32>,
      %parallel_loop3A_778 = vector.shape_cast %parallel_loop3A_777 : vector<1x1x16xf32> to vector<16xf32>
      %parallel_loop3A_779 = arith.addf %parallel_loop3A_778, %parallel_loop3A_772 : vector<16xf32>
      %parallel_loop3A_780 = arith.constant 0 : i32
      %parallel_loop3A_781 = arith.index_cast %parallel_loop3A_780 : i32 to index
      %parallel_loop3A_782 = arith.index_cast %parallel_loop3A_316 : i32 to index
      %parallel_loop3A_783 = arith.constant 432 : index
      %parallel_loop3A_784 = tpu.vector_load %arg7[%parallel_loop3A_781, %parallel_loop3A_782, %parallel_loop3A_783] {strides = array<i32>} : memref<3x64x512xf32, #tpu.memory_space<vmem>>, vector<1x1x16xf32>,
      %parallel_loop3A_785 = vector.shape_cast %parallel_loop3A_784 : vector<1x1x16xf32> to vector<16xf32>
      %parallel_loop3A_786 = vector.shape_cast %parallel_loop3A_779 : vector<16xf32> to vector<1x1x16xf32>
      tpu.vector_store %arg7[%parallel_loop3A_781, %parallel_loop3A_782, %parallel_loop3A_783], %parallel_loop3A_786 {strides = array<i32>} : memref<3x64x512xf32, #tpu.memory_space<vmem>>, vector<1x1x16xf32>,
      %parallel_loop3A_787 = arith.mulf %parallel_loop3A_322, %parallel_loop3A_756 : vector<16xf32>
      %parallel_loop3A_788 = arith.subf %parallel_loop3A_787, %parallel_loop3A_724 : vector<16xf32>
      %parallel_loop3A_789 = arith.constant 0 : i32
      %parallel_loop3A_790 = arith.index_cast %parallel_loop3A_789 : i32 to index
      %parallel_loop3A_791 = arith.index_cast %parallel_loop3A_316 : i32 to index
      %parallel_loop3A_792 = arith.constant 448 : index
      %parallel_loop3A_793 = tpu.vector_load %arg7[%parallel_loop3A_790, %parallel_loop3A_791, %parallel_loop3A_792] {strides = array<i32>} : memref<3x64x512xf32, #tpu.memory_space<vmem>>, vector<1x1x16xf32>,
      %parallel_loop3A_794 = vector.shape_cast %parallel_loop3A_793 : vector<1x1x16xf32> to vector<16xf32>
      %parallel_loop3A_795 = arith.addf %parallel_loop3A_794, %parallel_loop3A_788 : vector<16xf32>
      %parallel_loop3A_796 = arith.constant 0 : i32
      %parallel_loop3A_797 = arith.index_cast %parallel_loop3A_796 : i32 to index
      %parallel_loop3A_798 = arith.index_cast %parallel_loop3A_316 : i32 to index
      %parallel_loop3A_799 = arith.constant 448 : index
      %parallel_loop3A_800 = tpu.vector_load %arg7[%parallel_loop3A_797, %parallel_loop3A_798, %parallel_loop3A_799] {strides = array<i32>} : memref<3x64x512xf32, #tpu.memory_space<vmem>>, vector<1x1x16xf32>,
      %parallel_loop3A_801 = vector.shape_cast %parallel_loop3A_800 : vector<1x1x16xf32> to vector<16xf32>
      %parallel_loop3A_802 = vector.shape_cast %parallel_loop3A_795 : vector<16xf32> to vector<1x1x16xf32>
      tpu.vector_store %arg7[%parallel_loop3A_797, %parallel_loop3A_798, %parallel_loop3A_799], %parallel_loop3A_802 {strides = array<i32>} : memref<3x64x512xf32, #tpu.memory_space<vmem>>, vector<1x1x16xf32>,
      %parallel_loop3A_803 = arith.mulf %parallel_loop3A_322, %parallel_loop3A_772 : vector<16xf32>
      %parallel_loop3A_804 = arith.subf %parallel_loop3A_803, %parallel_loop3A_740 : vector<16xf32>
      %parallel_loop3A_805 = arith.constant 0 : i32
      %parallel_loop3A_806 = arith.index_cast %parallel_loop3A_805 : i32 to index
      %parallel_loop3A_807 = arith.index_cast %parallel_loop3A_316 : i32 to index
      %parallel_loop3A_808 = arith.constant 464 : index
      %parallel_loop3A_809 = tpu.vector_load %arg7[%parallel_loop3A_806, %parallel_loop3A_807, %parallel_loop3A_808] {strides = array<i32>} : memref<3x64x512xf32, #tpu.memory_space<vmem>>, vector<1x1x16xf32>,
      %parallel_loop3A_810 = vector.shape_cast %parallel_loop3A_809 : vector<1x1x16xf32> to vector<16xf32>
      %parallel_loop3A_811 = arith.addf %parallel_loop3A_810, %parallel_loop3A_804 : vector<16xf32>
      %parallel_loop3A_812 = arith.constant 0 : i32
      %parallel_loop3A_813 = arith.index_cast %parallel_loop3A_812 : i32 to index
      %parallel_loop3A_814 = arith.index_cast %parallel_loop3A_316 : i32 to index
      %parallel_loop3A_815 = arith.constant 464 : index
      %parallel_loop3A_816 = tpu.vector_load %arg7[%parallel_loop3A_813, %parallel_loop3A_814, %parallel_loop3A_815] {strides = array<i32>} : memref<3x64x512xf32, #tpu.memory_space<vmem>>, vector<1x1x16xf32>,
      %parallel_loop3A_817 = vector.shape_cast %parallel_loop3A_816 : vector<1x1x16xf32> to vector<16xf32>
      %parallel_loop3A_818 = vector.shape_cast %parallel_loop3A_811 : vector<16xf32> to vector<1x1x16xf32>
      tpu.vector_store %arg7[%parallel_loop3A_813, %parallel_loop3A_814, %parallel_loop3A_815], %parallel_loop3A_818 {strides = array<i32>} : memref<3x64x512xf32, #tpu.memory_space<vmem>>, vector<1x1x16xf32>,
      %parallel_loop3A_819 = arith.mulf %parallel_loop3A_322, %parallel_loop3A_788 : vector<16xf32>
      %parallel_loop3A_820 = arith.subf %parallel_loop3A_819, %parallel_loop3A_756 : vector<16xf32>
      %parallel_loop3A_821 = arith.constant 0 : i32
      %parallel_loop3A_822 = arith.index_cast %parallel_loop3A_821 : i32 to index
      %parallel_loop3A_823 = arith.index_cast %parallel_loop3A_316 : i32 to index
      %parallel_loop3A_824 = arith.constant 480 : index
      %parallel_loop3A_825 = tpu.vector_load %arg7[%parallel_loop3A_822, %parallel_loop3A_823, %parallel_loop3A_824] {strides = array<i32>} : memref<3x64x512xf32, #tpu.memory_space<vmem>>, vector<1x1x16xf32>,
      %parallel_loop3A_826 = vector.shape_cast %parallel_loop3A_825 : vector<1x1x16xf32> to vector<16xf32>
      %parallel_loop3A_827 = arith.addf %parallel_loop3A_826, %parallel_loop3A_820 : vector<16xf32>
      %parallel_loop3A_828 = arith.constant 0 : i32
      %parallel_loop3A_829 = arith.index_cast %parallel_loop3A_828 : i32 to index
      %parallel_loop3A_830 = arith.index_cast %parallel_loop3A_316 : i32 to index
      %parallel_loop3A_831 = arith.constant 480 : index
      %parallel_loop3A_832 = tpu.vector_load %arg7[%parallel_loop3A_829, %parallel_loop3A_830, %parallel_loop3A_831] {strides = array<i32>} : memref<3x64x512xf32, #tpu.memory_space<vmem>>, vector<1x1x16xf32>,
      %parallel_loop3A_833 = vector.shape_cast %parallel_loop3A_832 : vector<1x1x16xf32> to vector<16xf32>
      %parallel_loop3A_834 = vector.shape_cast %parallel_loop3A_827 : vector<16xf32> to vector<1x1x16xf32>
      tpu.vector_store %arg7[%parallel_loop3A_829, %parallel_loop3A_830, %parallel_loop3A_831], %parallel_loop3A_834 {strides = array<i32>} : memref<3x64x512xf32, #tpu.memory_space<vmem>>, vector<1x1x16xf32>,
      %parallel_loop3A_835 = arith.mulf %parallel_loop3A_322, %parallel_loop3A_804 : vector<16xf32>
      %parallel_loop3A_836 = arith.subf %parallel_loop3A_835, %parallel_loop3A_772 : vector<16xf32>
      %parallel_loop3A_837 = arith.constant 0 : i32
      %parallel_loop3A_838 = arith.index_cast %parallel_loop3A_837 : i32 to index
      %parallel_loop3A_839 = arith.index_cast %parallel_loop3A_316 : i32 to index
      %parallel_loop3A_840 = arith.constant 496 : index
      %parallel_loop3A_841 = tpu.vector_load %arg7[%parallel_loop3A_838, %parallel_loop3A_839, %parallel_loop3A_840] {strides = array<i32>} : memref<3x64x512xf32, #tpu.memory_space<vmem>>, vector<1x1x16xf32>,
      %parallel_loop3A_842 = vector.shape_cast %parallel_loop3A_841 : vector<1x1x16xf32> to vector<16xf32>
      %parallel_loop3A_843 = arith.addf %parallel_loop3A_842, %parallel_loop3A_836 : vector<16xf32>
      %parallel_loop3A_844 = arith.constant 0 : i32
      %parallel_loop3A_845 = arith.index_cast %parallel_loop3A_844 : i32 to index
      %parallel_loop3A_846 = arith.index_cast %parallel_loop3A_316 : i32 to index
      %parallel_loop3A_847 = arith.constant 496 : index
      %parallel_loop3A_848 = tpu.vector_load %arg7[%parallel_loop3A_845, %parallel_loop3A_846, %parallel_loop3A_847] {strides = array<i32>} : memref<3x64x512xf32, #tpu.memory_space<vmem>>, vector<1x1x16xf32>,
      %parallel_loop3A_849 = vector.shape_cast %parallel_loop3A_848 : vector<1x1x16xf32> to vector<16xf32>
      %parallel_loop3A_850 = vector.shape_cast %parallel_loop3A_843 : vector<16xf32> to vector<1x1x16xf32>
      tpu.vector_store %arg7[%parallel_loop3A_845, %parallel_loop3A_846, %parallel_loop3A_847], %parallel_loop3A_850 {strides = array<i32>} : memref<3x64x512xf32, #tpu.memory_space<vmem>>, vector<1x1x16xf32>,
    } {sc.loop_unroll_factor = 1 : i64, sc.parallel_access}
    %add3A_262 = arith.constant 192 : i32
    %add3A_263 = arith.addi %mul3A_2, %add3A_262 : i32
    %dma_start3A_264 = arith.constant 0 : i32
    %dma_start3A_265 = arith.constant 0 : i32
    %dma_start3A_266 = arith.constant 0 : i32
    %dma_start3A_267 = tpu.memref_slice %arg7[%dma_start3A_264, %dma_start3A_265, %dma_start3A_266] : memref<3x64x512xf32, #tpu.memory_space<vmem>> -> memref<1x64x512xf32, #tpu.memory_space<vmem>>
    %dma_start3A_268 = tpu.memref_squeeze %dma_start3A_267 : memref<1x64x512xf32, #tpu.memory_space<vmem>> -> memref<64x512xf32, #tpu.memory_space<vmem>>
    %dma_start3A_269 = arith.constant 0 : i32
    %dma_start3A_270 = tpu.memref_slice %arg5[%add3A_263, %dma_start3A_269] : memref<8192x512xf32, #tpu.memory_space<hbm>> -> memref<64x512xf32, #tpu.memory_space<hbm>>
    %dma_start3A_271 = arith.constant 0 : i32
    %dma_start3A_272 = tpu.memref_slice %arg5[%add3A_263, %dma_start3A_271] : memref<8192x512xf32, #tpu.memory_space<hbm>> -> memref<64x512xf32, #tpu.memory_space<hbm>>
    %dma_start3A_273 = arith.constant 0 : i32
    %dma_start3A_274 = arith.constant 0 : i32
    %dma_start3A_275 = tpu.memref_slice %arg7[%dma_start3A_264, %dma_start3A_273, %dma_start3A_274] : memref<3x64x512xf32, #tpu.memory_space<vmem>> -> memref<1x64x512xf32, #tpu.memory_space<vmem>>
    %dma_start3A_276 = tpu.memref_squeeze %dma_start3A_275 : memref<1x64x512xf32, #tpu.memory_space<vmem>> -> memref<64x512xf32, #tpu.memory_space<vmem>>
    tpu.enqueue_dma source(%dma_start3A_276 : memref<64x512xf32, #tpu.memory_space<vmem>>) target(%dma_start3A_272 : memref<64x512xf32, #tpu.memory_space<hbm>>) target_semaphore(%arg15 : memref<!tpu.dma_semaphore, #tpu.memory_space<semaphore_mem>>)
    %dma_wait3A_277 = arith.constant 1 : i32
    %dma_wait3A_278 = arith.constant 0 : i32
    %dma_wait3A_279 = arith.constant 0 : i32
    %dma_wait3A_280 = tpu.memref_slice %arg7[%dma_wait3A_277, %dma_wait3A_278, %dma_wait3A_279] : memref<3x64x512xf32, #tpu.memory_space<vmem>> -> memref<1x64x512xf32, #tpu.memory_space<vmem>>
    %dma_wait3A_281 = tpu.memref_squeeze %dma_wait3A_280 : memref<1x64x512xf32, #tpu.memory_space<vmem>> -> memref<64x512xf32, #tpu.memory_space<vmem>>
    %dma_wait3A_282 = arith.constant 0 : i32
    %dma_wait3A_283 = tpu.memref_slice %arg5[%add3A_181, %dma_wait3A_282] : memref<8192x512xf32, #tpu.memory_space<hbm>> -> memref<64x512xf32, #tpu.memory_space<hbm>>
    %dma_wait3A_284 = arith.constant 0 : i32
    %dma_wait3A_285 = tpu.memref_slice %arg5[%add3A_181, %dma_wait3A_284] : memref<8192x512xf32, #tpu.memory_space<hbm>> -> memref<64x512xf32, #tpu.memory_space<hbm>>
    %dma_wait3A_286 = arith.constant 0 : i32
    %dma_wait3A_287 = arith.constant 0 : i32
    %dma_wait3A_288 = tpu.memref_slice %arg7[%dma_wait3A_277, %dma_wait3A_286, %dma_wait3A_287] : memref<3x64x512xf32, #tpu.memory_space<vmem>> -> memref<1x64x512xf32, #tpu.memory_space<vmem>>
    %dma_wait3A_289 = tpu.memref_squeeze %dma_wait3A_288 : memref<1x64x512xf32, #tpu.memory_space<vmem>> -> memref<64x512xf32, #tpu.memory_space<vmem>>
    tpu.wait_dma2 semaphore(%arg16 : memref<!tpu.dma_semaphore, #tpu.memory_space<semaphore_mem>>) src(%dma_wait3A_289 : memref<64x512xf32, #tpu.memory_space<vmem>>) dst(%dma_wait3A_285 : memref<64x512xf32, #tpu.memory_space<hbm>>)
    %dma_wait3A_290 = arith.constant 2 : i32
    %dma_wait3A_291 = arith.constant 0 : i32
    %dma_wait3A_292 = arith.constant 0 : i32
    %dma_wait3A_293 = tpu.memref_slice %arg7[%dma_wait3A_290, %dma_wait3A_291, %dma_wait3A_292] : memref<3x64x512xf32, #tpu.memory_space<vmem>> -> memref<1x64x512xf32, #tpu.memory_space<vmem>>
    %dma_wait3A_294 = tpu.memref_squeeze %dma_wait3A_293 : memref<1x64x512xf32, #tpu.memory_space<vmem>> -> memref<64x512xf32, #tpu.memory_space<vmem>>
    %dma_wait3A_295 = arith.constant 0 : i32
    %dma_wait3A_296 = tpu.memref_slice %arg5[%add3A_222, %dma_wait3A_295] : memref<8192x512xf32, #tpu.memory_space<hbm>> -> memref<64x512xf32, #tpu.memory_space<hbm>>
    %dma_wait3A_297 = arith.constant 0 : i32
    %dma_wait3A_298 = tpu.memref_slice %arg5[%add3A_222, %dma_wait3A_297] : memref<8192x512xf32, #tpu.memory_space<hbm>> -> memref<64x512xf32, #tpu.memory_space<hbm>>
    %dma_wait3A_299 = arith.constant 0 : i32
    %dma_wait3A_300 = arith.constant 0 : i32
    %dma_wait3A_301 = tpu.memref_slice %arg7[%dma_wait3A_290, %dma_wait3A_299, %dma_wait3A_300] : memref<3x64x512xf32, #tpu.memory_space<vmem>> -> memref<1x64x512xf32, #tpu.memory_space<vmem>>
    %dma_wait3A_302 = tpu.memref_squeeze %dma_wait3A_301 : memref<1x64x512xf32, #tpu.memory_space<vmem>> -> memref<64x512xf32, #tpu.memory_space<vmem>>
    tpu.wait_dma2 semaphore(%arg17 : memref<!tpu.dma_semaphore, #tpu.memory_space<semaphore_mem>>) src(%dma_wait3A_302 : memref<64x512xf32, #tpu.memory_space<vmem>>) dst(%dma_wait3A_298 : memref<64x512xf32, #tpu.memory_space<hbm>>)
    %dma_wait3A_303 = arith.constant 0 : i32
    %dma_wait3A_304 = arith.constant 0 : i32
    %dma_wait3A_305 = arith.constant 0 : i32
    %dma_wait3A_306 = tpu.memref_slice %arg7[%dma_wait3A_303, %dma_wait3A_304, %dma_wait3A_305] : memref<3x64x512xf32, #tpu.memory_space<vmem>> -> memref<1x64x512xf32, #tpu.memory_space<vmem>>
    %dma_wait3A_307 = tpu.memref_squeeze %dma_wait3A_306 : memref<1x64x512xf32, #tpu.memory_space<vmem>> -> memref<64x512xf32, #tpu.memory_space<vmem>>
    %dma_wait3A_308 = arith.constant 0 : i32
    %dma_wait3A_309 = tpu.memref_slice %arg5[%add3A_263, %dma_wait3A_308] : memref<8192x512xf32, #tpu.memory_space<hbm>> -> memref<64x512xf32, #tpu.memory_space<hbm>>
    %dma_wait3A_310 = arith.constant 0 : i32
    %dma_wait3A_311 = tpu.memref_slice %arg5[%add3A_263, %dma_wait3A_310] : memref<8192x512xf32, #tpu.memory_space<hbm>> -> memref<64x512xf32, #tpu.memory_space<hbm>>
    %dma_wait3A_312 = arith.constant 0 : i32
    %dma_wait3A_313 = arith.constant 0 : i32
    %dma_wait3A_314 = tpu.memref_slice %arg7[%dma_wait3A_303, %dma_wait3A_312, %dma_wait3A_313] : memref<3x64x512xf32, #tpu.memory_space<vmem>> -> memref<1x64x512xf32, #tpu.memory_space<vmem>>
    %dma_wait3A_315 = tpu.memref_squeeze %dma_wait3A_314 : memref<1x64x512xf32, #tpu.memory_space<vmem>> -> memref<64x512xf32, #tpu.memory_space<vmem>>
    tpu.wait_dma2 semaphore(%arg15 : memref<!tpu.dma_semaphore, #tpu.memory_space<semaphore_mem>>) src(%dma_wait3A_315 : memref<64x512xf32, #tpu.memory_space<vmem>>) dst(%dma_wait3A_311 : memref<64x512xf32, #tpu.memory_space<hbm>>)
    return
  }
}

</mosaic_0001>

<sc_bundles>
// kernel: kernel.3.cloned.1.call-start
scs
__scs_entry_jumppad:
0x0: {  	(pc) =	sbr.rel $0x88, $3  }
0x1: {  	(tag) =	ssettag $0x0;
	lr =	simm.s32 $0x1  }
0x2: {  	[smem:$0x3F9F] =	sst lr;
	_ =	strace $0xD0000000  }
0x3: {  	_ = 	snop  }
0x4: {  	_ = 	snop  }
0x5: {  	_ = 	snop  }
0x6: {  	_ = 	snop  }
0x7: {  	_ = 	snop  }
__scs_overlays_trampoline_lowered:
0x8: {  	[smem:$0x3FAE] =	sst s0  }
0x9: {  	[smem:$0x3FAF] =	sst s1  }
0xa: {  	[smem:$0x3FB0] =	sst s2  }
0xb: {  	[smem:$0x3FB1] =	sst s3  }
0xc: {  	[smem:$0x3FB2] =	sst s4  }
0xd: {  	[smem:$0x3FB3] =	sst s5  }
0xe: {  	[smem:$0x3FB4] =	sst s6  }
0xf: {  	[smem:$0x3FB5] =	sst s7  }
0x10: {  	[smem:$0x3FB6] =	sst s8  }
0x11: {  	[smem:$0x3FB7] =	sst s9;
	s0 =	simm.s32 @!p0 $0x0  }
0x12: {  	s1 =	sld [smem:$0x3F9D];
	s0 =	simm.s32 @p0 $0x1  }
0x13: {  	[smem:$0x3FB8] =	sst s0;
	s0 =	simm.s32 @!p1 $0x0  }
0x14: {  	s2 =	sld [smem:$0x3F9C];
	s0 =	simm.s32 @p1 $0x1  }
0x15: {  	[smem:$0x3FB9] =	sst s0;
	s0 =	simm.s32 @!p2 $0x0  }
0x16: {  	s3 =	sld [smem:$0x3FDB];
	s0 =	simm.s32 @p2 $0x1  }
0x17: {  	s4 =	simm.s32 $0x1BF5;
	[smem:$0x3FBB] =	sst s0  }
0x18: {  	s0 =	sld [smem:$0x3F9E];
	_ =	swait.ge [sflag:s4], $0x0  }
0x19: {  	s7 =	sld [smem:$0x3F9F]  }
0x1a: {  	s8 =	sadd.s32 $0xFFFFE003, lr  }
0x1b: {  	s9 =	sadd.s32 $0xFFFFFEF7, lr;
	s5 =	simm.s32 $0xFFFFFFFF;
	p2 =	slt.u32 s8, $0xFFFFF086  }
0x1c: {  	p1 =	slt.u32 s9, $0xF7A;
	s5 =	simm.s32 @!p2 $0x0  }
0x1d: {  	s5 =	simm.s32 @p1 $0x1;
	p0 =	seq.s32 s7, s2  }
0x1e: {  	s7 =	smul.u32 @!p0 $0xF7A, s2;
	p2 =	seq.s32 @!p0 s5, $0x0  }
0x1f: {  	s9 =	smul.u32 $0xF7A, s1;
	s8 =	simm.s32 @!p0 $0x1BF5;
	p2 =	por !p2, p0  }
0x20: {  	[sflag:s8] =	ssyncset.s32 @!p0 $0xFFFFF086;
	s6 =	sadd.s32 @!p0 s3, s7;
	s7 =	simm.s32 @!p0 $0x108  }
0x21: {  	s3 =	sadd.s32 s3, s9;
	s6 =	sadd.s32 @!p0 $0x88, s6;
	s7 =	simm.s32 @p2 $0x1082  }
0x22: {  	[simem:s7], [sflag:s8] =	dma.local @!p0 [hbm:s6], $0xF7A  }
0x23: {  	s9 =	sor.u32 $0xD0000000, s2;
	s6 =	simm.s32 $0x108;
	_ =	swait.ge @!p0 [sflag:s8], $0x0  }
0x24: {  	s3 =	sadd.s32 $0x88, s3;
	s6 =	simm.s32 @!p1 $0x1082;
	[sflag:s4] =	ssyncset.s32 $0xFFFFF086  }
0x25: {  	[simem:s6], [sflag:s4] =	dma.local [hbm:s3], $0xF7A  }
0x26: {  	[smem:$0x3F9F] =	sst s1;
	(tag) =	ssettag s2;
	_ =	strace s9  }
0x27: {  	s1 =	sld [smem:$0x3FAF]  }
0x28: {  	s2 =	sld [smem:$0x3FB0]  }
0x29: {  	s4 =	sld [smem:$0x3FB2]  }
0x2a: {  	p0 =	seq.s32 s5, $0x0;
	s5 =	sld [smem:$0x3FB3]  }
0x2b: {  	s6 =	sld [smem:$0x3FB4]  }
0x2c: {  	s7 =	sld [smem:$0x3FB5]  }
0x2d: {  	s3 =	simm.s32 $0x108;
	s8 =	sld [smem:$0x3FB6]  }
0x2e: {  	s3 =	simm.s32 @!p0 $0x1082;
	s9 =	sld [smem:$0x3FB7]  }
0x2f: {  	lr =	sadd.s32 s0, s3;
	s0 =	sld [smem:$0x3FAE]  }
0x30: {  	s3 =	sld [smem:$0x3FB1]  }
0x31: {  	[smem:$0x3FBA] =	sst s10  }
0x32: {  	s10 =	sld [smem:$0x3FB8];
	_ =	sdelay $0x3  }
0x33: {  	p0 =	seq.s32 s10, $0x1;
	s10 =	sld [smem:$0x3FBA];
	_ =	sdelay $0x3  }
0x34: {  	[smem:$0x3FBA] =	sst s10  }
0x35: {  	s10 =	sld [smem:$0x3FB9];
	_ =	sdelay $0x3  }
0x36: {  	p1 =	seq.s32 s10, $0x1;
	s10 =	sld [smem:$0x3FBA];
	_ =	sdelay $0x3  }
0x37: {  	[smem:$0x3FBA] =	sst s10  }
0x38: {  	s10 =	sld [smem:$0x3FBB]  }
0x39: {  	_ = 	snop;
	(pc) =	sbr.ind lr, $3  }
0x3a: {  	_ = 	snop  }
0x3b: {  	_ = 	snop  }
0x3c: {  	p2 =	seq.s32 s10, $0x1;
	s10 =	sld [smem:$0x3FBA]  }
0x3d: {  	_ =	shalt  }
0x3e: {  	_ =	shalt  }
0x3f: {  	_ =	shalt  }
0x40: {  	_ =	shalt  }
0x41: {  	_ =	shalt  }
0x42: {  	_ =	shalt  }
0x43: {  	_ =	shalt  }
0x44: {  	_ =	shalt  }
0x45: {  	_ =	shalt  }
0x46: {  	_ =	shalt  }
0x47: {  	_ =	shalt  }
0x48: {  	_ =	shalt  }
0x49: {  	_ =	shalt  }
0x4a: {  	_ =	shalt  }
0x4b: {  	_ =	shalt  }
0x4c: {  	_ =	shalt  }
0x4d: {  	_ =	shalt  }
0x4e: {  	_ =	shalt  }
0x4f: {  	_ =	shalt  }
0x50: {  	_ =	shalt  }
0x51: {  	_ =	shalt  }
0x52: {  	_ =	shalt  }
0x53: {  	_ =	shalt  }
0x54: {  	_ =	shalt  }
0x55: {  	_ =	shalt  }
0x56: {  	_ =	shalt  }
0x57: {  	_ =	shalt  }
0x58: {  	_ =	shalt  }
0x59: {  	_ =	shalt  }
0x5a: {  	_ =	shalt  }
0x5b: {  	_ =	shalt  }
0x5c: {  	_ =	shalt  }
0x5d: {  	_ =	shalt  }
0x5e: {  	_ =	shalt  }
0x5f: {  	_ =	shalt  }
0x60: {  	_ =	shalt  }
0x61: {  	_ =	shalt  }
0x62: {  	_ =	shalt  }
0x63: {  	_ =	shalt  }
0x64: {  	_ =	shalt  }
0x65: {  	_ =	shalt  }
0x66: {  	_ =	shalt  }
0x67: {  	_ =	shalt  }
0x68: {  	_ =	shalt  }
0x69: {  	_ =	shalt  }
0x6a: {  	_ =	shalt  }
0x6b: {  	_ =	shalt  }
0x6c: {  	_ =	shalt  }
0x6d: {  	_ =	shalt  }
0x6e: {  	_ =	shalt  }
0x6f: {  	_ =	shalt  }
0x70: {  	_ =	shalt  }
0x71: {  	_ =	shalt  }
0x72: {  	_ =	shalt  }
0x73: {  	_ =	shalt  }
0x74: {  	_ =	shalt  }
0x75: {  	_ =	shalt  }
0x76: {  	_ =	shalt  }
0x77: {  	_ =	shalt  }
0x78: {  	_ =	shalt  }
0x79: {  	_ =	shalt  }
0x7a: {  	_ =	shalt  }
0x7b: {  	_ =	shalt  }
0x7c: {  	_ =	shalt  }
0x7d: {  	_ =	shalt  }
0x7e: {  	_ =	shalt  }
0x7f: {  	_ =	shalt  }
0x80: {  	_ =	shalt  }
0x81: {  	_ =	shalt  }
0x82: {  	_ =	shalt  }
0x83: {  	_ =	shalt  }
0x84: {  	_ =	shalt  }
0x85: {  	_ =	shalt  }
0x86: {  	_ =	shalt  }
0x87: {  	_ =	shalt  }
.Lfunc_end0:
.L_simem_size_0:
called_computation_lowered:
.L_overlay_start_0:
0x88: {  	s2 =	sld [smem:$0x3FD9]  }
0x89: {  	s3 =	sld [smem:$0x3FFE];
	_ =	sdelay $0x1  }
0x8a: {  	s1 =	srdreg.scid  }
0x8b: {  	s0 =	sand.u32 $0x1, s1  }
0x8c: {  	s17 =	sshll.u32 s0, $0xA;
	s2 =	sadd.s32 s3, s2  }
0x8d: {  	s2 =	sadd.s32 s2, s17  }
0x8e: {  	[smem:$0x3FC6] =	sst s2  }
0x8f: {  	_ = 	snop  }
0x90: {  	s2 =	sld [smem:$0x3FC9]  }
0x91: {  	s18 =	sld [smem:$0x3FC8]  }
0x92: {  	s4 =	sld [smem:$0x3FD0];
	(tm) =	ssettm $0x1  }
0x93: {  	s5 =	sld [smem:$0x3FFB];
	_ =	sdelay $0x3  }
0x94: {  	_ =	strace s5  }
0x95: {  	s5 =	sld [smem:$0x3FFC];
	_ =	sdelay $0x3  }
0x96: {  	_ =	strace s5  }
0x97: {  	s5 =	sld [smem:$0x3FFD];
	_ =	sdelay $0x3  }
0x98: {  	_ =	strace s5  }
0x99: {  	_ =	strace $0x8FFFFFFF  }
0x9a: {  	s19 =	sld [smem:$0x3FDB];
	_ =	sdelay $0x1  }
0x9b: {  	s6 =	simm.s32 $_scs_section_size  }
0x9c: {  	s7 =	simm.s32 $_size__tile_overlayer_lowered;
	s8 =	simm.s32 $_tile_overlayer_lowered  }
0x9d: {  	s22 =	simm.s32 $0x1BFF;
	s21 =	sshll.u32 s8, $0x1;
	s5 =	sadd.s32 s6, s19  }
0x9e: {  	s9 =	simm.s32 $0x0;
	s20 =	sshll.u32 s7, $0x1;
	s7 =	sadd.s32 s21, s5  }
0x9f: {  	[timem:s9], [sflag:s22] =	dma.local [hbm:s7], s20  }
0xa0: {  	_ =	swait.ge [sflag:s22], s20  }
0xa1: {  	s6 =	ssub.s32 $0x0, s20;
	[sflag:s22] =	ssyncset.done $0x0  }
0xa2: {  	[sflag:s22] =	ssyncadd.s32 s6;
	_ =	sdelay $0x1  }
0xa3: {  	s23 =	simm.s32 $0x1B8B  }
0xa4: {  	_ =	swait.ge [sflag:s23], $0x1  }
0xa5: {  	[sflag:s23] =	ssyncset.done $0x0  }
0xa6: {  	s25 =	simm.s32 $0x1B8E;
	s24 =	sld [smem:$0x3FFE];
	[sflag:s23] =	ssyncadd.s32 $0xFFFFFFFF  }
0xa7: {  	s26 =	simm.s32 $execute0_lowered;
	[smem:$0x3FD2] =	sst s25  }
0xa8: {  	s7 =	sshll.u32 s26, $0x1;
	_ =	strace $0x80000046;
	[dreg:$0x1] =	wrdreg $0xFFFFFFFF  }
0xa9: {  	s28 =	simm.s32 $_size_execute0_lowered;
	s5 =	sadd.s32 s5, s7;
	[dreg:$0x0] =	wrdreg $0x0  }
0xaa: {  	s7 =	sshll.u32 s28, $0x1;
	[dreg:$0x2] =	wrdreg s5  }
0xab: {  	[dreg:$0x3] =	wrdreg s7  }
0xac: {  	[dreg:$0x4] =	wrdreg $0xC0  }
0xad: {  	_ =	task [dreg:s9], $0x5FFFF  }
0xae: {  	[dreg:$0x1] =	wrdreg $0xFFFFFFFF  }
0xaf: {  	[dreg:$0x0] =	wrdreg $0x60  }
0xb0: {  	[dreg:$0x2] =	wrdreg s18  }
0xb1: {  	[dreg:$0x3] =	wrdreg s2  }
0xb2: {  	[dreg:$0x4] =	wrdreg s24  }
0xb3: {  	[dreg:$0x5] =	wrdreg s4  }
0xb4: {  	[dreg:$0x6] =	wrdreg $0x9  }
0xb5: {  	_ =	task.clear_ibuf [dreg:s9], $0x7FFFF;
	_ =	strace $0x90000046  }
0xb6: {  	s29 =	simm.s32 $0x9;
	_ =	strace $0x80000048  }
0xb7: {  	_ =	swait.ge [sflag:s29], $0x1  }
0xb8: {  	[sflag:s29] =	ssyncadd.s32 $0xFFFFFFFF  }
0xb9: {  	_ =	strace $0x90000048  }
0xba: {  	_ =	sfence  }
0xbb: {  	s30 =	sld [smem:$0x0];
	_ =	sdelay $0x2  }
0xbc: {  	s31 =	sshll.u32 s1, $0xD;
	s1 =	sshrl.u32 s1, $0x2  }
0xbd: {  	s3 =	sand.u32 $0x4000, s31;
	s1 =	sadd.s32 s1, s30  }
0xbe: {  	s0 =	sor.u32 s3, s0;
	s1 =	sshll.u32 s1, $0x11  }
0xbf: {  	s0 =	sor.u32 s1, s0  }
0xc0: {  	s0 =	sadd.s32 $0x8F2B, s0  }
0xc1: {  	[sflag:s0] =	ssyncadd.remote.s32 $0x1  }
0xc2: {  	_ =	sfence.sel $0xFFFF  }
0xc3: {  	[dreg:$0x0] =	wrdreg $0xFFFFFFFF;
	(pc) =	sbr.abs _section_cstart, $3  }
0xc4: {  	[dreg:$0x1] =	wrdreg $0xFFFFFFFF  }
0xc5: {  	_ =	task.clear_ibuf [dreg:s9], $0x2FFFF;
	_ =	strace $0x9FFFFFFF  }
0xc6: {  	(tm) =	ssettm $0x7FFFFFFF  }
0xc7: {  	_ =	shalt  }
tec
execute0_lowered:
.L_overlay_start_1:
0x0: {  	(tag) =	ssettag $0x1  }
0x1: {  	s1 =	rddreg [dreg:$0x0]  }
0x2: {  	s0 =	rddreg [dreg:$0x1]  }
0x3: {  	s2 =	rddreg [dreg:$0x2]  }
0x4: {  	s4 =	rddreg [dreg:$0x3]  }
0x5: {  	s3 =	simm.s32 $0x0;
	s5 =	srdreg.scid;
	s7 =	stileid.u32  }
0x6: {  	s15 =	simm.s32 $0xA;
	s16 =	simm.s32 $0x100;
	s18 =	simm.s32 $0x10100  }
0x7: {  	s19 =	simm.s32 $0x1;
	s20 =	simm.s32 $0x4;
	s21 =	simm.s32 $0x7  }
0x8: {  	s22 =	simm.s32 $0x2;
	s28 =	simm.s32 $0x9;
	s29 =	simm.s32 $0x0  }
0x9: {  	[smem:$0x7FF] =	sst s3;
	s5 =	sand.u32 $0x1, s5;
	s7 =	sshll.u32 s7, $0x9  }
0xa: {  	s2 =	sadd.s32 $0x400, s2;
	s6 =	ssub.s32 $0x2, s5;
	s5 =	sshll.u32 s5, $0x8  }
0xb: {  	_ =	strace $0x80000047;
	s8 =	sshrl.u32 s6, $0x1;
	s9 =	sor.u32 s5, s7  }
0xc: {  	s5 =	sadd.s32 $0x100, s1;
	s6 =	ssub.s32 s6, s8;
	s23 =	sshrl.u32 s9, $0x3  }
0xd: {  	s24 =	sshll.u32 s9, $0x4;
	s9 =	sshll.u32 s9, $0x6;
	s0 =	sadd.s32 s0, s23  }
0xe: {  	s11 =	sor.u32 $0x8, s23;
	s26 =	sor.u32 $0x10, s23;
	s12 =	sor.u32 $0x18, s23  }
0xf: {  	s9 =	sadd.s32 s4, s9;
	s14 =	smax.u32 s6, $0x1;
	s23 =	simm.s32 $0x5  }
0x10: {  	[dreg:$0x5] =	wrdreg s0;
	s0 =	sadd.s32 s2, s24;
	s25 =	sshll.u32 s11, $0x7  }
0x11: {  	s30 =	sshll.u32 s26, $0x7;
	s10 =	sshll.u32 s12, $0x7;
	s31 =	sshll.u32 s11, $0x9  }
0x12: {  	s13 =	sshll.u32 s12, $0x9;
	s24 =	simm.s32 $0x3;
	[dreg:$0x6] =	wrdreg s0  }
0x13: {  	v2 =	vlaneseq.u32;
	s7 =	sadd.s32 s2, s25;
	s8 =	sadd.s32 s2, s30;
	s10 =	sadd.s32 s2, s10  }
0x14: {  	vm0 =	vmmov $0xffff;
	v1 =	vshrl.u32 v2, $0x3;
	s0 =	sshll.u32 s26, $0x9;
	s11 =	sadd.s32 s4, s31;
	s13 =	sadd.s32 s4, s13  }
0x15: {  	v0 =	vand.u32 $0x7, v2;
	v2 =	vor.u32 $0x8, v2;
	v1 =	vmul.u32 $0x8, v1;
	s25 =	simm.s32 $0x6;
	s26 =	simm.s32 $0x8;
	s12 =	sadd.s32 s4, s0  }
.LBB2_1:
0x16: {  	s0 =	rddreg [dreg:$0x5]  }
0x17: {  	[tilespmem:s3], [sflag:$0xA] =	stream.linear.gather [hbm4b:s0+s3], $0x100, $0x38;
	[tilespmem:$0x1E100] =	vst v63  }
0x18: {  	_ =	swait.ge [sflag:s15], $0x100  }
0x19: {  	[sflag:s15] =	ssyncset.done $0x0  }
0x1a: {  	[sflag:s15] =	ssyncadd.s32 $0xFFFFFF00  }
0x1b: {  	v3 =	vld [tilespmem:$0x0];
	_ =	sdelay $0x4  }
0x1c: {  	v4 =	vshll.u32 v3, $0x2  }
0x1d: {  	v3 =	vand.u32 $0x7, v3;
	v4 =	vand.u32 $0xFFFFFFE0, v4  }
0x1e: {  	v3 =	vor.u32 v3, v4  }
0x1f: {  	v4 =	vperm.xlane v3, v0;
	_ =	sdelay $0x1  }
0x20: {  	v4 =	vadd.s32 v1, v4;
	_ =	sdelay $0x1  }
0x21: {  	v3 =	vperm.xlane v3, v2;
	_ =	sdelay $0x1  }
0x22: {  	v3 =	vadd.s32 v1, v3  }
0x23: {  	[tilespmem:s16], [sflag:$0x1] =	stream.indirect_vreg.gather [hbm4b:s1+s3], $0x80, v4, vm0, $0xb8;
	[tilespmem:$0x1E100] =	vst v63  }
0x24: {  	s2 =	simm.s32 $0x900  }
0x25: {  	[tilespmem:s2], [sflag:$0x1] =	stream.indirect_vreg.gather [hbm4b:s5+s3], $0x80, v4, vm0, $0xb8;
	[tilespmem:$0x1E100] =	vst v63  }
0x26: {  	s4 =	simm.s32 $0x1100  }
0x27: {  	[tilespmem:s4], [sflag:$0x1] =	stream.indirect_vreg.gather [hbm4b:s1+s3], $0x80, v3, vm0, $0xb8;
	[tilespmem:$0x1E100] =	vst v63  }
0x28: {  	s6 =	simm.s32 $0x1900  }
0x29: {  	[tilespmem:s6], [sflag:$0x1] =	stream.indirect_vreg.gather [hbm4b:s5+s3], $0x80, v3, vm0, $0xb8;
	[tilespmem:$0x1E100] =	vst v63  }
0x2a: {  	v3 =	vld [tilespmem:$0x10];
	_ =	sdelay $0x4  }
0x2b: {  	v4 =	vshll.u32 v3, $0x2  }
0x2c: {  	v3 =	vand.u32 $0x7, v3;
	v4 =	vand.u32 $0xFFFFFFE0, v4  }
0x2d: {  	v3 =	vor.u32 v3, v4  }
0x2e: {  	v4 =	vperm.xlane v3, v0;
	_ =	sdelay $0x1  }
0x2f: {  	v4 =	vadd.s32 v1, v4;
	_ =	sdelay $0x1  }
0x30: {  	v3 =	vperm.xlane v3, v2;
	_ =	sdelay $0x1  }
0x31: {  	s17 =	simm.s32 $0x2100;
	v3 =	vadd.s32 v1, v3  }
0x32: {  	[tilespmem:s17], [sflag:$0x1] =	stream.indirect_vreg.gather [hbm4b:s1+s3], $0x80, v4, vm0, $0xb8;
	[tilespmem:$0x1E100] =	vst v63  }
0x33: {  	s2 =	simm.s32 $0x2900  }
0x34: {  	[tilespmem:s2], [sflag:$0x1] =	stream.indirect_vreg.gather [hbm4b:s5+s3], $0x80, v4, vm0, $0xb8;
	[tilespmem:$0x1E100] =	vst v63  }
0x35: {  	s4 =	simm.s32 $0x3100  }
0x36: {  	[tilespmem:s4], [sflag:$0x1] =	stream.indirect_vreg.gather [hbm4b:s1+s3], $0x80, v3, vm0, $0xb8;
	[tilespmem:$0x1E100] =	vst v63  }
0x37: {  	s6 =	simm.s32 $0x3900  }
0x38: {  	[tilespmem:s6], [sflag:$0x1] =	stream.indirect_vreg.gather [hbm4b:s5+s3], $0x80, v3, vm0, $0xb8;
	[tilespmem:$0x1E100] =	vst v63  }
0x39: {  	v3 =	vld [tilespmem:$0x20];
	_ =	sdelay $0x4  }
0x3a: {  	v4 =	vshll.u32 v3, $0x2  }
0x3b: {  	v3 =	vand.u32 $0x7, v3;
	v4 =	vand.u32 $0xFFFFFFE0, v4  }
0x3c: {  	v3 =	vor.u32 v3, v4  }
0x3d: {  	v4 =	vperm.xlane v3, v0;
	_ =	sdelay $0x1  }
0x3e: {  	v4 =	vadd.s32 v1, v4;
	_ =	sdelay $0x1  }
0x3f: {  	v3 =	vperm.xlane v3, v2;
	_ =	sdelay $0x1  }
0x40: {  	s17 =	simm.s32 $0x4100;
	v3 =	vadd.s32 v1, v3  }
0x41: {  	[tilespmem:s17], [sflag:$0x1] =	stream.indirect_vreg.gather [hbm4b:s1+s3], $0x80, v4, vm0, $0xb8;
	[tilespmem:$0x1E100] =	vst v63  }
0x42: {  	s2 =	simm.s32 $0x4900  }
0x43: {  	[tilespmem:s2], [sflag:$0x1] =	stream.indirect_vreg.gather [hbm4b:s5+s3], $0x80, v4, vm0, $0xb8;
	[tilespmem:$0x1E100] =	vst v63  }
0x44: {  	s4 =	simm.s32 $0x5100  }
0x45: {  	[tilespmem:s4], [sflag:$0x1] =	stream.indirect_vreg.gather [hbm4b:s1+s3], $0x80, v3, vm0, $0xb8;
	[tilespmem:$0x1E100] =	vst v63  }
0x46: {  	s6 =	simm.s32 $0x5900  }
0x47: {  	[tilespmem:s6], [sflag:$0x1] =	stream.indirect_vreg.gather [hbm4b:s5+s3], $0x80, v3, vm0, $0xb8;
	[tilespmem:$0x1E100] =	vst v63  }
0x48: {  	v3 =	vld [tilespmem:$0x30];
	_ =	sdelay $0x4  }
0x49: {  	v4 =	vshll.u32 v3, $0x2  }
0x4a: {  	v3 =	vand.u32 $0x7, v3;
	v4 =	vand.u32 $0xFFFFFFE0, v4  }
0x4b: {  	v3 =	vor.u32 v3, v4  }
0x4c: {  	v4 =	vperm.xlane v3, v0;
	_ =	sdelay $0x1  }
0x4d: {  	v4 =	vadd.s32 v1, v4;
	_ =	sdelay $0x1  }
0x4e: {  	v3 =	vperm.xlane v3, v2;
	_ =	sdelay $0x1  }
0x4f: {  	s17 =	simm.s32 $0x6100;
	v3 =	vadd.s32 v1, v3  }
0x50: {  	[tilespmem:s17], [sflag:$0x1] =	stream.indirect_vreg.gather [hbm4b:s1+s3], $0x80, v4, vm0, $0xb8;
	[tilespmem:$0x1E100] =	vst v63  }
0x51: {  	s2 =	simm.s32 $0x6900  }
0x52: {  	[tilespmem:s2], [sflag:$0x1] =	stream.indirect_vreg.gather [hbm4b:s5+s3], $0x80, v4, vm0, $0xb8;
	[tilespmem:$0x1E100] =	vst v63  }
0x53: {  	s4 =	simm.s32 $0x7100  }
0x54: {  	[tilespmem:s4], [sflag:$0x1] =	stream.indirect_vreg.gather [hbm4b:s1+s3], $0x80, v3, vm0, $0xb8;
	[tilespmem:$0x1E100] =	vst v63  }
0x55: {  	s6 =	simm.s32 $0x7900  }
0x56: {  	[tilespmem:s6], [sflag:$0x1] =	stream.indirect_vreg.gather [hbm4b:s5+s3], $0x80, v3, vm0, $0xb8;
	[tilespmem:$0x1E100] =	vst v63  }
0x57: {  	s17 =	rddreg [dreg:$0x6];
	s2 =	simm.s32 $0x18100  }
0x58: {  	[tilespmem:s2], [sflag:$0x4] =	stream.linear.gather [hbm4b:s17+s3], $0x2000, $0x38;
	[tilespmem:$0x1E100] =	vst v63  }
0x59: {  	v3 =	vld [tilespmem:$0x40];
	_ =	sdelay $0x4  }
0x5a: {  	v4 =	vshll.u32 v3, $0x2  }
0x5b: {  	v3 =	vand.u32 $0x7, v3;
	v4 =	vand.u32 $0xFFFFFFE0, v4  }
0x5c: {  	v3 =	vor.u32 v3, v4  }
0x5d: {  	v4 =	vperm.xlane v3, v0;
	_ =	sdelay $0x1  }
0x5e: {  	v4 =	vadd.s32 v1, v4;
	_ =	sdelay $0x1  }
0x5f: {  	v3 =	vperm.xlane v3, v2;
	_ =	sdelay $0x1  }
0x60: {  	s4 =	simm.s32 $0x8100;
	v3 =	vadd.s32 v1, v3  }
0x61: {  	[tilespmem:s4], [sflag:$0x2] =	stream.indirect_vreg.gather [hbm4b:s1+s3], $0x80, v4, vm0, $0xb8;
	[tilespmem:$0x1E100] =	vst v63  }
0x62: {  	s6 =	simm.s32 $0x8900  }
0x63: {  	[tilespmem:s6], [sflag:$0x2] =	stream.indirect_vreg.gather [hbm4b:s5+s3], $0x80, v4, vm0, $0xb8;
	[tilespmem:$0x1E100] =	vst v63  }
0x64: {  	s17 =	simm.s32 $0x9100  }
0x65: {  	[tilespmem:s17], [sflag:$0x2] =	stream.indirect_vreg.gather [hbm4b:s1+s3], $0x80, v3, vm0, $0xb8;
	[tilespmem:$0x1E100] =	vst v63  }
0x66: {  	s2 =	simm.s32 $0x9900  }
0x67: {  	[tilespmem:s2], [sflag:$0x2] =	stream.indirect_vreg.gather [hbm4b:s5+s3], $0x80, v3, vm0, $0xb8;
	[tilespmem:$0x1E100] =	vst v63  }
0x68: {  	v3 =	vld [tilespmem:$0x50];
	_ =	sdelay $0x4  }
0x69: {  	v4 =	vshll.u32 v3, $0x2  }
0x6a: {  	v3 =	vand.u32 $0x7, v3;
	v4 =	vand.u32 $0xFFFFFFE0, v4  }
0x6b: {  	v3 =	vor.u32 v3, v4  }
0x6c: {  	v4 =	vperm.xlane v3, v0;
	_ =	sdelay $0x1  }
0x6d: {  	v4 =	vadd.s32 v1, v4;
	_ =	sdelay $0x1  }
0x6e: {  	v3 =	vperm.xlane v3, v2;
	_ =	sdelay $0x1  }
0x6f: {  	s4 =	simm.s32 $0xA100;
	v3 =	vadd.s32 v1, v3  }
0x70: {  	[tilespmem:s4], [sflag:$0x2] =	stream.indirect_vreg.gather [hbm4b:s1+s3], $0x80, v4, vm0, $0xb8;
	[tilespmem:$0x1E100] =	vst v63  }
0x71: {  	s6 =	simm.s32 $0xA900  }
0x72: {  	[tilespmem:s6], [sflag:$0x2] =	stream.indirect_vreg.gather [hbm4b:s5+s3], $0x80, v4, vm0, $0xb8;
	[tilespmem:$0x1E100] =	vst v63  }
0x73: {  	s17 =	simm.s32 $0xB100  }
0x74: {  	[tilespmem:s17], [sflag:$0x2] =	stream.indirect_vreg.gather [hbm4b:s1+s3], $0x80, v3, vm0, $0xb8;
	[tilespmem:$0x1E100] =	vst v63  }
0x75: {  	s2 =	simm.s32 $0xB900  }
0x76: {  	[tilespmem:s2], [sflag:$0x2] =	stream.indirect_vreg.gather [hbm4b:s5+s3], $0x80, v3, vm0, $0xb8;
	[tilespmem:$0x1E100] =	vst v63  }
0x77: {  	v3 =	vld [tilespmem:$0x60];
	_ =	sdelay $0x4  }
0x78: {  	v4 =	vshll.u32 v3, $0x2  }
0x79: {  	v3 =	vand.u32 $0x7, v3;
	v4 =	vand.u32 $0xFFFFFFE0, v4  }
0x7a: {  	v3 =	vor.u32 v3, v4  }
0x7b: {  	v4 =	vperm.xlane v3, v0;
	_ =	sdelay $0x1  }
0x7c: {  	v4 =	vadd.s32 v1, v4;
	_ =	sdelay $0x1  }
0x7d: {  	v3 =	vperm.xlane v3, v2;
	_ =	sdelay $0x1  }
0x7e: {  	s4 =	simm.s32 $0xC100;
	v3 =	vadd.s32 v1, v3  }
0x7f: {  	[tilespmem:s4], [sflag:$0x2] =	stream.indirect_vreg.gather [hbm4b:s1+s3], $0x80, v4, vm0, $0xb8;
	[tilespmem:$0x1E100] =	vst v63  }
0x80: {  	s6 =	simm.s32 $0xC900  }
0x81: {  	[tilespmem:s6], [sflag:$0x2] =	stream.indirect_vreg.gather [hbm4b:s5+s3], $0x80, v4, vm0, $0xb8;
	[tilespmem:$0x1E100] =	vst v63  }
0x82: {  	s17 =	simm.s32 $0xD100  }
0x83: {  	[tilespmem:s17], [sflag:$0x2] =	stream.indirect_vreg.gather [hbm4b:s1+s3], $0x80, v3, vm0, $0xb8;
	[tilespmem:$0x1E100] =	vst v63  }
0x84: {  	s2 =	simm.s32 $0xD900  }
0x85: {  	[tilespmem:s2], [sflag:$0x2] =	stream.indirect_vreg.gather [hbm4b:s5+s3], $0x80, v3, vm0, $0xb8;
	[tilespmem:$0x1E100] =	vst v63  }
0x86: {  	v3 =	vld [tilespmem:$0x70];
	_ =	sdelay $0x4  }
0x87: {  	v4 =	vshll.u32 v3, $0x2  }
0x88: {  	v3 =	vand.u32 $0x7, v3;
	v4 =	vand.u32 $0xFFFFFFE0, v4  }
0x89: {  	v3 =	vor.u32 v3, v4  }
0x8a: {  	v4 =	vperm.xlane v3, v0;
	_ =	sdelay $0x1  }
0x8b: {  	v4 =	vadd.s32 v1, v4;
	_ =	sdelay $0x1  }
0x8c: {  	v3 =	vperm.xlane v3, v2;
	_ =	sdelay $0x1  }
0x8d: {  	s4 =	simm.s32 $0xE100;
	v3 =	vadd.s32 v1, v3  }
0x8e: {  	[tilespmem:s4], [sflag:$0x2] =	stream.indirect_vreg.gather [hbm4b:s1+s3], $0x80, v4, vm0, $0xb8;
	[tilespmem:$0x1E100] =	vst v63  }
0x8f: {  	s6 =	simm.s32 $0xE900  }
0x90: {  	[tilespmem:s6], [sflag:$0x2] =	stream.indirect_vreg.gather [hbm4b:s5+s3], $0x80, v4, vm0, $0xb8;
	[tilespmem:$0x1E100] =	vst v63  }
0x91: {  	s17 =	simm.s32 $0xF100  }
0x92: {  	[tilespmem:s17], [sflag:$0x2] =	stream.indirect_vreg.gather [hbm4b:s1+s3], $0x80, v3, vm0, $0xb8;
	[tilespmem:$0x1E100] =	vst v63  }
0x93: {  	s2 =	simm.s32 $0xF900  }
0x94: {  	[tilespmem:s2], [sflag:$0x2] =	stream.indirect_vreg.gather [hbm4b:s5+s3], $0x80, v3, vm0, $0xb8;
	[tilespmem:$0x1E100] =	vst v63  }
0x95: {  	s4 =	simm.s32 $0x1A100  }
0x96: {  	[tilespmem:s4], [sflag:$0x5] =	stream.linear.gather [hbm4b:s7+s3], $0x2000, $0x38;
	[tilespmem:$0x1E100] =	vst v63  }
0x97: {  	v3 =	vld [tilespmem:$0x80];
	_ =	sdelay $0x4  }
0x98: {  	v4 =	vshll.u32 v3, $0x2  }
0x99: {  	v3 =	vand.u32 $0x7, v3;
	v4 =	vand.u32 $0xFFFFFFE0, v4  }
0x9a: {  	v3 =	vor.u32 v3, v4  }
0x9b: {  	v4 =	vperm.xlane v3, v0;
	_ =	sdelay $0x1  }
0x9c: {  	v4 =	vadd.s32 v1, v4;
	_ =	sdelay $0x1  }
0x9d: {  	v3 =	vperm.xlane v3, v2;
	_ =	sdelay $0x1  }
0x9e: {  	v3 =	vadd.s32 v1, v3  }
0x9f: {  	[tilespmem:s18], [sflag:$0x3] =	stream.indirect_vreg.gather [hbm4b:s1+s3], $0x80, v4, vm0, $0xb8;
	[tilespmem:$0x1E100] =	vst v63  }
0xa0: {  	s6 =	simm.s32 $0x10900  }
0xa1: {  	[tilespmem:s6], [sflag:$0x3] =	stream.indirect_vreg.gather [hbm4b:s5+s3], $0x80, v4, vm0, $0xb8;
	[tilespmem:$0x1E100] =	vst v63  }
0xa2: {  	s17 =	simm.s32 $0x11100  }
0xa3: {  	[tilespmem:s17], [sflag:$0x3] =	stream.indirect_vreg.gather [hbm4b:s1+s3], $0x80, v3, vm0, $0xb8;
	[tilespmem:$0x1E100] =	vst v63  }
0xa4: {  	s2 =	simm.s32 $0x11900  }
0xa5: {  	[tilespmem:s2], [sflag:$0x3] =	stream.indirect_vreg.gather [hbm4b:s5+s3], $0x80, v3, vm0, $0xb8;
	[tilespmem:$0x1E100] =	vst v63  }
0xa6: {  	v3 =	vld [tilespmem:$0x90];
	_ =	sdelay $0x4  }
0xa7: {  	v4 =	vshll.u32 v3, $0x2  }
0xa8: {  	v3 =	vand.u32 $0x7, v3;
	v4 =	vand.u32 $0xFFFFFFE0, v4  }
0xa9: {  	v3 =	vor.u32 v3, v4  }
0xaa: {  	v4 =	vperm.xlane v3, v0;
	_ =	sdelay $0x1  }
0xab: {  	v4 =	vadd.s32 v1, v4;
	_ =	sdelay $0x1  }
0xac: {  	v3 =	vperm.xlane v3, v2;
	_ =	sdelay $0x1  }
0xad: {  	s4 =	simm.s32 $0x12100;
	v3 =	vadd.s32 v1, v3  }
0xae: {  	[tilespmem:s4], [sflag:$0x3] =	stream.indirect_vreg.gather [hbm4b:s1+s3], $0x80, v4, vm0, $0xb8;
	[tilespmem:$0x1E100] =	vst v63  }
0xaf: {  	s6 =	simm.s32 $0x12900  }
0xb0: {  	[tilespmem:s6], [sflag:$0x3] =	stream.indirect_vreg.gather [hbm4b:s5+s3], $0x80, v4, vm0, $0xb8;
	[tilespmem:$0x1E100] =	vst v63  }
0xb1: {  	s17 =	simm.s32 $0x13100  }
0xb2: {  	[tilespmem:s17], [sflag:$0x3] =	stream.indirect_vreg.gather [hbm4b:s1+s3], $0x80, v3, vm0, $0xb8;
	[tilespmem:$0x1E100] =	vst v63  }
0xb3: {  	s2 =	simm.s32 $0x13900  }
0xb4: {  	[tilespmem:s2], [sflag:$0x3] =	stream.indirect_vreg.gather [hbm4b:s5+s3], $0x80, v3, vm0, $0xb8;
	[tilespmem:$0x1E100] =	vst v63  }
0xb5: {  	v3 =	vld [tilespmem:$0xA0];
	_ =	sdelay $0x4  }
0xb6: {  	v4 =	vshll.u32 v3, $0x2  }
0xb7: {  	v3 =	vand.u32 $0x7, v3;
	v4 =	vand.u32 $0xFFFFFFE0, v4  }
0xb8: {  	v3 =	vor.u32 v3, v4  }
0xb9: {  	v4 =	vperm.xlane v3, v0;
	_ =	sdelay $0x1  }
0xba: {  	v4 =	vadd.s32 v1, v4;
	_ =	sdelay $0x1  }
0xbb: {  	v3 =	vperm.xlane v3, v2;
	_ =	sdelay $0x1  }
0xbc: {  	s4 =	simm.s32 $0x14100;
	v3 =	vadd.s32 v1, v3  }
0xbd: {  	[tilespmem:s4], [sflag:$0x3] =	stream.indirect_vreg.gather [hbm4b:s1+s3], $0x80, v4, vm0, $0xb8;
	[tilespmem:$0x1E100] =	vst v63  }
0xbe: {  	s6 =	simm.s32 $0x14900  }
0xbf: {  	[tilespmem:s6], [sflag:$0x3] =	stream.indirect_vreg.gather [hbm4b:s5+s3], $0x80, v4, vm0, $0xb8;
	[tilespmem:$0x1E100] =	vst v63  }
0xc0: {  	s17 =	simm.s32 $0x15100  }
0xc1: {  	[tilespmem:s17], [sflag:$0x3] =	stream.indirect_vreg.gather [hbm4b:s1+s3], $0x80, v3, vm0, $0xb8;
	[tilespmem:$0x1E100] =	vst v63  }
0xc2: {  	s2 =	simm.s32 $0x15900  }
0xc3: {  	[tilespmem:s2], [sflag:$0x3] =	stream.indirect_vreg.gather [hbm4b:s5+s3], $0x80, v3, vm0, $0xb8;
	[tilespmem:$0x1E100] =	vst v63  }
0xc4: {  	v3 =	vld [tilespmem:$0xB0];
	_ =	sdelay $0x4  }
0xc5: {  	v4 =	vshll.u32 v3, $0x2  }
0xc6: {  	v3 =	vand.u32 $0x7, v3;
	v4 =	vand.u32 $0xFFFFFFE0, v4  }
0xc7: {  	v3 =	vor.u32 v3, v4  }
0xc8: {  	v4 =	vperm.xlane v3, v0;
	_ =	sdelay $0x1  }
0xc9: {  	v4 =	vadd.s32 v1, v4;
	_ =	sdelay $0x1  }
0xca: {  	v3 =	vperm.xlane v3, v2;
	_ =	sdelay $0x1  }
0xcb: {  	s4 =	simm.s32 $0x16100;
	v3 =	vadd.s32 v1, v3  }
0xcc: {  	[tilespmem:s4], [sflag:$0x3] =	stream.indirect_vreg.gather [hbm4b:s1+s3], $0x80, v4, vm0, $0xb8;
	[tilespmem:$0x1E100] =	vst v63  }
0xcd: {  	s6 =	simm.s32 $0x16900  }
0xce: {  	[tilespmem:s6], [sflag:$0x3] =	stream.indirect_vreg.gather [hbm4b:s5+s3], $0x80, v4, vm0, $0xb8;
	[tilespmem:$0x1E100] =	vst v63  }
0xcf: {  	s17 =	simm.s32 $0x17100  }
0xd0: {  	[tilespmem:s17], [sflag:$0x3] =	stream.indirect_vreg.gather [hbm4b:s1+s3], $0x80, v3, vm0, $0xb8;
	[tilespmem:$0x1E100] =	vst v63  }
0xd1: {  	s2 =	simm.s32 $0x17900  }
0xd2: {  	[tilespmem:s2], [sflag:$0x3] =	stream.indirect_vreg.gather [hbm4b:s5+s3], $0x80, v3, vm0, $0xb8;
	[tilespmem:$0x1E100] =	vst v63  }
0xd3: {  	s4 =	simm.s32 $0x1C100  }
0xd4: {  	[tilespmem:s4], [sflag:$0x6] =	stream.linear.gather [hbm4b:s8+s3], $0x2000, $0x38;
	[tilespmem:$0x1E100] =	vst v63  }
0xd5: {  	_ =	swait.ge [sflag:s19], $0x8000  }
0xd6: {  	[sflag:s19] =	ssyncset.done $0x0  }
0xd7: {  	[sflag:s19] =	ssyncadd.s32 $0xFFFF8000  }
0xd8: {  	_ =	swait.ge [sflag:s20], $0x2000  }
0xd9: {  	s6 =	sand.u32 $0x380, s3;
	[sflag:s20] =	ssyncset.done $0x0  }
0xda: {  	s17 =	simm.s32 $0x0;
	s4 =	sand.u32 $0x7000, s3;
	[sflag:s20] =	ssyncadd.s32 $0xFFFFE000  }
0xdb: {  	s30 =	sor.u32 s6, s4;
	v4 =	vld [tilespmem:s17+$0x18100]  }
0xdc: {  	v3 =	vld [tilespmem:s30+$0x100];
	_ =	sdelay $0x4  }
0xdd: {  	v17 =	vld [tilespmem:s30+$0x130];
	v6 =	vadd.f32 v3, v4  }
0xde: {  	v3 =	vld [tilespmem:s17+$0x18140]  }
0xdf: {  	[tilespmem:s30+$0x100] =	vst v6;
	v6 =	vld [tilespmem:s30+$0x110]  }
0xe0: {  	v7 =	vld [tilespmem:s17+$0x18110]  }
0xe1: {  	v5 =	vld [tilespmem:s30+$0x140]  }
0xe2: {  	v14 =	vld [tilespmem:s30+$0x150]  }
0xe3: {  	v15 =	vld [tilespmem:s30+$0x160]  }
0xe4: {  	v19 =	vld [tilespmem:s30+$0x170]  }
0xe5: {  	v20 =	vld [tilespmem:s30+$0x500];
	v6 =	vadd.f32 v6, v7  }
0xe6: {  	v13 =	vld [tilespmem:s30+$0x510]  }
0xe7: {  	[tilespmem:s30+$0x110] =	vst v6;
	v6 =	vld [tilespmem:s30+$0x120]  }
0xe8: {  	v8 =	vld [tilespmem:s17+$0x18120]  }
0xe9: {  	v22 =	vld [tilespmem:s30+$0x520]  }
0xea: {  	v21 =	vld [tilespmem:s30+$0x530]  }
0xeb: {  	v23 =	vld [tilespmem:s30+$0x540]  }
0xec: {  	v25 =	vld [tilespmem:s30+$0x550]  }
0xed: {  	v26 =	vld [tilespmem:s30+$0x560];
	v6 =	vadd.f32 v6, v8  }
0xee: {  	v30 =	vld [tilespmem:s30+$0x570]  }
0xef: {  	v27 =	vld [tilespmem:s30+$0x900];
	[tilespmem:s30+$0x120] =	vst v6;
	v6 =	vmul.f32 v8, v3  }
0xf0: {  	v31 =	vld [tilespmem:s30+$0x910]  }
0xf1: {  	v37 =	vld [tilespmem:s30+$0x920];
	v4 =	vsub.f32 v6, v4  }
0xf2: {  	v39 =	vld [tilespmem:s17+$0x18130]  }
0xf3: {  	v38 =	vld [tilespmem:s30+$0x930];
	v6 =	vmul.f32 v4, v3  }
0xf4: {  	v40 =	vld [tilespmem:s30+$0x940]  }
0xf5: {  	v36 =	vld [tilespmem:s30+$0x950];
	v42 =	vsub.f32 v6, v8  }
0xf6: {  	v41 =	vld [tilespmem:s30+$0x960]  }
0xf7: {  	v34 =	vld [tilespmem:s30+$0x970];
	v6 =	vmul.f32 v39, v3;
	v8 =	vmul.f32 v42, v3  }
0xf8: {  	s6 =	simm.s32 $0x80;
	v35 =	vld [tilespmem:s30+$0xD00];
	s17 =	simm.s32 $0x200;
	v5 =	vadd.f32 v5, v4  }
0xf9: {  	s0 =	sand.u32 $0x380, s6;
	s6 =	simm.s32 $0x80;
	v9 =	vld [tilespmem:s30+$0xD10];
	s2 =	sand.u32 $0x7000, s17;
	v32 =	vsub.f32 v6, v7;
	v43 =	vsub.f32 v8, v4  }
0xfa: {  	v44 =	vld [tilespmem:s6+$0x18100];
	s31 =	sor.u32 s0, s2  }
0xfb: {  	[tilespmem:s30+$0x140] =	vst v5;
	v4 =	vmul.f32 v32, v3;
	v8 =	vld [tilespmem:s31+$0x100];
	v5 =	vmul.f32 v43, v3  }
0xfc: {  	v33 =	vld [tilespmem:s30+$0xD20]  }
0xfd: {  	v10 =	vld [tilespmem:s30+$0xD30];
	v45 =	vsub.f32 v4, v39;
	v46 =	vsub.f32 v5, v42  }
0xfe: {  	v11 =	vld [tilespmem:s30+$0xD40]  }
0xff: {  	v12 =	vld [tilespmem:s30+$0xD50];
	v4 =	vmul.f32 v45, v3;
	v16 =	vmul.f32 v46, v3  }
0x100: {  	v47 =	vld [tilespmem:s31+$0x140];
	v8 =	vadd.f32 v8, v44  }
0x101: {  	v29 =	vld [tilespmem:s31+$0x110];
	v24 =	vsub.f32 v4, v32;
	v48 =	vsub.f32 v16, v43  }
0x102: {  	v28 =	vld [tilespmem:s31+$0x510]  }
0x103: {  	v4 =	vld [tilespmem:s6+$0x18140];
	[tilespmem:s31+$0x100] =	vst v8;
	v18 =	vmul.f32 v24, v3;
	v8 =	vmul.f32 v48, v3  }
0x104: {  	v63 =	vld [tilespmem:s31+$0x120]  }
0x105: {  	v7 =	vld [tilespmem:s31+$0x150];
	v49 =	vsub.f32 v18, v45;
	v51 =	vsub.f32 v8, v46  }
0x106: {  	v6 =	vld [tilespmem:s31+$0x160]  }
0x107: {  	v39 =	vadd.f32 v17, v39;
	v50 =	vld [tilespmem:s6+$0x18110];
	v52 =	vmul.f32 v49, v3;
	v53 =	vmul.f32 v51, v3  }
0x108: {  	v58 =	vadd.f32 v14, v32;
	v5 =	vld [tilespmem:s31+$0x130];
	v22 =	vadd.f32 v22, v46  }
0x109: {  	[tilespmem:s30+$0x130] =	vst v39;
	v39 =	vld [tilespmem:s31+$0xD20];
	v52 =	vsub.f32 v52, v24;
	v53 =	vsub.f32 v53, v48  }
0x10a: {  	v32 =	vld [tilespmem:s31+$0x560];
	v54 =	vadd.f32 v13, v24;
	v23 =	vadd.f32 v23, v48  }
0x10b: {  	v16 =	vld [tilespmem:s30+$0xD60];
	[tilespmem:s30+$0x520] =	vst v22;
	v26 =	vadd.f32 v26, v51;
	v60 =	vmul.f32 v52, v3;
	v61 =	vmul.f32 v53, v3  }
0x10c: {  	v13 =	vld [tilespmem:s31+$0x520];
	v21 =	vadd.f32 v21, v49;
	[tilespmem:s30+$0x540] =	vst v23;
	v55 =	vadd.f32 v29, v50  }
0x10d: {  	v22 =	vld [tilespmem:s31+$0x940];
	[tilespmem:s30+$0x560] =	vst v26;
	v62 =	vsub.f32 v60, v49;
	v26 =	vsub.f32 v61, v51  }
0x10e: {  	v19 =	vadd.f32 v19, v45;
	v18 =	vld [tilespmem:s31+$0x170];
	[tilespmem:s31+$0x110] =	vst v55;
	v23 =	vadd.f32 v27, v53  }
0x10f: {  	[tilespmem:s30+$0x530] =	vst v21;
	v21 =	vadd.f32 v25, v52;
	v57 =	vld [tilespmem:s6+$0x18120];
	v14 =	vmul.f32 v62, v3;
	v25 =	vmul.f32 v26, v3  }
0x110: {  	v8 =	vld [tilespmem:s31+$0x500];
	[tilespmem:s30+$0x900] =	vst v23;
	v23 =	vadd.f32 v37, v26  }
0x111: {  	[tilespmem:s30+$0x170] =	vst v19;
	v29 =	vld [tilespmem:s31+$0x540];
	v19 =	vsub.f32 v14, v52;
	v59 =	vsub.f32 v25, v53  }
0x112: {  	v43 =	vadd.f32 v20, v43;
	[tilespmem:s30+$0x510] =	vst v54;
	v24 =	vld [tilespmem:s31+$0x530]  }
0x113: {  	v27 =	vld [tilespmem:s31+$0x550];
	v54 =	vadd.f32 v30, v62;
	[tilespmem:s30+$0x920] =	vst v23;
	v20 =	vmul.f32 v19, v3;
	v23 =	vmul.f32 v59, v3  }
0x114: {  	[tilespmem:s30+$0x550] =	vst v21;
	v21 =	vld [tilespmem:s31+$0x570];
	v60 =	vadd.f32 v63, v57;
	v17 =	vadd.f32 v31, v19;
	v31 =	vmul.f32 v57, v4  }
0x115: {  	[tilespmem:s30+$0x150] =	vst v58;
	v30 =	vld [tilespmem:s31+$0x900];
	v61 =	vsub.f32 v20, v62;
	v62 =	vsub.f32 v23, v26  }
0x116: {  	v42 =	vadd.f32 v15, v42;
	v14 =	vld [tilespmem:s31+$0x910];
	[tilespmem:s31+$0x120] =	vst v60;
	v63 =	vsub.f32 v31, v44  }
0x117: {  	v20 =	vadd.f32 v40, v59;
	[tilespmem:s30+$0x910] =	vst v17;
	v26 =	vld [tilespmem:s6+$0x18130];
	v15 =	vmul.f32 v61, v3;
	v17 =	vmul.f32 v62, v3  }
0x118: {  	[tilespmem:s30+$0x160] =	vst v42;
	v25 =	vld [tilespmem:s31+$0x920];
	v31 =	vadd.f32 v38, v61;
	v55 =	vmul.f32 v63, v4;
	v47 =	vadd.f32 v47, v63  }
0x119: {  	[tilespmem:s30+$0x500] =	vst v43;
	v40 =	vld [tilespmem:s31+$0xD60];
	v43 =	vsub.f32 v15, v19;
	v56 =	vsub.f32 v17, v59  }
0x11a: {  	v23 =	vld [tilespmem:s31+$0x930];
	v41 =	vadd.f32 v41, v62;
	[tilespmem:s30+$0x930] =	vst v31;
	v31 =	vsub.f32 v55, v57  }
0x11b: {  	[tilespmem:s30+$0x940] =	vst v20;
	v20 =	vld [tilespmem:s31+$0x950];
	v36 =	vadd.f32 v36, v43;
	v57 =	vmul.f32 v43, v3;
	v58 =	vmul.f32 v56, v3  }
0x11c: {  	[tilespmem:s30+$0x570] =	vst v54;
	v38 =	vld [tilespmem:s31+$0xD10];
	v51 =	vmul.f32 v31, v4;
	v59 =	vmul.f32 v26, v4;
	v60 =	vadd.f32 v35, v56  }
0x11d: {  	v19 =	vld [tilespmem:s31+$0x960];
	[tilespmem:s31+$0x140] =	vst v47;
	v46 =	vsub.f32 v57, v61;
	v45 =	vsub.f32 v58, v62  }
0x11e: {  	v15 =	vld [tilespmem:s31+$0x970];
	[tilespmem:s30+$0x960] =	vst v41;
	v35 =	vsub.f32 v51, v63;
	v37 =	vsub.f32 v59, v50  }
0x11f: {  	v17 =	vld [tilespmem:s31+$0xD00];
	[tilespmem:s30+$0x950] =	vst v36;
	v61 =	vadd.f32 v34, v46;
	v62 =	vmul.f32 v46, v3;
	v48 =	vmul.f32 v45, v3  }
0x120: {  	s17 =	simm.s32 $0x100;
	v41 =	vld [tilespmem:s31+$0xD40];
	[tilespmem:s30+$0xD00] =	vst v60;
	v63 =	vmul.f32 v35, v4;
	v49 =	vmul.f32 v37, v4;
	v33 =	vadd.f32 v33, v45  }
0x121: {  	s4 =	sand.u32 $0x380, s17;
	s0 =	simm.s32 $0x400;
	v36 =	vld [tilespmem:s31+$0xD30];
	[tilespmem:s30+$0x970] =	vst v61;
	v47 =	vsub.f32 v62, v43;
	v48 =	vsub.f32 v48, v56  }
0x122: {  	s17 =	simm.s32 $0x100;
	s2 =	simm.s32 $0x180;
	s6 =	sand.u32 $0x7000, s0;
	v34 =	vld [tilespmem:s31+$0xD50];
	v42 =	vsub.f32 v63, v31;
	v44 =	vsub.f32 v49, v26;
	[tilespmem:s30+$0xD20] =	vst v33  }
.LBB2_2:
0x123: {  	p0 =	sne.s32 s2, $0x1F80;
	v43 =	vld [tilespmem:s17+$0x18100];
	s4 =	sor.u32 s4, s6;
	v49 =	vadd.f32 v9, v47;
	v50 =	vmul.f32 v47, v3;
	v51 =	vmul.f32 v48, v3;
	v9 =	vmovc v38  }
0x124: {  	v48 =	vadd.f32 v11, v48;
	v33 =	vmovc v39;
	v52 =	vld [tilespmem:s4+$0x100];
	v53 =	vmul.f32 v44, v4;
	v54 =	vmul.f32 v42, v4  }
0x125: {  	v39 =	vld [tilespmem:s4+$0x130];
	[tilespmem:s30+$0xD10] =	vst v49;
	v46 =	vsub.f32 v50, v46;
	v45 =	vsub.f32 v51, v45;
	v11 =	vmov v41  }
0x126: {  	v38 =	vld [tilespmem:s4+$0x140];
	v41 =	vsub.f32 v53, v37;
	v49 =	vsub.f32 v54, v35;
	[tilespmem:s30+$0xD40] =	vst v48  }
0x127: {  	v48 =	vld [tilespmem:s4+$0x150];
	v50 =	vadd.f32 v10, v46;
	v51 =	vmul.f32 v46, v3;
	v45 =	vadd.f32 v16, v45;
	v10 =	vmovc v36  }
0x128: {  	v16 =	vmovc v40;
	v53 =	vld [tilespmem:s4+$0x160];
	v28 =	vadd.f32 v28, v41;
	v36 =	vmul.f32 v41, v4;
	v54 =	vmul.f32 v49, v4  }
0x129: {  	v40 =	vld [tilespmem:s17+$0x18140];
	v52 =	vadd.f32 v52, v43;
	[tilespmem:s30+$0xD30] =	vst v50;
	v47 =	vsub.f32 v51, v47  }
0x12a: {  	v50 =	vsub.f32 v36, v44;
	v51 =	vsub.f32 v54, v42;
	[tilespmem:s30+$0xD60] =	vst v45;
	v45 =	vld [tilespmem:s30+$0xD70]  }
0x12b: {  	v29 =	vadd.f32 v29, v49;
	[tilespmem:s4+$0x100] =	vst v52;
	v52 =	vld [tilespmem:s4+$0x110];
	v56 =	vadd.f32 v12, v47;
	v55 =	vmul.f32 v47, v3  }
0x12c: {  	v36 =	vld [tilespmem:s17+$0x18110];
	[tilespmem:s31+$0x510] =	vst v28;
	v24 =	vadd.f32 v24, v50;
	v28 =	vmul.f32 v50, v4;
	v47 =	vmul.f32 v51, v4  }
0x12d: {  	v3 =	vmovc v4;
	v12 =	vmov v34;
	v32 =	vadd.f32 v32, v51;
	v54 =	vld [tilespmem:s4+$0x170];
	[tilespmem:s30+$0xD50] =	vst v56;
	v46 =	vsub.f32 v55, v46  }
0x12e: {  	v34 =	vld [tilespmem:s4+$0x500];
	[tilespmem:s31+$0x530] =	vst v24;
	v41 =	vsub.f32 v28, v41;
	v47 =	vsub.f32 v47, v49;
	v4 =	vmov v40  }
0x12f: {  	v40 =	vadd.f32 v18, v44;
	v28 =	vld [tilespmem:s4+$0x510];
	[tilespmem:s31+$0x560] =	vst v32;
	v49 =	vadd.f32 v45, v46  }
0x130: {  	v32 =	vld [tilespmem:s4+$0x520];
	[tilespmem:s31+$0x540] =	vst v29;
	v27 =	vadd.f32 v27, v41;
	v44 =	vmul.f32 v41, v3;
	v45 =	vmul.f32 v47, v3  }
0x131: {  	v30 =	vadd.f32 v30, v47;
	v46 =	vadd.f32 v52, v36;
	v24 =	vld [tilespmem:s4+$0x530];
	[tilespmem:s30+$0xD70] =	vst v49;
	s30 =	smov.u32 s31;
	s31 =	smov.u32 s4  }
0x132: {  	v29 =	vld [tilespmem:s31+$0x540];
	[tilespmem:s30+$0x550] =	vst v27;
	v44 =	vsub.f32 v44, v50;
	v45 =	vsub.f32 v45, v51;
	v18 =	vmov v54  }
0x133: {  	v37 =	vadd.f32 v7, v37;
	v42 =	vadd.f32 v13, v42;
	v7 =	vmov v48;
	[tilespmem:s31+$0x110] =	vst v46;
	v46 =	vld [tilespmem:s31+$0x120]  }
0x134: {  	v48 =	vld [tilespmem:s17+$0x18120];
	v21 =	vadd.f32 v21, v44;
	[tilespmem:s30+$0x900] =	vst v30;
	v30 =	vmul.f32 v44, v3;
	v49 =	vmul.f32 v45, v3  }
0x135: {  	v35 =	vadd.f32 v8, v35;
	v8 =	vmovc v34;
	v25 =	vadd.f32 v25, v45;
	v27 =	vld [tilespmem:s31+$0x550];
	[tilespmem:s30+$0x170] =	vst v40;
	v13 =	vmov v32  }
0x136: {  	v32 =	vld [tilespmem:s31+$0x560];
	[tilespmem:s30+$0x570] =	vst v21;
	v34 =	vsub.f32 v30, v41;
	v40 =	vsub.f32 v49, v47  }
0x137: {  	v41 =	vadd.f32 v5, v26;
	v47 =	vadd.f32 v6, v31;
	v5 =	vmovc v39;
	v6 =	vmov v53;
	v21 =	vld [tilespmem:s31+$0x570];
	[tilespmem:s30+$0x920] =	vst v25  }
0x138: {  	v30 =	vld [tilespmem:s31+$0x900];
	[tilespmem:s30+$0x520] =	vst v42;
	v26 =	vadd.f32 v14, v34;
	v31 =	vmul.f32 v34, v3;
	v39 =	vmul.f32 v40, v3  }
0x139: {  	v22 =	vadd.f32 v22, v40;
	v42 =	vadd.f32 v46, v48;
	v46 =	vmul.f32 v48, v4;
	v14 =	vld [tilespmem:s31+$0x910];
	[tilespmem:s30+$0x150] =	vst v37  }
0x13a: {  	v25 =	vld [tilespmem:s31+$0x920];
	[tilespmem:s30+$0x910] =	vst v26;
	v37 =	vsub.f32 v31, v44;
	v39 =	vsub.f32 v39, v45  }
0x13b: {  	[tilespmem:s31+$0x120] =	vst v42;
	v42 =	vsub.f32 v46, v43;
	v43 =	vld [tilespmem:s31+$0x930]  }
0x13c: {  	v26 =	vld [tilespmem:s17+$0x18130];
	v23 =	vadd.f32 v23, v37;
	[tilespmem:s30+$0x940] =	vst v22;
	v31 =	vmul.f32 v37, v3;
	v44 =	vmul.f32 v39, v3  }
0x13d: {  	v49 =	vadd.f32 v38, v42;
	v38 =	vmul.f32 v42, v4;
	v22 =	vld [tilespmem:s31+$0x940];
	[tilespmem:s30+$0x500] =	vst v35;
	v35 =	vadd.f32 v19, v39  }
0x13e: {  	v50 =	vld [tilespmem:s31+$0x950];
	[tilespmem:s30+$0x930] =	vst v23;
	v51 =	vsub.f32 v31, v34;
	v40 =	vsub.f32 v44, v40  }
0x13f: {  	v31 =	vsub.f32 v38, v48;
	v19 =	vld [tilespmem:s31+$0x960];
	[tilespmem:s30+$0x960] =	vst v35  }
0x140: {  	v34 =	vld [tilespmem:s31+$0x970];
	[tilespmem:s30+$0x130] =	vst v41;
	v52 =	vadd.f32 v20, v51;
	v48 =	vmul.f32 v51, v3;
	v35 =	vmul.f32 v40, v3  }
0x141: {  	v41 =	vmul.f32 v26, v4;
	v44 =	vmul.f32 v31, v4;
	[tilespmem:s30+$0x160] =	vst v47;
	v47 =	vadd.f32 v17, v40;
	v17 =	vld [tilespmem:s31+$0xD00]  }
0x142: {  	v23 =	vmov v43;
	v38 =	vld [tilespmem:s31+$0xD10];
	[tilespmem:s30+$0x950] =	vst v52;
	v46 =	vsub.f32 v48, v37;
	v45 =	vsub.f32 v35, v39  }
.Ltmp0:
0x143: {  	v37 =	vsub.f32 v41, v36;
	v35 =	vsub.f32 v44, v42;
	v39 =	vld [tilespmem:s31+$0xD20];
	[tilespmem:s30+$0xD00] =	vst v47;
	v20 =	vmov v50;
	(pc) =	sbr.rel @p0 .LBB2_2-.Ltmp0, $4  }
0x144: {  	[tilespmem:s31+$0x140] =	vst v49;
	v36 =	vld [tilespmem:s31+$0xD30];
	v42 =	vadd.f32 v15, v46;
	v43 =	vmul.f32 v46, v3;
	v44 =	vmul.f32 v45, v3  }
0x145: {  	v33 =	vadd.f32 v33, v45;
	v49 =	vmul.f32 v37, v4;
	v50 =	vmul.f32 v35, v4;
	v41 =	vld [tilespmem:s31+$0xD40];
	v15 =	vmovc v34  }
0x146: {  	s0 =	sadd.s32 $0x200, s0;
	s4 =	sand.u32 $0x380, s2;
	v34 =	vld [tilespmem:s31+$0xD50];
	[tilespmem:s30+$0x970] =	vst v42;
	v47 =	vsub.f32 v43, v51;
	v48 =	vsub.f32 v44, v40  }
0x147: {  	s6 =	sand.u32 $0x7000, s0;
	s2 =	sadd.s32 $0x80, s2;
	s17 =	sshra.s32 s0, $0x2;
	v44 =	vsub.f32 v49, v26;
	v42 =	vsub.f32 v50, v31;
	v40 =	vld [tilespmem:s31+$0xD60];
	[tilespmem:s30+$0xD20] =	vst v33  }
0x148: {  	v43 =	vld [tilespmem:s17+$0x18100];
	s0 =	sor.u32 s4, s6  }
0x149: {  	v33 =	vld [tilespmem:s0+$0x100];
	_ =	sdelay $0x4  }
0x14a: {  	v49 =	vadd.f32 v33, v43  }
0x14b: {  	v60 =	vld [tilespmem:s0+$0x110]  }
0x14c: {  	v33 =	vld [tilespmem:s17+$0x18140];
	[tilespmem:s0+$0x100] =	vst v49  }
0x14d: {  	v50 =	vld [tilespmem:s17+$0x18110];
	_ =	sdelay $0x3  }
0x14e: {  	v51 =	vmul.f32 v44, v4  }
0x14f: {  	v52 =	vmul.f32 v42, v4;
	v49 =	vadd.f32 v60, v50  }
0x150: {  	v51 =	vsub.f32 v51, v37  }
0x151: {  	v53 =	vmul.f32 v47, v3;
	v54 =	vmul.f32 v48, v3;
	v61 =	vld [tilespmem:s0+$0x120];
	v52 =	vsub.f32 v52, v35;
	[tilespmem:s0+$0x110] =	vst v49  }
0x152: {  	v11 =	vadd.f32 v11, v48;
	v57 =	vadd.f32 v9, v47;
	v55 =	vmul.f32 v51, v4;
	v56 =	vld [tilespmem:s17+$0x18120]  }
0x153: {  	v8 =	vadd.f32 v8, v35;
	v46 =	vsub.f32 v53, v46;
	v62 =	vmul.f32 v52, v4  }
0x154: {  	v45 =	vsub.f32 v54, v45;
	v54 =	vsub.f32 v55, v44  }
0x155: {  	v6 =	vadd.f32 v6, v31;
	v53 =	vsub.f32 v62, v42  }
0x156: {  	[tilespmem:s30+$0xD40] =	vst v11;
	v11 =	vadd.f32 v18, v44;
	v63 =	vmul.f32 v46, v3;
	v9 =	vmul.f32 v54, v4  }
0x157: {  	v16 =	vadd.f32 v16, v45;
	v59 =	vmul.f32 v53, v4;
	v60 =	vadd.f32 v61, v56  }
0x158: {  	v10 =	vadd.f32 v10, v46;
	v61 =	vsub.f32 v9, v51  }
0x159: {  	v58 =	vsub.f32 v63, v47;
	v47 =	vsub.f32 v59, v52;
	[tilespmem:s0+$0x120] =	vst v60  }
0x15a: {  	[tilespmem:s31+$0x170] =	vst v11;
	v11 =	vadd.f32 v5, v26;
	v28 =	vadd.f32 v28, v51;
	v62 =	vmul.f32 v61, v4;
	v9 =	vld [tilespmem:s17+$0x18130]  }
0x15b: {  	v29 =	vadd.f32 v29, v52;
	v12 =	vadd.f32 v12, v58;
	v63 =	vmul.f32 v47, v4  }
0x15c: {  	v24 =	vadd.f32 v24, v54;
	v18 =	vsub.f32 v62, v54  }
0x15d: {  	[tilespmem:s30+$0xD30] =	vst v10;
	v32 =	vadd.f32 v32, v53;
	v10 =	vmul.f32 v56, v33;
	v54 =	vsub.f32 v63, v53  }
0x15e: {  	[tilespmem:s30+$0xD60] =	vst v16;
	v16 =	vadd.f32 v30, v47;
	v30 =	vadd.f32 v7, v37;
	v7 =	vmul.f32 v18, v4  }
0x15f: {  	[tilespmem:s31+$0x510] =	vst v28;
	v43 =	vsub.f32 v10, v43;
	v28 =	vmul.f32 v54, v4;
	v10 =	vmul.f32 v9, v33  }
0x160: {  	v3 =	vmul.f32 v58, v3;
	[tilespmem:s30+$0xD50] =	vst v12;
	v12 =	vadd.f32 v13, v42;
	v13 =	vsub.f32 v7, v61  }
0x161: {  	v55 =	vld [tilespmem:s30+$0xD70];
	[tilespmem:s31+$0x530] =	vst v24;
	v24 =	vsub.f32 v28, v47;
	v7 =	vmul.f32 v43, v33;
	v10 =	vsub.f32 v10, v50  }
0x162: {  	[tilespmem:s30+$0xD10] =	vst v57;
	v3 =	vsub.f32 v3, v46;
	v27 =	vadd.f32 v27, v61;
	v28 =	vmul.f32 v13, v4  }
0x163: {  	[tilespmem:s31+$0x540] =	vst v29;
	v29 =	vmul.f32 v24, v4;
	v7 =	vsub.f32 v7, v56;
	v56 =	vmul.f32 v10, v33  }
0x164: {  	[tilespmem:s31+$0x900] =	vst v16;
	v21 =	vadd.f32 v21, v18;
	v18 =	vsub.f32 v28, v18  }
0x165: {  	[tilespmem:s31+$0x550] =	vst v27;
	v16 =	vsub.f32 v29, v54;
	v27 =	vmul.f32 v7, v33;
	v28 =	vsub.f32 v56, v9  }
0x166: {  	[tilespmem:s31+$0x500] =	vst v8;
	v3 =	vadd.f32 v55, v3;
	v25 =	vadd.f32 v25, v54;
	v26 =	vmul.f32 v18, v4  }
0x167: {  	[tilespmem:s31+$0x570] =	vst v21;
	v21 =	vmul.f32 v16, v4;
	v5 =	vsub.f32 v27, v43;
	v27 =	vmul.f32 v28, v33  }
0x168: {  	[tilespmem:s31+$0x520] =	vst v12;
	v14 =	vadd.f32 v14, v13;
	v13 =	vsub.f32 v26, v13  }
0x169: {  	[tilespmem:s31+$0x920] =	vst v25;
	v12 =	vsub.f32 v21, v24;
	v21 =	vmul.f32 v5, v33;
	v25 =	vsub.f32 v27, v10  }
0x16a: {  	[tilespmem:s31+$0x160] =	vst v6;
	v22 =	vadd.f32 v22, v24;
	v23 =	vadd.f32 v23, v18;
	v24 =	vmul.f32 v13, v4  }
0x16b: {  	[tilespmem:s31+$0x910] =	vst v14;
	v14 =	vmul.f32 v12, v4;
	v21 =	vsub.f32 v21, v7;
	v26 =	vmul.f32 v25, v33  }
0x16c: {  	[tilespmem:s31+$0x130] =	vst v11;
	v19 =	vadd.f32 v19, v16;
	v18 =	vsub.f32 v24, v18  }
0x16d: {  	[tilespmem:s31+$0x940] =	vst v22;
	v8 =	vsub.f32 v14, v16;
	v14 =	vmul.f32 v21, v33;
	v16 =	vsub.f32 v26, v28  }
0x16e: {  	[tilespmem:s31+$0x930] =	vst v23;
	v20 =	vadd.f32 v20, v13;
	v17 =	vadd.f32 v17, v12;
	v22 =	vmul.f32 v18, v4  }
0x16f: {  	[tilespmem:s31+$0x960] =	vst v19;
	v19 =	vmul.f32 v8, v4;
	v14 =	vsub.f32 v14, v5;
	v23 =	vmul.f32 v16, v33  }
0x170: {  	[tilespmem:s31+$0x560] =	vst v32;
	v11 =	vadd.f32 v15, v18;
	v13 =	vsub.f32 v22, v13  }
0x171: {  	[tilespmem:s30+$0xD70] =	vst v3;
	v6 =	vsub.f32 v19, v12;
	v12 =	vmul.f32 v14, v33;
	v15 =	vsub.f32 v23, v25  }
0x172: {  	[tilespmem:s31+$0x950] =	vst v20;
	v19 =	vadd.f32 v39, v8;
	v20 =	vadd.f32 v38, v13;
	v22 =	vmul.f32 v13, v4  }
0x173: {  	[tilespmem:s31+$0xD00] =	vst v17;
	v17 =	vmul.f32 v6, v4;
	v12 =	vsub.f32 v12, v21;
	v23 =	vmul.f32 v15, v33  }
0x174: {  	v24 =	vld [tilespmem:s0+$0x140];
	[tilespmem:s31+$0x970] =	vst v11;
	v6 =	vadd.f32 v41, v6;
	v11 =	vsub.f32 v22, v18  }
0x175: {  	[tilespmem:s31+$0xD20] =	vst v19;
	v18 =	vld [tilespmem:s0+$0x510];
	v8 =	vsub.f32 v17, v8;
	v17 =	vmul.f32 v12, v33;
	v19 =	vsub.f32 v23, v16  }
0x176: {  	v26 =	vld [tilespmem:s0+$0x560];
	[tilespmem:s31+$0xD10] =	vst v20;
	v20 =	vadd.f32 v36, v11;
	v23 =	vmul.f32 v11, v4  }
0x177: {  	v22 =	vld [tilespmem:s0+$0x530];
	[tilespmem:s31+$0xD40] =	vst v6;
	v6 =	vadd.f32 v40, v8;
	v8 =	vsub.f32 v17, v14;
	v17 =	vmul.f32 v19, v33  }
0x178: {  	[tilespmem:s31+$0xD30] =	vst v20;
	v13 =	vsub.f32 v23, v13  }
0x179: {  	v20 =	vld [tilespmem:s0+$0x540];
	v23 =	vadd.f32 v24, v43;
	[tilespmem:s31+$0xD60] =	vst v6;
	v6 =	vmul.f32 v8, v33;
	v17 =	vsub.f32 v17, v15  }
0x17a: {  	[tilespmem:s31+$0x150] =	vst v30;
	v3 =	vadd.f32 v18, v25;
	v18 =	vld [tilespmem:s31+$0xD70];
	v24 =	vadd.f32 v34, v13  }
0x17b: {  	v25 =	vld [tilespmem:s0+$0x550];
	[tilespmem:s0+$0x140] =	vst v23;
	v4 =	vmul.f32 v13, v4;
	v6 =	vsub.f32 v6, v12;
	v13 =	vmul.f32 v17, v33  }
0x17c: {  	v23 =	vld [tilespmem:s0+$0x900];
	v12 =	vadd.f32 v26, v12;
	[tilespmem:s0+$0x510] =	vst v3;
	v3 =	vadd.f32 v22, v16  }
0x17d: {  	v16 =	vld [tilespmem:s0+$0x170];
	[tilespmem:s31+$0xD50] =	vst v24;
	v4 =	vsub.f32 v4, v11;
	v11 =	vmul.f32 v6, v33;
	v13 =	vsub.f32 v13, v19  }
0x17e: {  	v22 =	vld [tilespmem:s0+$0x570];
	[tilespmem:s0+$0x560] =	vst v12;
	v14 =	vadd.f32 v20, v14  }
0x17f: {  	[tilespmem:s0+$0x530] =	vst v3;
	v3 =	vld [tilespmem:s0+$0x920];
	v4 =	vadd.f32 v18, v4;
	v11 =	vsub.f32 v11, v8;
	v12 =	vmul.f32 v13, v33  }
0x180: {  	v18 =	vld [tilespmem:s0+$0x520];
	[tilespmem:s0+$0x540] =	vst v14;
	v14 =	vadd.f32 v25, v15  }
0x181: {  	v15 =	vld [tilespmem:s0+$0x150];
	v8 =	vadd.f32 v23, v8;
	[tilespmem:s31+$0xD70] =	vst v4;
	v4 =	vmul.f32 v11, v33;
	v12 =	vsub.f32 v12, v17  }
0x182: {  	v20 =	vld [tilespmem:s0+$0x910];
	v16 =	vadd.f32 v16, v28;
	[tilespmem:s0+$0x550] =	vst v14  }
0x183: {  	v19 =	vadd.f32 v22, v19;
	v22 =	vld [tilespmem:s0+$0x500];
	[tilespmem:s0+$0x900] =	vst v8;
	v4 =	vsub.f32 v4, v6;
	v8 =	vmul.f32 v12, v33  }
0x184: {  	v14 =	vld [tilespmem:s0+$0x940];
	[tilespmem:s0+$0x170] =	vst v16;
	v3 =	vadd.f32 v3, v6  }
0x185: {  	v6 =	vld [tilespmem:s0+$0x930];
	[tilespmem:s0+$0x570] =	vst v19;
	v16 =	vadd.f32 v18, v21;
	v18 =	vmul.f32 v4, v33;
	v8 =	vsub.f32 v8, v13  }
0x186: {  	v19 =	vld [tilespmem:s0+$0x960];
	v10 =	vadd.f32 v15, v10;
	[tilespmem:s0+$0x920] =	vst v3  }
0x187: {  	v3 =	vld [tilespmem:s0+$0x130];
	v15 =	vadd.f32 v20, v17;
	[tilespmem:s0+$0x520] =	vst v16;
	v16 =	vsub.f32 v18, v11;
	v17 =	vmul.f32 v8, v33  }
0x188: {  	v5 =	vadd.f32 v22, v5;
	v18 =	vld [tilespmem:s0+$0x160];
	[tilespmem:s0+$0x150] =	vst v10  }
0x189: {  	v10 =	vadd.f32 v14, v11;
	v11 =	vld [tilespmem:s0+$0x950];
	[tilespmem:s0+$0x910] =	vst v15;
	v14 =	vmul.f32 v16, v33;
	v15 =	vsub.f32 v17, v12  }
0x18a: {  	v6 =	vadd.f32 v6, v13;
	[tilespmem:s0+$0x500] =	vst v5;
	v17 =	vld [tilespmem:s0+$0xD00]  }
0x18b: {  	v5 =	vadd.f32 v19, v4;
	[tilespmem:s0+$0x940] =	vst v10;
	v10 =	vld [tilespmem:s0+$0x970];
	v4 =	vsub.f32 v14, v4;
	v13 =	vmul.f32 v15, v33  }
0x18c: {  	v3 =	vadd.f32 v3, v9;
	[tilespmem:s0+$0x930] =	vst v6;
	v14 =	vld [tilespmem:s0+$0xD20]  }
0x18d: {  	v6 =	vld [tilespmem:s0+$0xD10];
	[tilespmem:s0+$0x960] =	vst v5;
	v7 =	vadd.f32 v18, v7;
	v5 =	vmul.f32 v4, v33;
	v9 =	vsub.f32 v13, v8  }
0x18e: {  	[tilespmem:s0+$0x130] =	vst v3;
	v3 =	vadd.f32 v11, v12;
	v13 =	vld [tilespmem:s0+$0xD40]  }
0x18f: {  	v11 =	vld [tilespmem:s0+$0xD30];
	[tilespmem:s0+$0x160] =	vst v7;
	v5 =	vsub.f32 v5, v16;
	v7 =	vadd.f32 v17, v16;
	v12 =	vmul.f32 v9, v33  }
0x190: {  	[tilespmem:s0+$0x950] =	vst v3;
	v3 =	vadd.f32 v10, v8;
	v16 =	vld [tilespmem:s0+$0xD60]  }
0x191: {  	v8 =	vld [tilespmem:s0+$0xD50];
	v10 =	vmul.f32 v5, v33;
	[tilespmem:s0+$0xD00] =	vst v7;
	v7 =	vadd.f32 v14, v4;
	v12 =	vsub.f32 v12, v15  }
0x192: {  	[tilespmem:s0+$0x970] =	vst v3;
	v3 =	vadd.f32 v6, v15;
	v6 =	vld [tilespmem:s0+$0xD70]  }
0x193: {  	v4 =	vsub.f32 v10, v4;
	[tilespmem:s0+$0xD20] =	vst v7;
	v5 =	vadd.f32 v13, v5;
	v7 =	vmul.f32 v12, v33  }
0x194: {  	[tilespmem:s0+$0xD10] =	vst v3;
	v3 =	vadd.f32 v11, v9  }
0x195: {  	v4 =	vadd.f32 v16, v4;
	[tilespmem:s0+$0xD40] =	vst v5;
	v5 =	vsub.f32 v7, v9  }
0x196: {  	[tilespmem:s0+$0xD30] =	vst v3;
	v3 =	vadd.f32 v8, v12  }
0x197: {  	[tilespmem:s0+$0xD60] =	vst v4;
	v4 =	vadd.f32 v6, v5  }
0x198: {  	[tilespmem:s0+$0xD50] =	vst v3  }
0x199: {  	[tilespmem:s0+$0xD70] =	vst v4;
	s0 =	simm.s32 $0x0  }
0x19a: {  	[hbm4b:s9+s0] =	stream.linear.scatter [tilespmem:s16], [sflag:$0x7], $0x8000, $0x38;
	[tilespmem:$0x1E100] =	vst v63  }
0x19b: {  	_ =	swait.ge [sflag:s21], $0x8000  }
0x19c: {  	[sflag:s21] =	ssyncset.done $0x0  }
0x19d: {  	[sflag:s21] =	ssyncadd.s32 $0xFFFF8000  }
0x19e: {  	v3 =	vld [tilespmem:$0xC0];
	_ =	sdelay $0x4  }
0x19f: {  	v4 =	vshll.u32 v3, $0x2  }
0x1a0: {  	v3 =	vand.u32 $0x7, v3;
	v4 =	vand.u32 $0xFFFFFFE0, v4  }
0x1a1: {  	v3 =	vor.u32 v3, v4  }
0x1a2: {  	v4 =	vperm.xlane v3, v0;
	_ =	sdelay $0x1  }
0x1a3: {  	v4 =	vadd.s32 v1, v4;
	_ =	sdelay $0x1  }
0x1a4: {  	v3 =	vperm.xlane v3, v2;
	_ =	sdelay $0x1  }
0x1a5: {  	v3 =	vadd.s32 v1, v3  }
0x1a6: {  	[tilespmem:s16], [sflag:$0x1] =	stream.indirect_vreg.gather [hbm4b:s1+s0], $0x80, v4, vm0, $0xb8;
	[tilespmem:$0x1E100] =	vst v63  }
0x1a7: {  	s2 =	simm.s32 $0x900  }
0x1a8: {  	[tilespmem:s2], [sflag:$0x1] =	stream.indirect_vreg.gather [hbm4b:s5+s0], $0x80, v4, vm0, $0xb8;
	[tilespmem:$0x1E100] =	vst v63  }
0x1a9: {  	s6 =	simm.s32 $0x1100  }
0x1aa: {  	[tilespmem:s6], [sflag:$0x1] =	stream.indirect_vreg.gather [hbm4b:s1+s0], $0x80, v3, vm0, $0xb8;
	[tilespmem:$0x1E100] =	vst v63  }
0x1ab: {  	s17 =	simm.s32 $0x1900  }
0x1ac: {  	[tilespmem:s17], [sflag:$0x1] =	stream.indirect_vreg.gather [hbm4b:s5+s0], $0x80, v3, vm0, $0xb8;
	[tilespmem:$0x1E100] =	vst v63  }
0x1ad: {  	v3 =	vld [tilespmem:$0xD0];
	_ =	sdelay $0x4  }
0x1ae: {  	v4 =	vshll.u32 v3, $0x2  }
0x1af: {  	v3 =	vand.u32 $0x7, v3;
	v4 =	vand.u32 $0xFFFFFFE0, v4  }
0x1b0: {  	v3 =	vor.u32 v3, v4  }
0x1b1: {  	v4 =	vperm.xlane v3, v0;
	_ =	sdelay $0x1  }
0x1b2: {  	v4 =	vadd.s32 v1, v4;
	_ =	sdelay $0x1  }
0x1b3: {  	v3 =	vperm.xlane v3, v2;
	_ =	sdelay $0x1  }
0x1b4: {  	s4 =	simm.s32 $0x2100;
	v3 =	vadd.s32 v1, v3  }
0x1b5: {  	[tilespmem:s4], [sflag:$0x1] =	stream.indirect_vreg.gather [hbm4b:s1+s0], $0x80, v4, vm0, $0xb8;
	[tilespmem:$0x1E100] =	vst v63  }
0x1b6: {  	s6 =	simm.s32 $0x2900  }
0x1b7: {  	[tilespmem:s6], [sflag:$0x1] =	stream.indirect_vreg.gather [hbm4b:s5+s0], $0x80, v4, vm0, $0xb8;
	[tilespmem:$0x1E100] =	vst v63  }
0x1b8: {  	s17 =	simm.s32 $0x3100  }
0x1b9: {  	[tilespmem:s17], [sflag:$0x1] =	stream.indirect_vreg.gather [hbm4b:s1+s0], $0x80, v3, vm0, $0xb8;
	[tilespmem:$0x1E100] =	vst v63  }
0x1ba: {  	s4 =	simm.s32 $0x3900  }
0x1bb: {  	[tilespmem:s4], [sflag:$0x1] =	stream.indirect_vreg.gather [hbm4b:s5+s0], $0x80, v3, vm0, $0xb8;
	[tilespmem:$0x1E100] =	vst v63  }
0x1bc: {  	v3 =	vld [tilespmem:$0xE0];
	_ =	sdelay $0x4  }
0x1bd: {  	v4 =	vshll.u32 v3, $0x2  }
0x1be: {  	v3 =	vand.u32 $0x7, v3;
	v4 =	vand.u32 $0xFFFFFFE0, v4  }
0x1bf: {  	v3 =	vor.u32 v3, v4  }
0x1c0: {  	v4 =	vperm.xlane v3, v0;
	_ =	sdelay $0x1  }
0x1c1: {  	v4 =	vadd.s32 v1, v4;
	_ =	sdelay $0x1  }
0x1c2: {  	v3 =	vperm.xlane v3, v2;
	_ =	sdelay $0x1  }
0x1c3: {  	s6 =	simm.s32 $0x4100;
	v3 =	vadd.s32 v1, v3  }
0x1c4: {  	[tilespmem:s6], [sflag:$0x1] =	stream.indirect_vreg.gather [hbm4b:s1+s0], $0x80, v4, vm0, $0xb8;
	[tilespmem:$0x1E100] =	vst v63  }
0x1c5: {  	s17 =	simm.s32 $0x4900  }
0x1c6: {  	[tilespmem:s17], [sflag:$0x1] =	stream.indirect_vreg.gather [hbm4b:s5+s0], $0x80, v4, vm0, $0xb8;
	[tilespmem:$0x1E100] =	vst v63  }
0x1c7: {  	s4 =	simm.s32 $0x5100  }
0x1c8: {  	[tilespmem:s4], [sflag:$0x1] =	stream.indirect_vreg.gather [hbm4b:s1+s0], $0x80, v3, vm0, $0xb8;
	[tilespmem:$0x1E100] =	vst v63  }
0x1c9: {  	s6 =	simm.s32 $0x5900  }
0x1ca: {  	[tilespmem:s6], [sflag:$0x1] =	stream.indirect_vreg.gather [hbm4b:s5+s0], $0x80, v3, vm0, $0xb8;
	[tilespmem:$0x1E100] =	vst v63  }
0x1cb: {  	v3 =	vld [tilespmem:$0xF0];
	_ =	sdelay $0x4  }
0x1cc: {  	v4 =	vshll.u32 v3, $0x2  }
0x1cd: {  	v3 =	vand.u32 $0x7, v3;
	v4 =	vand.u32 $0xFFFFFFE0, v4  }
0x1ce: {  	v3 =	vor.u32 v3, v4  }
0x1cf: {  	v4 =	vperm.xlane v3, v0;
	_ =	sdelay $0x1  }
0x1d0: {  	v4 =	vadd.s32 v1, v4;
	_ =	sdelay $0x1  }
0x1d1: {  	v3 =	vperm.xlane v3, v2;
	_ =	sdelay $0x1  }
0x1d2: {  	s17 =	simm.s32 $0x6100;
	v3 =	vadd.s32 v1, v3  }
0x1d3: {  	[tilespmem:s17], [sflag:$0x1] =	stream.indirect_vreg.gather [hbm4b:s1+s0], $0x80, v4, vm0, $0xb8;
	[tilespmem:$0x1E100] =	vst v63  }
0x1d4: {  	s4 =	simm.s32 $0x6900  }
0x1d5: {  	[tilespmem:s4], [sflag:$0x1] =	stream.indirect_vreg.gather [hbm4b:s5+s0], $0x80, v4, vm0, $0xb8;
	[tilespmem:$0x1E100] =	vst v63  }
0x1d6: {  	s6 =	simm.s32 $0x7100  }
0x1d7: {  	[tilespmem:s6], [sflag:$0x1] =	stream.indirect_vreg.gather [hbm4b:s1+s0], $0x80, v3, vm0, $0xb8;
	[tilespmem:$0x1E100] =	vst v63  }
0x1d8: {  	s17 =	simm.s32 $0x7900  }
0x1d9: {  	[tilespmem:s17], [sflag:$0x1] =	stream.indirect_vreg.gather [hbm4b:s5+s0], $0x80, v3, vm0, $0xb8;
	[tilespmem:$0x1E100] =	vst v63  }
0x1da: {  	s4 =	simm.s32 $0x18100  }
0x1db: {  	[tilespmem:s4], [sflag:$0x4] =	stream.linear.gather [hbm4b:s10+s0], $0x2000, $0x38;
	[tilespmem:$0x1E100] =	vst v63  }
0x1dc: {  	_ =	swait.ge [sflag:s22], $0x8000  }
0x1dd: {  	[sflag:s22] =	ssyncset.done $0x0  }
0x1de: {  	[sflag:s22] =	ssyncadd.s32 $0xFFFF8000  }
0x1df: {  	_ =	swait.ge [sflag:s23], $0x2000  }
0x1e0: {  	s6 =	simm.s32 $0x0;
	[sflag:s23] =	ssyncset.done $0x0  }
0x1e1: {  	s17 =	sand.u32 $0x7000, s0;
	s0 =	sand.u32 $0x380, s0;
	[sflag:s23] =	ssyncadd.s32 $0xFFFFE000  }
0x1e2: {  	s30 =	sor.u32 s0, s17;
	v4 =	vld [tilespmem:s6+$0x1A100]  }
0x1e3: {  	v3 =	vld [tilespmem:s30+$0x8100];
	_ =	sdelay $0x4  }
0x1e4: {  	v17 =	vld [tilespmem:s30+$0x8130];
	v6 =	vadd.f32 v3, v4  }
0x1e5: {  	v3 =	vld [tilespmem:s6+$0x1A140]  }
0x1e6: {  	[tilespmem:s30+$0x8100] =	vst v6;
	v6 =	vld [tilespmem:s30+$0x8110]  }
0x1e7: {  	v7 =	vld [tilespmem:s6+$0x1A110]  }
0x1e8: {  	v5 =	vld [tilespmem:s30+$0x8140]  }
0x1e9: {  	v14 =	vld [tilespmem:s30+$0x8150]  }
0x1ea: {  	v15 =	vld [tilespmem:s30+$0x8160]  }
0x1eb: {  	v19 =	vld [tilespmem:s30+$0x8170]  }
0x1ec: {  	v20 =	vld [tilespmem:s30+$0x8500];
	v6 =	vadd.f32 v6, v7  }
0x1ed: {  	v13 =	vld [tilespmem:s30+$0x8510]  }
0x1ee: {  	[tilespmem:s30+$0x8110] =	vst v6;
	v6 =	vld [tilespmem:s30+$0x8120]  }
0x1ef: {  	v8 =	vld [tilespmem:s6+$0x1A120]  }
0x1f0: {  	v22 =	vld [tilespmem:s30+$0x8520]  }
0x1f1: {  	v21 =	vld [tilespmem:s30+$0x8530]  }
0x1f2: {  	v23 =	vld [tilespmem:s30+$0x8540]  }
0x1f3: {  	v25 =	vld [tilespmem:s30+$0x8550]  }
0x1f4: {  	v26 =	vld [tilespmem:s30+$0x8560];
	v6 =	vadd.f32 v6, v8  }
0x1f5: {  	v30 =	vld [tilespmem:s30+$0x8570]  }
0x1f6: {  	v27 =	vld [tilespmem:s30+$0x8900];
	[tilespmem:s30+$0x8120] =	vst v6;
	v6 =	vmul.f32 v8, v3  }
0x1f7: {  	v31 =	vld [tilespmem:s30+$0x8910]  }
0x1f8: {  	v37 =	vld [tilespmem:s30+$0x8920];
	v4 =	vsub.f32 v6, v4  }
0x1f9: {  	v39 =	vld [tilespmem:s6+$0x1A130]  }
0x1fa: {  	v38 =	vld [tilespmem:s30+$0x8930];
	v6 =	vmul.f32 v4, v3  }
0x1fb: {  	v40 =	vld [tilespmem:s30+$0x8940]  }
0x1fc: {  	v36 =	vld [tilespmem:s30+$0x8950];
	v42 =	vsub.f32 v6, v8  }
0x1fd: {  	v41 =	vld [tilespmem:s30+$0x8960]  }
0x1fe: {  	v34 =	vld [tilespmem:s30+$0x8970];
	v6 =	vmul.f32 v39, v3;
	v8 =	vmul.f32 v42, v3  }
0x1ff: {  	s4 =	simm.s32 $0x200;
	v35 =	vld [tilespmem:s30+$0x8D00];
	s6 =	simm.s32 $0x80;
	v5 =	vadd.f32 v5, v4  }
0x200: {  	s17 =	simm.s32 $0x80;
	s2 =	sand.u32 $0x7000, s4;
	v9 =	vld [tilespmem:s30+$0x8D10];
	s4 =	sand.u32 $0x380, s6;
	v32 =	vsub.f32 v6, v7;
	v43 =	vsub.f32 v8, v4  }
0x201: {  	v44 =	vld [tilespmem:s17+$0x1A100];
	s31 =	sor.u32 s4, s2  }
0x202: {  	[tilespmem:s30+$0x8140] =	vst v5;
	v4 =	vmul.f32 v32, v3;
	v8 =	vld [tilespmem:s31+$0x8100];
	v5 =	vmul.f32 v43, v3  }
0x203: {  	v33 =	vld [tilespmem:s30+$0x8D20]  }
0x204: {  	v10 =	vld [tilespmem:s30+$0x8D30];
	v45 =	vsub.f32 v4, v39;
	v46 =	vsub.f32 v5, v42  }
0x205: {  	v11 =	vld [tilespmem:s30+$0x8D40]  }
0x206: {  	v12 =	vld [tilespmem:s30+$0x8D50];
	v4 =	vmul.f32 v45, v3;
	v16 =	vmul.f32 v46, v3  }
0x207: {  	v47 =	vld [tilespmem:s31+$0x8140];
	v8 =	vadd.f32 v8, v44  }
0x208: {  	v29 =	vld [tilespmem:s31+$0x8110];
	v24 =	vsub.f32 v4, v32;
	v48 =	vsub.f32 v16, v43  }
0x209: {  	v28 =	vld [tilespmem:s31+$0x8510]  }
0x20a: {  	v4 =	vld [tilespmem:s17+$0x1A140];
	[tilespmem:s31+$0x8100] =	vst v8;
	v18 =	vmul.f32 v24, v3;
	v8 =	vmul.f32 v48, v3  }
0x20b: {  	v7 =	vld [tilespmem:s31+$0x8150]  }
0x20c: {  	v50 =	vld [tilespmem:s17+$0x1A110];
	v49 =	vsub.f32 v18, v45;
	v57 =	vsub.f32 v8, v46  }
0x20d: {  	v6 =	vld [tilespmem:s31+$0x8160];
	v39 =	vadd.f32 v17, v39  }
0x20e: {  	v5 =	vld [tilespmem:s31+$0x8130];
	v19 =	vadd.f32 v19, v45;
	v58 =	vmul.f32 v49, v3;
	v59 =	vmul.f32 v57, v3  }
0x20f: {  	[tilespmem:s30+$0x8130] =	vst v39;
	v39 =	vld [tilespmem:s31+$0x8D20];
	v22 =	vadd.f32 v22, v46;
	v21 =	vadd.f32 v21, v49  }
0x210: {  	v16 =	vld [tilespmem:s30+$0x8D60];
	v52 =	vsub.f32 v58, v24;
	v53 =	vsub.f32 v59, v48  }
0x211: {  	v60 =	vadd.f32 v13, v24;
	v13 =	vld [tilespmem:s31+$0x8520];
	[tilespmem:s30+$0x8520] =	vst v22;
	v61 =	vadd.f32 v29, v50  }
0x212: {  	v22 =	vld [tilespmem:s31+$0x8940];
	v26 =	vadd.f32 v26, v57;
	[tilespmem:s30+$0x8530] =	vst v21;
	v62 =	vmul.f32 v52, v3;
	v63 =	vmul.f32 v53, v3  }
0x213: {  	v23 =	vadd.f32 v23, v48;
	[tilespmem:s31+$0x8110] =	vst v61;
	v21 =	vadd.f32 v25, v52;
	v25 =	vld [tilespmem:s31+$0x8120]  }
0x214: {  	[tilespmem:s30+$0x8560] =	vst v26;
	v58 =	vld [tilespmem:s17+$0x1A120];
	v26 =	vsub.f32 v62, v49;
	v57 =	vsub.f32 v63, v57  }
0x215: {  	v18 =	vld [tilespmem:s31+$0x8170];
	[tilespmem:s30+$0x8540] =	vst v23;
	v23 =	vadd.f32 v27, v53  }
0x216: {  	[tilespmem:s30+$0x8170] =	vst v19;
	v8 =	vld [tilespmem:s31+$0x8500];
	v59 =	vadd.f32 v14, v32;
	v14 =	vmul.f32 v26, v3;
	v51 =	vmul.f32 v57, v3  }
0x217: {  	v29 =	vld [tilespmem:s31+$0x8540];
	[tilespmem:s30+$0x8900] =	vst v23;
	v23 =	vadd.f32 v37, v57  }
0x218: {  	[tilespmem:s30+$0x8510] =	vst v60;
	v24 =	vld [tilespmem:s31+$0x8530];
	v19 =	vsub.f32 v14, v52;
	v60 =	vsub.f32 v51, v53  }
0x219: {  	v42 =	vadd.f32 v15, v42;
	v32 =	vld [tilespmem:s31+$0x8560];
	[tilespmem:s30+$0x8550] =	vst v21;
	v61 =	vadd.f32 v25, v58  }
0x21a: {  	v43 =	vadd.f32 v20, v43;
	v27 =	vld [tilespmem:s31+$0x8550];
	[tilespmem:s30+$0x8920] =	vst v23;
	v20 =	vmul.f32 v19, v3;
	v23 =	vmul.f32 v60, v3  }
0x21b: {  	v21 =	vld [tilespmem:s31+$0x8570];
	v54 =	vadd.f32 v30, v26;
	[tilespmem:s31+$0x8120] =	vst v61;
	v17 =	vadd.f32 v31, v19;
	v31 =	vmul.f32 v58, v4  }
0x21c: {  	v62 =	vsub.f32 v20, v26;
	v26 =	vld [tilespmem:s17+$0x1A130];
	v48 =	vsub.f32 v23, v57  }
0x21d: {  	[tilespmem:s30+$0x8160] =	vst v42;
	v30 =	vld [tilespmem:s31+$0x8900];
	v63 =	vsub.f32 v31, v44  }
0x21e: {  	v25 =	vld [tilespmem:s31+$0x8920];
	[tilespmem:s30+$0x8910] =	vst v17;
	v15 =	vmul.f32 v62, v3;
	v17 =	vmul.f32 v48, v3  }
0x21f: {  	[tilespmem:s30+$0x8500] =	vst v43;
	v14 =	vld [tilespmem:s31+$0x8910];
	v20 =	vadd.f32 v40, v60;
	v31 =	vadd.f32 v38, v62;
	v55 =	vmul.f32 v63, v4  }
0x220: {  	[tilespmem:s30+$0x8150] =	vst v59;
	v40 =	vld [tilespmem:s31+$0x8D60];
	v43 =	vsub.f32 v15, v19;
	v44 =	vsub.f32 v17, v60  }
0x221: {  	v23 =	vld [tilespmem:s31+$0x8930];
	v47 =	vadd.f32 v47, v63;
	[tilespmem:s30+$0x8930] =	vst v31;
	v31 =	vsub.f32 v55, v58;
	v58 =	vmul.f32 v26, v4  }
0x222: {  	[tilespmem:s30+$0x8940] =	vst v20;
	v20 =	vld [tilespmem:s31+$0x8950];
	v41 =	vadd.f32 v41, v48;
	v56 =	vmul.f32 v43, v3;
	v57 =	vmul.f32 v44, v3  }
0x223: {  	[tilespmem:s30+$0x8570] =	vst v54;
	v38 =	vld [tilespmem:s31+$0x8D10];
	v36 =	vadd.f32 v36, v43;
	v59 =	vmul.f32 v31, v4;
	v37 =	vsub.f32 v58, v50  }
0x224: {  	v19 =	vld [tilespmem:s31+$0x8960];
	[tilespmem:s31+$0x8140] =	vst v47;
	v46 =	vsub.f32 v56, v62;
	v45 =	vsub.f32 v57, v48  }
0x225: {  	v15 =	vld [tilespmem:s31+$0x8970];
	[tilespmem:s30+$0x8960] =	vst v41;
	v60 =	vadd.f32 v35, v44;
	v35 =	vsub.f32 v59, v63  }
0x226: {  	v17 =	vld [tilespmem:s31+$0x8D00];
	[tilespmem:s30+$0x8950] =	vst v36;
	v61 =	vadd.f32 v34, v46;
	v62 =	vmul.f32 v46, v3;
	v48 =	vmul.f32 v45, v3  }
0x227: {  	s6 =	simm.s32 $0x400;
	v41 =	vld [tilespmem:s31+$0x8D40];
	v49 =	vmul.f32 v37, v4;
	[tilespmem:s30+$0x8D00] =	vst v60;
	v63 =	vmul.f32 v35, v4;
	v33 =	vadd.f32 v33, v45  }
0x228: {  	s0 =	simm.s32 $0x100;
	s4 =	sand.u32 $0x7000, s6;
	v36 =	vld [tilespmem:s31+$0x8D30];
	[tilespmem:s30+$0x8970] =	vst v61;
	v47 =	vsub.f32 v62, v43;
	v48 =	vsub.f32 v48, v44  }
0x229: {  	s6 =	sand.u32 $0x380, s0;
	s2 =	simm.s32 $0x600;
	s17 =	simm.s32 $0x100;
	v34 =	vld [tilespmem:s31+$0x8D50];
	v42 =	vsub.f32 v63, v31;
	v44 =	vsub.f32 v49, v26;
	[tilespmem:s30+$0x8D20] =	vst v33  }
.LBB2_4:
0x22a: {  	p0 =	sne.s32 s2, $0x7E00;
	v43 =	vld [tilespmem:s17+$0x1A100];
	s4 =	sor.u32 s6, s4;
	v49 =	vadd.f32 v9, v47;
	v50 =	vmul.f32 v47, v3;
	v51 =	vmul.f32 v48, v3;
	v9 =	vmovc v38  }
0x22b: {  	v48 =	vadd.f32 v11, v48;
	v33 =	vmovc v39;
	v52 =	vld [tilespmem:s4+$0x8100];
	v53 =	vmul.f32 v44, v4;
	v54 =	vmul.f32 v42, v4  }
0x22c: {  	v39 =	vld [tilespmem:s4+$0x8130];
	[tilespmem:s30+$0x8D10] =	vst v49;
	v46 =	vsub.f32 v50, v46;
	v45 =	vsub.f32 v51, v45;
	v11 =	vmov v41  }
0x22d: {  	v38 =	vld [tilespmem:s4+$0x8140];
	v41 =	vsub.f32 v53, v37;
	v49 =	vsub.f32 v54, v35;
	[tilespmem:s30+$0x8D40] =	vst v48  }
0x22e: {  	v48 =	vld [tilespmem:s4+$0x8150];
	v50 =	vadd.f32 v10, v46;
	v51 =	vmul.f32 v46, v3;
	v45 =	vadd.f32 v16, v45;
	v10 =	vmovc v36  }
0x22f: {  	v16 =	vmovc v40;
	v53 =	vld [tilespmem:s4+$0x8160];
	v28 =	vadd.f32 v28, v41;
	v36 =	vmul.f32 v41, v4;
	v54 =	vmul.f32 v49, v4  }
0x230: {  	v40 =	vld [tilespmem:s17+$0x1A140];
	v52 =	vadd.f32 v52, v43;
	[tilespmem:s30+$0x8D30] =	vst v50;
	v47 =	vsub.f32 v51, v47  }
0x231: {  	v50 =	vsub.f32 v36, v44;
	v51 =	vsub.f32 v54, v42;
	[tilespmem:s30+$0x8D60] =	vst v45;
	v45 =	vld [tilespmem:s30+$0x8D70]  }
0x232: {  	v29 =	vadd.f32 v29, v49;
	[tilespmem:s4+$0x8100] =	vst v52;
	v52 =	vld [tilespmem:s4+$0x8110];
	v56 =	vadd.f32 v12, v47;
	v55 =	vmul.f32 v47, v3  }
0x233: {  	v36 =	vld [tilespmem:s17+$0x1A110];
	[tilespmem:s31+$0x8510] =	vst v28;
	v24 =	vadd.f32 v24, v50;
	v28 =	vmul.f32 v50, v4;
	v47 =	vmul.f32 v51, v4  }
0x234: {  	v3 =	vmovc v4;
	v12 =	vmov v34;
	v32 =	vadd.f32 v32, v51;
	v54 =	vld [tilespmem:s4+$0x8170];
	[tilespmem:s30+$0x8D50] =	vst v56;
	v46 =	vsub.f32 v55, v46  }
0x235: {  	v34 =	vld [tilespmem:s4+$0x8500];
	[tilespmem:s31+$0x8530] =	vst v24;
	v41 =	vsub.f32 v28, v41;
	v47 =	vsub.f32 v47, v49;
	v4 =	vmov v40  }
0x236: {  	v40 =	vadd.f32 v18, v44;
	v28 =	vld [tilespmem:s4+$0x8510];
	[tilespmem:s31+$0x8560] =	vst v32;
	v49 =	vadd.f32 v45, v46  }
0x237: {  	v32 =	vld [tilespmem:s4+$0x8520];
	[tilespmem:s31+$0x8540] =	vst v29;
	v27 =	vadd.f32 v27, v41;
	v44 =	vmul.f32 v41, v3;
	v45 =	vmul.f32 v47, v3  }
0x238: {  	v30 =	vadd.f32 v30, v47;
	v46 =	vadd.f32 v52, v36;
	v24 =	vld [tilespmem:s4+$0x8530];
	[tilespmem:s30+$0x8D70] =	vst v49;
	s30 =	smov.u32 s31;
	s31 =	smov.u32 s4  }
0x239: {  	v29 =	vld [tilespmem:s31+$0x8540];
	[tilespmem:s30+$0x8550] =	vst v27;
	v44 =	vsub.f32 v44, v50;
	v45 =	vsub.f32 v45, v51;
	v18 =	vmov v54  }
0x23a: {  	v37 =	vadd.f32 v7, v37;
	v42 =	vadd.f32 v13, v42;
	v7 =	vmov v48;
	[tilespmem:s31+$0x8110] =	vst v46;
	v46 =	vld [tilespmem:s31+$0x8120]  }
0x23b: {  	v48 =	vld [tilespmem:s17+$0x1A120];
	v21 =	vadd.f32 v21, v44;
	[tilespmem:s30+$0x8900] =	vst v30;
	v30 =	vmul.f32 v44, v3;
	v49 =	vmul.f32 v45, v3  }
0x23c: {  	v35 =	vadd.f32 v8, v35;
	v8 =	vmovc v34;
	v25 =	vadd.f32 v25, v45;
	v27 =	vld [tilespmem:s31+$0x8550];
	[tilespmem:s30+$0x8170] =	vst v40;
	v13 =	vmov v32  }
0x23d: {  	v32 =	vld [tilespmem:s31+$0x8560];
	[tilespmem:s30+$0x8570] =	vst v21;
	v34 =	vsub.f32 v30, v41;
	v40 =	vsub.f32 v49, v47  }
0x23e: {  	v41 =	vadd.f32 v5, v26;
	v47 =	vadd.f32 v6, v31;
	v5 =	vmovc v39;
	v6 =	vmov v53;
	v21 =	vld [tilespmem:s31+$0x8570];
	[tilespmem:s30+$0x8920] =	vst v25  }
0x23f: {  	v30 =	vld [tilespmem:s31+$0x8900];
	[tilespmem:s30+$0x8520] =	vst v42;
	v26 =	vadd.f32 v14, v34;
	v31 =	vmul.f32 v34, v3;
	v39 =	vmul.f32 v40, v3  }
0x240: {  	v22 =	vadd.f32 v22, v40;
	v42 =	vadd.f32 v46, v48;
	v46 =	vmul.f32 v48, v4;
	v14 =	vld [tilespmem:s31+$0x8910];
	[tilespmem:s30+$0x8150] =	vst v37  }
0x241: {  	v25 =	vld [tilespmem:s31+$0x8920];
	[tilespmem:s30+$0x8910] =	vst v26;
	v37 =	vsub.f32 v31, v44;
	v39 =	vsub.f32 v39, v45  }
0x242: {  	[tilespmem:s31+$0x8120] =	vst v42;
	v42 =	vsub.f32 v46, v43;
	v43 =	vld [tilespmem:s31+$0x8930]  }
0x243: {  	v26 =	vld [tilespmem:s17+$0x1A130];
	v23 =	vadd.f32 v23, v37;
	[tilespmem:s30+$0x8940] =	vst v22;
	v31 =	vmul.f32 v37, v3;
	v44 =	vmul.f32 v39, v3  }
0x244: {  	v49 =	vadd.f32 v38, v42;
	v38 =	vmul.f32 v42, v4;
	v22 =	vld [tilespmem:s31+$0x8940];
	[tilespmem:s30+$0x8500] =	vst v35;
	v35 =	vadd.f32 v19, v39  }
0x245: {  	v50 =	vld [tilespmem:s31+$0x8950];
	[tilespmem:s30+$0x8930] =	vst v23;
	v51 =	vsub.f32 v31, v34;
	v40 =	vsub.f32 v44, v40  }
0x246: {  	v31 =	vsub.f32 v38, v48;
	v19 =	vld [tilespmem:s31+$0x8960];
	[tilespmem:s30+$0x8960] =	vst v35  }
0x247: {  	v34 =	vld [tilespmem:s31+$0x8970];
	[tilespmem:s30+$0x8130] =	vst v41;
	v52 =	vadd.f32 v20, v51;
	v48 =	vmul.f32 v51, v3;
	v35 =	vmul.f32 v40, v3  }
0x248: {  	v41 =	vmul.f32 v26, v4;
	v44 =	vmul.f32 v31, v4;
	[tilespmem:s30+$0x8160] =	vst v47;
	v47 =	vadd.f32 v17, v40;
	v17 =	vld [tilespmem:s31+$0x8D00]  }
0x249: {  	v23 =	vmov v43;
	v38 =	vld [tilespmem:s31+$0x8D10];
	[tilespmem:s30+$0x8950] =	vst v52;
	v46 =	vsub.f32 v48, v37;
	v45 =	vsub.f32 v35, v39  }
.Ltmp1:
0x24a: {  	v37 =	vsub.f32 v41, v36;
	v35 =	vsub.f32 v44, v42;
	v39 =	vld [tilespmem:s31+$0x8D20];
	[tilespmem:s30+$0x8D00] =	vst v47;
	v20 =	vmov v50;
	(pc) =	sbr.rel @p0 .LBB2_4-.Ltmp1, $4  }
0x24b: {  	[tilespmem:s31+$0x8140] =	vst v49;
	v36 =	vld [tilespmem:s31+$0x8D30];
	v42 =	vadd.f32 v15, v46;
	v43 =	vmul.f32 v46, v3;
	v44 =	vmul.f32 v45, v3  }
0x24c: {  	v33 =	vadd.f32 v33, v45;
	v49 =	vmul.f32 v37, v4;
	v50 =	vmul.f32 v35, v4;
	v41 =	vld [tilespmem:s31+$0x8D40];
	v15 =	vmovc v34  }
0x24d: {  	s0 =	sadd.s32 $0x80, s0;
	s17 =	sshra.s32 s2, $0x2;
	v34 =	vld [tilespmem:s31+$0x8D50];
	[tilespmem:s30+$0x8970] =	vst v42;
	v47 =	vsub.f32 v43, v51;
	v48 =	vsub.f32 v44, v40  }
0x24e: {  	s6 =	sand.u32 $0x380, s0;
	s4 =	sand.u32 $0x7000, s2;
	s2 =	sadd.s32 $0x200, s2;
	v44 =	vsub.f32 v49, v26;
	v42 =	vsub.f32 v50, v31;
	v40 =	vld [tilespmem:s31+$0x8D60];
	[tilespmem:s30+$0x8D20] =	vst v33  }
0x24f: {  	v43 =	vld [tilespmem:s17+$0x1A100];
	s0 =	sor.u32 s6, s4  }
0x250: {  	v33 =	vld [tilespmem:s0+$0x8100];
	_ =	sdelay $0x4  }
0x251: {  	v49 =	vadd.f32 v33, v43  }
0x252: {  	v60 =	vld [tilespmem:s0+$0x8110]  }
0x253: {  	v33 =	vld [tilespmem:s17+$0x1A140];
	[tilespmem:s0+$0x8100] =	vst v49  }
0x254: {  	v50 =	vld [tilespmem:s17+$0x1A110];
	_ =	sdelay $0x3  }
0x255: {  	v51 =	vmul.f32 v44, v4  }
0x256: {  	v52 =	vmul.f32 v42, v4;
	v49 =	vadd.f32 v60, v50  }
0x257: {  	v51 =	vsub.f32 v51, v37  }
0x258: {  	v53 =	vmul.f32 v47, v3;
	v54 =	vmul.f32 v48, v3;
	v61 =	vld [tilespmem:s0+$0x8120];
	v52 =	vsub.f32 v52, v35;
	[tilespmem:s0+$0x8110] =	vst v49  }
0x259: {  	v11 =	vadd.f32 v11, v48;
	v57 =	vadd.f32 v9, v47;
	v55 =	vmul.f32 v51, v4;
	v56 =	vld [tilespmem:s17+$0x1A120]  }
0x25a: {  	v8 =	vadd.f32 v8, v35;
	v46 =	vsub.f32 v53, v46;
	v62 =	vmul.f32 v52, v4  }
0x25b: {  	v45 =	vsub.f32 v54, v45;
	v54 =	vsub.f32 v55, v44  }
0x25c: {  	v6 =	vadd.f32 v6, v31;
	v53 =	vsub.f32 v62, v42  }
0x25d: {  	[tilespmem:s30+$0x8D40] =	vst v11;
	v11 =	vadd.f32 v18, v44;
	v63 =	vmul.f32 v46, v3;
	v9 =	vmul.f32 v54, v4  }
0x25e: {  	v16 =	vadd.f32 v16, v45;
	v59 =	vmul.f32 v53, v4;
	v60 =	vadd.f32 v61, v56  }
0x25f: {  	v10 =	vadd.f32 v10, v46;
	v61 =	vsub.f32 v9, v51  }
0x260: {  	v58 =	vsub.f32 v63, v47;
	v47 =	vsub.f32 v59, v52;
	[tilespmem:s0+$0x8120] =	vst v60  }
0x261: {  	[tilespmem:s31+$0x8170] =	vst v11;
	v11 =	vadd.f32 v5, v26;
	v28 =	vadd.f32 v28, v51;
	v62 =	vmul.f32 v61, v4;
	v9 =	vld [tilespmem:s17+$0x1A130]  }
0x262: {  	v29 =	vadd.f32 v29, v52;
	v12 =	vadd.f32 v12, v58;
	v63 =	vmul.f32 v47, v4  }
0x263: {  	v24 =	vadd.f32 v24, v54;
	v18 =	vsub.f32 v62, v54  }
0x264: {  	[tilespmem:s30+$0x8D30] =	vst v10;
	v32 =	vadd.f32 v32, v53;
	v10 =	vmul.f32 v56, v33;
	v54 =	vsub.f32 v63, v53  }
0x265: {  	[tilespmem:s30+$0x8D60] =	vst v16;
	v16 =	vadd.f32 v30, v47;
	v30 =	vadd.f32 v7, v37;
	v7 =	vmul.f32 v18, v4  }
0x266: {  	[tilespmem:s31+$0x8510] =	vst v28;
	v43 =	vsub.f32 v10, v43;
	v28 =	vmul.f32 v54, v4;
	v10 =	vmul.f32 v9, v33  }
0x267: {  	v3 =	vmul.f32 v58, v3;
	[tilespmem:s30+$0x8D50] =	vst v12;
	v12 =	vadd.f32 v13, v42;
	v13 =	vsub.f32 v7, v61  }
0x268: {  	v55 =	vld [tilespmem:s30+$0x8D70];
	[tilespmem:s31+$0x8530] =	vst v24;
	v24 =	vsub.f32 v28, v47;
	v7 =	vmul.f32 v43, v33;
	v10 =	vsub.f32 v10, v50  }
0x269: {  	[tilespmem:s30+$0x8D10] =	vst v57;
	v3 =	vsub.f32 v3, v46;
	v27 =	vadd.f32 v27, v61;
	v28 =	vmul.f32 v13, v4  }
0x26a: {  	[tilespmem:s31+$0x8540] =	vst v29;
	v29 =	vmul.f32 v24, v4;
	v7 =	vsub.f32 v7, v56;
	v56 =	vmul.f32 v10, v33  }
0x26b: {  	[tilespmem:s31+$0x8900] =	vst v16;
	v21 =	vadd.f32 v21, v18;
	v18 =	vsub.f32 v28, v18  }
0x26c: {  	[tilespmem:s31+$0x8550] =	vst v27;
	v16 =	vsub.f32 v29, v54;
	v27 =	vmul.f32 v7, v33;
	v28 =	vsub.f32 v56, v9  }
0x26d: {  	[tilespmem:s31+$0x8500] =	vst v8;
	v3 =	vadd.f32 v55, v3;
	v25 =	vadd.f32 v25, v54;
	v26 =	vmul.f32 v18, v4  }
0x26e: {  	[tilespmem:s31+$0x8570] =	vst v21;
	v21 =	vmul.f32 v16, v4;
	v5 =	vsub.f32 v27, v43;
	v27 =	vmul.f32 v28, v33  }
0x26f: {  	[tilespmem:s31+$0x8520] =	vst v12;
	v14 =	vadd.f32 v14, v13;
	v13 =	vsub.f32 v26, v13  }
0x270: {  	[tilespmem:s31+$0x8920] =	vst v25;
	v12 =	vsub.f32 v21, v24;
	v21 =	vmul.f32 v5, v33;
	v25 =	vsub.f32 v27, v10  }
0x271: {  	[tilespmem:s31+$0x8160] =	vst v6;
	v22 =	vadd.f32 v22, v24;
	v23 =	vadd.f32 v23, v18;
	v24 =	vmul.f32 v13, v4  }
0x272: {  	[tilespmem:s31+$0x8910] =	vst v14;
	v14 =	vmul.f32 v12, v4;
	v21 =	vsub.f32 v21, v7;
	v26 =	vmul.f32 v25, v33  }
0x273: {  	[tilespmem:s31+$0x8130] =	vst v11;
	v19 =	vadd.f32 v19, v16;
	v18 =	vsub.f32 v24, v18  }
0x274: {  	[tilespmem:s31+$0x8940] =	vst v22;
	v8 =	vsub.f32 v14, v16;
	v14 =	vmul.f32 v21, v33;
	v16 =	vsub.f32 v26, v28  }
0x275: {  	[tilespmem:s31+$0x8930] =	vst v23;
	v20 =	vadd.f32 v20, v13;
	v17 =	vadd.f32 v17, v12;
	v22 =	vmul.f32 v18, v4  }
0x276: {  	[tilespmem:s31+$0x8960] =	vst v19;
	v19 =	vmul.f32 v8, v4;
	v14 =	vsub.f32 v14, v5;
	v23 =	vmul.f32 v16, v33  }
0x277: {  	[tilespmem:s31+$0x8560] =	vst v32;
	v11 =	vadd.f32 v15, v18;
	v13 =	vsub.f32 v22, v13  }
0x278: {  	[tilespmem:s30+$0x8D70] =	vst v3;
	v6 =	vsub.f32 v19, v12;
	v12 =	vmul.f32 v14, v33;
	v15 =	vsub.f32 v23, v25  }
0x279: {  	[tilespmem:s31+$0x8950] =	vst v20;
	v19 =	vadd.f32 v39, v8;
	v20 =	vadd.f32 v38, v13;
	v22 =	vmul.f32 v13, v4  }
0x27a: {  	[tilespmem:s31+$0x8D00] =	vst v17;
	v17 =	vmul.f32 v6, v4;
	v12 =	vsub.f32 v12, v21;
	v23 =	vmul.f32 v15, v33  }
0x27b: {  	v24 =	vld [tilespmem:s0+$0x8140];
	[tilespmem:s31+$0x8970] =	vst v11;
	v6 =	vadd.f32 v41, v6;
	v11 =	vsub.f32 v22, v18  }
0x27c: {  	[tilespmem:s31+$0x8D20] =	vst v19;
	v18 =	vld [tilespmem:s0+$0x8510];
	v8 =	vsub.f32 v17, v8;
	v17 =	vmul.f32 v12, v33;
	v19 =	vsub.f32 v23, v16  }
0x27d: {  	v26 =	vld [tilespmem:s0+$0x8560];
	[tilespmem:s31+$0x8D10] =	vst v20;
	v20 =	vadd.f32 v36, v11;
	v23 =	vmul.f32 v11, v4  }
0x27e: {  	v22 =	vld [tilespmem:s0+$0x8530];
	[tilespmem:s31+$0x8D40] =	vst v6;
	v6 =	vadd.f32 v40, v8;
	v8 =	vsub.f32 v17, v14;
	v17 =	vmul.f32 v19, v33  }
0x27f: {  	[tilespmem:s31+$0x8D30] =	vst v20;
	v13 =	vsub.f32 v23, v13  }
0x280: {  	v20 =	vld [tilespmem:s0+$0x8540];
	v23 =	vadd.f32 v24, v43;
	[tilespmem:s31+$0x8D60] =	vst v6;
	v6 =	vmul.f32 v8, v33;
	v17 =	vsub.f32 v17, v15  }
0x281: {  	[tilespmem:s31+$0x8150] =	vst v30;
	v3 =	vadd.f32 v18, v25;
	v18 =	vld [tilespmem:s31+$0x8D70];
	v24 =	vadd.f32 v34, v13  }
0x282: {  	v25 =	vld [tilespmem:s0+$0x8550];
	[tilespmem:s0+$0x8140] =	vst v23;
	v4 =	vmul.f32 v13, v4;
	v6 =	vsub.f32 v6, v12;
	v13 =	vmul.f32 v17, v33  }
0x283: {  	v23 =	vld [tilespmem:s0+$0x8900];
	v12 =	vadd.f32 v26, v12;
	[tilespmem:s0+$0x8510] =	vst v3;
	v3 =	vadd.f32 v22, v16  }
0x284: {  	v16 =	vld [tilespmem:s0+$0x8170];
	[tilespmem:s31+$0x8D50] =	vst v24;
	v4 =	vsub.f32 v4, v11;
	v11 =	vmul.f32 v6, v33;
	v13 =	vsub.f32 v13, v19  }
0x285: {  	v22 =	vld [tilespmem:s0+$0x8570];
	[tilespmem:s0+$0x8560] =	vst v12;
	v14 =	vadd.f32 v20, v14  }
0x286: {  	[tilespmem:s0+$0x8530] =	vst v3;
	v3 =	vld [tilespmem:s0+$0x8920];
	v4 =	vadd.f32 v18, v4;
	v11 =	vsub.f32 v11, v8;
	v12 =	vmul.f32 v13, v33  }
0x287: {  	v18 =	vld [tilespmem:s0+$0x8520];
	[tilespmem:s0+$0x8540] =	vst v14;
	v14 =	vadd.f32 v25, v15  }
0x288: {  	v15 =	vld [tilespmem:s0+$0x8150];
	v8 =	vadd.f32 v23, v8;
	[tilespmem:s31+$0x8D70] =	vst v4;
	v4 =	vmul.f32 v11, v33;
	v12 =	vsub.f32 v12, v17  }
0x289: {  	v20 =	vld [tilespmem:s0+$0x8910];
	v16 =	vadd.f32 v16, v28;
	[tilespmem:s0+$0x8550] =	vst v14  }
0x28a: {  	v19 =	vadd.f32 v22, v19;
	v22 =	vld [tilespmem:s0+$0x8500];
	[tilespmem:s0+$0x8900] =	vst v8;
	v4 =	vsub.f32 v4, v6;
	v8 =	vmul.f32 v12, v33  }
0x28b: {  	v14 =	vld [tilespmem:s0+$0x8940];
	[tilespmem:s0+$0x8170] =	vst v16;
	v3 =	vadd.f32 v3, v6  }
0x28c: {  	v6 =	vld [tilespmem:s0+$0x8930];
	[tilespmem:s0+$0x8570] =	vst v19;
	v16 =	vadd.f32 v18, v21;
	v18 =	vmul.f32 v4, v33;
	v8 =	vsub.f32 v8, v13  }
0x28d: {  	v19 =	vld [tilespmem:s0+$0x8960];
	v10 =	vadd.f32 v15, v10;
	[tilespmem:s0+$0x8920] =	vst v3  }
0x28e: {  	v3 =	vld [tilespmem:s0+$0x8130];
	v15 =	vadd.f32 v20, v17;
	[tilespmem:s0+$0x8520] =	vst v16;
	v16 =	vsub.f32 v18, v11;
	v17 =	vmul.f32 v8, v33  }
0x28f: {  	v5 =	vadd.f32 v22, v5;
	v18 =	vld [tilespmem:s0+$0x8160];
	[tilespmem:s0+$0x8150] =	vst v10  }
0x290: {  	v10 =	vadd.f32 v14, v11;
	v11 =	vld [tilespmem:s0+$0x8950];
	[tilespmem:s0+$0x8910] =	vst v15;
	v14 =	vmul.f32 v16, v33;
	v15 =	vsub.f32 v17, v12  }
0x291: {  	v6 =	vadd.f32 v6, v13;
	[tilespmem:s0+$0x8500] =	vst v5;
	v17 =	vld [tilespmem:s0+$0x8D00]  }
0x292: {  	v5 =	vadd.f32 v19, v4;
	[tilespmem:s0+$0x8940] =	vst v10;
	v10 =	vld [tilespmem:s0+$0x8970];
	v4 =	vsub.f32 v14, v4;
	v13 =	vmul.f32 v15, v33  }
0x293: {  	v3 =	vadd.f32 v3, v9;
	[tilespmem:s0+$0x8930] =	vst v6;
	v14 =	vld [tilespmem:s0+$0x8D20]  }
0x294: {  	v6 =	vld [tilespmem:s0+$0x8D10];
	[tilespmem:s0+$0x8960] =	vst v5;
	v7 =	vadd.f32 v18, v7;
	v5 =	vmul.f32 v4, v33;
	v9 =	vsub.f32 v13, v8  }
0x295: {  	[tilespmem:s0+$0x8130] =	vst v3;
	v3 =	vadd.f32 v11, v12;
	v13 =	vld [tilespmem:s0+$0x8D40]  }
0x296: {  	v11 =	vld [tilespmem:s0+$0x8D30];
	[tilespmem:s0+$0x8160] =	vst v7;
	v5 =	vsub.f32 v5, v16;
	v7 =	vadd.f32 v17, v16;
	v12 =	vmul.f32 v9, v33  }
0x297: {  	[tilespmem:s0+$0x8950] =	vst v3;
	v3 =	vadd.f32 v10, v8;
	v16 =	vld [tilespmem:s0+$0x8D60]  }
0x298: {  	v8 =	vld [tilespmem:s0+$0x8D50];
	v10 =	vmul.f32 v5, v33;
	[tilespmem:s0+$0x8D00] =	vst v7;
	v7 =	vadd.f32 v14, v4;
	v12 =	vsub.f32 v12, v15  }
0x299: {  	[tilespmem:s0+$0x8970] =	vst v3;
	v3 =	vadd.f32 v6, v15;
	v6 =	vld [tilespmem:s0+$0x8D70]  }
0x29a: {  	v4 =	vsub.f32 v10, v4;
	[tilespmem:s0+$0x8D20] =	vst v7;
	v5 =	vadd.f32 v13, v5;
	v7 =	vmul.f32 v12, v33  }
0x29b: {  	[tilespmem:s0+$0x8D10] =	vst v3;
	v3 =	vadd.f32 v11, v9  }
0x29c: {  	v4 =	vadd.f32 v16, v4;
	[tilespmem:s0+$0x8D40] =	vst v5;
	v5 =	vsub.f32 v7, v9  }
0x29d: {  	[tilespmem:s0+$0x8D30] =	vst v3;
	v3 =	vadd.f32 v8, v12  }
0x29e: {  	[tilespmem:s0+$0x8D60] =	vst v4;
	v4 =	vadd.f32 v6, v5  }
0x29f: {  	[tilespmem:s0+$0x8D50] =	vst v3  }
0x2a0: {  	s4 =	simm.s32 $0x0;
	s2 =	simm.s32 $0x8100;
	[tilespmem:s0+$0x8D70] =	vst v4  }
0x2a1: {  	[hbm4b:s11+s4] =	stream.linear.scatter [tilespmem:s2], [sflag:$0x8], $0x8000, $0x38;
	[tilespmem:$0x1E100] =	vst v63  }
0x2a2: {  	_ =	swait.ge [sflag:s24], $0x8000  }
0x2a3: {  	[sflag:s24] =	ssyncset.done $0x0  }
0x2a4: {  	[sflag:s24] =	ssyncadd.s32 $0xFFFF8000  }
0x2a5: {  	_ =	swait.ge [sflag:s25], $0x2000  }
0x2a6: {  	s6 =	simm.s32 $0x0;
	[sflag:s25] =	ssyncset.done $0x0  }
0x2a7: {  	s17 =	sand.u32 $0x7000, s4;
	s0 =	sand.u32 $0x380, s4;
	[sflag:s25] =	ssyncadd.s32 $0xFFFFE000  }
0x2a8: {  	s30 =	sor.u32 s0, s17;
	v4 =	vld [tilespmem:s6+$0x1C100]  }
0x2a9: {  	v3 =	vld [tilespmem:s30+$0x10100];
	_ =	sdelay $0x4  }
0x2aa: {  	v17 =	vld [tilespmem:s30+$0x10130];
	v6 =	vadd.f32 v3, v4  }
0x2ab: {  	v3 =	vld [tilespmem:s6+$0x1C140]  }
0x2ac: {  	[tilespmem:s30+$0x10100] =	vst v6;
	v6 =	vld [tilespmem:s30+$0x10110]  }
0x2ad: {  	v7 =	vld [tilespmem:s6+$0x1C110]  }
0x2ae: {  	v5 =	vld [tilespmem:s30+$0x10140]  }
0x2af: {  	v14 =	vld [tilespmem:s30+$0x10150]  }
0x2b0: {  	v15 =	vld [tilespmem:s30+$0x10160]  }
0x2b1: {  	v19 =	vld [tilespmem:s30+$0x10170]  }
0x2b2: {  	v20 =	vld [tilespmem:s30+$0x10500];
	v6 =	vadd.f32 v6, v7  }
0x2b3: {  	v13 =	vld [tilespmem:s30+$0x10510]  }
0x2b4: {  	[tilespmem:s30+$0x10110] =	vst v6;
	v6 =	vld [tilespmem:s30+$0x10120]  }
0x2b5: {  	v8 =	vld [tilespmem:s6+$0x1C120]  }
0x2b6: {  	v22 =	vld [tilespmem:s30+$0x10520]  }
0x2b7: {  	v21 =	vld [tilespmem:s30+$0x10530]  }
0x2b8: {  	v23 =	vld [tilespmem:s30+$0x10540]  }
0x2b9: {  	v25 =	vld [tilespmem:s30+$0x10550]  }
0x2ba: {  	v26 =	vld [tilespmem:s30+$0x10560];
	v6 =	vadd.f32 v6, v8  }
0x2bb: {  	v30 =	vld [tilespmem:s30+$0x10570]  }
0x2bc: {  	v27 =	vld [tilespmem:s30+$0x10900];
	[tilespmem:s30+$0x10120] =	vst v6;
	v6 =	vmul.f32 v8, v3  }
0x2bd: {  	v31 =	vld [tilespmem:s30+$0x10910]  }
0x2be: {  	v37 =	vld [tilespmem:s30+$0x10920];
	v4 =	vsub.f32 v6, v4  }
0x2bf: {  	v39 =	vld [tilespmem:s6+$0x1C130]  }
0x2c0: {  	v38 =	vld [tilespmem:s30+$0x10930];
	v6 =	vmul.f32 v4, v3  }
0x2c1: {  	v40 =	vld [tilespmem:s30+$0x10940]  }
0x2c2: {  	v36 =	vld [tilespmem:s30+$0x10950];
	v42 =	vsub.f32 v6, v8  }
0x2c3: {  	v41 =	vld [tilespmem:s30+$0x10960]  }
0x2c4: {  	v34 =	vld [tilespmem:s30+$0x10970];
	v6 =	vmul.f32 v39, v3;
	v8 =	vmul.f32 v42, v3  }
0x2c5: {  	s4 =	simm.s32 $0x200;
	v35 =	vld [tilespmem:s30+$0x10D00];
	s6 =	simm.s32 $0x80;
	v5 =	vadd.f32 v5, v4  }
0x2c6: {  	s17 =	simm.s32 $0x80;
	s2 =	sand.u32 $0x7000, s4;
	v9 =	vld [tilespmem:s30+$0x10D10];
	s4 =	sand.u32 $0x380, s6;
	v32 =	vsub.f32 v6, v7;
	v43 =	vsub.f32 v8, v4  }
0x2c7: {  	v44 =	vld [tilespmem:s17+$0x1C100];
	s31 =	sor.u32 s4, s2  }
0x2c8: {  	[tilespmem:s30+$0x10140] =	vst v5;
	v4 =	vmul.f32 v32, v3;
	v8 =	vld [tilespmem:s31+$0x10100];
	v5 =	vmul.f32 v43, v3  }
0x2c9: {  	v33 =	vld [tilespmem:s30+$0x10D20]  }
0x2ca: {  	v10 =	vld [tilespmem:s30+$0x10D30];
	v45 =	vsub.f32 v4, v39;
	v46 =	vsub.f32 v5, v42  }
0x2cb: {  	v11 =	vld [tilespmem:s30+$0x10D40]  }
0x2cc: {  	v12 =	vld [tilespmem:s30+$0x10D50];
	v4 =	vmul.f32 v45, v3;
	v16 =	vmul.f32 v46, v3  }
0x2cd: {  	v47 =	vld [tilespmem:s31+$0x10140];
	v8 =	vadd.f32 v8, v44  }
0x2ce: {  	v29 =	vld [tilespmem:s31+$0x10110];
	v24 =	vsub.f32 v4, v32;
	v48 =	vsub.f32 v16, v43  }
0x2cf: {  	v28 =	vld [tilespmem:s31+$0x10510]  }
0x2d0: {  	v4 =	vld [tilespmem:s17+$0x1C140];
	[tilespmem:s31+$0x10100] =	vst v8;
	v18 =	vmul.f32 v24, v3;
	v8 =	vmul.f32 v48, v3  }
0x2d1: {  	v7 =	vld [tilespmem:s31+$0x10150]  }
0x2d2: {  	v50 =	vld [tilespmem:s17+$0x1C110];
	v49 =	vsub.f32 v18, v45;
	v57 =	vsub.f32 v8, v46  }
0x2d3: {  	v6 =	vld [tilespmem:s31+$0x10160];
	v39 =	vadd.f32 v17, v39  }
0x2d4: {  	v5 =	vld [tilespmem:s31+$0x10130];
	v19 =	vadd.f32 v19, v45;
	v58 =	vmul.f32 v49, v3;
	v59 =	vmul.f32 v57, v3  }
0x2d5: {  	[tilespmem:s30+$0x10130] =	vst v39;
	v39 =	vld [tilespmem:s31+$0x10D20];
	v22 =	vadd.f32 v22, v46;
	v21 =	vadd.f32 v21, v49  }
0x2d6: {  	v16 =	vld [tilespmem:s30+$0x10D60];
	v52 =	vsub.f32 v58, v24;
	v53 =	vsub.f32 v59, v48  }
0x2d7: {  	v60 =	vadd.f32 v13, v24;
	v13 =	vld [tilespmem:s31+$0x10520];
	[tilespmem:s30+$0x10520] =	vst v22;
	v61 =	vadd.f32 v29, v50  }
0x2d8: {  	v22 =	vld [tilespmem:s31+$0x10940];
	v26 =	vadd.f32 v26, v57;
	[tilespmem:s30+$0x10530] =	vst v21;
	v62 =	vmul.f32 v52, v3;
	v63 =	vmul.f32 v53, v3  }
0x2d9: {  	v23 =	vadd.f32 v23, v48;
	[tilespmem:s31+$0x10110] =	vst v61;
	v21 =	vadd.f32 v25, v52;
	v25 =	vld [tilespmem:s31+$0x10120]  }
0x2da: {  	[tilespmem:s30+$0x10560] =	vst v26;
	v58 =	vld [tilespmem:s17+$0x1C120];
	v26 =	vsub.f32 v62, v49;
	v57 =	vsub.f32 v63, v57  }
0x2db: {  	v18 =	vld [tilespmem:s31+$0x10170];
	[tilespmem:s30+$0x10540] =	vst v23;
	v23 =	vadd.f32 v27, v53  }
0x2dc: {  	[tilespmem:s30+$0x10170] =	vst v19;
	v8 =	vld [tilespmem:s31+$0x10500];
	v59 =	vadd.f32 v14, v32;
	v14 =	vmul.f32 v26, v3;
	v51 =	vmul.f32 v57, v3  }
0x2dd: {  	v29 =	vld [tilespmem:s31+$0x10540];
	[tilespmem:s30+$0x10900] =	vst v23;
	v23 =	vadd.f32 v37, v57  }
0x2de: {  	[tilespmem:s30+$0x10510] =	vst v60;
	v24 =	vld [tilespmem:s31+$0x10530];
	v19 =	vsub.f32 v14, v52;
	v60 =	vsub.f32 v51, v53  }
0x2df: {  	v42 =	vadd.f32 v15, v42;
	v32 =	vld [tilespmem:s31+$0x10560];
	[tilespmem:s30+$0x10550] =	vst v21;
	v61 =	vadd.f32 v25, v58  }
0x2e0: {  	v43 =	vadd.f32 v20, v43;
	v27 =	vld [tilespmem:s31+$0x10550];
	[tilespmem:s30+$0x10920] =	vst v23;
	v20 =	vmul.f32 v19, v3;
	v23 =	vmul.f32 v60, v3  }
0x2e1: {  	v21 =	vld [tilespmem:s31+$0x10570];
	v54 =	vadd.f32 v30, v26;
	[tilespmem:s31+$0x10120] =	vst v61;
	v17 =	vadd.f32 v31, v19;
	v31 =	vmul.f32 v58, v4  }
0x2e2: {  	v62 =	vsub.f32 v20, v26;
	v26 =	vld [tilespmem:s17+$0x1C130];
	v48 =	vsub.f32 v23, v57  }
0x2e3: {  	[tilespmem:s30+$0x10160] =	vst v42;
	v30 =	vld [tilespmem:s31+$0x10900];
	v63 =	vsub.f32 v31, v44  }
0x2e4: {  	v25 =	vld [tilespmem:s31+$0x10920];
	[tilespmem:s30+$0x10910] =	vst v17;
	v15 =	vmul.f32 v62, v3;
	v17 =	vmul.f32 v48, v3  }
0x2e5: {  	[tilespmem:s30+$0x10500] =	vst v43;
	v14 =	vld [tilespmem:s31+$0x10910];
	v20 =	vadd.f32 v40, v60;
	v31 =	vadd.f32 v38, v62;
	v55 =	vmul.f32 v63, v4  }
0x2e6: {  	[tilespmem:s30+$0x10150] =	vst v59;
	v40 =	vld [tilespmem:s31+$0x10D60];
	v43 =	vsub.f32 v15, v19;
	v44 =	vsub.f32 v17, v60  }
0x2e7: {  	v23 =	vld [tilespmem:s31+$0x10930];
	v47 =	vadd.f32 v47, v63;
	[tilespmem:s30+$0x10930] =	vst v31;
	v31 =	vsub.f32 v55, v58;
	v58 =	vmul.f32 v26, v4  }
0x2e8: {  	[tilespmem:s30+$0x10940] =	vst v20;
	v20 =	vld [tilespmem:s31+$0x10950];
	v41 =	vadd.f32 v41, v48;
	v56 =	vmul.f32 v43, v3;
	v57 =	vmul.f32 v44, v3  }
0x2e9: {  	[tilespmem:s30+$0x10570] =	vst v54;
	v38 =	vld [tilespmem:s31+$0x10D10];
	v36 =	vadd.f32 v36, v43;
	v59 =	vmul.f32 v31, v4;
	v37 =	vsub.f32 v58, v50  }
0x2ea: {  	v19 =	vld [tilespmem:s31+$0x10960];
	[tilespmem:s31+$0x10140] =	vst v47;
	v46 =	vsub.f32 v56, v62;
	v45 =	vsub.f32 v57, v48  }
0x2eb: {  	v15 =	vld [tilespmem:s31+$0x10970];
	[tilespmem:s30+$0x10960] =	vst v41;
	v60 =	vadd.f32 v35, v44;
	v35 =	vsub.f32 v59, v63  }
0x2ec: {  	v17 =	vld [tilespmem:s31+$0x10D00];
	[tilespmem:s30+$0x10950] =	vst v36;
	v61 =	vadd.f32 v34, v46;
	v62 =	vmul.f32 v46, v3;
	v48 =	vmul.f32 v45, v3  }
0x2ed: {  	s6 =	simm.s32 $0x400;
	v41 =	vld [tilespmem:s31+$0x10D40];
	v49 =	vmul.f32 v37, v4;
	[tilespmem:s30+$0x10D00] =	vst v60;
	v63 =	vmul.f32 v35, v4;
	v33 =	vadd.f32 v33, v45  }
0x2ee: {  	s0 =	simm.s32 $0x100;
	s4 =	sand.u32 $0x7000, s6;
	v36 =	vld [tilespmem:s31+$0x10D30];
	[tilespmem:s30+$0x10970] =	vst v61;
	v47 =	vsub.f32 v62, v43;
	v48 =	vsub.f32 v48, v44  }
0x2ef: {  	s6 =	sand.u32 $0x380, s0;
	s2 =	simm.s32 $0x600;
	s17 =	simm.s32 $0x100;
	v34 =	vld [tilespmem:s31+$0x10D50];
	v42 =	vsub.f32 v63, v31;
	v44 =	vsub.f32 v49, v26;
	[tilespmem:s30+$0x10D20] =	vst v33  }
.LBB2_6:
0x2f0: {  	p0 =	sne.s32 s2, $0x7E00;
	v43 =	vld [tilespmem:s17+$0x1C100];
	s4 =	sor.u32 s6, s4;
	v49 =	vadd.f32 v9, v47;
	v50 =	vmul.f32 v47, v3;
	v51 =	vmul.f32 v48, v3;
	v9 =	vmovc v38  }
0x2f1: {  	v48 =	vadd.f32 v11, v48;
	v33 =	vmovc v39;
	v52 =	vld [tilespmem:s4+$0x10100];
	v53 =	vmul.f32 v44, v4;
	v54 =	vmul.f32 v42, v4  }
0x2f2: {  	v39 =	vld [tilespmem:s4+$0x10130];
	[tilespmem:s30+$0x10D10] =	vst v49;
	v46 =	vsub.f32 v50, v46;
	v45 =	vsub.f32 v51, v45;
	v11 =	vmov v41  }
0x2f3: {  	v38 =	vld [tilespmem:s4+$0x10140];
	v41 =	vsub.f32 v53, v37;
	v49 =	vsub.f32 v54, v35;
	[tilespmem:s30+$0x10D40] =	vst v48  }
0x2f4: {  	v48 =	vld [tilespmem:s4+$0x10150];
	v50 =	vadd.f32 v10, v46;
	v51 =	vmul.f32 v46, v3;
	v45 =	vadd.f32 v16, v45;
	v10 =	vmovc v36  }
0x2f5: {  	v16 =	vmovc v40;
	v53 =	vld [tilespmem:s4+$0x10160];
	v28 =	vadd.f32 v28, v41;
	v36 =	vmul.f32 v41, v4;
	v54 =	vmul.f32 v49, v4  }
0x2f6: {  	v40 =	vld [tilespmem:s17+$0x1C140];
	v52 =	vadd.f32 v52, v43;
	[tilespmem:s30+$0x10D30] =	vst v50;
	v47 =	vsub.f32 v51, v47  }
0x2f7: {  	v50 =	vsub.f32 v36, v44;
	v51 =	vsub.f32 v54, v42;
	[tilespmem:s30+$0x10D60] =	vst v45;
	v45 =	vld [tilespmem:s30+$0x10D70]  }
0x2f8: {  	v29 =	vadd.f32 v29, v49;
	[tilespmem:s4+$0x10100] =	vst v52;
	v52 =	vld [tilespmem:s4+$0x10110];
	v56 =	vadd.f32 v12, v47;
	v55 =	vmul.f32 v47, v3  }
0x2f9: {  	v36 =	vld [tilespmem:s17+$0x1C110];
	[tilespmem:s31+$0x10510] =	vst v28;
	v24 =	vadd.f32 v24, v50;
	v28 =	vmul.f32 v50, v4;
	v47 =	vmul.f32 v51, v4  }
0x2fa: {  	v3 =	vmovc v4;
	v12 =	vmov v34;
	v32 =	vadd.f32 v32, v51;
	v54 =	vld [tilespmem:s4+$0x10170];
	[tilespmem:s30+$0x10D50] =	vst v56;
	v46 =	vsub.f32 v55, v46  }
0x2fb: {  	v34 =	vld [tilespmem:s4+$0x10500];
	[tilespmem:s31+$0x10530] =	vst v24;
	v41 =	vsub.f32 v28, v41;
	v47 =	vsub.f32 v47, v49;
	v4 =	vmov v40  }
0x2fc: {  	v40 =	vadd.f32 v18, v44;
	v28 =	vld [tilespmem:s4+$0x10510];
	[tilespmem:s31+$0x10560] =	vst v32;
	v49 =	vadd.f32 v45, v46  }
0x2fd: {  	v32 =	vld [tilespmem:s4+$0x10520];
	[tilespmem:s31+$0x10540] =	vst v29;
	v27 =	vadd.f32 v27, v41;
	v44 =	vmul.f32 v41, v3;
	v45 =	vmul.f32 v47, v3  }
0x2fe: {  	v30 =	vadd.f32 v30, v47;
	v46 =	vadd.f32 v52, v36;
	v24 =	vld [tilespmem:s4+$0x10530];
	[tilespmem:s30+$0x10D70] =	vst v49;
	s30 =	smov.u32 s31;
	s31 =	smov.u32 s4  }
0x2ff: {  	v29 =	vld [tilespmem:s31+$0x10540];
	[tilespmem:s30+$0x10550] =	vst v27;
	v44 =	vsub.f32 v44, v50;
	v45 =	vsub.f32 v45, v51;
	v18 =	vmov v54  }
0x300: {  	v37 =	vadd.f32 v7, v37;
	v42 =	vadd.f32 v13, v42;
	v7 =	vmov v48;
	[tilespmem:s31+$0x10110] =	vst v46;
	v46 =	vld [tilespmem:s31+$0x10120]  }
0x301: {  	v48 =	vld [tilespmem:s17+$0x1C120];
	v21 =	vadd.f32 v21, v44;
	[tilespmem:s30+$0x10900] =	vst v30;
	v30 =	vmul.f32 v44, v3;
	v49 =	vmul.f32 v45, v3  }
0x302: {  	v35 =	vadd.f32 v8, v35;
	v8 =	vmovc v34;
	v25 =	vadd.f32 v25, v45;
	v27 =	vld [tilespmem:s31+$0x10550];
	[tilespmem:s30+$0x10170] =	vst v40;
	v13 =	vmov v32  }
0x303: {  	v32 =	vld [tilespmem:s31+$0x10560];
	[tilespmem:s30+$0x10570] =	vst v21;
	v34 =	vsub.f32 v30, v41;
	v40 =	vsub.f32 v49, v47  }
0x304: {  	v41 =	vadd.f32 v5, v26;
	v47 =	vadd.f32 v6, v31;
	v5 =	vmovc v39;
	v6 =	vmov v53;
	v21 =	vld [tilespmem:s31+$0x10570];
	[tilespmem:s30+$0x10920] =	vst v25  }
0x305: {  	v30 =	vld [tilespmem:s31+$0x10900];
	[tilespmem:s30+$0x10520] =	vst v42;
	v26 =	vadd.f32 v14, v34;
	v31 =	vmul.f32 v34, v3;
	v39 =	vmul.f32 v40, v3  }
0x306: {  	v22 =	vadd.f32 v22, v40;
	v42 =	vadd.f32 v46, v48;
	v46 =	vmul.f32 v48, v4;
	v14 =	vld [tilespmem:s31+$0x10910];
	[tilespmem:s30+$0x10150] =	vst v37  }
0x307: {  	v25 =	vld [tilespmem:s31+$0x10920];
	[tilespmem:s30+$0x10910] =	vst v26;
	v37 =	vsub.f32 v31, v44;
	v39 =	vsub.f32 v39, v45  }
0x308: {  	[tilespmem:s31+$0x10120] =	vst v42;
	v42 =	vsub.f32 v46, v43;
	v43 =	vld [tilespmem:s31+$0x10930]  }
0x309: {  	v26 =	vld [tilespmem:s17+$0x1C130];
	v23 =	vadd.f32 v23, v37;
	[tilespmem:s30+$0x10940] =	vst v22;
	v31 =	vmul.f32 v37, v3;
	v44 =	vmul.f32 v39, v3  }
0x30a: {  	v49 =	vadd.f32 v38, v42;
	v38 =	vmul.f32 v42, v4;
	v22 =	vld [tilespmem:s31+$0x10940];
	[tilespmem:s30+$0x10500] =	vst v35;
	v35 =	vadd.f32 v19, v39  }
0x30b: {  	v50 =	vld [tilespmem:s31+$0x10950];
	[tilespmem:s30+$0x10930] =	vst v23;
	v51 =	vsub.f32 v31, v34;
	v40 =	vsub.f32 v44, v40  }
0x30c: {  	v31 =	vsub.f32 v38, v48;
	v19 =	vld [tilespmem:s31+$0x10960];
	[tilespmem:s30+$0x10960] =	vst v35  }
0x30d: {  	v34 =	vld [tilespmem:s31+$0x10970];
	[tilespmem:s30+$0x10130] =	vst v41;
	v52 =	vadd.f32 v20, v51;
	v48 =	vmul.f32 v51, v3;
	v35 =	vmul.f32 v40, v3  }
0x30e: {  	v41 =	vmul.f32 v26, v4;
	v44 =	vmul.f32 v31, v4;
	[tilespmem:s30+$0x10160] =	vst v47;
	v47 =	vadd.f32 v17, v40;
	v17 =	vld [tilespmem:s31+$0x10D00]  }
0x30f: {  	v23 =	vmov v43;
	v38 =	vld [tilespmem:s31+$0x10D10];
	[tilespmem:s30+$0x10950] =	vst v52;
	v46 =	vsub.f32 v48, v37;
	v45 =	vsub.f32 v35, v39  }
.Ltmp2:
0x310: {  	v37 =	vsub.f32 v41, v36;
	v35 =	vsub.f32 v44, v42;
	v39 =	vld [tilespmem:s31+$0x10D20];
	[tilespmem:s30+$0x10D00] =	vst v47;
	v20 =	vmov v50;
	(pc) =	sbr.rel @p0 .LBB2_6-.Ltmp2, $4  }
0x311: {  	[tilespmem:s31+$0x10140] =	vst v49;
	v36 =	vld [tilespmem:s31+$0x10D30];
	v42 =	vadd.f32 v15, v46;
	v43 =	vmul.f32 v46, v3;
	v44 =	vmul.f32 v45, v3  }
0x312: {  	v33 =	vadd.f32 v33, v45;
	v49 =	vmul.f32 v37, v4;
	v50 =	vmul.f32 v35, v4;
	v41 =	vld [tilespmem:s31+$0x10D40];
	v15 =	vmovc v34  }
0x313: {  	s0 =	sadd.s32 $0x80, s0;
	s17 =	sshra.s32 s2, $0x2;
	v34 =	vld [tilespmem:s31+$0x10D50];
	[tilespmem:s30+$0x10970] =	vst v42;
	v47 =	vsub.f32 v43, v51;
	v48 =	vsub.f32 v44, v40  }
0x314: {  	s6 =	sand.u32 $0x380, s0;
	s4 =	sand.u32 $0x7000, s2;
	s2 =	sadd.s32 $0x200, s2;
	v44 =	vsub.f32 v49, v26;
	v42 =	vsub.f32 v50, v31;
	v40 =	vld [tilespmem:s31+$0x10D60];
	[tilespmem:s30+$0x10D20] =	vst v33  }
0x315: {  	v43 =	vld [tilespmem:s17+$0x1C100];
	s0 =	sor.u32 s6, s4  }
0x316: {  	v33 =	vld [tilespmem:s0+$0x10100];
	_ =	sdelay $0x4  }
0x317: {  	v49 =	vadd.f32 v33, v43  }
0x318: {  	v60 =	vld [tilespmem:s0+$0x10110]  }
0x319: {  	v33 =	vld [tilespmem:s17+$0x1C140];
	[tilespmem:s0+$0x10100] =	vst v49  }
0x31a: {  	v50 =	vld [tilespmem:s17+$0x1C110];
	_ =	sdelay $0x3  }
0x31b: {  	v51 =	vmul.f32 v44, v4  }
0x31c: {  	v52 =	vmul.f32 v42, v4;
	v49 =	vadd.f32 v60, v50  }
0x31d: {  	v51 =	vsub.f32 v51, v37  }
0x31e: {  	v53 =	vmul.f32 v47, v3;
	v54 =	vmul.f32 v48, v3;
	v61 =	vld [tilespmem:s0+$0x10120];
	v52 =	vsub.f32 v52, v35;
	[tilespmem:s0+$0x10110] =	vst v49  }
0x31f: {  	v11 =	vadd.f32 v11, v48;
	v57 =	vadd.f32 v9, v47;
	v55 =	vmul.f32 v51, v4;
	v56 =	vld [tilespmem:s17+$0x1C120]  }
0x320: {  	v8 =	vadd.f32 v8, v35;
	v46 =	vsub.f32 v53, v46;
	v62 =	vmul.f32 v52, v4  }
0x321: {  	v45 =	vsub.f32 v54, v45;
	v54 =	vsub.f32 v55, v44  }
0x322: {  	v6 =	vadd.f32 v6, v31;
	v53 =	vsub.f32 v62, v42  }
0x323: {  	[tilespmem:s30+$0x10D40] =	vst v11;
	v11 =	vadd.f32 v18, v44;
	v63 =	vmul.f32 v46, v3;
	v9 =	vmul.f32 v54, v4  }
0x324: {  	v16 =	vadd.f32 v16, v45;
	v59 =	vmul.f32 v53, v4;
	v60 =	vadd.f32 v61, v56  }
0x325: {  	v10 =	vadd.f32 v10, v46;
	v61 =	vsub.f32 v9, v51  }
0x326: {  	v58 =	vsub.f32 v63, v47;
	v47 =	vsub.f32 v59, v52;
	[tilespmem:s0+$0x10120] =	vst v60  }
0x327: {  	[tilespmem:s31+$0x10170] =	vst v11;
	v11 =	vadd.f32 v5, v26;
	v28 =	vadd.f32 v28, v51;
	v62 =	vmul.f32 v61, v4;
	v9 =	vld [tilespmem:s17+$0x1C130]  }
0x328: {  	v29 =	vadd.f32 v29, v52;
	v12 =	vadd.f32 v12, v58;
	v63 =	vmul.f32 v47, v4  }
0x329: {  	v24 =	vadd.f32 v24, v54;
	v18 =	vsub.f32 v62, v54  }
0x32a: {  	[tilespmem:s30+$0x10D30] =	vst v10;
	v32 =	vadd.f32 v32, v53;
	v10 =	vmul.f32 v56, v33;
	v54 =	vsub.f32 v63, v53  }
0x32b: {  	[tilespmem:s30+$0x10D60] =	vst v16;
	v16 =	vadd.f32 v30, v47;
	v30 =	vadd.f32 v7, v37;
	v7 =	vmul.f32 v18, v4  }
0x32c: {  	[tilespmem:s31+$0x10510] =	vst v28;
	v43 =	vsub.f32 v10, v43;
	v28 =	vmul.f32 v54, v4;
	v10 =	vmul.f32 v9, v33  }
0x32d: {  	v3 =	vmul.f32 v58, v3;
	[tilespmem:s30+$0x10D50] =	vst v12;
	v12 =	vadd.f32 v13, v42;
	v13 =	vsub.f32 v7, v61  }
0x32e: {  	v55 =	vld [tilespmem:s30+$0x10D70];
	[tilespmem:s31+$0x10530] =	vst v24;
	v24 =	vsub.f32 v28, v47;
	v7 =	vmul.f32 v43, v33;
	v10 =	vsub.f32 v10, v50  }
0x32f: {  	[tilespmem:s30+$0x10D10] =	vst v57;
	v3 =	vsub.f32 v3, v46;
	v27 =	vadd.f32 v27, v61;
	v28 =	vmul.f32 v13, v4  }
0x330: {  	[tilespmem:s31+$0x10540] =	vst v29;
	v29 =	vmul.f32 v24, v4;
	v7 =	vsub.f32 v7, v56;
	v56 =	vmul.f32 v10, v33  }
0x331: {  	[tilespmem:s31+$0x10900] =	vst v16;
	v21 =	vadd.f32 v21, v18;
	v18 =	vsub.f32 v28, v18  }
0x332: {  	[tilespmem:s31+$0x10550] =	vst v27;
	v16 =	vsub.f32 v29, v54;
	v27 =	vmul.f32 v7, v33;
	v28 =	vsub.f32 v56, v9  }
0x333: {  	[tilespmem:s31+$0x10500] =	vst v8;
	v3 =	vadd.f32 v55, v3;
	v25 =	vadd.f32 v25, v54;
	v26 =	vmul.f32 v18, v4  }
0x334: {  	[tilespmem:s31+$0x10570] =	vst v21;
	v21 =	vmul.f32 v16, v4;
	v5 =	vsub.f32 v27, v43;
	v27 =	vmul.f32 v28, v33  }
0x335: {  	[tilespmem:s31+$0x10520] =	vst v12;
	v14 =	vadd.f32 v14, v13;
	v13 =	vsub.f32 v26, v13  }
0x336: {  	[tilespmem:s31+$0x10920] =	vst v25;
	v12 =	vsub.f32 v21, v24;
	v21 =	vmul.f32 v5, v33;
	v25 =	vsub.f32 v27, v10  }
0x337: {  	[tilespmem:s31+$0x10160] =	vst v6;
	v22 =	vadd.f32 v22, v24;
	v23 =	vadd.f32 v23, v18;
	v24 =	vmul.f32 v13, v4  }
0x338: {  	[tilespmem:s31+$0x10910] =	vst v14;
	v14 =	vmul.f32 v12, v4;
	v21 =	vsub.f32 v21, v7;
	v26 =	vmul.f32 v25, v33  }
0x339: {  	[tilespmem:s31+$0x10130] =	vst v11;
	v19 =	vadd.f32 v19, v16;
	v18 =	vsub.f32 v24, v18  }
0x33a: {  	[tilespmem:s31+$0x10940] =	vst v22;
	v8 =	vsub.f32 v14, v16;
	v14 =	vmul.f32 v21, v33;
	v16 =	vsub.f32 v26, v28  }
0x33b: {  	[tilespmem:s31+$0x10930] =	vst v23;
	v20 =	vadd.f32 v20, v13;
	v17 =	vadd.f32 v17, v12;
	v22 =	vmul.f32 v18, v4  }
0x33c: {  	[tilespmem:s31+$0x10960] =	vst v19;
	v19 =	vmul.f32 v8, v4;
	v14 =	vsub.f32 v14, v5;
	v23 =	vmul.f32 v16, v33  }
0x33d: {  	[tilespmem:s31+$0x10560] =	vst v32;
	v11 =	vadd.f32 v15, v18;
	v13 =	vsub.f32 v22, v13  }
0x33e: {  	[tilespmem:s30+$0x10D70] =	vst v3;
	v6 =	vsub.f32 v19, v12;
	v12 =	vmul.f32 v14, v33;
	v15 =	vsub.f32 v23, v25  }
0x33f: {  	[tilespmem:s31+$0x10950] =	vst v20;
	v19 =	vadd.f32 v39, v8;
	v20 =	vadd.f32 v38, v13;
	v22 =	vmul.f32 v13, v4  }
0x340: {  	[tilespmem:s31+$0x10D00] =	vst v17;
	v17 =	vmul.f32 v6, v4;
	v12 =	vsub.f32 v12, v21;
	v23 =	vmul.f32 v15, v33  }
0x341: {  	v24 =	vld [tilespmem:s0+$0x10140];
	[tilespmem:s31+$0x10970] =	vst v11;
	v6 =	vadd.f32 v41, v6;
	v11 =	vsub.f32 v22, v18  }
0x342: {  	[tilespmem:s31+$0x10D20] =	vst v19;
	v18 =	vld [tilespmem:s0+$0x10510];
	v8 =	vsub.f32 v17, v8;
	v17 =	vmul.f32 v12, v33;
	v19 =	vsub.f32 v23, v16  }
0x343: {  	v26 =	vld [tilespmem:s0+$0x10560];
	[tilespmem:s31+$0x10D10] =	vst v20;
	v20 =	vadd.f32 v36, v11;
	v23 =	vmul.f32 v11, v4  }
0x344: {  	v22 =	vld [tilespmem:s0+$0x10530];
	[tilespmem:s31+$0x10D40] =	vst v6;
	v6 =	vadd.f32 v40, v8;
	v8 =	vsub.f32 v17, v14;
	v17 =	vmul.f32 v19, v33  }
0x345: {  	[tilespmem:s31+$0x10D30] =	vst v20;
	v13 =	vsub.f32 v23, v13  }
0x346: {  	v20 =	vld [tilespmem:s0+$0x10540];
	v23 =	vadd.f32 v24, v43;
	[tilespmem:s31+$0x10D60] =	vst v6;
	v6 =	vmul.f32 v8, v33;
	v17 =	vsub.f32 v17, v15  }
0x347: {  	[tilespmem:s31+$0x10150] =	vst v30;
	v3 =	vadd.f32 v18, v25;
	v18 =	vld [tilespmem:s31+$0x10D70];
	v24 =	vadd.f32 v34, v13  }
0x348: {  	v25 =	vld [tilespmem:s0+$0x10550];
	[tilespmem:s0+$0x10140] =	vst v23;
	v4 =	vmul.f32 v13, v4;
	v6 =	vsub.f32 v6, v12;
	v13 =	vmul.f32 v17, v33  }
0x349: {  	v23 =	vld [tilespmem:s0+$0x10900];
	v12 =	vadd.f32 v26, v12;
	[tilespmem:s0+$0x10510] =	vst v3;
	v3 =	vadd.f32 v22, v16  }
0x34a: {  	v16 =	vld [tilespmem:s0+$0x10170];
	[tilespmem:s31+$0x10D50] =	vst v24;
	v4 =	vsub.f32 v4, v11;
	v11 =	vmul.f32 v6, v33;
	v13 =	vsub.f32 v13, v19  }
0x34b: {  	v22 =	vld [tilespmem:s0+$0x10570];
	[tilespmem:s0+$0x10560] =	vst v12;
	v14 =	vadd.f32 v20, v14  }
0x34c: {  	[tilespmem:s0+$0x10530] =	vst v3;
	v3 =	vld [tilespmem:s0+$0x10920];
	v4 =	vadd.f32 v18, v4;
	v11 =	vsub.f32 v11, v8;
	v12 =	vmul.f32 v13, v33  }
0x34d: {  	v18 =	vld [tilespmem:s0+$0x10520];
	[tilespmem:s0+$0x10540] =	vst v14;
	v14 =	vadd.f32 v25, v15  }
0x34e: {  	v15 =	vld [tilespmem:s0+$0x10150];
	v8 =	vadd.f32 v23, v8;
	[tilespmem:s31+$0x10D70] =	vst v4;
	v4 =	vmul.f32 v11, v33;
	v12 =	vsub.f32 v12, v17  }
0x34f: {  	v20 =	vld [tilespmem:s0+$0x10910];
	v16 =	vadd.f32 v16, v28;
	[tilespmem:s0+$0x10550] =	vst v14  }
0x350: {  	v19 =	vadd.f32 v22, v19;
	v22 =	vld [tilespmem:s0+$0x10500];
	[tilespmem:s0+$0x10900] =	vst v8;
	v4 =	vsub.f32 v4, v6;
	v8 =	vmul.f32 v12, v33  }
0x351: {  	v14 =	vld [tilespmem:s0+$0x10940];
	[tilespmem:s0+$0x10170] =	vst v16;
	v3 =	vadd.f32 v3, v6  }
0x352: {  	v6 =	vld [tilespmem:s0+$0x10930];
	[tilespmem:s0+$0x10570] =	vst v19;
	v16 =	vadd.f32 v18, v21;
	v18 =	vmul.f32 v4, v33;
	v8 =	vsub.f32 v8, v13  }
0x353: {  	v19 =	vld [tilespmem:s0+$0x10960];
	v10 =	vadd.f32 v15, v10;
	[tilespmem:s0+$0x10920] =	vst v3  }
0x354: {  	v3 =	vld [tilespmem:s0+$0x10130];
	v15 =	vadd.f32 v20, v17;
	[tilespmem:s0+$0x10520] =	vst v16;
	v16 =	vsub.f32 v18, v11;
	v17 =	vmul.f32 v8, v33  }
0x355: {  	v5 =	vadd.f32 v22, v5;
	v18 =	vld [tilespmem:s0+$0x10160];
	[tilespmem:s0+$0x10150] =	vst v10  }
0x356: {  	v10 =	vadd.f32 v14, v11;
	v11 =	vld [tilespmem:s0+$0x10950];
	[tilespmem:s0+$0x10910] =	vst v15;
	v14 =	vmul.f32 v16, v33;
	v15 =	vsub.f32 v17, v12  }
0x357: {  	v6 =	vadd.f32 v6, v13;
	[tilespmem:s0+$0x10500] =	vst v5;
	v17 =	vld [tilespmem:s0+$0x10D00]  }
0x358: {  	v5 =	vadd.f32 v19, v4;
	[tilespmem:s0+$0x10940] =	vst v10;
	v10 =	vld [tilespmem:s0+$0x10970];
	v4 =	vsub.f32 v14, v4;
	v13 =	vmul.f32 v15, v33  }
0x359: {  	v3 =	vadd.f32 v3, v9;
	[tilespmem:s0+$0x10930] =	vst v6;
	v14 =	vld [tilespmem:s0+$0x10D20]  }
0x35a: {  	v6 =	vld [tilespmem:s0+$0x10D10];
	[tilespmem:s0+$0x10960] =	vst v5;
	v7 =	vadd.f32 v18, v7;
	v5 =	vmul.f32 v4, v33;
	v9 =	vsub.f32 v13, v8  }
0x35b: {  	[tilespmem:s0+$0x10130] =	vst v3;
	v3 =	vadd.f32 v11, v12;
	v13 =	vld [tilespmem:s0+$0x10D40]  }
0x35c: {  	v11 =	vld [tilespmem:s0+$0x10D30];
	[tilespmem:s0+$0x10160] =	vst v7;
	v5 =	vsub.f32 v5, v16;
	v7 =	vadd.f32 v17, v16;
	v12 =	vmul.f32 v9, v33  }
0x35d: {  	[tilespmem:s0+$0x10950] =	vst v3;
	v3 =	vadd.f32 v10, v8;
	v16 =	vld [tilespmem:s0+$0x10D60]  }
0x35e: {  	v8 =	vld [tilespmem:s0+$0x10D50];
	v10 =	vmul.f32 v5, v33;
	[tilespmem:s0+$0x10D00] =	vst v7;
	v7 =	vadd.f32 v14, v4;
	v12 =	vsub.f32 v12, v15  }
0x35f: {  	[tilespmem:s0+$0x10970] =	vst v3;
	v3 =	vadd.f32 v6, v15;
	v6 =	vld [tilespmem:s0+$0x10D70]  }
0x360: {  	v4 =	vsub.f32 v10, v4;
	[tilespmem:s0+$0x10D20] =	vst v7;
	v5 =	vadd.f32 v13, v5;
	v7 =	vmul.f32 v12, v33  }
0x361: {  	[tilespmem:s0+$0x10D10] =	vst v3;
	v3 =	vadd.f32 v11, v9  }
0x362: {  	v4 =	vadd.f32 v16, v4;
	[tilespmem:s0+$0x10D40] =	vst v5;
	v5 =	vsub.f32 v7, v9  }
0x363: {  	[tilespmem:s0+$0x10D30] =	vst v3;
	v3 =	vadd.f32 v8, v12  }
0x364: {  	[tilespmem:s0+$0x10D60] =	vst v4;
	v4 =	vadd.f32 v6, v5  }
0x365: {  	[tilespmem:s0+$0x10D50] =	vst v3  }
0x366: {  	s6 =	simm.s32 $0x0;
	[tilespmem:s0+$0x10D70] =	vst v4  }
0x367: {  	[hbm4b:s12+s6] =	stream.linear.scatter [tilespmem:s18], [sflag:$0x9], $0x8000, $0x38;
	[tilespmem:$0x1E100] =	vst v63  }
0x368: {  	_ =	swait.ge [sflag:s19], $0x8000  }
0x369: {  	[sflag:s19] =	ssyncset.done $0x0  }
0x36a: {  	[sflag:s19] =	ssyncadd.s32 $0xFFFF8000  }
0x36b: {  	_ =	swait.ge [sflag:s20], $0x2000  }
0x36c: {  	s2 =	sand.u32 $0x380, s6;
	[sflag:s20] =	ssyncset.done $0x0  }
0x36d: {  	s17 =	simm.s32 $0x0;
	s0 =	sand.u32 $0x7000, s6;
	[sflag:s20] =	ssyncadd.s32 $0xFFFFE000  }
0x36e: {  	s30 =	sor.u32 s2, s0;
	v4 =	vld [tilespmem:s17+$0x18100]  }
0x36f: {  	v3 =	vld [tilespmem:s30+$0x100];
	_ =	sdelay $0x4  }
0x370: {  	v17 =	vld [tilespmem:s30+$0x130];
	v6 =	vadd.f32 v3, v4  }
0x371: {  	v3 =	vld [tilespmem:s17+$0x18140]  }
0x372: {  	[tilespmem:s30+$0x100] =	vst v6;
	v6 =	vld [tilespmem:s30+$0x110]  }
0x373: {  	v7 =	vld [tilespmem:s17+$0x18110]  }
0x374: {  	v5 =	vld [tilespmem:s30+$0x140]  }
0x375: {  	v14 =	vld [tilespmem:s30+$0x150]  }
0x376: {  	v15 =	vld [tilespmem:s30+$0x160]  }
0x377: {  	v19 =	vld [tilespmem:s30+$0x170]  }
0x378: {  	v20 =	vld [tilespmem:s30+$0x500];
	v6 =	vadd.f32 v6, v7  }
0x379: {  	v13 =	vld [tilespmem:s30+$0x510]  }
0x37a: {  	[tilespmem:s30+$0x110] =	vst v6;
	v6 =	vld [tilespmem:s30+$0x120]  }
0x37b: {  	v8 =	vld [tilespmem:s17+$0x18120]  }
0x37c: {  	v22 =	vld [tilespmem:s30+$0x520]  }
0x37d: {  	v21 =	vld [tilespmem:s30+$0x530]  }
0x37e: {  	v23 =	vld [tilespmem:s30+$0x540]  }
0x37f: {  	v25 =	vld [tilespmem:s30+$0x550]  }
0x380: {  	v26 =	vld [tilespmem:s30+$0x560];
	v6 =	vadd.f32 v6, v8  }
0x381: {  	v30 =	vld [tilespmem:s30+$0x570]  }
0x382: {  	v27 =	vld [tilespmem:s30+$0x900];
	[tilespmem:s30+$0x120] =	vst v6;
	v6 =	vmul.f32 v8, v3  }
0x383: {  	v31 =	vld [tilespmem:s30+$0x910]  }
0x384: {  	v37 =	vld [tilespmem:s30+$0x920];
	v4 =	vsub.f32 v6, v4  }
0x385: {  	v39 =	vld [tilespmem:s17+$0x18130]  }
0x386: {  	v38 =	vld [tilespmem:s30+$0x930];
	v6 =	vmul.f32 v4, v3  }
0x387: {  	v40 =	vld [tilespmem:s30+$0x940]  }
0x388: {  	v36 =	vld [tilespmem:s30+$0x950];
	v42 =	vsub.f32 v6, v8  }
0x389: {  	v41 =	vld [tilespmem:s30+$0x960]  }
0x38a: {  	v34 =	vld [tilespmem:s30+$0x970];
	v6 =	vmul.f32 v39, v3;
	v8 =	vmul.f32 v42, v3  }
0x38b: {  	s6 =	simm.s32 $0x80;
	v35 =	vld [tilespmem:s30+$0xD00];
	s17 =	simm.s32 $0x200;
	v5 =	vadd.f32 v5, v4  }
0x38c: {  	s0 =	sand.u32 $0x380, s6;
	s6 =	simm.s32 $0x80;
	v10 =	vld [tilespmem:s30+$0xD10];
	s2 =	sand.u32 $0x7000, s17;
	v32 =	vsub.f32 v6, v7;
	v43 =	vsub.f32 v8, v4  }
0x38d: {  	v44 =	vld [tilespmem:s6+$0x18100];
	s31 =	sor.u32 s0, s2  }
0x38e: {  	[tilespmem:s30+$0x140] =	vst v5;
	v4 =	vmul.f32 v32, v3;
	v8 =	vld [tilespmem:s31+$0x100];
	v5 =	vmul.f32 v43, v3  }
0x38f: {  	v33 =	vld [tilespmem:s30+$0xD20]  }
0x390: {  	v9 =	vld [tilespmem:s30+$0xD30];
	v45 =	vsub.f32 v4, v39;
	v46 =	vsub.f32 v5, v42  }
0x391: {  	v11 =	vld [tilespmem:s30+$0xD40]  }
0x392: {  	v12 =	vld [tilespmem:s30+$0xD50];
	v4 =	vmul.f32 v45, v3;
	v16 =	vmul.f32 v46, v3  }
0x393: {  	v47 =	vld [tilespmem:s31+$0x140];
	v8 =	vadd.f32 v8, v44  }
0x394: {  	v29 =	vld [tilespmem:s31+$0x110];
	v24 =	vsub.f32 v4, v32;
	v48 =	vsub.f32 v16, v43  }
0x395: {  	v28 =	vld [tilespmem:s31+$0x510]  }
0x396: {  	v4 =	vld [tilespmem:s6+$0x18140];
	[tilespmem:s31+$0x100] =	vst v8;
	v18 =	vmul.f32 v24, v3;
	v8 =	vmul.f32 v48, v3  }
0x397: {  	v7 =	vld [tilespmem:s31+$0x150]  }
0x398: {  	v50 =	vld [tilespmem:s6+$0x18110];
	v49 =	vsub.f32 v18, v45;
	v57 =	vsub.f32 v8, v46  }
0x399: {  	v6 =	vld [tilespmem:s31+$0x160];
	v39 =	vadd.f32 v17, v39  }
0x39a: {  	v5 =	vld [tilespmem:s31+$0x130];
	v19 =	vadd.f32 v19, v45;
	v58 =	vmul.f32 v49, v3;
	v59 =	vmul.f32 v57, v3  }
0x39b: {  	[tilespmem:s30+$0x130] =	vst v39;
	v39 =	vld [tilespmem:s31+$0xD20];
	v22 =	vadd.f32 v22, v46;
	v21 =	vadd.f32 v21, v49  }
0x39c: {  	v16 =	vld [tilespmem:s30+$0xD60];
	v52 =	vsub.f32 v58, v24;
	v53 =	vsub.f32 v59, v48  }
0x39d: {  	v60 =	vadd.f32 v13, v24;
	v13 =	vld [tilespmem:s31+$0x520];
	[tilespmem:s30+$0x520] =	vst v22;
	v61 =	vadd.f32 v29, v50  }
0x39e: {  	v22 =	vld [tilespmem:s31+$0x940];
	v26 =	vadd.f32 v26, v57;
	[tilespmem:s30+$0x530] =	vst v21;
	v62 =	vmul.f32 v52, v3;
	v63 =	vmul.f32 v53, v3  }
0x39f: {  	v23 =	vadd.f32 v23, v48;
	[tilespmem:s31+$0x110] =	vst v61;
	v21 =	vadd.f32 v25, v52;
	v25 =	vld [tilespmem:s31+$0x120]  }
0x3a0: {  	[tilespmem:s30+$0x560] =	vst v26;
	v58 =	vld [tilespmem:s6+$0x18120];
	v26 =	vsub.f32 v62, v49;
	v57 =	vsub.f32 v63, v57  }
0x3a1: {  	v18 =	vld [tilespmem:s31+$0x170];
	[tilespmem:s30+$0x540] =	vst v23;
	v23 =	vadd.f32 v27, v53  }
0x3a2: {  	[tilespmem:s30+$0x170] =	vst v19;
	v8 =	vld [tilespmem:s31+$0x500];
	v59 =	vadd.f32 v14, v32;
	v14 =	vmul.f32 v26, v3;
	v51 =	vmul.f32 v57, v3  }
0x3a3: {  	v29 =	vld [tilespmem:s31+$0x540];
	[tilespmem:s30+$0x900] =	vst v23;
	v23 =	vadd.f32 v37, v57  }
0x3a4: {  	[tilespmem:s30+$0x510] =	vst v60;
	v24 =	vld [tilespmem:s31+$0x530];
	v19 =	vsub.f32 v14, v52;
	v60 =	vsub.f32 v51, v53  }
0x3a5: {  	v42 =	vadd.f32 v15, v42;
	v32 =	vld [tilespmem:s31+$0x560];
	[tilespmem:s30+$0x550] =	vst v21;
	v61 =	vadd.f32 v25, v58  }
0x3a6: {  	v43 =	vadd.f32 v20, v43;
	v27 =	vld [tilespmem:s31+$0x550];
	[tilespmem:s30+$0x920] =	vst v23;
	v20 =	vmul.f32 v19, v3;
	v23 =	vmul.f32 v60, v3  }
0x3a7: {  	v21 =	vld [tilespmem:s31+$0x570];
	v54 =	vadd.f32 v30, v26;
	[tilespmem:s31+$0x120] =	vst v61;
	v17 =	vadd.f32 v31, v19;
	v31 =	vmul.f32 v58, v4  }
0x3a8: {  	v62 =	vsub.f32 v20, v26;
	v26 =	vld [tilespmem:s6+$0x18130];
	v48 =	vsub.f32 v23, v57  }
0x3a9: {  	[tilespmem:s30+$0x160] =	vst v42;
	v30 =	vld [tilespmem:s31+$0x900];
	v63 =	vsub.f32 v31, v44  }
0x3aa: {  	v25 =	vld [tilespmem:s31+$0x920];
	[tilespmem:s30+$0x910] =	vst v17;
	v15 =	vmul.f32 v62, v3;
	v17 =	vmul.f32 v48, v3  }
0x3ab: {  	[tilespmem:s30+$0x500] =	vst v43;
	v14 =	vld [tilespmem:s31+$0x910];
	v20 =	vadd.f32 v40, v60;
	v31 =	vadd.f32 v38, v62;
	v55 =	vmul.f32 v63, v4  }
0x3ac: {  	[tilespmem:s30+$0x150] =	vst v59;
	v40 =	vld [tilespmem:s31+$0xD60];
	v43 =	vsub.f32 v15, v19;
	v44 =	vsub.f32 v17, v60  }
0x3ad: {  	v23 =	vld [tilespmem:s31+$0x930];
	v47 =	vadd.f32 v47, v63;
	[tilespmem:s30+$0x930] =	vst v31;
	v31 =	vsub.f32 v55, v58;
	v58 =	vmul.f32 v26, v4  }
0x3ae: {  	[tilespmem:s30+$0x940] =	vst v20;
	v20 =	vld [tilespmem:s31+$0x950];
	v41 =	vadd.f32 v41, v48;
	v56 =	vmul.f32 v43, v3;
	v57 =	vmul.f32 v44, v3  }
0x3af: {  	[tilespmem:s30+$0x570] =	vst v54;
	v38 =	vld [tilespmem:s31+$0xD10];
	v36 =	vadd.f32 v36, v43;
	v59 =	vmul.f32 v31, v4;
	v37 =	vsub.f32 v58, v50  }
0x3b0: {  	v19 =	vld [tilespmem:s31+$0x960];
	[tilespmem:s31+$0x140] =	vst v47;
	v46 =	vsub.f32 v56, v62;
	v45 =	vsub.f32 v57, v48  }
0x3b1: {  	v15 =	vld [tilespmem:s31+$0x970];
	[tilespmem:s30+$0x960] =	vst v41;
	v60 =	vadd.f32 v35, v44;
	v35 =	vsub.f32 v59, v63  }
0x3b2: {  	v17 =	vld [tilespmem:s31+$0xD00];
	[tilespmem:s30+$0x950] =	vst v36;
	v61 =	vadd.f32 v34, v46;
	v62 =	vmul.f32 v46, v3;
	v48 =	vmul.f32 v45, v3  }
0x3b3: {  	s17 =	simm.s32 $0x100;
	v41 =	vld [tilespmem:s31+$0xD40];
	v49 =	vmul.f32 v37, v4;
	[tilespmem:s30+$0xD00] =	vst v60;
	v63 =	vmul.f32 v35, v4;
	v33 =	vadd.f32 v33, v45  }
0x3b4: {  	s4 =	sand.u32 $0x380, s17;
	s0 =	simm.s32 $0x400;
	v36 =	vld [tilespmem:s31+$0xD30];
	[tilespmem:s30+$0x970] =	vst v61;
	v47 =	vsub.f32 v62, v43;
	v48 =	vsub.f32 v48, v44  }
0x3b5: {  	s17 =	simm.s32 $0x100;
	s2 =	simm.s32 $0x180;
	s6 =	sand.u32 $0x7000, s0;
	v34 =	vld [tilespmem:s31+$0xD50];
	v42 =	vsub.f32 v63, v31;
	v44 =	vsub.f32 v49, v26;
	[tilespmem:s30+$0xD20] =	vst v33  }
.LBB2_8:
0x3b6: {  	p0 =	sne.s32 s2, $0x1F80;
	v43 =	vld [tilespmem:s17+$0x18100];
	s4 =	sor.u32 s4, s6;
	v49 =	vadd.f32 v10, v47;
	v50 =	vmul.f32 v47, v3;
	v51 =	vmul.f32 v48, v3;
	v10 =	vmovc v38  }
0x3b7: {  	v48 =	vadd.f32 v11, v48;
	v33 =	vmovc v39;
	v52 =	vld [tilespmem:s4+$0x100];
	v53 =	vmul.f32 v44, v4;
	v54 =	vmul.f32 v42, v4  }
0x3b8: {  	v39 =	vld [tilespmem:s4+$0x130];
	[tilespmem:s30+$0xD10] =	vst v49;
	v46 =	vsub.f32 v50, v46;
	v45 =	vsub.f32 v51, v45;
	v11 =	vmov v41  }
0x3b9: {  	v38 =	vld [tilespmem:s4+$0x140];
	v41 =	vsub.f32 v53, v37;
	v49 =	vsub.f32 v54, v35;
	[tilespmem:s30+$0xD40] =	vst v48  }
0x3ba: {  	v48 =	vld [tilespmem:s4+$0x150];
	v50 =	vadd.f32 v9, v46;
	v51 =	vmul.f32 v46, v3;
	v45 =	vadd.f32 v16, v45;
	v9 =	vmovc v36  }
0x3bb: {  	v16 =	vmovc v40;
	v53 =	vld [tilespmem:s4+$0x160];
	v28 =	vadd.f32 v28, v41;
	v36 =	vmul.f32 v41, v4;
	v54 =	vmul.f32 v49, v4  }
0x3bc: {  	v40 =	vld [tilespmem:s17+$0x18140];
	v52 =	vadd.f32 v52, v43;
	[tilespmem:s30+$0xD30] =	vst v50;
	v47 =	vsub.f32 v51, v47  }
0x3bd: {  	v50 =	vsub.f32 v36, v44;
	v51 =	vsub.f32 v54, v42;
	[tilespmem:s30+$0xD60] =	vst v45;
	v45 =	vld [tilespmem:s30+$0xD70]  }
0x3be: {  	v29 =	vadd.f32 v29, v49;
	[tilespmem:s4+$0x100] =	vst v52;
	v52 =	vld [tilespmem:s4+$0x110];
	v56 =	vadd.f32 v12, v47;
	v55 =	vmul.f32 v47, v3  }
0x3bf: {  	v36 =	vld [tilespmem:s17+$0x18110];
	[tilespmem:s31+$0x510] =	vst v28;
	v24 =	vadd.f32 v24, v50;
	v28 =	vmul.f32 v50, v4;
	v47 =	vmul.f32 v51, v4  }
0x3c0: {  	v3 =	vmovc v4;
	v12 =	vmov v34;
	v32 =	vadd.f32 v32, v51;
	v54 =	vld [tilespmem:s4+$0x170];
	[tilespmem:s30+$0xD50] =	vst v56;
	v46 =	vsub.f32 v55, v46  }
0x3c1: {  	v34 =	vld [tilespmem:s4+$0x500];
	[tilespmem:s31+$0x530] =	vst v24;
	v41 =	vsub.f32 v28, v41;
	v47 =	vsub.f32 v47, v49;
	v4 =	vmov v40  }
0x3c2: {  	v40 =	vadd.f32 v18, v44;
	v28 =	vld [tilespmem:s4+$0x510];
	[tilespmem:s31+$0x560] =	vst v32;
	v49 =	vadd.f32 v45, v46  }
0x3c3: {  	v32 =	vld [tilespmem:s4+$0x520];
	[tilespmem:s31+$0x540] =	vst v29;
	v27 =	vadd.f32 v27, v41;
	v44 =	vmul.f32 v41, v3;
	v45 =	vmul.f32 v47, v3  }
0x3c4: {  	v30 =	vadd.f32 v30, v47;
	v46 =	vadd.f32 v52, v36;
	v24 =	vld [tilespmem:s4+$0x530];
	[tilespmem:s30+$0xD70] =	vst v49;
	s30 =	smov.u32 s31;
	s31 =	smov.u32 s4  }
0x3c5: {  	v29 =	vld [tilespmem:s31+$0x540];
	[tilespmem:s30+$0x550] =	vst v27;
	v44 =	vsub.f32 v44, v50;
	v45 =	vsub.f32 v45, v51;
	v18 =	vmov v54  }
0x3c6: {  	v37 =	vadd.f32 v7, v37;
	v42 =	vadd.f32 v13, v42;
	v7 =	vmov v48;
	[tilespmem:s31+$0x110] =	vst v46;
	v46 =	vld [tilespmem:s31+$0x120]  }
0x3c7: {  	v48 =	vld [tilespmem:s17+$0x18120];
	v21 =	vadd.f32 v21, v44;
	[tilespmem:s30+$0x900] =	vst v30;
	v30 =	vmul.f32 v44, v3;
	v49 =	vmul.f32 v45, v3  }
0x3c8: {  	v35 =	vadd.f32 v8, v35;
	v8 =	vmovc v34;
	v25 =	vadd.f32 v25, v45;
	v27 =	vld [tilespmem:s31+$0x550];
	[tilespmem:s30+$0x170] =	vst v40;
	v13 =	vmov v32  }
0x3c9: {  	v32 =	vld [tilespmem:s31+$0x560];
	[tilespmem:s30+$0x570] =	vst v21;
	v34 =	vsub.f32 v30, v41;
	v40 =	vsub.f32 v49, v47  }
0x3ca: {  	v41 =	vadd.f32 v5, v26;
	v47 =	vadd.f32 v6, v31;
	v5 =	vmovc v39;
	v6 =	vmov v53;
	v21 =	vld [tilespmem:s31+$0x570];
	[tilespmem:s30+$0x920] =	vst v25  }
0x3cb: {  	v30 =	vld [tilespmem:s31+$0x900];
	[tilespmem:s30+$0x520] =	vst v42;
	v26 =	vadd.f32 v14, v34;
	v31 =	vmul.f32 v34, v3;
	v39 =	vmul.f32 v40, v3  }
0x3cc: {  	v22 =	vadd.f32 v22, v40;
	v42 =	vadd.f32 v46, v48;
	v46 =	vmul.f32 v48, v4;
	v14 =	vld [tilespmem:s31+$0x910];
	[tilespmem:s30+$0x150] =	vst v37  }
0x3cd: {  	v25 =	vld [tilespmem:s31+$0x920];
	[tilespmem:s30+$0x910] =	vst v26;
	v37 =	vsub.f32 v31, v44;
	v39 =	vsub.f32 v39, v45  }
0x3ce: {  	[tilespmem:s31+$0x120] =	vst v42;
	v42 =	vsub.f32 v46, v43;
	v43 =	vld [tilespmem:s31+$0x930]  }
0x3cf: {  	v26 =	vld [tilespmem:s17+$0x18130];
	v23 =	vadd.f32 v23, v37;
	[tilespmem:s30+$0x940] =	vst v22;
	v31 =	vmul.f32 v37, v3;
	v44 =	vmul.f32 v39, v3  }
0x3d0: {  	v49 =	vadd.f32 v38, v42;
	v38 =	vmul.f32 v42, v4;
	v22 =	vld [tilespmem:s31+$0x940];
	[tilespmem:s30+$0x500] =	vst v35;
	v35 =	vadd.f32 v19, v39  }
0x3d1: {  	v50 =	vld [tilespmem:s31+$0x950];
	[tilespmem:s30+$0x930] =	vst v23;
	v51 =	vsub.f32 v31, v34;
	v40 =	vsub.f32 v44, v40  }
0x3d2: {  	v31 =	vsub.f32 v38, v48;
	v19 =	vld [tilespmem:s31+$0x960];
	[tilespmem:s30+$0x960] =	vst v35  }
0x3d3: {  	v34 =	vld [tilespmem:s31+$0x970];
	[tilespmem:s30+$0x130] =	vst v41;
	v52 =	vadd.f32 v20, v51;
	v48 =	vmul.f32 v51, v3;
	v35 =	vmul.f32 v40, v3  }
0x3d4: {  	v41 =	vmul.f32 v26, v4;
	v44 =	vmul.f32 v31, v4;
	[tilespmem:s30+$0x160] =	vst v47;
	v47 =	vadd.f32 v17, v40;
	v17 =	vld [tilespmem:s31+$0xD00]  }
0x3d5: {  	v23 =	vmov v43;
	v38 =	vld [tilespmem:s31+$0xD10];
	[tilespmem:s30+$0x950] =	vst v52;
	v46 =	vsub.f32 v48, v37;
	v45 =	vsub.f32 v35, v39  }
.Ltmp3:
0x3d6: {  	v37 =	vsub.f32 v41, v36;
	v35 =	vsub.f32 v44, v42;
	v39 =	vld [tilespmem:s31+$0xD20];
	[tilespmem:s30+$0xD00] =	vst v47;
	v20 =	vmov v50;
	(pc) =	sbr.rel @p0 .LBB2_8-.Ltmp3, $4  }
0x3d7: {  	[tilespmem:s31+$0x140] =	vst v49;
	v36 =	vld [tilespmem:s31+$0xD30];
	v42 =	vadd.f32 v15, v46;
	v43 =	vmul.f32 v46, v3;
	v44 =	vmul.f32 v45, v3  }
0x3d8: {  	v33 =	vadd.f32 v33, v45;
	v49 =	vmul.f32 v37, v4;
	v50 =	vmul.f32 v35, v4;
	v41 =	vld [tilespmem:s31+$0xD40];
	v15 =	vmovc v34  }
0x3d9: {  	s0 =	sadd.s32 $0x200, s0;
	s4 =	sand.u32 $0x380, s2;
	v34 =	vld [tilespmem:s31+$0xD50];
	[tilespmem:s30+$0x970] =	vst v42;
	v47 =	vsub.f32 v43, v51;
	v48 =	vsub.f32 v44, v40  }
0x3da: {  	s6 =	sand.u32 $0x7000, s0;
	s2 =	sadd.s32 $0x80, s2;
	s17 =	sshra.s32 s0, $0x2;
	v44 =	vsub.f32 v49, v26;
	v42 =	vsub.f32 v50, v31;
	v40 =	vld [tilespmem:s31+$0xD60];
	[tilespmem:s30+$0xD20] =	vst v33  }
0x3db: {  	v43 =	vld [tilespmem:s17+$0x18100];
	s0 =	sor.u32 s4, s6  }
0x3dc: {  	v33 =	vld [tilespmem:s0+$0x100];
	_ =	sdelay $0x4  }
0x3dd: {  	v49 =	vadd.f32 v33, v43  }
0x3de: {  	v60 =	vld [tilespmem:s0+$0x110]  }
0x3df: {  	v33 =	vld [tilespmem:s17+$0x18140];
	[tilespmem:s0+$0x100] =	vst v49  }
0x3e0: {  	v50 =	vld [tilespmem:s17+$0x18110];
	_ =	sdelay $0x3  }
0x3e1: {  	v52 =	vmul.f32 v42, v4  }
0x3e2: {  	v49 =	vadd.f32 v60, v50  }
0x3e3: {  	v51 =	vmul.f32 v44, v4;
	v52 =	vsub.f32 v52, v35  }
0x3e4: {  	v61 =	vld [tilespmem:s0+$0x120];
	[tilespmem:s0+$0x110] =	vst v49  }
0x3e5: {  	v53 =	vmul.f32 v47, v3;
	v51 =	vsub.f32 v51, v37;
	v62 =	vmul.f32 v52, v4;
	v56 =	vld [tilespmem:s17+$0x18120]  }
0x3e6: {  	v54 =	vmul.f32 v48, v3;
	v11 =	vadd.f32 v11, v48  }
0x3e7: {  	v46 =	vsub.f32 v53, v46;
	v55 =	vmul.f32 v51, v4;
	v53 =	vsub.f32 v62, v42  }
0x3e8: {  	v10 =	vadd.f32 v10, v47;
	v8 =	vadd.f32 v8, v35  }
0x3e9: {  	v45 =	vsub.f32 v54, v45;
	v54 =	vsub.f32 v55, v44;
	v58 =	vmul.f32 v53, v4  }
0x3ea: {  	v6 =	vadd.f32 v6, v31;
	v49 =	vadd.f32 v61, v56  }
0x3eb: {  	v63 =	vmul.f32 v46, v3;
	v57 =	vmul.f32 v54, v4;
	v48 =	vsub.f32 v58, v52  }
0x3ec: {  	v16 =	vadd.f32 v16, v45;
	v59 =	vadd.f32 v9, v46;
	[tilespmem:s0+$0x120] =	vst v49  }
0x3ed: {  	v47 =	vsub.f32 v63, v47;
	v45 =	vsub.f32 v57, v51;
	v63 =	vmul.f32 v48, v4;
	v9 =	vld [tilespmem:s17+$0x18130]  }
0x3ee: {  	[tilespmem:s30+$0xD40] =	vst v11;
	v11 =	vadd.f32 v18, v44;
	v28 =	vadd.f32 v28, v51  }
0x3ef: {  	[tilespmem:s30+$0xD10] =	vst v10;
	v62 =	vadd.f32 v32, v53;
	v60 =	vmul.f32 v45, v4;
	v32 =	vsub.f32 v63, v53  }
0x3f0: {  	[tilespmem:s31+$0x500] =	vst v8;
	v29 =	vadd.f32 v29, v52;
	v44 =	vadd.f32 v5, v26;
	v51 =	vmul.f32 v56, v33  }
0x3f1: {  	[tilespmem:s31+$0x160] =	vst v6;
	v12 =	vadd.f32 v12, v47;
	v55 =	vmul.f32 v32, v4;
	v49 =	vsub.f32 v60, v54  }
0x3f2: {  	[tilespmem:s31+$0x170] =	vst v11;
	v3 =	vmul.f32 v47, v3;
	v43 =	vsub.f32 v51, v43;
	v57 =	vmul.f32 v9, v33  }
0x3f3: {  	[tilespmem:s31+$0x510] =	vst v28;
	v28 =	vsub.f32 v55, v48;
	v61 =	vadd.f32 v24, v54;
	v54 =	vmul.f32 v49, v4  }
0x3f4: {  	[tilespmem:s30+$0xD30] =	vst v59;
	v3 =	vsub.f32 v3, v46;
	v60 =	vmul.f32 v43, v33;
	v10 =	vsub.f32 v57, v50  }
0x3f5: {  	[tilespmem:s31+$0x560] =	vst v62;
	v27 =	vadd.f32 v27, v45;
	v62 =	vmul.f32 v28, v4;
	v59 =	vsub.f32 v54, v45  }
0x3f6: {  	[tilespmem:s30+$0xD60] =	vst v16;
	v53 =	vadd.f32 v7, v37;
	v37 =	vld [tilespmem:s30+$0xD70];
	v7 =	vsub.f32 v60, v56;
	v63 =	vmul.f32 v10, v33  }
0x3f7: {  	v25 =	vadd.f32 v25, v32;
	v32 =	vsub.f32 v62, v32;
	[tilespmem:s31+$0x530] =	vst v61;
	v61 =	vmul.f32 v59, v4  }
0x3f8: {  	v58 =	vadd.f32 v13, v42;
	[tilespmem:s31+$0x550] =	vst v27;
	v42 =	vmul.f32 v7, v33;
	v27 =	vsub.f32 v63, v9  }
0x3f9: {  	[tilespmem:s31+$0x540] =	vst v29;
	v52 =	vadd.f32 v30, v48;
	v48 =	vmul.f32 v32, v4;
	v18 =	vsub.f32 v61, v49  }
0x3fa: {  	[tilespmem:s31+$0x130] =	vst v44;
	v21 =	vadd.f32 v21, v49;
	v5 =	vsub.f32 v42, v43;
	v49 =	vmul.f32 v27, v33  }
0x3fb: {  	[tilespmem:s30+$0xD50] =	vst v12;
	v3 =	vadd.f32 v37, v3;
	v22 =	vadd.f32 v22, v28;
	v45 =	vmul.f32 v18, v4  }
0x3fc: {  	[tilespmem:s31+$0x520] =	vst v58;
	v50 =	vsub.f32 v48, v28;
	v51 =	vmul.f32 v5, v33;
	v24 =	vsub.f32 v49, v10  }
0x3fd: {  	[tilespmem:s31+$0x150] =	vst v53;
	v19 =	vadd.f32 v19, v32;
	v13 =	vsub.f32 v45, v59  }
0x3fe: {  	[tilespmem:s31+$0x570] =	vst v21;
	v53 =	vmul.f32 v50, v4;
	v21 =	vsub.f32 v51, v7;
	v54 =	vmul.f32 v24, v33  }
0x3ff: {  	[tilespmem:s31+$0x900] =	vst v52;
	v14 =	vadd.f32 v14, v59;
	v23 =	vadd.f32 v23, v18;
	v52 =	vmul.f32 v13, v4  }
0x400: {  	v31 =	vld [tilespmem:s0+$0x140];
	[tilespmem:s31+$0x920] =	vst v25;
	v55 =	vsub.f32 v53, v32;
	v56 =	vmul.f32 v21, v33;
	v16 =	vsub.f32 v54, v27  }
0x401: {  	[tilespmem:s30+$0xD70] =	vst v3;
	v17 =	vadd.f32 v17, v50;
	v18 =	vsub.f32 v52, v18  }
0x402: {  	[tilespmem:s31+$0x910] =	vst v14;
	v58 =	vmul.f32 v55, v4;
	v14 =	vsub.f32 v56, v5;
	v59 =	vmul.f32 v16, v33  }
0x403: {  	[tilespmem:s31+$0x940] =	vst v22;
	v20 =	vadd.f32 v20, v13;
	v28 =	vadd.f32 v39, v55;
	v57 =	vmul.f32 v18, v4  }
0x404: {  	[tilespmem:s31+$0x960] =	vst v19;
	v61 =	vsub.f32 v58, v50;
	v62 =	vmul.f32 v14, v33;
	v63 =	vsub.f32 v59, v24  }
0x405: {  	v35 =	vld [tilespmem:s0+$0x510];
	[tilespmem:s31+$0x930] =	vst v23;
	v50 =	vadd.f32 v31, v43;
	v13 =	vsub.f32 v57, v13  }
0x406: {  	[tilespmem:s31+$0xD00] =	vst v17;
	v60 =	vadd.f32 v15, v18;
	v12 =	vsub.f32 v62, v21;
	v23 =	vmul.f32 v63, v33  }
0x407: {  	[tilespmem:s31+$0x950] =	vst v20;
	v30 =	vmul.f32 v61, v4;
	v6 =	vadd.f32 v41, v61;
	v41 =	vld [tilespmem:s0+$0x530];
	v22 =	vmul.f32 v13, v4  }
0x408: {  	[tilespmem:s31+$0xD20] =	vst v28;
	v49 =	vld [tilespmem:s0+$0x540];
	v29 =	vadd.f32 v38, v13;
	v38 =	vmul.f32 v12, v33;
	v39 =	vsub.f32 v23, v16  }
0x409: {  	[tilespmem:s0+$0x140] =	vst v50;
	v8 =	vsub.f32 v30, v55;
	v30 =	vld [tilespmem:s0+$0x500];
	v32 =	vsub.f32 v22, v18  }
0x40a: {  	v3 =	vadd.f32 v35, v24;
	[tilespmem:s31+$0x970] =	vst v60;
	v47 =	vsub.f32 v38, v14;
	v48 =	vmul.f32 v39, v33  }
0x40b: {  	v45 =	vld [tilespmem:s0+$0x560];
	[tilespmem:s31+$0xD40] =	vst v6;
	v46 =	vadd.f32 v40, v8;
	v44 =	vmul.f32 v32, v4  }
0x40c: {  	v57 =	vld [tilespmem:s0+$0x900];
	[tilespmem:s0+$0x510] =	vst v3;
	v3 =	vadd.f32 v41, v16;
	v51 =	vmul.f32 v47, v33;
	v17 =	vsub.f32 v48, v63  }
0x40d: {  	[tilespmem:s31+$0xD10] =	vst v29;
	v14 =	vadd.f32 v49, v14;
	v13 =	vsub.f32 v44, v13  }
0x40e: {  	v58 =	vld [tilespmem:s0+$0x170];
	[tilespmem:s31+$0xD60] =	vst v46;
	v5 =	vadd.f32 v30, v5;
	v6 =	vsub.f32 v51, v12;
	v56 =	vmul.f32 v17, v33  }
0x40f: {  	v52 =	vld [tilespmem:s31+$0xD70];
	[tilespmem:s0+$0x530] =	vst v3;
	v42 =	vadd.f32 v36, v32;
	v53 =	vadd.f32 v34, v13  }
0x410: {  	v24 =	vld [tilespmem:s0+$0x150];
	[tilespmem:s0+$0x540] =	vst v14;
	v55 =	vmul.f32 v13, v4;
	v59 =	vmul.f32 v6, v33;
	v13 =	vsub.f32 v56, v39  }
0x411: {  	v3 =	vld [tilespmem:s0+$0x920];
	v8 =	vadd.f32 v57, v47;
	[tilespmem:s0+$0x500] =	vst v5;
	v12 =	vadd.f32 v45, v12  }
0x412: {  	v26 =	vld [tilespmem:s0+$0x910];
	[tilespmem:s31+$0xD30] =	vst v42;
	v4 =	vsub.f32 v55, v32;
	v11 =	vsub.f32 v59, v47;
	v61 =	vmul.f32 v13, v33  }
0x413: {  	v60 =	vld [tilespmem:s0+$0x570];
	v16 =	vadd.f32 v58, v27;
	[tilespmem:s0+$0x900] =	vst v8  }
0x414: {  	v54 =	vld [tilespmem:s0+$0x550];
	[tilespmem:s0+$0x560] =	vst v12;
	v4 =	vadd.f32 v52, v4;
	v25 =	vmul.f32 v11, v33;
	v12 =	vsub.f32 v61, v17  }
0x415: {  	v62 =	vld [tilespmem:s0+$0x520];
	v10 =	vadd.f32 v24, v10;
	[tilespmem:s0+$0x170] =	vst v16  }
0x416: {  	v28 =	vld [tilespmem:s0+$0x940];
	v3 =	vadd.f32 v3, v6;
	[tilespmem:s31+$0xD70] =	vst v4;
	v4 =	vsub.f32 v25, v6;
	v29 =	vmul.f32 v12, v33  }
0x417: {  	v31 =	vld [tilespmem:s0+$0x930];
	[tilespmem:s0+$0x150] =	vst v10  }
0x418: {  	v19 =	vadd.f32 v60, v39;
	[tilespmem:s0+$0x920] =	vst v3;
	v3 =	vld [tilespmem:s0+$0x130];
	v34 =	vmul.f32 v4, v33;
	v8 =	vsub.f32 v29, v13  }
0x419: {  	v35 =	vld [tilespmem:s0+$0x960];
	[tilespmem:s31+$0xD50] =	vst v53;
	v63 =	vadd.f32 v54, v63  }
0x41a: {  	v32 =	vadd.f32 v62, v21;
	[tilespmem:s0+$0x570] =	vst v19;
	v37 =	vsub.f32 v34, v11;
	v38 =	vmul.f32 v8, v33  }
0x41b: {  	[tilespmem:s0+$0x550] =	vst v63;
	v36 =	vadd.f32 v26, v17;
	v39 =	vld [tilespmem:s0+$0x160]  }
0x41c: {  	v41 =	vld [tilespmem:s0+$0x950];
	[tilespmem:s0+$0x520] =	vst v32;
	v40 =	vadd.f32 v28, v11;
	v42 =	vmul.f32 v37, v33;
	v43 =	vsub.f32 v38, v12  }
0x41d: {  	v44 =	vld [tilespmem:s0+$0xD00];
	[tilespmem:s0+$0x910] =	vst v36;
	v3 =	vadd.f32 v3, v9;
	v6 =	vadd.f32 v31, v13  }
0x41e: {  	v45 =	vld [tilespmem:s0+$0x970];
	[tilespmem:s0+$0x940] =	vst v40;
	v46 =	vadd.f32 v35, v4;
	v4 =	vsub.f32 v42, v4;
	v47 =	vmul.f32 v43, v33  }
0x41f: {  	v48 =	vld [tilespmem:s0+$0xD20];
	[tilespmem:s0+$0x130] =	vst v3  }
0x420: {  	v49 =	vld [tilespmem:s0+$0xD10];
	[tilespmem:s0+$0x930] =	vst v6;
	v7 =	vadd.f32 v39, v7;
	v50 =	vmul.f32 v4, v33;
	v51 =	vsub.f32 v47, v8  }
0x421: {  	v52 =	vld [tilespmem:s0+$0xD40];
	[tilespmem:s0+$0x960] =	vst v46;
	v3 =	vadd.f32 v41, v12  }
0x422: {  	v53 =	vld [tilespmem:s0+$0xD30];
	v54 =	vadd.f32 v44, v37;
	[tilespmem:s0+$0x160] =	vst v7;
	v5 =	vsub.f32 v50, v37;
	v55 =	vmul.f32 v51, v33  }
0x423: {  	v56 =	vld [tilespmem:s0+$0xD60];
	[tilespmem:s0+$0x950] =	vst v3;
	v3 =	vadd.f32 v45, v8  }
0x424: {  	v57 =	vld [tilespmem:s0+$0xD50];
	[tilespmem:s0+$0xD00] =	vst v54;
	v58 =	vadd.f32 v48, v4;
	v59 =	vmul.f32 v5, v33;
	v12 =	vsub.f32 v55, v43  }
0x425: {  	v60 =	vld [tilespmem:s0+$0xD70];
	[tilespmem:s0+$0x970] =	vst v3;
	v3 =	vadd.f32 v49, v43  }
0x426: {  	[tilespmem:s0+$0xD20] =	vst v58;
	v5 =	vadd.f32 v52, v5;
	v4 =	vsub.f32 v59, v4;
	v61 =	vmul.f32 v12, v33  }
0x427: {  	[tilespmem:s0+$0xD10] =	vst v3;
	v3 =	vadd.f32 v53, v51  }
0x428: {  	[tilespmem:s0+$0xD40] =	vst v5;
	v4 =	vadd.f32 v56, v4;
	v62 =	vsub.f32 v61, v51  }
0x429: {  	[tilespmem:s0+$0xD30] =	vst v3;
	v3 =	vadd.f32 v57, v12  }
0x42a: {  	[tilespmem:s0+$0xD60] =	vst v4;
	v63 =	vadd.f32 v60, v62  }
0x42b: {  	[tilespmem:s0+$0xD50] =	vst v3  }
0x42c: {  	[tilespmem:s0+$0xD70] =	vst v63  }
0x42d: {  	[hbm4b:s13+s3] =	stream.linear.scatter [tilespmem:s16], [sflag:$0x7], $0x8000, $0x38;
	[tilespmem:$0x1E100] =	vst v63  }
0x42e: {  	_ =	swait.ge [sflag:s26], $0x8000  }
0x42f: {  	[sflag:s26] =	ssyncset.done $0x0  }
0x430: {  	s29 =	sadd.s32 $0x1, s29;
	[sflag:s26] =	ssyncadd.s32 $0xFFFF8000  }
0x431: {  	p0 =	sne.s32 s29, s14;
	_ =	swait.ge [sflag:s28], $0x8000  }
.Ltmp4:
0x432: {  	[sflag:s28] =	ssyncset.done $0x0;
	(pc) =	sbr.rel @p0 .LBB2_1-.Ltmp4, $4  }
0x433: {  	[sflag:s28] =	ssyncadd.s32 $0xFFFF8000  }
0x434: {  	_ =	swait.ge [sflag:s21], $0x8000  }
0x435: {  	[sflag:s21] =	ssyncset.done $0x0  }
0x436: {  	[sflag:s21] =	ssyncadd.s32 $0xFFFF8000  }
0x437: {  	_ =	sfence.sel $0x180000  }
0x438: {  	[bflag:$0x0] =	sbarrier.arrive $0xFFFF  }
0x439: {  	_ =	strace $0x90000047  }
0x43a: {  	s0 =	stileid.u32;
	[bflag:$0x2] =	sbarrier.arrive $0xFFFF  }
0x43b: {  	p0 =	sne.s32 s0, $0x0;
	s0 =	rddreg [dreg:$0x4]  }
0x43c: {  	s0 =	sadd.s32 @!p0 $0x100000, s0  }
0x43d: {  	[sflag:s0] =	ssyncadd.tile.s32 @!p0 $0x1;
	_ =	shalt  }
.Lfunc_end2:
_tile_overlayer_lowered:
.L_overlay_start_2:
0x43e: {  	(tag) =	ssettag $0x2  }
0x43f: {  	s0 =	rddreg [dreg:$0x0];
	s2 =	stileid.u32  }
0x440: {  	s1 =	rddreg [dreg:$0x1];
	p0 =	sne.s32 s2, $0x0  }
0x441: {  	s3 =	rddreg [dreg:$0x2];
	[bflag:$0x3] =	sbarrier.arrive $0xFFFF;
	s2 =	simm.s32 @!p0 $0x1C0A  }
0x442: {  	[timem:s3], [sflag:s2] =	dma.local @!p0 [hbm:s0], s1  }
0x443: {  	s0 =	simm.s32 @!p0 $0xA  }
0x444: {  	_ =	swait.ge @!p0 [sflag:s0], s1  }
0x445: {  	s1 =	ssub.s32 @!p0 $0x0, s1;
	[sflag:s0] =	ssyncset.done @!p0 $0x0  }
0x446: {  	[sflag:s0] =	ssyncadd.s32 @!p0 s1  }
0x447: {  	[bflag:$0x3] =	sbarrier.arrive $0xFFFF  }
0x448: {  	_ =	shalt  }

</sc_bundles>
